<compile_context>
chip_gen: v7x
topology: tpu7x:2x2x1
jax: 0.10.2.dev20260603
libtpu: 0.0.44.dev20260713+nightly
codegen_flags: <defaults>
</compile_context>

<pallas_src>
import functools

import jax
import jax.numpy as jnp
from jax import lax
from jax.experimental import pallas as pl
from jax.experimental.pallas import tpu as pltpu
from jax.experimental.pallas import tpu_sc as plsc

N = 10000
NPAD = 10240
E = 320000
DIN = 128
DH = 64
HALF = 32
K = 8

NSC = 2
NTILE = 16
WIN = 512
NWIN = 40
ETILE = WIN * NWIN
ET_REAL = E // NTILE
RT = NPAD // NTILE
CH = 160
NCH = RT // CH
BN = 1024

_mesh = plsc.VectorSubcoreMesh(core_axis_name="c", subcore_axis_name="s")

_sc_params = pltpu.CompilerParams(
    needs_layout_passes=False, use_tc_tiling_on_sc=False)


def _splat(ref, idx):
    return plsc.load_gather(ref, [jnp.full((16,), idx, jnp.int32)])



def _mm_body(x_ref, w_ref, o_ref):
    acc = lax.dot_general(
        x_ref[...], w_ref[...],
        (((1,), (0,)), ((), ())),
        precision=lax.Precision.HIGHEST,
        preferred_element_type=jnp.float32,
    )
    for cid in range(NSC):
        for k in range(K):
            g = cid * K + k
            o_ref[cid, k, :, pl.ds(0, HALF)] = acc[:, g * HALF:(g + 1) * HALF]


def _projections(x_pad, W2):
    return pl.pallas_call(
        _mm_body,
        grid=(NPAD // BN,),
        in_specs=[
            pl.BlockSpec((BN, DIN), lambda nb: (nb, 0)),
            pl.BlockSpec((DIN, NSC * K * HALF), lambda nb: (0, 0)),
        ],
        out_specs=pl.BlockSpec((NSC, K, BN, DIN), lambda nb: (0, 0, nb, 0)),
        out_shape=jax.ShapeDtypeStruct((NSC, K, NPAD, DIN), jnp.float32),
    )(x_pad, W2)



@functools.partial(
    pl.kernel,
    out_type=jax.ShapeDtypeStruct((NSC, NPAD), jnp.float32),
    mesh=_mesh,
    compiler_params=_sc_params,
    scratch_types=[
        pltpu.VMEM((ETILE,), jnp.int32),
        pltpu.VMEM((WIN,), jnp.float32),
        pltpu.VMEM((RT,), jnp.float32),
        pltpu.VMEM_SHARED((NPAD,), jnp.float32),
    ],
)
def _deg_kernel(rowi_hbm, dis_hbm, rowi_v, ones_v, degs_v, deg_sh):
    tid = lax.axis_index("s")
    cid = lax.axis_index("c")
    base = tid * RT

    pltpu.sync_copy(rowi_hbm.at[pl.ds(tid * ET_REAL, ET_REAL)],
                    rowi_v.at[pl.ds(0, ET_REAL)])

    @pl.loop(0, ETILE - ET_REAL, step=16)
    def _(j):
        rowi_v[pl.ds(ET_REAL + j, 16)] = N + lax.rem(
            j + jax.lax.iota(jnp.int32, 16), NPAD - N)

    @pl.loop(0, WIN, step=16)
    def _(j):
        ones_v[pl.ds(j, 16)] = jnp.full((16,), 1.0, jnp.float32)

    @pl.loop(0, RT, step=16)
    def _(j):
        degs_v[pl.ds(j, 16)] = jnp.zeros((16,), jnp.float32)

    pltpu.sync_copy(degs_v, deg_sh.at[pl.ds(base, RT)])
    plsc.subcore_barrier()

    @pl.loop(0, NWIN)
    def _(w):
        pltpu.sync_copy(ones_v, deg_sh.at[rowi_v.at[pl.ds(w * WIN, WIN)]], add=True)

    plsc.subcore_barrier()
    pltpu.sync_copy(deg_sh.at[pl.ds(base, RT)], degs_v)

    @pl.loop(0, RT, step=16)
    def _(j):
        d = degs_v[pl.ds(j, 16)]
        bits = lax.bitcast_convert_type(d, jnp.int32)
        y = lax.bitcast_convert_type(0x5F3759DF - (bits >> 1), jnp.float32)
        y = y * (1.5 - 0.5 * d * y * y)
        y = y * (1.5 - 0.5 * d * y * y)
        y = y * (1.5 - 0.5 * d * y * y)
        y = y * (1.5 - 0.5 * d * y * y)
        degs_v[pl.ds(j, 16)] = jnp.where(d > 0.0, y, 0.0)

    pltpu.sync_copy(degs_v, dis_hbm.at[cid, pl.ds(base, RT)])



@functools.partial(
    pl.kernel,
    out_type=[
        jax.ShapeDtypeStruct((NPAD, DH), jnp.float32),
        jax.ShapeDtypeStruct((NSC * NPAD, HALF), jnp.float32),
        jax.ShapeDtypeStruct((NSC, NPAD, HALF), jnp.float32),
        jax.ShapeDtypeStruct((NSC, NPAD, HALF), jnp.float32),
    ],
    mesh=_mesh,
    compiler_params=_sc_params,
    scratch_types=[
        pltpu.VMEM((ETILE,), jnp.int32),
        pltpu.VMEM((ETILE,), jnp.int32),
        pltpu.VMEM((WIN, HALF), jnp.float32),
        pltpu.VMEM((WIN, HALF), jnp.float32),
        pltpu.SemaphoreType.DMA,
        pltpu.SemaphoreType.DMA,
        pltpu.VMEM((RT,), jnp.float32),
        pltpu.VMEM((RT,), jnp.float32),
        pltpu.VMEM((CH, HALF), jnp.float32),
        pltpu.VMEM((CH, HALF), jnp.float32),
        pltpu.VMEM((CH, HALF), jnp.float32),
        pltpu.VMEM((CH, HALF), jnp.float32),
        pltpu.VMEM((CH, HALF), jnp.float32),
        pltpu.VMEM((CH, HALF), jnp.float32),
        pltpu.VMEM((HALF,), jnp.float32),
        pltpu.VMEM_SHARED((NPAD, HALF), jnp.float32),
    ],
)
def _cheb_kernel(rowi_hbm, coli_hbm, dis_hbm, c_hbm, bias_hbm,
                 out_hbm, htab_hbm, b0_hbm, b1_hbm,
                 coli_v, rowi_v, gbuf0, gbuf1, gsem0, gsem1,
                 dis_v, dis2_v, zero_v,
                 accv, cv, bpv, bnv, hv, biasv,
                 acc_sh):
    tid = lax.axis_index("s")
    cid = lax.axis_index("c")
    base = tid * RT
    hoff = cid * NPAD

    pltpu.sync_copy(coli_hbm.at[pl.ds(tid * ET_REAL, ET_REAL)],
                    coli_v.at[pl.ds(0, ET_REAL)])
    pltpu.sync_copy(rowi_hbm.at[pl.ds(tid * ET_REAL, ET_REAL)],
                    rowi_v.at[pl.ds(0, ET_REAL)])

    @pl.loop(0, ETILE - ET_REAL, step=16)
    def _(j):
        pv = N + lax.rem(j + jax.lax.iota(jnp.int32, 16), NPAD - N)
        coli_v[pl.ds(ET_REAL + j, 16)] = pv
        rowi_v[pl.ds(ET_REAL + j, 16)] = pv
    pltpu.sync_copy(dis_hbm.at[cid, pl.ds(base, RT)], dis_v)
    pltpu.sync_copy(bias_hbm.at[cid], biasv)

    @pl.loop(0, ETILE, step=16)
    def _(j):
        coli_v[pl.ds(j, 16)] = coli_v[pl.ds(j, 16)] + hoff

    @pl.loop(0, RT, step=16)
    def _(j):
        dis2_v[pl.ds(j, 16)] = dis_v[pl.ds(j, 16)] * 2.0

    @pl.loop(0, CH)
    def _(i):
        zero_v[i, pl.ds(0, 16)] = jnp.zeros((16,), jnp.float32)
        zero_v[i, pl.ds(16, 16)] = jnp.zeros((16,), jnp.float32)

    @pl.loop(0, NCH)
    def _(ch):
        r0 = base + ch * CH
        pltpu.sync_copy(c_hbm.at[cid, K - 1, pl.ds(r0, CH), pl.ds(0, HALF)], cv)

        @plsc.parallel_loop(0, CH, unroll=4)
        def _(i):
            s = _splat(dis_v, ch * CH + i)
            hv[i, pl.ds(0, 16)] = cv[i, pl.ds(0, 16)] * s
            hv[i, pl.ds(16, 16)] = cv[i, pl.ds(16, 16)] * s

        pltpu.sync_copy(cv, b0_hbm.at[cid, pl.ds(r0, CH)])
        pltpu.sync_copy(hv, htab_hbm.at[pl.ds(hoff + r0, CH)])
        pltpu.sync_copy(zero_v, acc_sh.at[pl.ds(r0, CH)])

    plsc.subcore_barrier()

    for j, k in enumerate(range(K - 2, -1, -1)):
        first = j == 0
        final = k == 0
        bbuf = b1_hbm if j % 2 == 0 else b0_hbm

        pltpu.async_copy(
            htab_hbm.at[coli_v.at[pl.ds(0, WIN)]], gbuf0, gsem0)

        @pl.loop(0, NWIN, step=2)
        def _(w):
            pltpu.async_copy(
                htab_hbm.at[coli_v.at[pl.ds((w + 1) * WIN, WIN)]], gbuf1, gsem1)
            pltpu.make_async_copy(
                htab_hbm.at[coli_v.at[pl.ds(0, WIN)]], gbuf0, gsem0).wait()
            pltpu.sync_copy(gbuf0, acc_sh.at[rowi_v.at[pl.ds(w * WIN, WIN)]], add=True)

            @pl.when(w + 2 < NWIN)
            def _():
                pltpu.async_copy(
                    htab_hbm.at[coli_v.at[pl.ds((w + 2) * WIN, WIN)]], gbuf0, gsem0)

            pltpu.make_async_copy(
                htab_hbm.at[coli_v.at[pl.ds(0, WIN)]], gbuf1, gsem1).wait()
            pltpu.sync_copy(gbuf1, acc_sh.at[rowi_v.at[pl.ds((w + 1) * WIN, WIN)]], add=True)

        plsc.subcore_barrier()

        @pl.loop(0, NCH)
        def _(ch):
            r0 = base + ch * CH
            pltpu.sync_copy(acc_sh.at[pl.ds(r0, CH)], accv)
            pltpu.sync_copy(c_hbm.at[cid, k, pl.ds(r0, CH), pl.ds(0, HALF)], cv)
            if not first:
                pltpu.sync_copy(bbuf.at[cid, pl.ds(r0, CH)], bpv)

            @plsc.parallel_loop(0, CH, unroll=4)
            def _(i):
                s2 = _splat(dis_v if final else dis2_v, ch * CH + i)
                if not final:
                    s1 = _splat(dis_v, ch * CH + i)
                for f in (0, 16):
                    t = cv[i, pl.ds(f, 16)] - s2 * accv[i, pl.ds(f, 16)]
                    if not first:
                        t = t - bpv[i, pl.ds(f, 16)]
                    if final:
                        t = t + biasv[pl.ds(f, 16)]
                        t = jnp.where(t > 0.0, t, jnp.exp(t) - 1.0)
                        bnv[i, pl.ds(f, 16)] = t
                    else:
                        bnv[i, pl.ds(f, 16)] = t
                        hv[i, pl.ds(f, 16)] = t * s1

            if final:
                pltpu.sync_copy(
                    bnv, out_hbm.at[pl.ds(r0, CH), pl.ds(cid * HALF, HALF)])
            else:
                pltpu.sync_copy(bnv, bbuf.at[cid, pl.ds(r0, CH)])
                pltpu.sync_copy(hv, htab_hbm.at[pl.ds(hoff + r0, CH)])
                pltpu.sync_copy(zero_v, acc_sh.at[pl.ds(r0, CH)])

        if not final:
            plsc.subcore_barrier()



def kernel(x, edge_index, W, b):
    row = edge_index[0].astype(jnp.int32)
    col = edge_index[1].astype(jnp.int32)
    x_pad = jnp.pad(x, ((0, NPAD - N), (0, 0)))
    bias = b.reshape(NSC, HALF)

    W2 = W.reshape(K, DIN, NSC, HALF).transpose(1, 2, 0, 3).reshape(DIN, NSC * K * HALF)
    c = _projections(x_pad, W2)
    dis = _deg_kernel(row)
    out, _, _, _ = _cheb_kernel(row, col, dis, c, bias)
    return out[:N]

# --- scband reference (transcript-rebuilt; emitter-appended) ---
"""Pipeline reference for scband-kipf-block-33706903339120 (READ-ONLY COPY).

The authoritative reference and input builder live on the scoring server;
editing this copy changes nothing except your own understanding.
"""

import jax, jax.numpy as jnp
import numpy as np

N_NODES = 10000
N_EDGES = 320000
D_IN = 128
D_HID = 64
K = 8


def setup_inputs(seed: int = 0) -> dict:
    key = jax.random.key(seed)
    k1, k2, k3, k4 = jax.random.split(key, 4)
    x = jax.random.normal(k1, (N_NODES, D_IN), dtype=jnp.float32)
    edge_index = jax.random.randint(k2, (2, N_EDGES), 0, N_NODES, dtype=jnp.int64)
    # ChebConv has K linear layers (bias=False) + one shared bias; glorot uniform init
    limit = float(np.sqrt(6.0 / (D_IN + D_HID)))
    W = jax.random.uniform(k3, (K, D_IN, D_HID), dtype=jnp.float32, minval=-limit, maxval=limit)
    b = jnp.zeros((D_HID,), dtype=jnp.float32)
    return {"x": x, "edge_index": edge_index, "W": W, "b": b}


def reference(x, edge_index, W, b):
    # ChebConv with sym normalization, lambda_max=2:
    # L_hat = L - I = -D^{-1/2} A D^{-1/2} (diagonal cancels to 0)
    row = edge_index[0]
    col = edge_index[1]
    n = x.shape[0]
    deg = jax.ops.segment_sum(jnp.ones(row.shape[0], dtype=x.dtype), row, num_segments=n)
    deg_inv_sqrt = jnp.where(deg > 0, deg ** -0.5, 0.0)
    norm = -deg_inv_sqrt[row] * deg_inv_sqrt[col]

    def prop(h):
        return jax.ops.segment_sum(norm[:, None] * h[col], row, num_segments=n)

    Tx0 = x
    out = Tx0 @ W[0]
    Tx1 = prop(x)
    out = out + Tx1 @ W[1]
    for k in range(2, K):
        Tx2 = 2.0 * prop(Tx1) - Tx0
        out = out + Tx2 @ W[k]
        Tx0, Tx1 = Tx1, Tx2
    out = out + b
    return jax.nn.elu(out)

if __name__ == "__main__":
    import jax
    _d = setup_inputs()
    print(jax.jit(kernel)(*tuple(_d.values())))

</pallas_src>

<mosaic_0001>
#map = affine_map<(d0, d1) -> (0)>
#map1 = affine_map<(d0, d1) -> (0, 0)>
module attributes {stable_mosaic.version = 14 : i64} {
  func.func @_deg_kernel(%arg0: i32, %arg1: i32, %arg2: memref<320000xi32, #tpu.memory_space<hbm>>, %arg3: memref<2x10240xf32, #tpu.memory_space<hbm>>, %arg4: memref<20480xi32, #tpu.memory_space<vmem>>, %arg5: memref<512xf32, #tpu.memory_space<vmem>>, %arg6: memref<640xf32, #tpu.memory_space<vmem>>, %arg7: memref<10240xf32, #tpu.memory_space<vmem_shared>>) attributes {dimension_semantics = [#tpu.dimension_semantics<core_parallel>, #tpu.dimension_semantics<subcore_parallel>], iteration_bounds = array<i64: 2, 16>, scalar_prefetch = 0 : i64, scratch_operands = 4 : i64, tpu.core_type = #tpu.core_type<sc_vector_subcore>, window_params = [{transform_indices = #map}, {transform_indices = #map1}]} {
    %mul3A = arith.constant 640 : i32
    %mul3A_0 = arith.muli %arg1, %mul3A : i32
    %mul3A_1 = arith.constant 20000 : i32
    %mul3A_2 = arith.muli %arg1, %mul3A_1 : i32
    "tpu.region"() ({
      %run_scoped3A = tpu.sem_alloc : memref<!tpu.dma_semaphore, #tpu.memory_space<semaphore_mem>>
      %dma_start3A = arith.constant 0 : i32
      %dma_start3A_28 = tpu.memref_slice %arg4[%dma_start3A] : memref<20480xi32, #tpu.memory_space<vmem>> -> memref<20000xi32, #tpu.memory_space<vmem>>
      %dma_start3A_29 = tpu.memref_slice %arg2[%mul3A_2] : memref<320000xi32, #tpu.memory_space<hbm>> -> memref<20000xi32, #tpu.memory_space<hbm>>
      %dma_start3A_30 = arith.constant 0 : i32
      %dma_start3A_31 = tpu.memref_slice %arg4[%dma_start3A_30] : memref<20480xi32, #tpu.memory_space<vmem>> -> memref<20000xi32, #tpu.memory_space<vmem>>
      %dma_start3A_32 = tpu.memref_slice %arg2[%mul3A_2] : memref<320000xi32, #tpu.memory_space<hbm>> -> memref<20000xi32, #tpu.memory_space<hbm>>
      tpu.enqueue_dma source(%dma_start3A_32 : memref<20000xi32, #tpu.memory_space<hbm>>) target(%dma_start3A_31 : memref<20000xi32, #tpu.memory_space<vmem>>) target_semaphore(%run_scoped3A : memref<!tpu.dma_semaphore, #tpu.memory_space<semaphore_mem>>)
      %dma_wait3A = arith.constant 0 : i32
      %dma_wait3A_33 = tpu.memref_slice %arg4[%dma_wait3A] : memref<20480xi32, #tpu.memory_space<vmem>> -> memref<20000xi32, #tpu.memory_space<vmem>>
      %dma_wait3A_34 = tpu.memref_slice %arg2[%mul3A_2] : memref<320000xi32, #tpu.memory_space<hbm>> -> memref<20000xi32, #tpu.memory_space<hbm>>
      %dma_wait3A_35 = arith.constant 0 : i32
      %dma_wait3A_36 = tpu.memref_slice %arg4[%dma_wait3A_35] : memref<20480xi32, #tpu.memory_space<vmem>> -> memref<20000xi32, #tpu.memory_space<vmem>>
      %dma_wait3A_37 = tpu.memref_slice %arg2[%mul3A_2] : memref<320000xi32, #tpu.memory_space<hbm>> -> memref<20000xi32, #tpu.memory_space<hbm>>
      tpu.wait_dma2 semaphore(%run_scoped3A : memref<!tpu.dma_semaphore, #tpu.memory_space<semaphore_mem>>) src(%dma_wait3A_37 : memref<20000xi32, #tpu.memory_space<hbm>>) dst(%dma_wait3A_36 : memref<20000xi32, #tpu.memory_space<vmem>>)
      tpu.yield
    }) : () -> ()
    %scan3A = arith.constant 0 : i32
    %scan3A_3 = arith.constant 30 : i32
    %scan3A_4 = arith.addi %scan3A, %scan3A_3 : i32
    %scan3A_5 = arith.constant 1 : i32
    scf.for %scan3A_28 = %scan3A to %scan3A_4 step %scan3A_5  : i32 {
      %mul3A_29 = arith.constant 16 : i32
      %mul3A_30 = arith.muli %scan3A_28, %mul3A_29 : i32
      %add3A = arith.constant 0 : i32
      %add3A_31 = arith.addi %add3A, %mul3A_30 : i32
      %iota3A = tpu.iota {dimensions = array<i32: 0>} : vector<16xi32>
      %add3A_32 = vector.broadcast %add3A_31 : i32 to vector<16xi32>
      %add3A_33 = arith.addi %add3A_32, %iota3A : vector<16xi32>
      %rem3A = arith.constant 240 : i32
      %rem3A_34 = vector.broadcast %rem3A : i32 to vector<16xi32>
      %rem3A_35 = arith.remsi %add3A_33, %rem3A_34 : vector<16xi32>
      %add3A_36 = arith.constant 10000 : i32
      %add3A_37 = vector.broadcast %add3A_36 : i32 to vector<16xi32>
      %add3A_38 = arith.addi %add3A_37, %rem3A_35 : vector<16xi32>
      %add3A_39 = arith.constant 20000 : i32
      %add3A_40 = arith.addi %add3A_39, %add3A_31 : i32
      %swap3A = arith.index_cast %add3A_40 : i32 to index
      %swap3A_41 = tpu.vector_load %arg4[%swap3A] {strides = array<i32>} : memref<20480xi32, #tpu.memory_space<vmem>>, vector<16xi32>,
      tpu.vector_store %arg4[%swap3A], %add3A_38 {strides = array<i32>} : memref<20480xi32, #tpu.memory_space<vmem>>, vector<16xi32>,
    }
    %scan3A_6 = arith.constant 30 : i32
    %scan3A_7 = arith.constant 0 : i32
    %scan3A_8 = arith.constant 32 : i32
    %scan3A_9 = arith.addi %scan3A_7, %scan3A_8 : i32
    %scan3A_10 = arith.constant 1 : i32
    scf.for %scan3A_28 = %scan3A_7 to %scan3A_9 step %scan3A_10  : i32 {
      %mul3A_29 = arith.constant 16 : i32
      %mul3A_30 = arith.muli %scan3A_28, %mul3A_29 : i32
      %add3A = arith.constant 0 : i32
      %add3A_31 = arith.addi %add3A, %mul3A_30 : i32
      %broadcast_in_dim3A = arith.constant 1.000000e+00 : f32
      %broadcast_in_dim3A_32 = vector.broadcast %broadcast_in_dim3A : f32 to vector<16xf32>
      %swap3A = arith.index_cast %add3A_31 : i32 to index
      %swap3A_33 = tpu.vector_load %arg5[%swap3A] {strides = array<i32>} : memref<512xf32, #tpu.memory_space<vmem>>, vector<16xf32>,
      tpu.vector_store %arg5[%swap3A], %broadcast_in_dim3A_32 {strides = array<i32>} : memref<512xf32, #tpu.memory_space<vmem>>, vector<16xf32>,
    }
    %scan3A_11 = arith.constant 32 : i32
    %scan3A_12 = arith.constant 0 : i32
    %scan3A_13 = arith.constant 40 : i32
    %scan3A_14 = arith.addi %scan3A_12, %scan3A_13 : i32
    %scan3A_15 = arith.constant 1 : i32
    scf.for %scan3A_28 = %scan3A_12 to %scan3A_14 step %scan3A_15  : i32 {
      %mul3A_29 = arith.constant 16 : i32
      %mul3A_30 = arith.muli %scan3A_28, %mul3A_29 : i32
      %add3A = arith.constant 0 : i32
      %add3A_31 = arith.addi %add3A, %mul3A_30 : i32
      %broadcast_in_dim3A = arith.constant 0.000000e+00 : f32
      %broadcast_in_dim3A_32 = vector.broadcast %broadcast_in_dim3A : f32 to vector<16xf32>
      %swap3A = arith.index_cast %add3A_31 : i32 to index
      %swap3A_33 = tpu.vector_load %arg6[%swap3A] {strides = array<i32>} : memref<640xf32, #tpu.memory_space<vmem>>, vector<16xf32>,
      tpu.vector_store %arg6[%swap3A], %broadcast_in_dim3A_32 {strides = array<i32>} : memref<640xf32, #tpu.memory_space<vmem>>, vector<16xf32>,
    }
    %scan3A_16 = arith.constant 40 : i32
    "tpu.region"() ({
      %run_scoped3A = tpu.sem_alloc : memref<!tpu.dma_semaphore, #tpu.memory_space<semaphore_mem>>
      %dma_start3A = tpu.memref_slice %arg7[%mul3A_0] : memref<10240xf32, #tpu.memory_space<vmem_shared>> -> memref<640xf32, #tpu.memory_space<vmem_shared>>
      %dma_start3A_28 = tpu.memref_slice %arg7[%mul3A_0] : memref<10240xf32, #tpu.memory_space<vmem_shared>> -> memref<640xf32, #tpu.memory_space<vmem_shared>>
      tpu.enqueue_dma source(%arg6 : memref<640xf32, #tpu.memory_space<vmem>>) target(%dma_start3A_28 : memref<640xf32, #tpu.memory_space<vmem_shared>>) target_semaphore(%run_scoped3A : memref<!tpu.dma_semaphore, #tpu.memory_space<semaphore_mem>>)
      %dma_wait3A = tpu.memref_slice %arg7[%mul3A_0] : memref<10240xf32, #tpu.memory_space<vmem_shared>> -> memref<640xf32, #tpu.memory_space<vmem_shared>>
      %dma_wait3A_29 = tpu.memref_slice %arg7[%mul3A_0] : memref<10240xf32, #tpu.memory_space<vmem_shared>> -> memref<640xf32, #tpu.memory_space<vmem_shared>>
      tpu.wait_dma2 semaphore(%run_scoped3A : memref<!tpu.dma_semaphore, #tpu.memory_space<semaphore_mem>>) src(%arg6 : memref<640xf32, #tpu.memory_space<vmem>>) dst(%dma_wait3A_29 : memref<640xf32, #tpu.memory_space<vmem_shared>>)
      tpu.yield
    }) : () -> ()
    %barrier3A = arith.constant 0 : index
    tpu.barrier barrier_id(%barrier3A)
    %scan3A_17 = arith.constant 0 : i32
    %scan3A_18 = arith.constant 40 : i32
    %scan3A_19 = arith.addi %scan3A_17, %scan3A_18 : i32
    %scan3A_20 = arith.constant 1 : i32
    scf.for %scan3A_28 = %scan3A_17 to %scan3A_19 step %scan3A_20  : i32 {
      %mul3A_29 = arith.constant 1 : i32
      %mul3A_30 = arith.muli %scan3A_28, %mul3A_29 : i32
      %add3A = arith.constant 0 : i32
      %add3A_31 = arith.addi %add3A, %mul3A_30 : i32
      %mul3A_32 = arith.constant 512 : i32
      %mul3A_33 = arith.muli %add3A_31, %mul3A_32 : i32
      "tpu.region"() ({
        %run_scoped3A = tpu.sem_alloc : memref<!tpu.dma_semaphore, #tpu.memory_space<semaphore_mem>>
        %dma_start3A = tpu.memref_slice %arg4[%mul3A_33] : memref<20480xi32, #tpu.memory_space<vmem>> -> memref<512xi32, #tpu.memory_space<vmem>>
        %dma_start3A_34 = arith.constant 0 : i32
        %dma_start3A_35 = tpu.memref_slice %arg7[%dma_start3A_34] : memref<10240xf32, #tpu.memory_space<vmem_shared>> -> memref<10240xf32, #tpu.memory_space<vmem_shared>>
        tpu.enqueue_indirect_dma source(%arg5 : memref<512xf32, #tpu.memory_space<vmem>>) target(%dma_start3A_35 : memref<10240xf32, #tpu.memory_space<vmem_shared>>) offsets(%dma_start3A : memref<512xi32, #tpu.memory_space<vmem>>) semaphore(%run_scoped3A : memref<!tpu.dma_semaphore, #tpu.memory_space<semaphore_mem>>) {add = true}
        %dma_wait3A = tpu.memref_slice %arg4[%mul3A_33] : memref<20480xi32, #tpu.memory_space<vmem>> -> memref<512xi32, #tpu.memory_space<vmem>>
        %dma_wait3A_36 = arith.constant 0 : i32
        %dma_wait3A_37 = tpu.memref_slice %arg7[%dma_wait3A_36] : memref<10240xf32, #tpu.memory_space<vmem_shared>> -> memref<10240xf32, #tpu.memory_space<vmem_shared>>
        tpu.wait_indirect_dma semaphore(%run_scoped3A : memref<!tpu.dma_semaphore, #tpu.memory_space<semaphore_mem>>) src(%arg5 : memref<512xf32, #tpu.memory_space<vmem>>) dst(%dma_wait3A_37 : memref<10240xf32, #tpu.memory_space<vmem_shared>>)
        tpu.yield
      }) : () -> ()
    }
    %scan3A_21 = arith.constant 40 : i32
    %barrier3A_22 = arith.constant 0 : index
    tpu.barrier barrier_id(%barrier3A_22)
    "tpu.region"() ({
      %run_scoped3A = tpu.sem_alloc : memref<!tpu.dma_semaphore, #tpu.memory_space<semaphore_mem>>
      %dma_start3A = tpu.memref_slice %arg7[%mul3A_0] : memref<10240xf32, #tpu.memory_space<vmem_shared>> -> memref<640xf32, #tpu.memory_space<vmem_shared>>
      %dma_start3A_28 = tpu.memref_slice %arg7[%mul3A_0] : memref<10240xf32, #tpu.memory_space<vmem_shared>> -> memref<640xf32, #tpu.memory_space<vmem_shared>>
      tpu.enqueue_dma source(%dma_start3A_28 : memref<640xf32, #tpu.memory_space<vmem_shared>>) target(%arg6 : memref<640xf32, #tpu.memory_space<vmem>>) target_semaphore(%run_scoped3A : memref<!tpu.dma_semaphore, #tpu.memory_space<semaphore_mem>>)
      %dma_wait3A = tpu.memref_slice %arg7[%mul3A_0] : memref<10240xf32, #tpu.memory_space<vmem_shared>> -> memref<640xf32, #tpu.memory_space<vmem_shared>>
      %dma_wait3A_29 = tpu.memref_slice %arg7[%mul3A_0] : memref<10240xf32, #tpu.memory_space<vmem_shared>> -> memref<640xf32, #tpu.memory_space<vmem_shared>>
      tpu.wait_dma2 semaphore(%run_scoped3A : memref<!tpu.dma_semaphore, #tpu.memory_space<semaphore_mem>>) src(%dma_wait3A_29 : memref<640xf32, #tpu.memory_space<vmem_shared>>) dst(%arg6 : memref<640xf32, #tpu.memory_space<vmem>>)
      tpu.yield
    }) : () -> ()
    %scan3A_23 = arith.constant 0 : i32
    %scan3A_24 = arith.constant 40 : i32
    %scan3A_25 = arith.addi %scan3A_23, %scan3A_24 : i32
    %scan3A_26 = arith.constant 1 : i32
    scf.for %scan3A_28 = %scan3A_23 to %scan3A_25 step %scan3A_26  : i32 {
      %mul3A_29 = arith.constant 16 : i32
      %mul3A_30 = arith.muli %scan3A_28, %mul3A_29 : i32
      %add3A = arith.constant 0 : i32
      %add3A_31 = arith.addi %add3A, %mul3A_30 : i32
      %get3A = arith.index_cast %add3A_31 : i32 to index
      %get3A_32 = tpu.vector_load %arg6[%get3A] {strides = array<i32>} : memref<640xf32, #tpu.memory_space<vmem>>, vector<16xf32>,
      %bitcast_convert_type3A = tpu.bitcast %get3A_32 : vector<16xf32> -> vector<16xi32>
      %shift_right_arithmetic3A = arith.constant 1 : i32
      %shift_right_arithmetic3A_33 = vector.broadcast %shift_right_arithmetic3A : i32 to vector<16xi32>
      %shift_right_arithmetic3A_34 = arith.shrsi %bitcast_convert_type3A, %shift_right_arithmetic3A_33 : vector<16xi32>
      %sub3A = arith.constant 1597463007 : i32
      %sub3A_35 = vector.broadcast %sub3A : i32 to vector<16xi32>
      %sub3A_36 = arith.subi %sub3A_35, %shift_right_arithmetic3A_34 : vector<16xi32>
      %bitcast_convert_type3A_37 = tpu.bitcast %sub3A_36 : vector<16xi32> -> vector<16xf32>
      %mul3A_38 = arith.constant 5.000000e-01 : f32
      %mul3A_39 = vector.broadcast %mul3A_38 : f32 to vector<16xf32>
      %mul3A_40 = arith.mulf %mul3A_39, %get3A_32 : vector<16xf32>
      %mul3A_41 = arith.mulf %mul3A_40, %bitcast_convert_type3A_37 : vector<16xf32>
      %mul3A_42 = arith.mulf %mul3A_41, %bitcast_convert_type3A_37 : vector<16xf32>
      %sub3A_43 = arith.constant 1.500000e+00 : f32
      %sub3A_44 = vector.broadcast %sub3A_43 : f32 to vector<16xf32>
      %sub3A_45 = arith.subf %sub3A_44, %mul3A_42 : vector<16xf32>
      %mul3A_46 = arith.mulf %bitcast_convert_type3A_37, %sub3A_45 : vector<16xf32>
      %mul3A_47 = arith.constant 5.000000e-01 : f32
      %mul3A_48 = vector.broadcast %mul3A_47 : f32 to vector<16xf32>
      %mul3A_49 = arith.mulf %mul3A_48, %get3A_32 : vector<16xf32>
      %mul3A_50 = arith.mulf %mul3A_49, %mul3A_46 : vector<16xf32>
      %mul3A_51 = arith.mulf %mul3A_50, %mul3A_46 : vector<16xf32>
      %sub3A_52 = arith.constant 1.500000e+00 : f32
      %sub3A_53 = vector.broadcast %sub3A_52 : f32 to vector<16xf32>
      %sub3A_54 = arith.subf %sub3A_53, %mul3A_51 : vector<16xf32>
      %mul3A_55 = arith.mulf %mul3A_46, %sub3A_54 : vector<16xf32>
      %mul3A_56 = arith.constant 5.000000e-01 : f32
      %mul3A_57 = vector.broadcast %mul3A_56 : f32 to vector<16xf32>
      %mul3A_58 = arith.mulf %mul3A_57, %get3A_32 : vector<16xf32>
      %mul3A_59 = arith.mulf %mul3A_58, %mul3A_55 : vector<16xf32>
      %mul3A_60 = arith.mulf %mul3A_59, %mul3A_55 : vector<16xf32>
      %sub3A_61 = arith.constant 1.500000e+00 : f32
      %sub3A_62 = vector.broadcast %sub3A_61 : f32 to vector<16xf32>
      %sub3A_63 = arith.subf %sub3A_62, %mul3A_60 : vector<16xf32>
      %mul3A_64 = arith.mulf %mul3A_55, %sub3A_63 : vector<16xf32>
      %mul3A_65 = arith.constant 5.000000e-01 : f32
      %mul3A_66 = vector.broadcast %mul3A_65 : f32 to vector<16xf32>
      %mul3A_67 = arith.mulf %mul3A_66, %get3A_32 : vector<16xf32>
      %mul3A_68 = arith.mulf %mul3A_67, %mul3A_64 : vector<16xf32>
      %mul3A_69 = arith.mulf %mul3A_68, %mul3A_64 : vector<16xf32>
      %sub3A_70 = arith.constant 1.500000e+00 : f32
      %sub3A_71 = vector.broadcast %sub3A_70 : f32 to vector<16xf32>
      %sub3A_72 = arith.subf %sub3A_71, %mul3A_69 : vector<16xf32>
      %mul3A_73 = arith.mulf %mul3A_64, %sub3A_72 : vector<16xf32>
      %gt3A = arith.constant 0.000000e+00 : f32
      %gt3A_74 = vector.broadcast %gt3A : f32 to vector<16xf32>
      %gt3A_75 = arith.cmpf ogt, %get3A_32, %gt3A_74 : vector<16xf32>
      %jit3A = arith.constant 0.000000e+00 : f32
      %broadcast_in_dim3A = vector.broadcast %jit3A : f32 to vector<16xf32>
      %select_n3A = arith.select %gt3A_75, %mul3A_73, %broadcast_in_dim3A : vector<16xi1>, vector<16xf32>
      %swap3A = arith.index_cast %add3A_31 : i32 to index
      %swap3A_76 = tpu.vector_load %arg6[%swap3A] {strides = array<i32>} : memref<640xf32, #tpu.memory_space<vmem>>, vector<16xf32>,
      tpu.vector_store %arg6[%swap3A], %select_n3A {strides = array<i32>} : memref<640xf32, #tpu.memory_space<vmem>>, vector<16xf32>,
    }
    %scan3A_27 = arith.constant 40 : i32
    "tpu.region"() ({
      %run_scoped3A = tpu.sem_alloc : memref<!tpu.dma_semaphore, #tpu.memory_space<semaphore_mem>>
      %dma_start3A = tpu.memref_slice %arg3[%arg0, %mul3A_0] : memref<2x10240xf32, #tpu.memory_space<hbm>> -> memref<1x640xf32, #tpu.memory_space<hbm>>
      %dma_start3A_28 = tpu.memref_squeeze %dma_start3A : memref<1x640xf32, #tpu.memory_space<hbm>> -> memref<640xf32, #tpu.memory_space<hbm>>
      %dma_start3A_29 = tpu.memref_slice %arg3[%arg0, %mul3A_0] : memref<2x10240xf32, #tpu.memory_space<hbm>> -> memref<1x640xf32, #tpu.memory_space<hbm>>
      %dma_start3A_30 = tpu.memref_squeeze %dma_start3A_29 : memref<1x640xf32, #tpu.memory_space<hbm>> -> memref<640xf32, #tpu.memory_space<hbm>>
      tpu.enqueue_dma source(%arg6 : memref<640xf32, #tpu.memory_space<vmem>>) target(%dma_start3A_30 : memref<640xf32, #tpu.memory_space<hbm>>) target_semaphore(%run_scoped3A : memref<!tpu.dma_semaphore, #tpu.memory_space<semaphore_mem>>)
      %dma_wait3A = tpu.memref_slice %arg3[%arg0, %mul3A_0] : memref<2x10240xf32, #tpu.memory_space<hbm>> -> memref<1x640xf32, #tpu.memory_space<hbm>>
      %dma_wait3A_31 = tpu.memref_squeeze %dma_wait3A : memref<1x640xf32, #tpu.memory_space<hbm>> -> memref<640xf32, #tpu.memory_space<hbm>>
      %dma_wait3A_32 = tpu.memref_slice %arg3[%arg0, %mul3A_0] : memref<2x10240xf32, #tpu.memory_space<hbm>> -> memref<1x640xf32, #tpu.memory_space<hbm>>
      %dma_wait3A_33 = tpu.memref_squeeze %dma_wait3A_32 : memref<1x640xf32, #tpu.memory_space<hbm>> -> memref<640xf32, #tpu.memory_space<hbm>>
      tpu.wait_dma2 semaphore(%run_scoped3A : memref<!tpu.dma_semaphore, #tpu.memory_space<semaphore_mem>>) src(%arg6 : memref<640xf32, #tpu.memory_space<vmem>>) dst(%dma_wait3A_33 : memref<640xf32, #tpu.memory_space<hbm>>)
      tpu.yield
    }) : () -> ()
    return
  }
}

#map = affine_map<(d0, d1) -> (0)>
#map1 = affine_map<(d0, d1) -> (0, 0)>
#map2 = affine_map<(d0, d1) -> (0, 0, 0, 0)>
#map3 = affine_map<(d0, d1) -> (0, 0, 0)>
module attributes {stable_mosaic.version = 14 : i64} {
  func.func @_cheb_kernel(%arg0: i32, %arg1: i32, %arg2: memref<320000xi32, #tpu.memory_space<hbm>>, %arg3: memref<320000xi32, #tpu.memory_space<hbm>>, %arg4: memref<2x10240xf32, #tpu.memory_space<hbm>>, %arg5: memref<2x8x10240x128xf32, #tpu.memory_space<hbm>>, %arg6: memref<2x32xf32, #tpu.memory_space<hbm>>, %arg7: memref<10240x64xf32, #tpu.memory_space<hbm>>, %arg8: memref<20480x32xf32, #tpu.memory_space<hbm>>, %arg9: memref<2x10240x32xf32, #tpu.memory_space<hbm>>, %arg10: memref<2x10240x32xf32, #tpu.memory_space<hbm>>, %arg11: memref<20480xi32, #tpu.memory_space<vmem>>, %arg12: memref<20480xi32, #tpu.memory_space<vmem>>, %arg13: memref<512x32xf32, #tpu.memory_space<vmem>>, %arg14: memref<512x32xf32, #tpu.memory_space<vmem>>, %arg15: memref<!tpu.dma_semaphore, #tpu.memory_space<semaphore_mem>>, %arg16: memref<!tpu.dma_semaphore, #tpu.memory_space<semaphore_mem>>, %arg17: memref<640xf32, #tpu.memory_space<vmem>>, %arg18: memref<640xf32, #tpu.memory_space<vmem>>, %arg19: memref<160x32xf32, #tpu.memory_space<vmem>>, %arg20: memref<160x32xf32, #tpu.memory_space<vmem>>, %arg21: memref<160x32xf32, #tpu.memory_space<vmem>>, %arg22: memref<160x32xf32, #tpu.memory_space<vmem>>, %arg23: memref<160x32xf32, #tpu.memory_space<vmem>>, %arg24: memref<160x32xf32, #tpu.memory_space<vmem>>, %arg25: memref<32xf32, #tpu.memory_space<vmem>>, %arg26: memref<10240x32xf32, #tpu.memory_space<vmem_shared>>) attributes {dimension_semantics = [#tpu.dimension_semantics<core_parallel>, #tpu.dimension_semantics<subcore_parallel>], iteration_bounds = array<i64: 2, 16>, scalar_prefetch = 0 : i64, scratch_operands = 16 : i64, tpu.core_type = #tpu.core_type<sc_vector_subcore>, window_params = [{transform_indices = #map}, {transform_indices = #map}, {transform_indices = #map1}, {transform_indices = #map2}, {transform_indices = #map1}, {transform_indices = #map1}, {transform_indices = #map1}, {transform_indices = #map3}, {transform_indices = #map3}]} {
    %mul3A = arith.constant 640 : i32
    %mul3A_0 = arith.muli %arg1, %mul3A : i32
    %mul3A_1 = arith.constant 10240 : i32
    %mul3A_2 = arith.muli %arg0, %mul3A_1 : i32
    %mul3A_3 = arith.constant 20000 : i32
    %mul3A_4 = arith.muli %arg1, %mul3A_3 : i32
    "tpu.region"() ({
      %run_scoped3A = tpu.sem_alloc : memref<!tpu.dma_semaphore, #tpu.memory_space<semaphore_mem>>
      %dma_start3A_148 = arith.constant 0 : i32
      %dma_start3A_149 = tpu.memref_slice %arg11[%dma_start3A_148] : memref<20480xi32, #tpu.memory_space<vmem>> -> memref<20000xi32, #tpu.memory_space<vmem>>
      %dma_start3A_150 = tpu.memref_slice %arg3[%mul3A_4] : memref<320000xi32, #tpu.memory_space<hbm>> -> memref<20000xi32, #tpu.memory_space<hbm>>
      %dma_start3A_151 = arith.constant 0 : i32
      %dma_start3A_152 = tpu.memref_slice %arg11[%dma_start3A_151] : memref<20480xi32, #tpu.memory_space<vmem>> -> memref<20000xi32, #tpu.memory_space<vmem>>
      %dma_start3A_153 = tpu.memref_slice %arg3[%mul3A_4] : memref<320000xi32, #tpu.memory_space<hbm>> -> memref<20000xi32, #tpu.memory_space<hbm>>
      tpu.enqueue_dma source(%dma_start3A_153 : memref<20000xi32, #tpu.memory_space<hbm>>) target(%dma_start3A_152 : memref<20000xi32, #tpu.memory_space<vmem>>) target_semaphore(%run_scoped3A : memref<!tpu.dma_semaphore, #tpu.memory_space<semaphore_mem>>)
      %dma_wait3A = arith.constant 0 : i32
      %dma_wait3A_154 = tpu.memref_slice %arg11[%dma_wait3A] : memref<20480xi32, #tpu.memory_space<vmem>> -> memref<20000xi32, #tpu.memory_space<vmem>>
      %dma_wait3A_155 = tpu.memref_slice %arg3[%mul3A_4] : memref<320000xi32, #tpu.memory_space<hbm>> -> memref<20000xi32, #tpu.memory_space<hbm>>
      %dma_wait3A_156 = arith.constant 0 : i32
      %dma_wait3A_157 = tpu.memref_slice %arg11[%dma_wait3A_156] : memref<20480xi32, #tpu.memory_space<vmem>> -> memref<20000xi32, #tpu.memory_space<vmem>>
      %dma_wait3A_158 = tpu.memref_slice %arg3[%mul3A_4] : memref<320000xi32, #tpu.memory_space<hbm>> -> memref<20000xi32, #tpu.memory_space<hbm>>
      tpu.wait_dma2 semaphore(%run_scoped3A : memref<!tpu.dma_semaphore, #tpu.memory_space<semaphore_mem>>) src(%dma_wait3A_158 : memref<20000xi32, #tpu.memory_space<hbm>>) dst(%dma_wait3A_157 : memref<20000xi32, #tpu.memory_space<vmem>>)
      tpu.yield
    }) : () -> ()
    %mul3A_5 = arith.constant 20000 : i32
    %mul3A_6 = arith.muli %arg1, %mul3A_5 : i32
    "tpu.region"() ({
      %run_scoped3A = tpu.sem_alloc : memref<!tpu.dma_semaphore, #tpu.memory_space<semaphore_mem>>
      %dma_start3A_148 = arith.constant 0 : i32
      %dma_start3A_149 = tpu.memref_slice %arg12[%dma_start3A_148] : memref<20480xi32, #tpu.memory_space<vmem>> -> memref<20000xi32, #tpu.memory_space<vmem>>
      %dma_start3A_150 = tpu.memref_slice %arg2[%mul3A_6] : memref<320000xi32, #tpu.memory_space<hbm>> -> memref<20000xi32, #tpu.memory_space<hbm>>
      %dma_start3A_151 = arith.constant 0 : i32
      %dma_start3A_152 = tpu.memref_slice %arg12[%dma_start3A_151] : memref<20480xi32, #tpu.memory_space<vmem>> -> memref<20000xi32, #tpu.memory_space<vmem>>
      %dma_start3A_153 = tpu.memref_slice %arg2[%mul3A_6] : memref<320000xi32, #tpu.memory_space<hbm>> -> memref<20000xi32, #tpu.memory_space<hbm>>
      tpu.enqueue_dma source(%dma_start3A_153 : memref<20000xi32, #tpu.memory_space<hbm>>) target(%dma_start3A_152 : memref<20000xi32, #tpu.memory_space<vmem>>) target_semaphore(%run_scoped3A : memref<!tpu.dma_semaphore, #tpu.memory_space<semaphore_mem>>)
      %dma_wait3A = arith.constant 0 : i32
      %dma_wait3A_154 = tpu.memref_slice %arg12[%dma_wait3A] : memref<20480xi32, #tpu.memory_space<vmem>> -> memref<20000xi32, #tpu.memory_space<vmem>>
      %dma_wait3A_155 = tpu.memref_slice %arg2[%mul3A_6] : memref<320000xi32, #tpu.memory_space<hbm>> -> memref<20000xi32, #tpu.memory_space<hbm>>
      %dma_wait3A_156 = arith.constant 0 : i32
      %dma_wait3A_157 = tpu.memref_slice %arg12[%dma_wait3A_156] : memref<20480xi32, #tpu.memory_space<vmem>> -> memref<20000xi32, #tpu.memory_space<vmem>>
      %dma_wait3A_158 = tpu.memref_slice %arg2[%mul3A_6] : memref<320000xi32, #tpu.memory_space<hbm>> -> memref<20000xi32, #tpu.memory_space<hbm>>
      tpu.wait_dma2 semaphore(%run_scoped3A : memref<!tpu.dma_semaphore, #tpu.memory_space<semaphore_mem>>) src(%dma_wait3A_158 : memref<20000xi32, #tpu.memory_space<hbm>>) dst(%dma_wait3A_157 : memref<20000xi32, #tpu.memory_space<vmem>>)
      tpu.yield
    }) : () -> ()
    %scan3A = arith.constant 0 : i32
    %scan3A_7 = arith.constant 30 : i32
    %scan3A_8 = arith.addi %scan3A, %scan3A_7 : i32
    %scan3A_9 = arith.constant 1 : i32
    scf.for %scan3A_148 = %scan3A to %scan3A_8 step %scan3A_9  : i32 {
      %mul3A_149 = arith.constant 16 : i32
      %mul3A_150 = arith.muli %scan3A_148, %mul3A_149 : i32
      %add3A = arith.constant 0 : i32
      %add3A_151 = arith.addi %add3A, %mul3A_150 : i32
      %iota3A = tpu.iota {dimensions = array<i32: 0>} : vector<16xi32>
      %add3A_152 = vector.broadcast %add3A_151 : i32 to vector<16xi32>
      %add3A_153 = arith.addi %add3A_152, %iota3A : vector<16xi32>
      %rem3A = arith.constant 240 : i32
      %rem3A_154 = vector.broadcast %rem3A : i32 to vector<16xi32>
      %rem3A_155 = arith.remsi %add3A_153, %rem3A_154 : vector<16xi32>
      %add3A_156 = arith.constant 10000 : i32
      %add3A_157 = vector.broadcast %add3A_156 : i32 to vector<16xi32>
      %add3A_158 = arith.addi %add3A_157, %rem3A_155 : vector<16xi32>
      %add3A_159 = arith.constant 20000 : i32
      %add3A_160 = arith.addi %add3A_159, %add3A_151 : i32
      %swap3A = arith.index_cast %add3A_160 : i32 to index
      %swap3A_161 = tpu.vector_load %arg11[%swap3A] {strides = array<i32>} : memref<20480xi32, #tpu.memory_space<vmem>>, vector<16xi32>,
      tpu.vector_store %arg11[%swap3A], %add3A_158 {strides = array<i32>} : memref<20480xi32, #tpu.memory_space<vmem>>, vector<16xi32>,
      %add3A_162 = arith.constant 20000 : i32
      %add3A_163 = arith.addi %add3A_162, %add3A_151 : i32
      %swap3A_164 = arith.index_cast %add3A_163 : i32 to index
      %swap3A_165 = tpu.vector_load %arg12[%swap3A_164] {strides = array<i32>} : memref<20480xi32, #tpu.memory_space<vmem>>, vector<16xi32>,
      tpu.vector_store %arg12[%swap3A_164], %add3A_158 {strides = array<i32>} : memref<20480xi32, #tpu.memory_space<vmem>>, vector<16xi32>,
    }
    %scan3A_10 = arith.constant 30 : i32
    "tpu.region"() ({
      %run_scoped3A = tpu.sem_alloc : memref<!tpu.dma_semaphore, #tpu.memory_space<semaphore_mem>>
      %dma_start3A_148 = tpu.memref_slice %arg4[%arg0, %mul3A_0] : memref<2x10240xf32, #tpu.memory_space<hbm>> -> memref<1x640xf32, #tpu.memory_space<hbm>>
      %dma_start3A_149 = tpu.memref_squeeze %dma_start3A_148 : memref<1x640xf32, #tpu.memory_space<hbm>> -> memref<640xf32, #tpu.memory_space<hbm>>
      %dma_start3A_150 = tpu.memref_slice %arg4[%arg0, %mul3A_0] : memref<2x10240xf32, #tpu.memory_space<hbm>> -> memref<1x640xf32, #tpu.memory_space<hbm>>
      %dma_start3A_151 = tpu.memref_squeeze %dma_start3A_150 : memref<1x640xf32, #tpu.memory_space<hbm>> -> memref<640xf32, #tpu.memory_space<hbm>>
      tpu.enqueue_dma source(%dma_start3A_151 : memref<640xf32, #tpu.memory_space<hbm>>) target(%arg17 : memref<640xf32, #tpu.memory_space<vmem>>) target_semaphore(%run_scoped3A : memref<!tpu.dma_semaphore, #tpu.memory_space<semaphore_mem>>)
      %dma_wait3A = tpu.memref_slice %arg4[%arg0, %mul3A_0] : memref<2x10240xf32, #tpu.memory_space<hbm>> -> memref<1x640xf32, #tpu.memory_space<hbm>>
      %dma_wait3A_152 = tpu.memref_squeeze %dma_wait3A : memref<1x640xf32, #tpu.memory_space<hbm>> -> memref<640xf32, #tpu.memory_space<hbm>>
      %dma_wait3A_153 = tpu.memref_slice %arg4[%arg0, %mul3A_0] : memref<2x10240xf32, #tpu.memory_space<hbm>> -> memref<1x640xf32, #tpu.memory_space<hbm>>
      %dma_wait3A_154 = tpu.memref_squeeze %dma_wait3A_153 : memref<1x640xf32, #tpu.memory_space<hbm>> -> memref<640xf32, #tpu.memory_space<hbm>>
      tpu.wait_dma2 semaphore(%run_scoped3A : memref<!tpu.dma_semaphore, #tpu.memory_space<semaphore_mem>>) src(%dma_wait3A_154 : memref<640xf32, #tpu.memory_space<hbm>>) dst(%arg17 : memref<640xf32, #tpu.memory_space<vmem>>)
      tpu.yield
    }) : () -> ()
    "tpu.region"() ({
      %run_scoped3A = tpu.sem_alloc : memref<!tpu.dma_semaphore, #tpu.memory_space<semaphore_mem>>
      %dma_start3A_148 = arith.constant 0 : i32
      %dma_start3A_149 = tpu.memref_slice %arg6[%arg0, %dma_start3A_148] : memref<2x32xf32, #tpu.memory_space<hbm>> -> memref<1x32xf32, #tpu.memory_space<hbm>>
      %dma_start3A_150 = tpu.memref_squeeze %dma_start3A_149 : memref<1x32xf32, #tpu.memory_space<hbm>> -> memref<32xf32, #tpu.memory_space<hbm>>
      %dma_start3A_151 = arith.constant 0 : i32
      %dma_start3A_152 = tpu.memref_slice %arg6[%arg0, %dma_start3A_151] : memref<2x32xf32, #tpu.memory_space<hbm>> -> memref<1x32xf32, #tpu.memory_space<hbm>>
      %dma_start3A_153 = tpu.memref_squeeze %dma_start3A_152 : memref<1x32xf32, #tpu.memory_space<hbm>> -> memref<32xf32, #tpu.memory_space<hbm>>
      tpu.enqueue_dma source(%dma_start3A_153 : memref<32xf32, #tpu.memory_space<hbm>>) target(%arg25 : memref<32xf32, #tpu.memory_space<vmem>>) target_semaphore(%run_scoped3A : memref<!tpu.dma_semaphore, #tpu.memory_space<semaphore_mem>>)
      %dma_wait3A = arith.constant 0 : i32
      %dma_wait3A_154 = tpu.memref_slice %arg6[%arg0, %dma_wait3A] : memref<2x32xf32, #tpu.memory_space<hbm>> -> memref<1x32xf32, #tpu.memory_space<hbm>>
      %dma_wait3A_155 = tpu.memref_squeeze %dma_wait3A_154 : memref<1x32xf32, #tpu.memory_space<hbm>> -> memref<32xf32, #tpu.memory_space<hbm>>
      %dma_wait3A_156 = arith.constant 0 : i32
      %dma_wait3A_157 = tpu.memref_slice %arg6[%arg0, %dma_wait3A_156] : memref<2x32xf32, #tpu.memory_space<hbm>> -> memref<1x32xf32, #tpu.memory_space<hbm>>
      %dma_wait3A_158 = tpu.memref_squeeze %dma_wait3A_157 : memref<1x32xf32, #tpu.memory_space<hbm>> -> memref<32xf32, #tpu.memory_space<hbm>>
      tpu.wait_dma2 semaphore(%run_scoped3A : memref<!tpu.dma_semaphore, #tpu.memory_space<semaphore_mem>>) src(%dma_wait3A_158 : memref<32xf32, #tpu.memory_space<hbm>>) dst(%arg25 : memref<32xf32, #tpu.memory_space<vmem>>)
      tpu.yield
    }) : () -> ()
    %scan3A_11 = arith.constant 0 : i32
    %scan3A_12 = arith.constant 1280 : i32
    %scan3A_13 = arith.addi %scan3A_11, %scan3A_12 : i32
    %scan3A_14 = arith.constant 1 : i32
    scf.for %scan3A_148 = %scan3A_11 to %scan3A_13 step %scan3A_14  : i32 {
      %mul3A_149 = arith.constant 16 : i32
      %mul3A_150 = arith.muli %scan3A_148, %mul3A_149 : i32
      %add3A = arith.constant 0 : i32
      %add3A_151 = arith.addi %add3A, %mul3A_150 : i32
      %get3A = arith.index_cast %add3A_151 : i32 to index
      %get3A_152 = tpu.vector_load %arg11[%get3A] {strides = array<i32>} : memref<20480xi32, #tpu.memory_space<vmem>>, vector<16xi32>,
      %add3A_153 = vector.broadcast %mul3A_2 : i32 to vector<16xi32>
      %add3A_154 = arith.addi %get3A_152, %add3A_153 : vector<16xi32>
      %swap3A = arith.index_cast %add3A_151 : i32 to index
      %swap3A_155 = tpu.vector_load %arg11[%swap3A] {strides = array<i32>} : memref<20480xi32, #tpu.memory_space<vmem>>, vector<16xi32>,
      tpu.vector_store %arg11[%swap3A], %add3A_154 {strides = array<i32>} : memref<20480xi32, #tpu.memory_space<vmem>>, vector<16xi32>,
    }
    %scan3A_15 = arith.constant 1280 : i32
    %scan3A_16 = arith.constant 0 : i32
    %scan3A_17 = arith.constant 40 : i32
    %scan3A_18 = arith.addi %scan3A_16, %scan3A_17 : i32
    %scan3A_19 = arith.constant 1 : i32
    scf.for %scan3A_148 = %scan3A_16 to %scan3A_18 step %scan3A_19  : i32 {
      %mul3A_149 = arith.constant 16 : i32
      %mul3A_150 = arith.muli %scan3A_148, %mul3A_149 : i32
      %add3A = arith.constant 0 : i32
      %add3A_151 = arith.addi %add3A, %mul3A_150 : i32
      %get3A = arith.index_cast %add3A_151 : i32 to index
      %get3A_152 = tpu.vector_load %arg17[%get3A] {strides = array<i32>} : memref<640xf32, #tpu.memory_space<vmem>>, vector<16xf32>,
      %mul3A_153 = arith.constant 2.000000e+00 : f32
      %mul3A_154 = vector.broadcast %mul3A_153 : f32 to vector<16xf32>
      %mul3A_155 = arith.mulf %get3A_152, %mul3A_154 : vector<16xf32>
      %swap3A = arith.index_cast %add3A_151 : i32 to index
      %swap3A_156 = tpu.vector_load %arg18[%swap3A] {strides = array<i32>} : memref<640xf32, #tpu.memory_space<vmem>>, vector<16xf32>,
      tpu.vector_store %arg18[%swap3A], %mul3A_155 {strides = array<i32>} : memref<640xf32, #tpu.memory_space<vmem>>, vector<16xf32>,
    }
    %scan3A_20 = arith.constant 40 : i32
    %scan3A_21 = arith.constant 0 : i32
    %scan3A_22 = arith.constant 160 : i32
    %scan3A_23 = arith.addi %scan3A_21, %scan3A_22 : i32
    %scan3A_24 = arith.constant 1 : i32
    scf.for %scan3A_148 = %scan3A_21 to %scan3A_23 step %scan3A_24  : i32 {
      %mul3A_149 = arith.constant 1 : i32
      %mul3A_150 = arith.muli %scan3A_148, %mul3A_149 : i32
      %add3A = arith.constant 0 : i32
      %add3A_151 = arith.addi %add3A, %mul3A_150 : i32
      %broadcast_in_dim3A = arith.constant 0.000000e+00 : f32
      %broadcast_in_dim3A_152 = vector.broadcast %broadcast_in_dim3A : f32 to vector<16xf32>
      %swap3A = arith.index_cast %add3A_151 : i32 to index
      %swap3A_153 = arith.constant 0 : index
      %swap3A_154 = tpu.vector_load %arg19[%swap3A, %swap3A_153] {strides = array<i32>} : memref<160x32xf32, #tpu.memory_space<vmem>>, vector<16xf32>,
      tpu.vector_store %arg19[%swap3A, %swap3A_153], %broadcast_in_dim3A_152 {strides = array<i32>} : memref<160x32xf32, #tpu.memory_space<vmem>>, vector<16xf32>,
      %broadcast_in_dim3A_155 = arith.constant 0.000000e+00 : f32
      %broadcast_in_dim3A_156 = vector.broadcast %broadcast_in_dim3A_155 : f32 to vector<16xf32>
      %swap3A_157 = arith.index_cast %add3A_151 : i32 to index
      %swap3A_158 = arith.constant 16 : index
      %swap3A_159 = tpu.vector_load %arg19[%swap3A_157, %swap3A_158] {strides = array<i32>} : memref<160x32xf32, #tpu.memory_space<vmem>>, vector<16xf32>,
      tpu.vector_store %arg19[%swap3A_157, %swap3A_158], %broadcast_in_dim3A_156 {strides = array<i32>} : memref<160x32xf32, #tpu.memory_space<vmem>>, vector<16xf32>,
    }
    %scan3A_25 = arith.constant 160 : i32
    %scan3A_26 = arith.constant 0 : i32
    %scan3A_27 = arith.constant 4 : i32
    %scan3A_28 = arith.addi %scan3A_26, %scan3A_27 : i32
    %scan3A_29 = arith.constant 1 : i32
    scf.for %scan3A_148 = %scan3A_26 to %scan3A_28 step %scan3A_29  : i32 {
      %mul3A_149 = arith.constant 1 : i32
      %mul3A_150 = arith.muli %scan3A_148, %mul3A_149 : i32
      %add3A = arith.constant 0 : i32
      %add3A_151 = arith.addi %add3A, %mul3A_150 : i32
      %mul3A_152 = arith.constant 160 : i32
      %mul3A_153 = arith.muli %add3A_151, %mul3A_152 : i32
      %add3A_154 = arith.addi %mul3A_0, %mul3A_153 : i32
      %run_scoped3A = arith.constant 7 : i32
      "tpu.region"() ({
        %run_scoped3A_158 = tpu.sem_alloc : memref<!tpu.dma_semaphore, #tpu.memory_space<semaphore_mem>>
        %dma_start3A_159 = arith.constant 0 : i32
        %dma_start3A_160 = tpu.memref_slice %arg5[%arg0, %run_scoped3A, %add3A_154, %dma_start3A_159] : memref<2x8x10240x128xf32, #tpu.memory_space<hbm>> -> memref<1x1x160x32xf32, #tpu.memory_space<hbm>>
        %dma_start3A_161 = tpu.memref_squeeze %dma_start3A_160 : memref<1x1x160x32xf32, #tpu.memory_space<hbm>> -> memref<160x32xf32, #tpu.memory_space<hbm>>
        %dma_start3A_162 = arith.constant 0 : i32
        %dma_start3A_163 = tpu.memref_slice %arg5[%arg0, %run_scoped3A, %add3A_154, %dma_start3A_162] : memref<2x8x10240x128xf32, #tpu.memory_space<hbm>> -> memref<1x1x160x32xf32, #tpu.memory_space<hbm>>
        %dma_start3A_164 = tpu.memref_squeeze %dma_start3A_163 : memref<1x1x160x32xf32, #tpu.memory_space<hbm>> -> memref<160x32xf32, #tpu.memory_space<hbm>>
        tpu.enqueue_dma source(%dma_start3A_164 : memref<160x32xf32, #tpu.memory_space<hbm>>) target(%arg21 : memref<160x32xf32, #tpu.memory_space<vmem>>) target_semaphore(%run_scoped3A_158 : memref<!tpu.dma_semaphore, #tpu.memory_space<semaphore_mem>>)
        %dma_wait3A = arith.constant 0 : i32
        %dma_wait3A_165 = tpu.memref_slice %arg5[%arg0, %run_scoped3A, %add3A_154, %dma_wait3A] : memref<2x8x10240x128xf32, #tpu.memory_space<hbm>> -> memref<1x1x160x32xf32, #tpu.memory_space<hbm>>
        %dma_wait3A_166 = tpu.memref_squeeze %dma_wait3A_165 : memref<1x1x160x32xf32, #tpu.memory_space<hbm>> -> memref<160x32xf32, #tpu.memory_space<hbm>>
        %dma_wait3A_167 = arith.constant 0 : i32
        %dma_wait3A_168 = tpu.memref_slice %arg5[%arg0, %run_scoped3A, %add3A_154, %dma_wait3A_167] : memref<2x8x10240x128xf32, #tpu.memory_space<hbm>> -> memref<1x1x160x32xf32, #tpu.memory_space<hbm>>
        %dma_wait3A_169 = tpu.memref_squeeze %dma_wait3A_168 : memref<1x1x160x32xf32, #tpu.memory_space<hbm>> -> memref<160x32xf32, #tpu.memory_space<hbm>>
        tpu.wait_dma2 semaphore(%run_scoped3A_158 : memref<!tpu.dma_semaphore, #tpu.memory_space<semaphore_mem>>) src(%dma_wait3A_169 : memref<160x32xf32, #tpu.memory_space<hbm>>) dst(%arg21 : memref<160x32xf32, #tpu.memory_space<vmem>>)
        tpu.yield
      }) : () -> ()
      %parallel_loop3A = arith.constant 0 : i32
      %parallel_loop3A_155 = arith.constant 160 : i32
      %parallel_loop3A_156 = arith.constant 1 : i32
      scf.for %parallel_loop3A_158 = %parallel_loop3A to %parallel_loop3A_155 step %parallel_loop3A_156  : i32 {
        %parallel_loop3A_159 = arith.constant 160 : i32
        %parallel_loop3A_160 = arith.muli %add3A_151, %parallel_loop3A_159 : i32
        %parallel_loop3A_161 = arith.addi %parallel_loop3A_160, %parallel_loop3A_158 : i32
        %parallel_loop3A_162 = vector.broadcast %parallel_loop3A_161 : i32 to vector<16xi32>
        %parallel_loop3A_163 = tpu.vector_load_idx %arg17[%parallel_loop3A_162] : memref<640xf32, #tpu.memory_space<vmem>>[vector<16xi32>], vector<16xf32>,
        %parallel_loop3A_164 = arith.index_cast %parallel_loop3A_158 : i32 to index
        %parallel_loop3A_165 = arith.constant 0 : index
        %parallel_loop3A_166 = tpu.vector_load %arg21[%parallel_loop3A_164, %parallel_loop3A_165] {strides = array<i32>} : memref<160x32xf32, #tpu.memory_space<vmem>>, vector<16xf32>,
        %parallel_loop3A_167 = arith.mulf %parallel_loop3A_166, %parallel_loop3A_163 : vector<16xf32>
        %parallel_loop3A_168 = arith.index_cast %parallel_loop3A_158 : i32 to index
        %parallel_loop3A_169 = arith.constant 0 : index
        %parallel_loop3A_170 = tpu.vector_load %arg24[%parallel_loop3A_168, %parallel_loop3A_169] {strides = array<i32>} : memref<160x32xf32, #tpu.memory_space<vmem>>, vector<16xf32>,
        tpu.vector_store %arg24[%parallel_loop3A_168, %parallel_loop3A_169], %parallel_loop3A_167 {strides = array<i32>} : memref<160x32xf32, #tpu.memory_space<vmem>>, vector<16xf32>,
        %parallel_loop3A_171 = arith.index_cast %parallel_loop3A_158 : i32 to index
        %parallel_loop3A_172 = arith.constant 16 : index
        %parallel_loop3A_173 = tpu.vector_load %arg21[%parallel_loop3A_171, %parallel_loop3A_172] {strides = array<i32>} : memref<160x32xf32, #tpu.memory_space<vmem>>, vector<16xf32>,
        %parallel_loop3A_174 = arith.mulf %parallel_loop3A_173, %parallel_loop3A_163 : vector<16xf32>
        %parallel_loop3A_175 = arith.index_cast %parallel_loop3A_158 : i32 to index
        %parallel_loop3A_176 = arith.constant 16 : index
        %parallel_loop3A_177 = tpu.vector_load %arg24[%parallel_loop3A_175, %parallel_loop3A_176] {strides = array<i32>} : memref<160x32xf32, #tpu.memory_space<vmem>>, vector<16xf32>,
        tpu.vector_store %arg24[%parallel_loop3A_175, %parallel_loop3A_176], %parallel_loop3A_174 {strides = array<i32>} : memref<160x32xf32, #tpu.memory_space<vmem>>, vector<16xf32>,
      } {sc.loop_unroll_factor = 4 : i64, sc.parallel_access}
      "tpu.region"() ({
        %run_scoped3A_158 = tpu.sem_alloc : memref<!tpu.dma_semaphore, #tpu.memory_space<semaphore_mem>>
        %dma_start3A_159 = arith.constant 0 : i32
        %dma_start3A_160 = tpu.memref_slice %arg9[%arg0, %add3A_154, %dma_start3A_159] : memref<2x10240x32xf32, #tpu.memory_space<hbm>> -> memref<1x160x32xf32, #tpu.memory_space<hbm>>
        %dma_start3A_161 = tpu.memref_squeeze %dma_start3A_160 : memref<1x160x32xf32, #tpu.memory_space<hbm>> -> memref<160x32xf32, #tpu.memory_space<hbm>>
        %dma_start3A_162 = arith.constant 0 : i32
        %dma_start3A_163 = tpu.memref_slice %arg9[%arg0, %add3A_154, %dma_start3A_162] : memref<2x10240x32xf32, #tpu.memory_space<hbm>> -> memref<1x160x32xf32, #tpu.memory_space<hbm>>
        %dma_start3A_164 = tpu.memref_squeeze %dma_start3A_163 : memref<1x160x32xf32, #tpu.memory_space<hbm>> -> memref<160x32xf32, #tpu.memory_space<hbm>>
        tpu.enqueue_dma source(%arg21 : memref<160x32xf32, #tpu.memory_space<vmem>>) target(%dma_start3A_164 : memref<160x32xf32, #tpu.memory_space<hbm>>) target_semaphore(%run_scoped3A_158 : memref<!tpu.dma_semaphore, #tpu.memory_space<semaphore_mem>>)
        %dma_wait3A = arith.constant 0 : i32
        %dma_wait3A_165 = tpu.memref_slice %arg9[%arg0, %add3A_154, %dma_wait3A] : memref<2x10240x32xf32, #tpu.memory_space<hbm>> -> memref<1x160x32xf32, #tpu.memory_space<hbm>>
        %dma_wait3A_166 = tpu.memref_squeeze %dma_wait3A_165 : memref<1x160x32xf32, #tpu.memory_space<hbm>> -> memref<160x32xf32, #tpu.memory_space<hbm>>
        %dma_wait3A_167 = arith.constant 0 : i32
        %dma_wait3A_168 = tpu.memref_slice %arg9[%arg0, %add3A_154, %dma_wait3A_167] : memref<2x10240x32xf32, #tpu.memory_space<hbm>> -> memref<1x160x32xf32, #tpu.memory_space<hbm>>
        %dma_wait3A_169 = tpu.memref_squeeze %dma_wait3A_168 : memref<1x160x32xf32, #tpu.memory_space<hbm>> -> memref<160x32xf32, #tpu.memory_space<hbm>>
        tpu.wait_dma2 semaphore(%run_scoped3A_158 : memref<!tpu.dma_semaphore, #tpu.memory_space<semaphore_mem>>) src(%arg21 : memref<160x32xf32, #tpu.memory_space<vmem>>) dst(%dma_wait3A_169 : memref<160x32xf32, #tpu.memory_space<hbm>>)
        tpu.yield
      }) : () -> ()
      %add3A_157 = arith.addi %mul3A_2, %add3A_154 : i32
      "tpu.region"() ({
        %run_scoped3A_158 = tpu.sem_alloc : memref<!tpu.dma_semaphore, #tpu.memory_space<semaphore_mem>>
        %dma_start3A_159 = arith.constant 0 : i32
        %dma_start3A_160 = tpu.memref_slice %arg8[%add3A_157, %dma_start3A_159] : memref<20480x32xf32, #tpu.memory_space<hbm>> -> memref<160x32xf32, #tpu.memory_space<hbm>>
        %dma_start3A_161 = arith.constant 0 : i32
        %dma_start3A_162 = tpu.memref_slice %arg8[%add3A_157, %dma_start3A_161] : memref<20480x32xf32, #tpu.memory_space<hbm>> -> memref<160x32xf32, #tpu.memory_space<hbm>>
        tpu.enqueue_dma source(%arg24 : memref<160x32xf32, #tpu.memory_space<vmem>>) target(%dma_start3A_162 : memref<160x32xf32, #tpu.memory_space<hbm>>) target_semaphore(%run_scoped3A_158 : memref<!tpu.dma_semaphore, #tpu.memory_space<semaphore_mem>>)
        %dma_wait3A = arith.constant 0 : i32
        %dma_wait3A_163 = tpu.memref_slice %arg8[%add3A_157, %dma_wait3A] : memref<20480x32xf32, #tpu.memory_space<hbm>> -> memref<160x32xf32, #tpu.memory_space<hbm>>
        %dma_wait3A_164 = arith.constant 0 : i32
        %dma_wait3A_165 = tpu.memref_slice %arg8[%add3A_157, %dma_wait3A_164] : memref<20480x32xf32, #tpu.memory_space<hbm>> -> memref<160x32xf32, #tpu.memory_space<hbm>>
        tpu.wait_dma2 semaphore(%run_scoped3A_158 : memref<!tpu.dma_semaphore, #tpu.memory_space<semaphore_mem>>) src(%arg24 : memref<160x32xf32, #tpu.memory_space<vmem>>) dst(%dma_wait3A_165 : memref<160x32xf32, #tpu.memory_space<hbm>>)
        tpu.yield
      }) : () -> ()
      "tpu.region"() ({
        %run_scoped3A_158 = tpu.sem_alloc : memref<!tpu.dma_semaphore, #tpu.memory_space<semaphore_mem>>
        %dma_start3A_159 = arith.constant 0 : i32
        %dma_start3A_160 = tpu.memref_slice %arg26[%add3A_154, %dma_start3A_159] : memref<10240x32xf32, #tpu.memory_space<vmem_shared>> -> memref<160x32xf32, #tpu.memory_space<vmem_shared>>
        %dma_start3A_161 = arith.constant 0 : i32
        %dma_start3A_162 = tpu.memref_slice %arg26[%add3A_154, %dma_start3A_161] : memref<10240x32xf32, #tpu.memory_space<vmem_shared>> -> memref<160x32xf32, #tpu.memory_space<vmem_shared>>
        tpu.enqueue_dma source(%arg19 : memref<160x32xf32, #tpu.memory_space<vmem>>) target(%dma_start3A_162 : memref<160x32xf32, #tpu.memory_space<vmem_shared>>) target_semaphore(%run_scoped3A_158 : memref<!tpu.dma_semaphore, #tpu.memory_space<semaphore_mem>>)
        %dma_wait3A = arith.constant 0 : i32
        %dma_wait3A_163 = tpu.memref_slice %arg26[%add3A_154, %dma_wait3A] : memref<10240x32xf32, #tpu.memory_space<vmem_shared>> -> memref<160x32xf32, #tpu.memory_space<vmem_shared>>
        %dma_wait3A_164 = arith.constant 0 : i32
        %dma_wait3A_165 = tpu.memref_slice %arg26[%add3A_154, %dma_wait3A_164] : memref<10240x32xf32, #tpu.memory_space<vmem_shared>> -> memref<160x32xf32, #tpu.memory_space<vmem_shared>>
        tpu.wait_dma2 semaphore(%run_scoped3A_158 : memref<!tpu.dma_semaphore, #tpu.memory_space<semaphore_mem>>) src(%arg19 : memref<160x32xf32, #tpu.memory_space<vmem>>) dst(%dma_wait3A_165 : memref<160x32xf32, #tpu.memory_space<vmem_shared>>)
        tpu.yield
      }) : () -> ()
    }
    %scan3A_30 = arith.constant 4 : i32
    %barrier3A = arith.constant 0 : index
    tpu.barrier barrier_id(%barrier3A)
    %dma_start3A = arith.constant 0 : i32
    %dma_start3A_31 = tpu.memref_slice %arg11[%dma_start3A] : memref<20480xi32, #tpu.memory_space<vmem>> -> memref<512xi32, #tpu.memory_space<vmem>>
    %dma_start3A_32 = arith.constant 0 : i32
    %dma_start3A_33 = arith.constant 0 : i32
    %dma_start3A_34 = tpu.memref_slice %arg8[%dma_start3A_32, %dma_start3A_33] : memref<20480x32xf32, #tpu.memory_space<hbm>> -> memref<20480x32xf32, #tpu.memory_space<hbm>>
    tpu.enqueue_indirect_dma source(%dma_start3A_34 : memref<20480x32xf32, #tpu.memory_space<hbm>>) target(%arg13 : memref<512x32xf32, #tpu.memory_space<vmem>>) offsets(%dma_start3A_31 : memref<512xi32, #tpu.memory_space<vmem>>) semaphore(%arg15 : memref<!tpu.dma_semaphore, #tpu.memory_space<semaphore_mem>>)
    %scan3A_35 = arith.constant 0 : i32
    %scan3A_36 = arith.constant 20 : i32
    %scan3A_37 = arith.addi %scan3A_35, %scan3A_36 : i32
    %scan3A_38 = arith.constant 1 : i32
    scf.for %scan3A_148 = %scan3A_35 to %scan3A_37 step %scan3A_38  : i32 {
      %mul3A_149 = arith.constant 2 : i32
      %mul3A_150 = arith.muli %scan3A_148, %mul3A_149 : i32
      %add3A = arith.constant 0 : i32
      %add3A_151 = arith.addi %add3A, %mul3A_150 : i32
      %add3A_152 = arith.constant 1 : i32
      %add3A_153 = arith.addi %add3A_151, %add3A_152 : i32
      %mul3A_154 = arith.constant 512 : i32
      %mul3A_155 = arith.muli %add3A_153, %mul3A_154 : i32
      %dma_start3A_156 = tpu.memref_slice %arg11[%mul3A_155] : memref<20480xi32, #tpu.memory_space<vmem>> -> memref<512xi32, #tpu.memory_space<vmem>>
      %dma_start3A_157 = arith.constant 0 : i32
      %dma_start3A_158 = arith.constant 0 : i32
      %dma_start3A_159 = tpu.memref_slice %arg8[%dma_start3A_157, %dma_start3A_158] : memref<20480x32xf32, #tpu.memory_space<hbm>> -> memref<20480x32xf32, #tpu.memory_space<hbm>>
      tpu.enqueue_indirect_dma source(%dma_start3A_159 : memref<20480x32xf32, #tpu.memory_space<hbm>>) target(%arg14 : memref<512x32xf32, #tpu.memory_space<vmem>>) offsets(%dma_start3A_156 : memref<512xi32, #tpu.memory_space<vmem>>) semaphore(%arg16 : memref<!tpu.dma_semaphore, #tpu.memory_space<semaphore_mem>>)
      %dma_wait3A = arith.constant 0 : i32
      %dma_wait3A_160 = tpu.memref_slice %arg11[%dma_wait3A] : memref<20480xi32, #tpu.memory_space<vmem>> -> memref<512xi32, #tpu.memory_space<vmem>>
      %dma_wait3A_161 = arith.constant 0 : i32
      %dma_wait3A_162 = arith.constant 0 : i32
      %dma_wait3A_163 = tpu.memref_slice %arg8[%dma_wait3A_161, %dma_wait3A_162] : memref<20480x32xf32, #tpu.memory_space<hbm>> -> memref<20480x32xf32, #tpu.memory_space<hbm>>
      tpu.wait_indirect_dma semaphore(%arg15 : memref<!tpu.dma_semaphore, #tpu.memory_space<semaphore_mem>>) src(%dma_wait3A_163 : memref<20480x32xf32, #tpu.memory_space<hbm>>) dst(%arg13 : memref<512x32xf32, #tpu.memory_space<vmem>>)
      %mul3A_164 = arith.constant 512 : i32
      %mul3A_165 = arith.muli %add3A_151, %mul3A_164 : i32
      "tpu.region"() ({
        %run_scoped3A = tpu.sem_alloc : memref<!tpu.dma_semaphore, #tpu.memory_space<semaphore_mem>>
        %dma_start3A_179 = tpu.memref_slice %arg12[%mul3A_165] : memref<20480xi32, #tpu.memory_space<vmem>> -> memref<512xi32, #tpu.memory_space<vmem>>
        %dma_start3A_180 = arith.constant 0 : i32
        %dma_start3A_181 = arith.constant 0 : i32
        %dma_start3A_182 = tpu.memref_slice %arg26[%dma_start3A_180, %dma_start3A_181] : memref<10240x32xf32, #tpu.memory_space<vmem_shared>> -> memref<10240x32xf32, #tpu.memory_space<vmem_shared>>
        tpu.enqueue_indirect_dma source(%arg13 : memref<512x32xf32, #tpu.memory_space<vmem>>) target(%dma_start3A_182 : memref<10240x32xf32, #tpu.memory_space<vmem_shared>>) offsets(%dma_start3A_179 : memref<512xi32, #tpu.memory_space<vmem>>) semaphore(%run_scoped3A : memref<!tpu.dma_semaphore, #tpu.memory_space<semaphore_mem>>) {add = true}
        %dma_wait3A_183 = tpu.memref_slice %arg12[%mul3A_165] : memref<20480xi32, #tpu.memory_space<vmem>> -> memref<512xi32, #tpu.memory_space<vmem>>
        %dma_wait3A_184 = arith.constant 0 : i32
        %dma_wait3A_185 = arith.constant 0 : i32
        %dma_wait3A_186 = tpu.memref_slice %arg26[%dma_wait3A_184, %dma_wait3A_185] : memref<10240x32xf32, #tpu.memory_space<vmem_shared>> -> memref<10240x32xf32, #tpu.memory_space<vmem_shared>>
        tpu.wait_indirect_dma semaphore(%run_scoped3A : memref<!tpu.dma_semaphore, #tpu.memory_space<semaphore_mem>>) src(%arg13 : memref<512x32xf32, #tpu.memory_space<vmem>>) dst(%dma_wait3A_186 : memref<10240x32xf32, #tpu.memory_space<vmem_shared>>)
        tpu.yield
      }) : () -> ()
      %add3A_166 = arith.constant 2 : i32
      %add3A_167 = arith.addi %add3A_151, %add3A_166 : i32
      %lt3A = arith.constant 40 : i32
      %lt3A_168 = arith.cmpi slt, %add3A_167, %lt3A : i32
      %convert_element_type3A = arith.extui %lt3A_168 : i1 to i32
      %cond3A = arith.constant 0 : i32
      %cond3A_169 = arith.cmpi ne, %convert_element_type3A, %cond3A : i32
      scf.if %cond3A_169 {
        %add3A_179 = arith.constant 2 : i32
        %add3A_180 = arith.addi %add3A_151, %add3A_179 : i32
        %mul3A_181 = arith.constant 512 : i32
        %mul3A_182 = arith.muli %add3A_180, %mul3A_181 : i32
        %dma_start3A_183 = tpu.memref_slice %arg11[%mul3A_182] : memref<20480xi32, #tpu.memory_space<vmem>> -> memref<512xi32, #tpu.memory_space<vmem>>
        %dma_start3A_184 = arith.constant 0 : i32
        %dma_start3A_185 = arith.constant 0 : i32
        %dma_start3A_186 = tpu.memref_slice %arg8[%dma_start3A_184, %dma_start3A_185] : memref<20480x32xf32, #tpu.memory_space<hbm>> -> memref<20480x32xf32, #tpu.memory_space<hbm>>
        tpu.enqueue_indirect_dma source(%dma_start3A_186 : memref<20480x32xf32, #tpu.memory_space<hbm>>) target(%arg13 : memref<512x32xf32, #tpu.memory_space<vmem>>) offsets(%dma_start3A_183 : memref<512xi32, #tpu.memory_space<vmem>>) semaphore(%arg15 : memref<!tpu.dma_semaphore, #tpu.memory_space<semaphore_mem>>)
      } else {
      }
      %dma_wait3A_170 = arith.constant 0 : i32
      %dma_wait3A_171 = tpu.memref_slice %arg11[%dma_wait3A_170] : memref<20480xi32, #tpu.memory_space<vmem>> -> memref<512xi32, #tpu.memory_space<vmem>>
      %dma_wait3A_172 = arith.constant 0 : i32
      %dma_wait3A_173 = arith.constant 0 : i32
      %dma_wait3A_174 = tpu.memref_slice %arg8[%dma_wait3A_172, %dma_wait3A_173] : memref<20480x32xf32, #tpu.memory_space<hbm>> -> memref<20480x32xf32, #tpu.memory_space<hbm>>
      tpu.wait_indirect_dma semaphore(%arg16 : memref<!tpu.dma_semaphore, #tpu.memory_space<semaphore_mem>>) src(%dma_wait3A_174 : memref<20480x32xf32, #tpu.memory_space<hbm>>) dst(%arg14 : memref<512x32xf32, #tpu.memory_space<vmem>>)
      %add3A_175 = arith.constant 1 : i32
      %add3A_176 = arith.addi %add3A_151, %add3A_175 : i32
      %mul3A_177 = arith.constant 512 : i32
      %mul3A_178 = arith.muli %add3A_176, %mul3A_177 : i32
      "tpu.region"() ({
        %run_scoped3A = tpu.sem_alloc : memref<!tpu.dma_semaphore, #tpu.memory_space<semaphore_mem>>
        %dma_start3A_179 = tpu.memref_slice %arg12[%mul3A_178] : memref<20480xi32, #tpu.memory_space<vmem>> -> memref<512xi32, #tpu.memory_space<vmem>>
        %dma_start3A_180 = arith.constant 0 : i32
        %dma_start3A_181 = arith.constant 0 : i32
        %dma_start3A_182 = tpu.memref_slice %arg26[%dma_start3A_180, %dma_start3A_181] : memref<10240x32xf32, #tpu.memory_space<vmem_shared>> -> memref<10240x32xf32, #tpu.memory_space<vmem_shared>>
        tpu.enqueue_indirect_dma source(%arg14 : memref<512x32xf32, #tpu.memory_space<vmem>>) target(%dma_start3A_182 : memref<10240x32xf32, #tpu.memory_space<vmem_shared>>) offsets(%dma_start3A_179 : memref<512xi32, #tpu.memory_space<vmem>>) semaphore(%run_scoped3A : memref<!tpu.dma_semaphore, #tpu.memory_space<semaphore_mem>>) {add = true}
        %dma_wait3A_183 = tpu.memref_slice %arg12[%mul3A_178] : memref<20480xi32, #tpu.memory_space<vmem>> -> memref<512xi32, #tpu.memory_space<vmem>>
        %dma_wait3A_184 = arith.constant 0 : i32
        %dma_wait3A_185 = arith.constant 0 : i32
        %dma_wait3A_186 = tpu.memref_slice %arg26[%dma_wait3A_184, %dma_wait3A_185] : memref<10240x32xf32, #tpu.memory_space<vmem_shared>> -> memref<10240x32xf32, #tpu.memory_space<vmem_shared>>
        tpu.wait_indirect_dma semaphore(%run_scoped3A : memref<!tpu.dma_semaphore, #tpu.memory_space<semaphore_mem>>) src(%arg14 : memref<512x32xf32, #tpu.memory_space<vmem>>) dst(%dma_wait3A_186 : memref<10240x32xf32, #tpu.memory_space<vmem_shared>>)
        tpu.yield
      }) : () -> ()
    }
    %scan3A_39 = arith.constant 20 : i32
    %barrier3A_40 = arith.constant 0 : index
    tpu.barrier barrier_id(%barrier3A_40)
    %scan3A_41 = arith.constant 0 : i32
    %scan3A_42 = arith.constant 4 : i32
    %scan3A_43 = arith.addi %scan3A_41, %scan3A_42 : i32
    %scan3A_44 = arith.constant 1 : i32
    scf.for %scan3A_148 = %scan3A_41 to %scan3A_43 step %scan3A_44  : i32 {
      %mul3A_149 = arith.constant 1 : i32
      %mul3A_150 = arith.muli %scan3A_148, %mul3A_149 : i32
      %add3A = arith.constant 0 : i32
      %add3A_151 = arith.addi %add3A, %mul3A_150 : i32
      %mul3A_152 = arith.constant 160 : i32
      %mul3A_153 = arith.muli %add3A_151, %mul3A_152 : i32
      %add3A_154 = arith.addi %mul3A_0, %mul3A_153 : i32
      "tpu.region"() ({
        %run_scoped3A_158 = tpu.sem_alloc : memref<!tpu.dma_semaphore, #tpu.memory_space<semaphore_mem>>
        %dma_start3A_159 = arith.constant 0 : i32
        %dma_start3A_160 = tpu.memref_slice %arg26[%add3A_154, %dma_start3A_159] : memref<10240x32xf32, #tpu.memory_space<vmem_shared>> -> memref<160x32xf32, #tpu.memory_space<vmem_shared>>
        %dma_start3A_161 = arith.constant 0 : i32
        %dma_start3A_162 = tpu.memref_slice %arg26[%add3A_154, %dma_start3A_161] : memref<10240x32xf32, #tpu.memory_space<vmem_shared>> -> memref<160x32xf32, #tpu.memory_space<vmem_shared>>
        tpu.enqueue_dma source(%dma_start3A_162 : memref<160x32xf32, #tpu.memory_space<vmem_shared>>) target(%arg20 : memref<160x32xf32, #tpu.memory_space<vmem>>) target_semaphore(%run_scoped3A_158 : memref<!tpu.dma_semaphore, #tpu.memory_space<semaphore_mem>>)
        %dma_wait3A = arith.constant 0 : i32
        %dma_wait3A_163 = tpu.memref_slice %arg26[%add3A_154, %dma_wait3A] : memref<10240x32xf32, #tpu.memory_space<vmem_shared>> -> memref<160x32xf32, #tpu.memory_space<vmem_shared>>
        %dma_wait3A_164 = arith.constant 0 : i32
        %dma_wait3A_165 = tpu.memref_slice %arg26[%add3A_154, %dma_wait3A_164] : memref<10240x32xf32, #tpu.memory_space<vmem_shared>> -> memref<160x32xf32, #tpu.memory_space<vmem_shared>>
        tpu.wait_dma2 semaphore(%run_scoped3A_158 : memref<!tpu.dma_semaphore, #tpu.memory_space<semaphore_mem>>) src(%dma_wait3A_165 : memref<160x32xf32, #tpu.memory_space<vmem_shared>>) dst(%arg20 : memref<160x32xf32, #tpu.memory_space<vmem>>)
        tpu.yield
      }) : () -> ()
      %run_scoped3A = arith.constant 6 : i32
      "tpu.region"() ({
        %run_scoped3A_158 = tpu.sem_alloc : memref<!tpu.dma_semaphore, #tpu.memory_space<semaphore_mem>>
        %dma_start3A_159 = arith.constant 0 : i32
        %dma_start3A_160 = tpu.memref_slice %arg5[%arg0, %run_scoped3A, %add3A_154, %dma_start3A_159] : memref<2x8x10240x128xf32, #tpu.memory_space<hbm>> -> memref<1x1x160x32xf32, #tpu.memory_space<hbm>>
        %dma_start3A_161 = tpu.memref_squeeze %dma_start3A_160 : memref<1x1x160x32xf32, #tpu.memory_space<hbm>> -> memref<160x32xf32, #tpu.memory_space<hbm>>
        %dma_start3A_162 = arith.constant 0 : i32
        %dma_start3A_163 = tpu.memref_slice %arg5[%arg0, %run_scoped3A, %add3A_154, %dma_start3A_162] : memref<2x8x10240x128xf32, #tpu.memory_space<hbm>> -> memref<1x1x160x32xf32, #tpu.memory_space<hbm>>
        %dma_start3A_164 = tpu.memref_squeeze %dma_start3A_163 : memref<1x1x160x32xf32, #tpu.memory_space<hbm>> -> memref<160x32xf32, #tpu.memory_space<hbm>>
        tpu.enqueue_dma source(%dma_start3A_164 : memref<160x32xf32, #tpu.memory_space<hbm>>) target(%arg21 : memref<160x32xf32, #tpu.memory_space<vmem>>) target_semaphore(%run_scoped3A_158 : memref<!tpu.dma_semaphore, #tpu.memory_space<semaphore_mem>>)
        %dma_wait3A = arith.constant 0 : i32
        %dma_wait3A_165 = tpu.memref_slice %arg5[%arg0, %run_scoped3A, %add3A_154, %dma_wait3A] : memref<2x8x10240x128xf32, #tpu.memory_space<hbm>> -> memref<1x1x160x32xf32, #tpu.memory_space<hbm>>
        %dma_wait3A_166 = tpu.memref_squeeze %dma_wait3A_165 : memref<1x1x160x32xf32, #tpu.memory_space<hbm>> -> memref<160x32xf32, #tpu.memory_space<hbm>>
        %dma_wait3A_167 = arith.constant 0 : i32
        %dma_wait3A_168 = tpu.memref_slice %arg5[%arg0, %run_scoped3A, %add3A_154, %dma_wait3A_167] : memref<2x8x10240x128xf32, #tpu.memory_space<hbm>> -> memref<1x1x160x32xf32, #tpu.memory_space<hbm>>
        %dma_wait3A_169 = tpu.memref_squeeze %dma_wait3A_168 : memref<1x1x160x32xf32, #tpu.memory_space<hbm>> -> memref<160x32xf32, #tpu.memory_space<hbm>>
        tpu.wait_dma2 semaphore(%run_scoped3A_158 : memref<!tpu.dma_semaphore, #tpu.memory_space<semaphore_mem>>) src(%dma_wait3A_169 : memref<160x32xf32, #tpu.memory_space<hbm>>) dst(%arg21 : memref<160x32xf32, #tpu.memory_space<vmem>>)
        tpu.yield
      }) : () -> ()
      %parallel_loop3A = arith.constant 0 : i32
      %parallel_loop3A_155 = arith.constant 160 : i32
      %parallel_loop3A_156 = arith.constant 1 : i32
      scf.for %parallel_loop3A_158 = %parallel_loop3A to %parallel_loop3A_155 step %parallel_loop3A_156  : i32 {
        %parallel_loop3A_159 = arith.constant 160 : i32
        %parallel_loop3A_160 = arith.muli %add3A_151, %parallel_loop3A_159 : i32
        %parallel_loop3A_161 = arith.addi %parallel_loop3A_160, %parallel_loop3A_158 : i32
        %parallel_loop3A_162 = vector.broadcast %parallel_loop3A_161 : i32 to vector<16xi32>
        %parallel_loop3A_163 = tpu.vector_load_idx %arg18[%parallel_loop3A_162] : memref<640xf32, #tpu.memory_space<vmem>>[vector<16xi32>], vector<16xf32>,
        %parallel_loop3A_164 = arith.constant 160 : i32
        %parallel_loop3A_165 = arith.muli %add3A_151, %parallel_loop3A_164 : i32
        %parallel_loop3A_166 = arith.addi %parallel_loop3A_165, %parallel_loop3A_158 : i32
        %parallel_loop3A_167 = vector.broadcast %parallel_loop3A_166 : i32 to vector<16xi32>
        %parallel_loop3A_168 = tpu.vector_load_idx %arg17[%parallel_loop3A_167] : memref<640xf32, #tpu.memory_space<vmem>>[vector<16xi32>], vector<16xf32>,
        %parallel_loop3A_169 = arith.index_cast %parallel_loop3A_158 : i32 to index
        %parallel_loop3A_170 = arith.constant 0 : index
        %parallel_loop3A_171 = tpu.vector_load %arg21[%parallel_loop3A_169, %parallel_loop3A_170] {strides = array<i32>} : memref<160x32xf32, #tpu.memory_space<vmem>>, vector<16xf32>,
        %parallel_loop3A_172 = arith.index_cast %parallel_loop3A_158 : i32 to index
        %parallel_loop3A_173 = arith.constant 0 : index
        %parallel_loop3A_174 = tpu.vector_load %arg20[%parallel_loop3A_172, %parallel_loop3A_173] {strides = array<i32>} : memref<160x32xf32, #tpu.memory_space<vmem>>, vector<16xf32>,
        %parallel_loop3A_175 = arith.mulf %parallel_loop3A_163, %parallel_loop3A_174 : vector<16xf32>
        %parallel_loop3A_176 = arith.subf %parallel_loop3A_171, %parallel_loop3A_175 : vector<16xf32>
        %parallel_loop3A_177 = arith.index_cast %parallel_loop3A_158 : i32 to index
        %parallel_loop3A_178 = arith.constant 0 : index
        %parallel_loop3A_179 = tpu.vector_load %arg23[%parallel_loop3A_177, %parallel_loop3A_178] {strides = array<i32>} : memref<160x32xf32, #tpu.memory_space<vmem>>, vector<16xf32>,
        tpu.vector_store %arg23[%parallel_loop3A_177, %parallel_loop3A_178], %parallel_loop3A_176 {strides = array<i32>} : memref<160x32xf32, #tpu.memory_space<vmem>>, vector<16xf32>,
        %parallel_loop3A_180 = arith.mulf %parallel_loop3A_176, %parallel_loop3A_168 : vector<16xf32>
        %parallel_loop3A_181 = arith.index_cast %parallel_loop3A_158 : i32 to index
        %parallel_loop3A_182 = arith.constant 0 : index
        %parallel_loop3A_183 = tpu.vector_load %arg24[%parallel_loop3A_181, %parallel_loop3A_182] {strides = array<i32>} : memref<160x32xf32, #tpu.memory_space<vmem>>, vector<16xf32>,
        tpu.vector_store %arg24[%parallel_loop3A_181, %parallel_loop3A_182], %parallel_loop3A_180 {strides = array<i32>} : memref<160x32xf32, #tpu.memory_space<vmem>>, vector<16xf32>,
        %parallel_loop3A_184 = arith.index_cast %parallel_loop3A_158 : i32 to index
        %parallel_loop3A_185 = arith.constant 16 : index
        %parallel_loop3A_186 = tpu.vector_load %arg21[%parallel_loop3A_184, %parallel_loop3A_185] {strides = array<i32>} : memref<160x32xf32, #tpu.memory_space<vmem>>, vector<16xf32>,
        %parallel_loop3A_187 = arith.index_cast %parallel_loop3A_158 : i32 to index
        %parallel_loop3A_188 = arith.constant 16 : index
        %parallel_loop3A_189 = tpu.vector_load %arg20[%parallel_loop3A_187, %parallel_loop3A_188] {strides = array<i32>} : memref<160x32xf32, #tpu.memory_space<vmem>>, vector<16xf32>,
        %parallel_loop3A_190 = arith.mulf %parallel_loop3A_163, %parallel_loop3A_189 : vector<16xf32>
        %parallel_loop3A_191 = arith.subf %parallel_loop3A_186, %parallel_loop3A_190 : vector<16xf32>
        %parallel_loop3A_192 = arith.index_cast %parallel_loop3A_158 : i32 to index
        %parallel_loop3A_193 = arith.constant 16 : index
        %parallel_loop3A_194 = tpu.vector_load %arg23[%parallel_loop3A_192, %parallel_loop3A_193] {strides = array<i32>} : memref<160x32xf32, #tpu.memory_space<vmem>>, vector<16xf32>,
        tpu.vector_store %arg23[%parallel_loop3A_192, %parallel_loop3A_193], %parallel_loop3A_191 {strides = array<i32>} : memref<160x32xf32, #tpu.memory_space<vmem>>, vector<16xf32>,
        %parallel_loop3A_195 = arith.mulf %parallel_loop3A_191, %parallel_loop3A_168 : vector<16xf32>
        %parallel_loop3A_196 = arith.index_cast %parallel_loop3A_158 : i32 to index
        %parallel_loop3A_197 = arith.constant 16 : index
        %parallel_loop3A_198 = tpu.vector_load %arg24[%parallel_loop3A_196, %parallel_loop3A_197] {strides = array<i32>} : memref<160x32xf32, #tpu.memory_space<vmem>>, vector<16xf32>,
        tpu.vector_store %arg24[%parallel_loop3A_196, %parallel_loop3A_197], %parallel_loop3A_195 {strides = array<i32>} : memref<160x32xf32, #tpu.memory_space<vmem>>, vector<16xf32>,
      } {sc.loop_unroll_factor = 4 : i64, sc.parallel_access}
      "tpu.region"() ({
        %run_scoped3A_158 = tpu.sem_alloc : memref<!tpu.dma_semaphore, #tpu.memory_space<semaphore_mem>>
        %dma_start3A_159 = arith.constant 0 : i32
        %dma_start3A_160 = tpu.memref_slice %arg10[%arg0, %add3A_154, %dma_start3A_159] : memref<2x10240x32xf32, #tpu.memory_space<hbm>> -> memref<1x160x32xf32, #tpu.memory_space<hbm>>
        %dma_start3A_161 = tpu.memref_squeeze %dma_start3A_160 : memref<1x160x32xf32, #tpu.memory_space<hbm>> -> memref<160x32xf32, #tpu.memory_space<hbm>>
        %dma_start3A_162 = arith.constant 0 : i32
        %dma_start3A_163 = tpu.memref_slice %arg10[%arg0, %add3A_154, %dma_start3A_162] : memref<2x10240x32xf32, #tpu.memory_space<hbm>> -> memref<1x160x32xf32, #tpu.memory_space<hbm>>
        %dma_start3A_164 = tpu.memref_squeeze %dma_start3A_163 : memref<1x160x32xf32, #tpu.memory_space<hbm>> -> memref<160x32xf32, #tpu.memory_space<hbm>>
        tpu.enqueue_dma source(%arg23 : memref<160x32xf32, #tpu.memory_space<vmem>>) target(%dma_start3A_164 : memref<160x32xf32, #tpu.memory_space<hbm>>) target_semaphore(%run_scoped3A_158 : memref<!tpu.dma_semaphore, #tpu.memory_space<semaphore_mem>>)
        %dma_wait3A = arith.constant 0 : i32
        %dma_wait3A_165 = tpu.memref_slice %arg10[%arg0, %add3A_154, %dma_wait3A] : memref<2x10240x32xf32, #tpu.memory_space<hbm>> -> memref<1x160x32xf32, #tpu.memory_space<hbm>>
        %dma_wait3A_166 = tpu.memref_squeeze %dma_wait3A_165 : memref<1x160x32xf32, #tpu.memory_space<hbm>> -> memref<160x32xf32, #tpu.memory_space<hbm>>
        %dma_wait3A_167 = arith.constant 0 : i32
        %dma_wait3A_168 = tpu.memref_slice %arg10[%arg0, %add3A_154, %dma_wait3A_167] : memref<2x10240x32xf32, #tpu.memory_space<hbm>> -> memref<1x160x32xf32, #tpu.memory_space<hbm>>
        %dma_wait3A_169 = tpu.memref_squeeze %dma_wait3A_168 : memref<1x160x32xf32, #tpu.memory_space<hbm>> -> memref<160x32xf32, #tpu.memory_space<hbm>>
        tpu.wait_dma2 semaphore(%run_scoped3A_158 : memref<!tpu.dma_semaphore, #tpu.memory_space<semaphore_mem>>) src(%arg23 : memref<160x32xf32, #tpu.memory_space<vmem>>) dst(%dma_wait3A_169 : memref<160x32xf32, #tpu.memory_space<hbm>>)
        tpu.yield
      }) : () -> ()
      %add3A_157 = arith.addi %mul3A_2, %add3A_154 : i32
      "tpu.region"() ({
        %run_scoped3A_158 = tpu.sem_alloc : memref<!tpu.dma_semaphore, #tpu.memory_space<semaphore_mem>>
        %dma_start3A_159 = arith.constant 0 : i32
        %dma_start3A_160 = tpu.memref_slice %arg8[%add3A_157, %dma_start3A_159] : memref<20480x32xf32, #tpu.memory_space<hbm>> -> memref<160x32xf32, #tpu.memory_space<hbm>>
        %dma_start3A_161 = arith.constant 0 : i32
        %dma_start3A_162 = tpu.memref_slice %arg8[%add3A_157, %dma_start3A_161] : memref<20480x32xf32, #tpu.memory_space<hbm>> -> memref<160x32xf32, #tpu.memory_space<hbm>>
        tpu.enqueue_dma source(%arg24 : memref<160x32xf32, #tpu.memory_space<vmem>>) target(%dma_start3A_162 : memref<160x32xf32, #tpu.memory_space<hbm>>) target_semaphore(%run_scoped3A_158 : memref<!tpu.dma_semaphore, #tpu.memory_space<semaphore_mem>>)
        %dma_wait3A = arith.constant 0 : i32
        %dma_wait3A_163 = tpu.memref_slice %arg8[%add3A_157, %dma_wait3A] : memref<20480x32xf32, #tpu.memory_space<hbm>> -> memref<160x32xf32, #tpu.memory_space<hbm>>
        %dma_wait3A_164 = arith.constant 0 : i32
        %dma_wait3A_165 = tpu.memref_slice %arg8[%add3A_157, %dma_wait3A_164] : memref<20480x32xf32, #tpu.memory_space<hbm>> -> memref<160x32xf32, #tpu.memory_space<hbm>>
        tpu.wait_dma2 semaphore(%run_scoped3A_158 : memref<!tpu.dma_semaphore, #tpu.memory_space<semaphore_mem>>) src(%arg24 : memref<160x32xf32, #tpu.memory_space<vmem>>) dst(%dma_wait3A_165 : memref<160x32xf32, #tpu.memory_space<hbm>>)
        tpu.yield
      }) : () -> ()
      "tpu.region"() ({
        %run_scoped3A_158 = tpu.sem_alloc : memref<!tpu.dma_semaphore, #tpu.memory_space<semaphore_mem>>
        %dma_start3A_159 = arith.constant 0 : i32
        %dma_start3A_160 = tpu.memref_slice %arg26[%add3A_154, %dma_start3A_159] : memref<10240x32xf32, #tpu.memory_space<vmem_shared>> -> memref<160x32xf32, #tpu.memory_space<vmem_shared>>
        %dma_start3A_161 = arith.constant 0 : i32
        %dma_start3A_162 = tpu.memref_slice %arg26[%add3A_154, %dma_start3A_161] : memref<10240x32xf32, #tpu.memory_space<vmem_shared>> -> memref<160x32xf32, #tpu.memory_space<vmem_shared>>
        tpu.enqueue_dma source(%arg19 : memref<160x32xf32, #tpu.memory_space<vmem>>) target(%dma_start3A_162 : memref<160x32xf32, #tpu.memory_space<vmem_shared>>) target_semaphore(%run_scoped3A_158 : memref<!tpu.dma_semaphore, #tpu.memory_space<semaphore_mem>>)
        %dma_wait3A = arith.constant 0 : i32
        %dma_wait3A_163 = tpu.memref_slice %arg26[%add3A_154, %dma_wait3A] : memref<10240x32xf32, #tpu.memory_space<vmem_shared>> -> memref<160x32xf32, #tpu.memory_space<vmem_shared>>
        %dma_wait3A_164 = arith.constant 0 : i32
        %dma_wait3A_165 = tpu.memref_slice %arg26[%add3A_154, %dma_wait3A_164] : memref<10240x32xf32, #tpu.memory_space<vmem_shared>> -> memref<160x32xf32, #tpu.memory_space<vmem_shared>>
        tpu.wait_dma2 semaphore(%run_scoped3A_158 : memref<!tpu.dma_semaphore, #tpu.memory_space<semaphore_mem>>) src(%arg19 : memref<160x32xf32, #tpu.memory_space<vmem>>) dst(%dma_wait3A_165 : memref<160x32xf32, #tpu.memory_space<vmem_shared>>)
        tpu.yield
      }) : () -> ()
    }
    %scan3A_45 = arith.constant 4 : i32
    %barrier3A_46 = arith.constant 0 : index
    tpu.barrier barrier_id(%barrier3A_46)
    %dma_start3A_47 = arith.constant 0 : i32
    %dma_start3A_48 = tpu.memref_slice %arg11[%dma_start3A_47] : memref<20480xi32, #tpu.memory_space<vmem>> -> memref<512xi32, #tpu.memory_space<vmem>>
    %dma_start3A_49 = arith.constant 0 : i32
    %dma_start3A_50 = arith.constant 0 : i32
    %dma_start3A_51 = tpu.memref_slice %arg8[%dma_start3A_49, %dma_start3A_50] : memref<20480x32xf32, #tpu.memory_space<hbm>> -> memref<20480x32xf32, #tpu.memory_space<hbm>>
    tpu.enqueue_indirect_dma source(%dma_start3A_51 : memref<20480x32xf32, #tpu.memory_space<hbm>>) target(%arg13 : memref<512x32xf32, #tpu.memory_space<vmem>>) offsets(%dma_start3A_48 : memref<512xi32, #tpu.memory_space<vmem>>) semaphore(%arg15 : memref<!tpu.dma_semaphore, #tpu.memory_space<semaphore_mem>>)
    %scan3A_52 = arith.constant 0 : i32
    %scan3A_53 = arith.constant 20 : i32
    %scan3A_54 = arith.addi %scan3A_52, %scan3A_53 : i32
    %scan3A_55 = arith.constant 1 : i32
    scf.for %scan3A_148 = %scan3A_52 to %scan3A_54 step %scan3A_55  : i32 {
      %mul3A_149 = arith.constant 2 : i32
      %mul3A_150 = arith.muli %scan3A_148, %mul3A_149 : i32
      %add3A = arith.constant 0 : i32
      %add3A_151 = arith.addi %add3A, %mul3A_150 : i32
      %add3A_152 = arith.constant 1 : i32
      %add3A_153 = arith.addi %add3A_151, %add3A_152 : i32
      %mul3A_154 = arith.constant 512 : i32
      %mul3A_155 = arith.muli %add3A_153, %mul3A_154 : i32
      %dma_start3A_156 = tpu.memref_slice %arg11[%mul3A_155] : memref<20480xi32, #tpu.memory_space<vmem>> -> memref<512xi32, #tpu.memory_space<vmem>>
      %dma_start3A_157 = arith.constant 0 : i32
      %dma_start3A_158 = arith.constant 0 : i32
      %dma_start3A_159 = tpu.memref_slice %arg8[%dma_start3A_157, %dma_start3A_158] : memref<20480x32xf32, #tpu.memory_space<hbm>> -> memref<20480x32xf32, #tpu.memory_space<hbm>>
      tpu.enqueue_indirect_dma source(%dma_start3A_159 : memref<20480x32xf32, #tpu.memory_space<hbm>>) target(%arg14 : memref<512x32xf32, #tpu.memory_space<vmem>>) offsets(%dma_start3A_156 : memref<512xi32, #tpu.memory_space<vmem>>) semaphore(%arg16 : memref<!tpu.dma_semaphore, #tpu.memory_space<semaphore_mem>>)
      %dma_wait3A = arith.constant 0 : i32
      %dma_wait3A_160 = tpu.memref_slice %arg11[%dma_wait3A] : memref<20480xi32, #tpu.memory_space<vmem>> -> memref<512xi32, #tpu.memory_space<vmem>>
      %dma_wait3A_161 = arith.constant 0 : i32
      %dma_wait3A_162 = arith.constant 0 : i32
      %dma_wait3A_163 = tpu.memref_slice %arg8[%dma_wait3A_161, %dma_wait3A_162] : memref<20480x32xf32, #tpu.memory_space<hbm>> -> memref<20480x32xf32, #tpu.memory_space<hbm>>
      tpu.wait_indirect_dma semaphore(%arg15 : memref<!tpu.dma_semaphore, #tpu.memory_space<semaphore_mem>>) src(%dma_wait3A_163 : memref<20480x32xf32, #tpu.memory_space<hbm>>) dst(%arg13 : memref<512x32xf32, #tpu.memory_space<vmem>>)
      %mul3A_164 = arith.constant 512 : i32
      %mul3A_165 = arith.muli %add3A_151, %mul3A_164 : i32
      "tpu.region"() ({
        %run_scoped3A = tpu.sem_alloc : memref<!tpu.dma_semaphore, #tpu.memory_space<semaphore_mem>>
        %dma_start3A_179 = tpu.memref_slice %arg12[%mul3A_165] : memref<20480xi32, #tpu.memory_space<vmem>> -> memref<512xi32, #tpu.memory_space<vmem>>
        %dma_start3A_180 = arith.constant 0 : i32
        %dma_start3A_181 = arith.constant 0 : i32
        %dma_start3A_182 = tpu.memref_slice %arg26[%dma_start3A_180, %dma_start3A_181] : memref<10240x32xf32, #tpu.memory_space<vmem_shared>> -> memref<10240x32xf32, #tpu.memory_space<vmem_shared>>
        tpu.enqueue_indirect_dma source(%arg13 : memref<512x32xf32, #tpu.memory_space<vmem>>) target(%dma_start3A_182 : memref<10240x32xf32, #tpu.memory_space<vmem_shared>>) offsets(%dma_start3A_179 : memref<512xi32, #tpu.memory_space<vmem>>) semaphore(%run_scoped3A : memref<!tpu.dma_semaphore, #tpu.memory_space<semaphore_mem>>) {add = true}
        %dma_wait3A_183 = tpu.memref_slice %arg12[%mul3A_165] : memref<20480xi32, #tpu.memory_space<vmem>> -> memref<512xi32, #tpu.memory_space<vmem>>
        %dma_wait3A_184 = arith.constant 0 : i32
        %dma_wait3A_185 = arith.constant 0 : i32
        %dma_wait3A_186 = tpu.memref_slice %arg26[%dma_wait3A_184, %dma_wait3A_185] : memref<10240x32xf32, #tpu.memory_space<vmem_shared>> -> memref<10240x32xf32, #tpu.memory_space<vmem_shared>>
        tpu.wait_indirect_dma semaphore(%run_scoped3A : memref<!tpu.dma_semaphore, #tpu.memory_space<semaphore_mem>>) src(%arg13 : memref<512x32xf32, #tpu.memory_space<vmem>>) dst(%dma_wait3A_186 : memref<10240x32xf32, #tpu.memory_space<vmem_shared>>)
        tpu.yield
      }) : () -> ()
      %add3A_166 = arith.constant 2 : i32
      %add3A_167 = arith.addi %add3A_151, %add3A_166 : i32
      %lt3A = arith.constant 40 : i32
      %lt3A_168 = arith.cmpi slt, %add3A_167, %lt3A : i32
      %convert_element_type3A = arith.extui %lt3A_168 : i1 to i32
      %cond3A = arith.constant 0 : i32
      %cond3A_169 = arith.cmpi ne, %convert_element_type3A, %cond3A : i32
      scf.if %cond3A_169 {
        %add3A_179 = arith.constant 2 : i32
        %add3A_180 = arith.addi %add3A_151, %add3A_179 : i32
        %mul3A_181 = arith.constant 512 : i32
        %mul3A_182 = arith.muli %add3A_180, %mul3A_181 : i32
        %dma_start3A_183 = tpu.memref_slice %arg11[%mul3A_182] : memref<20480xi32, #tpu.memory_space<vmem>> -> memref<512xi32, #tpu.memory_space<vmem>>
        %dma_start3A_184 = arith.constant 0 : i32
        %dma_start3A_185 = arith.constant 0 : i32
        %dma_start3A_186 = tpu.memref_slice %arg8[%dma_start3A_184, %dma_start3A_185] : memref<20480x32xf32, #tpu.memory_space<hbm>> -> memref<20480x32xf32, #tpu.memory_space<hbm>>
        tpu.enqueue_indirect_dma source(%dma_start3A_186 : memref<20480x32xf32, #tpu.memory_space<hbm>>) target(%arg13 : memref<512x32xf32, #tpu.memory_space<vmem>>) offsets(%dma_start3A_183 : memref<512xi32, #tpu.memory_space<vmem>>) semaphore(%arg15 : memref<!tpu.dma_semaphore, #tpu.memory_space<semaphore_mem>>)
      } else {
      }
      %dma_wait3A_170 = arith.constant 0 : i32
      %dma_wait3A_171 = tpu.memref_slice %arg11[%dma_wait3A_170] : memref<20480xi32, #tpu.memory_space<vmem>> -> memref<512xi32, #tpu.memory_space<vmem>>
      %dma_wait3A_172 = arith.constant 0 : i32
      %dma_wait3A_173 = arith.constant 0 : i32
      %dma_wait3A_174 = tpu.memref_slice %arg8[%dma_wait3A_172, %dma_wait3A_173] : memref<20480x32xf32, #tpu.memory_space<hbm>> -> memref<20480x32xf32, #tpu.memory_space<hbm>>
      tpu.wait_indirect_dma semaphore(%arg16 : memref<!tpu.dma_semaphore, #tpu.memory_space<semaphore_mem>>) src(%dma_wait3A_174 : memref<20480x32xf32, #tpu.memory_space<hbm>>) dst(%arg14 : memref<512x32xf32, #tpu.memory_space<vmem>>)
      %add3A_175 = arith.constant 1 : i32
      %add3A_176 = arith.addi %add3A_151, %add3A_175 : i32
      %mul3A_177 = arith.constant 512 : i32
      %mul3A_178 = arith.muli %add3A_176, %mul3A_177 : i32
      "tpu.region"() ({
        %run_scoped3A = tpu.sem_alloc : memref<!tpu.dma_semaphore, #tpu.memory_space<semaphore_mem>>
        %dma_start3A_179 = tpu.memref_slice %arg12[%mul3A_178] : memref<20480xi32, #tpu.memory_space<vmem>> -> memref<512xi32, #tpu.memory_space<vmem>>
        %dma_start3A_180 = arith.constant 0 : i32
        %dma_start3A_181 = arith.constant 0 : i32
        %dma_start3A_182 = tpu.memref_slice %arg26[%dma_start3A_180, %dma_start3A_181] : memref<10240x32xf32, #tpu.memory_space<vmem_shared>> -> memref<10240x32xf32, #tpu.memory_space<vmem_shared>>
        tpu.enqueue_indirect_dma source(%arg14 : memref<512x32xf32, #tpu.memory_space<vmem>>) target(%dma_start3A_182 : memref<10240x32xf32, #tpu.memory_space<vmem_shared>>) offsets(%dma_start3A_179 : memref<512xi32, #tpu.memory_space<vmem>>) semaphore(%run_scoped3A : memref<!tpu.dma_semaphore, #tpu.memory_space<semaphore_mem>>) {add = true}
        %dma_wait3A_183 = tpu.memref_slice %arg12[%mul3A_178] : memref<20480xi32, #tpu.memory_space<vmem>> -> memref<512xi32, #tpu.memory_space<vmem>>
        %dma_wait3A_184 = arith.constant 0 : i32
        %dma_wait3A_185 = arith.constant 0 : i32
        %dma_wait3A_186 = tpu.memref_slice %arg26[%dma_wait3A_184, %dma_wait3A_185] : memref<10240x32xf32, #tpu.memory_space<vmem_shared>> -> memref<10240x32xf32, #tpu.memory_space<vmem_shared>>
        tpu.wait_indirect_dma semaphore(%run_scoped3A : memref<!tpu.dma_semaphore, #tpu.memory_space<semaphore_mem>>) src(%arg14 : memref<512x32xf32, #tpu.memory_space<vmem>>) dst(%dma_wait3A_186 : memref<10240x32xf32, #tpu.memory_space<vmem_shared>>)
        tpu.yield
      }) : () -> ()
    }
    %scan3A_56 = arith.constant 20 : i32
    %barrier3A_57 = arith.constant 0 : index
    tpu.barrier barrier_id(%barrier3A_57)
    %scan3A_58 = arith.constant 0 : i32
    %scan3A_59 = arith.constant 4 : i32
    %scan3A_60 = arith.addi %scan3A_58, %scan3A_59 : i32
    %scan3A_61 = arith.constant 1 : i32
    scf.for %scan3A_148 = %scan3A_58 to %scan3A_60 step %scan3A_61  : i32 {
      %mul3A_149 = arith.constant 1 : i32
      %mul3A_150 = arith.muli %scan3A_148, %mul3A_149 : i32
      %add3A = arith.constant 0 : i32
      %add3A_151 = arith.addi %add3A, %mul3A_150 : i32
      %mul3A_152 = arith.constant 160 : i32
      %mul3A_153 = arith.muli %add3A_151, %mul3A_152 : i32
      %add3A_154 = arith.addi %mul3A_0, %mul3A_153 : i32
      "tpu.region"() ({
        %run_scoped3A_158 = tpu.sem_alloc : memref<!tpu.dma_semaphore, #tpu.memory_space<semaphore_mem>>
        %dma_start3A_159 = arith.constant 0 : i32
        %dma_start3A_160 = tpu.memref_slice %arg26[%add3A_154, %dma_start3A_159] : memref<10240x32xf32, #tpu.memory_space<vmem_shared>> -> memref<160x32xf32, #tpu.memory_space<vmem_shared>>
        %dma_start3A_161 = arith.constant 0 : i32
        %dma_start3A_162 = tpu.memref_slice %arg26[%add3A_154, %dma_start3A_161] : memref<10240x32xf32, #tpu.memory_space<vmem_shared>> -> memref<160x32xf32, #tpu.memory_space<vmem_shared>>
        tpu.enqueue_dma source(%dma_start3A_162 : memref<160x32xf32, #tpu.memory_space<vmem_shared>>) target(%arg20 : memref<160x32xf32, #tpu.memory_space<vmem>>) target_semaphore(%run_scoped3A_158 : memref<!tpu.dma_semaphore, #tpu.memory_space<semaphore_mem>>)
        %dma_wait3A = arith.constant 0 : i32
        %dma_wait3A_163 = tpu.memref_slice %arg26[%add3A_154, %dma_wait3A] : memref<10240x32xf32, #tpu.memory_space<vmem_shared>> -> memref<160x32xf32, #tpu.memory_space<vmem_shared>>
        %dma_wait3A_164 = arith.constant 0 : i32
        %dma_wait3A_165 = tpu.memref_slice %arg26[%add3A_154, %dma_wait3A_164] : memref<10240x32xf32, #tpu.memory_space<vmem_shared>> -> memref<160x32xf32, #tpu.memory_space<vmem_shared>>
        tpu.wait_dma2 semaphore(%run_scoped3A_158 : memref<!tpu.dma_semaphore, #tpu.memory_space<semaphore_mem>>) src(%dma_wait3A_165 : memref<160x32xf32, #tpu.memory_space<vmem_shared>>) dst(%arg20 : memref<160x32xf32, #tpu.memory_space<vmem>>)
        tpu.yield
      }) : () -> ()
      %run_scoped3A = arith.constant 5 : i32
      "tpu.region"() ({
        %run_scoped3A_158 = tpu.sem_alloc : memref<!tpu.dma_semaphore, #tpu.memory_space<semaphore_mem>>
        %dma_start3A_159 = arith.constant 0 : i32
        %dma_start3A_160 = tpu.memref_slice %arg5[%arg0, %run_scoped3A, %add3A_154, %dma_start3A_159] : memref<2x8x10240x128xf32, #tpu.memory_space<hbm>> -> memref<1x1x160x32xf32, #tpu.memory_space<hbm>>
        %dma_start3A_161 = tpu.memref_squeeze %dma_start3A_160 : memref<1x1x160x32xf32, #tpu.memory_space<hbm>> -> memref<160x32xf32, #tpu.memory_space<hbm>>
        %dma_start3A_162 = arith.constant 0 : i32
        %dma_start3A_163 = tpu.memref_slice %arg5[%arg0, %run_scoped3A, %add3A_154, %dma_start3A_162] : memref<2x8x10240x128xf32, #tpu.memory_space<hbm>> -> memref<1x1x160x32xf32, #tpu.memory_space<hbm>>
        %dma_start3A_164 = tpu.memref_squeeze %dma_start3A_163 : memref<1x1x160x32xf32, #tpu.memory_space<hbm>> -> memref<160x32xf32, #tpu.memory_space<hbm>>
        tpu.enqueue_dma source(%dma_start3A_164 : memref<160x32xf32, #tpu.memory_space<hbm>>) target(%arg21 : memref<160x32xf32, #tpu.memory_space<vmem>>) target_semaphore(%run_scoped3A_158 : memref<!tpu.dma_semaphore, #tpu.memory_space<semaphore_mem>>)
        %dma_wait3A = arith.constant 0 : i32
        %dma_wait3A_165 = tpu.memref_slice %arg5[%arg0, %run_scoped3A, %add3A_154, %dma_wait3A] : memref<2x8x10240x128xf32, #tpu.memory_space<hbm>> -> memref<1x1x160x32xf32, #tpu.memory_space<hbm>>
        %dma_wait3A_166 = tpu.memref_squeeze %dma_wait3A_165 : memref<1x1x160x32xf32, #tpu.memory_space<hbm>> -> memref<160x32xf32, #tpu.memory_space<hbm>>
        %dma_wait3A_167 = arith.constant 0 : i32
        %dma_wait3A_168 = tpu.memref_slice %arg5[%arg0, %run_scoped3A, %add3A_154, %dma_wait3A_167] : memref<2x8x10240x128xf32, #tpu.memory_space<hbm>> -> memref<1x1x160x32xf32, #tpu.memory_space<hbm>>
        %dma_wait3A_169 = tpu.memref_squeeze %dma_wait3A_168 : memref<1x1x160x32xf32, #tpu.memory_space<hbm>> -> memref<160x32xf32, #tpu.memory_space<hbm>>
        tpu.wait_dma2 semaphore(%run_scoped3A_158 : memref<!tpu.dma_semaphore, #tpu.memory_space<semaphore_mem>>) src(%dma_wait3A_169 : memref<160x32xf32, #tpu.memory_space<hbm>>) dst(%arg21 : memref<160x32xf32, #tpu.memory_space<vmem>>)
        tpu.yield
      }) : () -> ()
      "tpu.region"() ({
        %run_scoped3A_158 = tpu.sem_alloc : memref<!tpu.dma_semaphore, #tpu.memory_space<semaphore_mem>>
        %dma_start3A_159 = arith.constant 0 : i32
        %dma_start3A_160 = tpu.memref_slice %arg9[%arg0, %add3A_154, %dma_start3A_159] : memref<2x10240x32xf32, #tpu.memory_space<hbm>> -> memref<1x160x32xf32, #tpu.memory_space<hbm>>
        %dma_start3A_161 = tpu.memref_squeeze %dma_start3A_160 : memref<1x160x32xf32, #tpu.memory_space<hbm>> -> memref<160x32xf32, #tpu.memory_space<hbm>>
        %dma_start3A_162 = arith.constant 0 : i32
        %dma_start3A_163 = tpu.memref_slice %arg9[%arg0, %add3A_154, %dma_start3A_162] : memref<2x10240x32xf32, #tpu.memory_space<hbm>> -> memref<1x160x32xf32, #tpu.memory_space<hbm>>
        %dma_start3A_164 = tpu.memref_squeeze %dma_start3A_163 : memref<1x160x32xf32, #tpu.memory_space<hbm>> -> memref<160x32xf32, #tpu.memory_space<hbm>>
        tpu.enqueue_dma source(%dma_start3A_164 : memref<160x32xf32, #tpu.memory_space<hbm>>) target(%arg22 : memref<160x32xf32, #tpu.memory_space<vmem>>) target_semaphore(%run_scoped3A_158 : memref<!tpu.dma_semaphore, #tpu.memory_space<semaphore_mem>>)
        %dma_wait3A = arith.constant 0 : i32
        %dma_wait3A_165 = tpu.memref_slice %arg9[%arg0, %add3A_154, %dma_wait3A] : memref<2x10240x32xf32, #tpu.memory_space<hbm>> -> memref<1x160x32xf32, #tpu.memory_space<hbm>>
        %dma_wait3A_166 = tpu.memref_squeeze %dma_wait3A_165 : memref<1x160x32xf32, #tpu.memory_space<hbm>> -> memref<160x32xf32, #tpu.memory_space<hbm>>
        %dma_wait3A_167 = arith.constant 0 : i32
        %dma_wait3A_168 = tpu.memref_slice %arg9[%arg0, %add3A_154, %dma_wait3A_167] : memref<2x10240x32xf32, #tpu.memory_space<hbm>> -> memref<1x160x32xf32, #tpu.memory_space<hbm>>
        %dma_wait3A_169 = tpu.memref_squeeze %dma_wait3A_168 : memref<1x160x32xf32, #tpu.memory_space<hbm>> -> memref<160x32xf32, #tpu.memory_space<hbm>>
        tpu.wait_dma2 semaphore(%run_scoped3A_158 : memref<!tpu.dma_semaphore, #tpu.memory_space<semaphore_mem>>) src(%dma_wait3A_169 : memref<160x32xf32, #tpu.memory_space<hbm>>) dst(%arg22 : memref<160x32xf32, #tpu.memory_space<vmem>>)
        tpu.yield
      }) : () -> ()
      %parallel_loop3A = arith.constant 0 : i32
      %parallel_loop3A_155 = arith.constant 160 : i32
      %parallel_loop3A_156 = arith.constant 1 : i32
      scf.for %parallel_loop3A_158 = %parallel_loop3A to %parallel_loop3A_155 step %parallel_loop3A_156  : i32 {
        %parallel_loop3A_159 = arith.constant 160 : i32
        %parallel_loop3A_160 = arith.muli %add3A_151, %parallel_loop3A_159 : i32
        %parallel_loop3A_161 = arith.addi %parallel_loop3A_160, %parallel_loop3A_158 : i32
        %parallel_loop3A_162 = vector.broadcast %parallel_loop3A_161 : i32 to vector<16xi32>
        %parallel_loop3A_163 = tpu.vector_load_idx %arg18[%parallel_loop3A_162] : memref<640xf32, #tpu.memory_space<vmem>>[vector<16xi32>], vector<16xf32>,
        %parallel_loop3A_164 = arith.constant 160 : i32
        %parallel_loop3A_165 = arith.muli %add3A_151, %parallel_loop3A_164 : i32
        %parallel_loop3A_166 = arith.addi %parallel_loop3A_165, %parallel_loop3A_158 : i32
        %parallel_loop3A_167 = vector.broadcast %parallel_loop3A_166 : i32 to vector<16xi32>
        %parallel_loop3A_168 = tpu.vector_load_idx %arg17[%parallel_loop3A_167] : memref<640xf32, #tpu.memory_space<vmem>>[vector<16xi32>], vector<16xf32>,
        %parallel_loop3A_169 = arith.index_cast %parallel_loop3A_158 : i32 to index
        %parallel_loop3A_170 = arith.constant 0 : index
        %parallel_loop3A_171 = tpu.vector_load %arg21[%parallel_loop3A_169, %parallel_loop3A_170] {strides = array<i32>} : memref<160x32xf32, #tpu.memory_space<vmem>>, vector<16xf32>,
        %parallel_loop3A_172 = arith.index_cast %parallel_loop3A_158 : i32 to index
        %parallel_loop3A_173 = arith.constant 0 : index
        %parallel_loop3A_174 = tpu.vector_load %arg20[%parallel_loop3A_172, %parallel_loop3A_173] {strides = array<i32>} : memref<160x32xf32, #tpu.memory_space<vmem>>, vector<16xf32>,
        %parallel_loop3A_175 = arith.mulf %parallel_loop3A_163, %parallel_loop3A_174 : vector<16xf32>
        %parallel_loop3A_176 = arith.subf %parallel_loop3A_171, %parallel_loop3A_175 : vector<16xf32>
        %parallel_loop3A_177 = arith.index_cast %parallel_loop3A_158 : i32 to index
        %parallel_loop3A_178 = arith.constant 0 : index
        %parallel_loop3A_179 = tpu.vector_load %arg22[%parallel_loop3A_177, %parallel_loop3A_178] {strides = array<i32>} : memref<160x32xf32, #tpu.memory_space<vmem>>, vector<16xf32>,
        %parallel_loop3A_180 = arith.subf %parallel_loop3A_176, %parallel_loop3A_179 : vector<16xf32>
        %parallel_loop3A_181 = arith.index_cast %parallel_loop3A_158 : i32 to index
        %parallel_loop3A_182 = arith.constant 0 : index
        %parallel_loop3A_183 = tpu.vector_load %arg23[%parallel_loop3A_181, %parallel_loop3A_182] {strides = array<i32>} : memref<160x32xf32, #tpu.memory_space<vmem>>, vector<16xf32>,
        tpu.vector_store %arg23[%parallel_loop3A_181, %parallel_loop3A_182], %parallel_loop3A_180 {strides = array<i32>} : memref<160x32xf32, #tpu.memory_space<vmem>>, vector<16xf32>,
        %parallel_loop3A_184 = arith.mulf %parallel_loop3A_180, %parallel_loop3A_168 : vector<16xf32>
        %parallel_loop3A_185 = arith.index_cast %parallel_loop3A_158 : i32 to index
        %parallel_loop3A_186 = arith.constant 0 : index
        %parallel_loop3A_187 = tpu.vector_load %arg24[%parallel_loop3A_185, %parallel_loop3A_186] {strides = array<i32>} : memref<160x32xf32, #tpu.memory_space<vmem>>, vector<16xf32>,
        tpu.vector_store %arg24[%parallel_loop3A_185, %parallel_loop3A_186], %parallel_loop3A_184 {strides = array<i32>} : memref<160x32xf32, #tpu.memory_space<vmem>>, vector<16xf32>,
        %parallel_loop3A_188 = arith.index_cast %parallel_loop3A_158 : i32 to index
        %parallel_loop3A_189 = arith.constant 16 : index
        %parallel_loop3A_190 = tpu.vector_load %arg21[%parallel_loop3A_188, %parallel_loop3A_189] {strides = array<i32>} : memref<160x32xf32, #tpu.memory_space<vmem>>, vector<16xf32>,
        %parallel_loop3A_191 = arith.index_cast %parallel_loop3A_158 : i32 to index
        %parallel_loop3A_192 = arith.constant 16 : index
        %parallel_loop3A_193 = tpu.vector_load %arg20[%parallel_loop3A_191, %parallel_loop3A_192] {strides = array<i32>} : memref<160x32xf32, #tpu.memory_space<vmem>>, vector<16xf32>,
        %parallel_loop3A_194 = arith.mulf %parallel_loop3A_163, %parallel_loop3A_193 : vector<16xf32>
        %parallel_loop3A_195 = arith.subf %parallel_loop3A_190, %parallel_loop3A_194 : vector<16xf32>
        %parallel_loop3A_196 = arith.index_cast %parallel_loop3A_158 : i32 to index
        %parallel_loop3A_197 = arith.constant 16 : index
        %parallel_loop3A_198 = tpu.vector_load %arg22[%parallel_loop3A_196, %parallel_loop3A_197] {strides = array<i32>} : memref<160x32xf32, #tpu.memory_space<vmem>>, vector<16xf32>,
        %parallel_loop3A_199 = arith.subf %parallel_loop3A_195, %parallel_loop3A_198 : vector<16xf32>
        %parallel_loop3A_200 = arith.index_cast %parallel_loop3A_158 : i32 to index
        %parallel_loop3A_201 = arith.constant 16 : index
        %parallel_loop3A_202 = tpu.vector_load %arg23[%parallel_loop3A_200, %parallel_loop3A_201] {strides = array<i32>} : memref<160x32xf32, #tpu.memory_space<vmem>>, vector<16xf32>,
        tpu.vector_store %arg23[%parallel_loop3A_200, %parallel_loop3A_201], %parallel_loop3A_199 {strides = array<i32>} : memref<160x32xf32, #tpu.memory_space<vmem>>, vector<16xf32>,
        %parallel_loop3A_203 = arith.mulf %parallel_loop3A_199, %parallel_loop3A_168 : vector<16xf32>
        %parallel_loop3A_204 = arith.index_cast %parallel_loop3A_158 : i32 to index
        %parallel_loop3A_205 = arith.constant 16 : index
        %parallel_loop3A_206 = tpu.vector_load %arg24[%parallel_loop3A_204, %parallel_loop3A_205] {strides = array<i32>} : memref<160x32xf32, #tpu.memory_space<vmem>>, vector<16xf32>,
        tpu.vector_store %arg24[%parallel_loop3A_204, %parallel_loop3A_205], %parallel_loop3A_203 {strides = array<i32>} : memref<160x32xf32, #tpu.memory_space<vmem>>, vector<16xf32>,
      } {sc.loop_unroll_factor = 4 : i64, sc.parallel_access}
      "tpu.region"() ({
        %run_scoped3A_158 = tpu.sem_alloc : memref<!tpu.dma_semaphore, #tpu.memory_space<semaphore_mem>>
        %dma_start3A_159 = arith.constant 0 : i32
        %dma_start3A_160 = tpu.memref_slice %arg9[%arg0, %add3A_154, %dma_start3A_159] : memref<2x10240x32xf32, #tpu.memory_space<hbm>> -> memref<1x160x32xf32, #tpu.memory_space<hbm>>
        %dma_start3A_161 = tpu.memref_squeeze %dma_start3A_160 : memref<1x160x32xf32, #tpu.memory_space<hbm>> -> memref<160x32xf32, #tpu.memory_space<hbm>>
        %dma_start3A_162 = arith.constant 0 : i32
        %dma_start3A_163 = tpu.memref_slice %arg9[%arg0, %add3A_154, %dma_start3A_162] : memref<2x10240x32xf32, #tpu.memory_space<hbm>> -> memref<1x160x32xf32, #tpu.memory_space<hbm>>
        %dma_start3A_164 = tpu.memref_squeeze %dma_start3A_163 : memref<1x160x32xf32, #tpu.memory_space<hbm>> -> memref<160x32xf32, #tpu.memory_space<hbm>>
        tpu.enqueue_dma source(%arg23 : memref<160x32xf32, #tpu.memory_space<vmem>>) target(%dma_start3A_164 : memref<160x32xf32, #tpu.memory_space<hbm>>) target_semaphore(%run_scoped3A_158 : memref<!tpu.dma_semaphore, #tpu.memory_space<semaphore_mem>>)
        %dma_wait3A = arith.constant 0 : i32
        %dma_wait3A_165 = tpu.memref_slice %arg9[%arg0, %add3A_154, %dma_wait3A] : memref<2x10240x32xf32, #tpu.memory_space<hbm>> -> memref<1x160x32xf32, #tpu.memory_space<hbm>>
        %dma_wait3A_166 = tpu.memref_squeeze %dma_wait3A_165 : memref<1x160x32xf32, #tpu.memory_space<hbm>> -> memref<160x32xf32, #tpu.memory_space<hbm>>
        %dma_wait3A_167 = arith.constant 0 : i32
        %dma_wait3A_168 = tpu.memref_slice %arg9[%arg0, %add3A_154, %dma_wait3A_167] : memref<2x10240x32xf32, #tpu.memory_space<hbm>> -> memref<1x160x32xf32, #tpu.memory_space<hbm>>
        %dma_wait3A_169 = tpu.memref_squeeze %dma_wait3A_168 : memref<1x160x32xf32, #tpu.memory_space<hbm>> -> memref<160x32xf32, #tpu.memory_space<hbm>>
        tpu.wait_dma2 semaphore(%run_scoped3A_158 : memref<!tpu.dma_semaphore, #tpu.memory_space<semaphore_mem>>) src(%arg23 : memref<160x32xf32, #tpu.memory_space<vmem>>) dst(%dma_wait3A_169 : memref<160x32xf32, #tpu.memory_space<hbm>>)
        tpu.yield
      }) : () -> ()
      %add3A_157 = arith.addi %mul3A_2, %add3A_154 : i32
      "tpu.region"() ({
        %run_scoped3A_158 = tpu.sem_alloc : memref<!tpu.dma_semaphore, #tpu.memory_space<semaphore_mem>>
        %dma_start3A_159 = arith.constant 0 : i32
        %dma_start3A_160 = tpu.memref_slice %arg8[%add3A_157, %dma_start3A_159] : memref<20480x32xf32, #tpu.memory_space<hbm>> -> memref<160x32xf32, #tpu.memory_space<hbm>>
        %dma_start3A_161 = arith.constant 0 : i32
        %dma_start3A_162 = tpu.memref_slice %arg8[%add3A_157, %dma_start3A_161] : memref<20480x32xf32, #tpu.memory_space<hbm>> -> memref<160x32xf32, #tpu.memory_space<hbm>>
        tpu.enqueue_dma source(%arg24 : memref<160x32xf32, #tpu.memory_space<vmem>>) target(%dma_start3A_162 : memref<160x32xf32, #tpu.memory_space<hbm>>) target_semaphore(%run_scoped3A_158 : memref<!tpu.dma_semaphore, #tpu.memory_space<semaphore_mem>>)
        %dma_wait3A = arith.constant 0 : i32
        %dma_wait3A_163 = tpu.memref_slice %arg8[%add3A_157, %dma_wait3A] : memref<20480x32xf32, #tpu.memory_space<hbm>> -> memref<160x32xf32, #tpu.memory_space<hbm>>
        %dma_wait3A_164 = arith.constant 0 : i32
        %dma_wait3A_165 = tpu.memref_slice %arg8[%add3A_157, %dma_wait3A_164] : memref<20480x32xf32, #tpu.memory_space<hbm>> -> memref<160x32xf32, #tpu.memory_space<hbm>>
        tpu.wait_dma2 semaphore(%run_scoped3A_158 : memref<!tpu.dma_semaphore, #tpu.memory_space<semaphore_mem>>) src(%arg24 : memref<160x32xf32, #tpu.memory_space<vmem>>) dst(%dma_wait3A_165 : memref<160x32xf32, #tpu.memory_space<hbm>>)
        tpu.yield
      }) : () -> ()
      "tpu.region"() ({
        %run_scoped3A_158 = tpu.sem_alloc : memref<!tpu.dma_semaphore, #tpu.memory_space<semaphore_mem>>
        %dma_start3A_159 = arith.constant 0 : i32
        %dma_start3A_160 = tpu.memref_slice %arg26[%add3A_154, %dma_start3A_159] : memref<10240x32xf32, #tpu.memory_space<vmem_shared>> -> memref<160x32xf32, #tpu.memory_space<vmem_shared>>
        %dma_start3A_161 = arith.constant 0 : i32
        %dma_start3A_162 = tpu.memref_slice %arg26[%add3A_154, %dma_start3A_161] : memref<10240x32xf32, #tpu.memory_space<vmem_shared>> -> memref<160x32xf32, #tpu.memory_space<vmem_shared>>
        tpu.enqueue_dma source(%arg19 : memref<160x32xf32, #tpu.memory_space<vmem>>) target(%dma_start3A_162 : memref<160x32xf32, #tpu.memory_space<vmem_shared>>) target_semaphore(%run_scoped3A_158 : memref<!tpu.dma_semaphore, #tpu.memory_space<semaphore_mem>>)
        %dma_wait3A = arith.constant 0 : i32
        %dma_wait3A_163 = tpu.memref_slice %arg26[%add3A_154, %dma_wait3A] : memref<10240x32xf32, #tpu.memory_space<vmem_shared>> -> memref<160x32xf32, #tpu.memory_space<vmem_shared>>
        %dma_wait3A_164 = arith.constant 0 : i32
        %dma_wait3A_165 = tpu.memref_slice %arg26[%add3A_154, %dma_wait3A_164] : memref<10240x32xf32, #tpu.memory_space<vmem_shared>> -> memref<160x32xf32, #tpu.memory_space<vmem_shared>>
        tpu.wait_dma2 semaphore(%run_scoped3A_158 : memref<!tpu.dma_semaphore, #tpu.memory_space<semaphore_mem>>) src(%arg19 : memref<160x32xf32, #tpu.memory_space<vmem>>) dst(%dma_wait3A_165 : memref<160x32xf32, #tpu.memory_space<vmem_shared>>)
        tpu.yield
      }) : () -> ()
    }
    %scan3A_62 = arith.constant 4 : i32
    %barrier3A_63 = arith.constant 0 : index
    tpu.barrier barrier_id(%barrier3A_63)
    %dma_start3A_64 = arith.constant 0 : i32
    %dma_start3A_65 = tpu.memref_slice %arg11[%dma_start3A_64] : memref<20480xi32, #tpu.memory_space<vmem>> -> memref<512xi32, #tpu.memory_space<vmem>>
    %dma_start3A_66 = arith.constant 0 : i32
    %dma_start3A_67 = arith.constant 0 : i32
    %dma_start3A_68 = tpu.memref_slice %arg8[%dma_start3A_66, %dma_start3A_67] : memref<20480x32xf32, #tpu.memory_space<hbm>> -> memref<20480x32xf32, #tpu.memory_space<hbm>>
    tpu.enqueue_indirect_dma source(%dma_start3A_68 : memref<20480x32xf32, #tpu.memory_space<hbm>>) target(%arg13 : memref<512x32xf32, #tpu.memory_space<vmem>>) offsets(%dma_start3A_65 : memref<512xi32, #tpu.memory_space<vmem>>) semaphore(%arg15 : memref<!tpu.dma_semaphore, #tpu.memory_space<semaphore_mem>>)
    %scan3A_69 = arith.constant 0 : i32
    %scan3A_70 = arith.constant 20 : i32
    %scan3A_71 = arith.addi %scan3A_69, %scan3A_70 : i32
    %scan3A_72 = arith.constant 1 : i32
    scf.for %scan3A_148 = %scan3A_69 to %scan3A_71 step %scan3A_72  : i32 {
      %mul3A_149 = arith.constant 2 : i32
      %mul3A_150 = arith.muli %scan3A_148, %mul3A_149 : i32
      %add3A = arith.constant 0 : i32
      %add3A_151 = arith.addi %add3A, %mul3A_150 : i32
      %add3A_152 = arith.constant 1 : i32
      %add3A_153 = arith.addi %add3A_151, %add3A_152 : i32
      %mul3A_154 = arith.constant 512 : i32
      %mul3A_155 = arith.muli %add3A_153, %mul3A_154 : i32
      %dma_start3A_156 = tpu.memref_slice %arg11[%mul3A_155] : memref<20480xi32, #tpu.memory_space<vmem>> -> memref<512xi32, #tpu.memory_space<vmem>>
      %dma_start3A_157 = arith.constant 0 : i32
      %dma_start3A_158 = arith.constant 0 : i32
      %dma_start3A_159 = tpu.memref_slice %arg8[%dma_start3A_157, %dma_start3A_158] : memref<20480x32xf32, #tpu.memory_space<hbm>> -> memref<20480x32xf32, #tpu.memory_space<hbm>>
      tpu.enqueue_indirect_dma source(%dma_start3A_159 : memref<20480x32xf32, #tpu.memory_space<hbm>>) target(%arg14 : memref<512x32xf32, #tpu.memory_space<vmem>>) offsets(%dma_start3A_156 : memref<512xi32, #tpu.memory_space<vmem>>) semaphore(%arg16 : memref<!tpu.dma_semaphore, #tpu.memory_space<semaphore_mem>>)
      %dma_wait3A = arith.constant 0 : i32
      %dma_wait3A_160 = tpu.memref_slice %arg11[%dma_wait3A] : memref<20480xi32, #tpu.memory_space<vmem>> -> memref<512xi32, #tpu.memory_space<vmem>>
      %dma_wait3A_161 = arith.constant 0 : i32
      %dma_wait3A_162 = arith.constant 0 : i32
      %dma_wait3A_163 = tpu.memref_slice %arg8[%dma_wait3A_161, %dma_wait3A_162] : memref<20480x32xf32, #tpu.memory_space<hbm>> -> memref<20480x32xf32, #tpu.memory_space<hbm>>
      tpu.wait_indirect_dma semaphore(%arg15 : memref<!tpu.dma_semaphore, #tpu.memory_space<semaphore_mem>>) src(%dma_wait3A_163 : memref<20480x32xf32, #tpu.memory_space<hbm>>) dst(%arg13 : memref<512x32xf32, #tpu.memory_space<vmem>>)
      %mul3A_164 = arith.constant 512 : i32
      %mul3A_165 = arith.muli %add3A_151, %mul3A_164 : i32
      "tpu.region"() ({
        %run_scoped3A = tpu.sem_alloc : memref<!tpu.dma_semaphore, #tpu.memory_space<semaphore_mem>>
        %dma_start3A_179 = tpu.memref_slice %arg12[%mul3A_165] : memref<20480xi32, #tpu.memory_space<vmem>> -> memref<512xi32, #tpu.memory_space<vmem>>
        %dma_start3A_180 = arith.constant 0 : i32
        %dma_start3A_181 = arith.constant 0 : i32
        %dma_start3A_182 = tpu.memref_slice %arg26[%dma_start3A_180, %dma_start3A_181] : memref<10240x32xf32, #tpu.memory_space<vmem_shared>> -> memref<10240x32xf32, #tpu.memory_space<vmem_shared>>
        tpu.enqueue_indirect_dma source(%arg13 : memref<512x32xf32, #tpu.memory_space<vmem>>) target(%dma_start3A_182 : memref<10240x32xf32, #tpu.memory_space<vmem_shared>>) offsets(%dma_start3A_179 : memref<512xi32, #tpu.memory_space<vmem>>) semaphore(%run_scoped3A : memref<!tpu.dma_semaphore, #tpu.memory_space<semaphore_mem>>) {add = true}
        %dma_wait3A_183 = tpu.memref_slice %arg12[%mul3A_165] : memref<20480xi32, #tpu.memory_space<vmem>> -> memref<512xi32, #tpu.memory_space<vmem>>
        %dma_wait3A_184 = arith.constant 0 : i32
        %dma_wait3A_185 = arith.constant 0 : i32
        %dma_wait3A_186 = tpu.memref_slice %arg26[%dma_wait3A_184, %dma_wait3A_185] : memref<10240x32xf32, #tpu.memory_space<vmem_shared>> -> memref<10240x32xf32, #tpu.memory_space<vmem_shared>>
        tpu.wait_indirect_dma semaphore(%run_scoped3A : memref<!tpu.dma_semaphore, #tpu.memory_space<semaphore_mem>>) src(%arg13 : memref<512x32xf32, #tpu.memory_space<vmem>>) dst(%dma_wait3A_186 : memref<10240x32xf32, #tpu.memory_space<vmem_shared>>)
        tpu.yield
      }) : () -> ()
      %add3A_166 = arith.constant 2 : i32
      %add3A_167 = arith.addi %add3A_151, %add3A_166 : i32
      %lt3A = arith.constant 40 : i32
      %lt3A_168 = arith.cmpi slt, %add3A_167, %lt3A : i32
      %convert_element_type3A = arith.extui %lt3A_168 : i1 to i32
      %cond3A = arith.constant 0 : i32
      %cond3A_169 = arith.cmpi ne, %convert_element_type3A, %cond3A : i32
      scf.if %cond3A_169 {
        %add3A_179 = arith.constant 2 : i32
        %add3A_180 = arith.addi %add3A_151, %add3A_179 : i32
        %mul3A_181 = arith.constant 512 : i32
        %mul3A_182 = arith.muli %add3A_180, %mul3A_181 : i32
        %dma_start3A_183 = tpu.memref_slice %arg11[%mul3A_182] : memref<20480xi32, #tpu.memory_space<vmem>> -> memref<512xi32, #tpu.memory_space<vmem>>
        %dma_start3A_184 = arith.constant 0 : i32
        %dma_start3A_185 = arith.constant 0 : i32
        %dma_start3A_186 = tpu.memref_slice %arg8[%dma_start3A_184, %dma_start3A_185] : memref<20480x32xf32, #tpu.memory_space<hbm>> -> memref<20480x32xf32, #tpu.memory_space<hbm>>
        tpu.enqueue_indirect_dma source(%dma_start3A_186 : memref<20480x32xf32, #tpu.memory_space<hbm>>) target(%arg13 : memref<512x32xf32, #tpu.memory_space<vmem>>) offsets(%dma_start3A_183 : memref<512xi32, #tpu.memory_space<vmem>>) semaphore(%arg15 : memref<!tpu.dma_semaphore, #tpu.memory_space<semaphore_mem>>)
      } else {
      }
      %dma_wait3A_170 = arith.constant 0 : i32
      %dma_wait3A_171 = tpu.memref_slice %arg11[%dma_wait3A_170] : memref<20480xi32, #tpu.memory_space<vmem>> -> memref<512xi32, #tpu.memory_space<vmem>>
      %dma_wait3A_172 = arith.constant 0 : i32
      %dma_wait3A_173 = arith.constant 0 : i32
      %dma_wait3A_174 = tpu.memref_slice %arg8[%dma_wait3A_172, %dma_wait3A_173] : memref<20480x32xf32, #tpu.memory_space<hbm>> -> memref<20480x32xf32, #tpu.memory_space<hbm>>
      tpu.wait_indirect_dma semaphore(%arg16 : memref<!tpu.dma_semaphore, #tpu.memory_space<semaphore_mem>>) src(%dma_wait3A_174 : memref<20480x32xf32, #tpu.memory_space<hbm>>) dst(%arg14 : memref<512x32xf32, #tpu.memory_space<vmem>>)
      %add3A_175 = arith.constant 1 : i32
      %add3A_176 = arith.addi %add3A_151, %add3A_175 : i32
      %mul3A_177 = arith.constant 512 : i32
      %mul3A_178 = arith.muli %add3A_176, %mul3A_177 : i32
      "tpu.region"() ({
        %run_scoped3A = tpu.sem_alloc : memref<!tpu.dma_semaphore, #tpu.memory_space<semaphore_mem>>
        %dma_start3A_179 = tpu.memref_slice %arg12[%mul3A_178] : memref<20480xi32, #tpu.memory_space<vmem>> -> memref<512xi32, #tpu.memory_space<vmem>>
        %dma_start3A_180 = arith.constant 0 : i32
        %dma_start3A_181 = arith.constant 0 : i32
        %dma_start3A_182 = tpu.memref_slice %arg26[%dma_start3A_180, %dma_start3A_181] : memref<10240x32xf32, #tpu.memory_space<vmem_shared>> -> memref<10240x32xf32, #tpu.memory_space<vmem_shared>>
        tpu.enqueue_indirect_dma source(%arg14 : memref<512x32xf32, #tpu.memory_space<vmem>>) target(%dma_start3A_182 : memref<10240x32xf32, #tpu.memory_space<vmem_shared>>) offsets(%dma_start3A_179 : memref<512xi32, #tpu.memory_space<vmem>>) semaphore(%run_scoped3A : memref<!tpu.dma_semaphore, #tpu.memory_space<semaphore_mem>>) {add = true}
        %dma_wait3A_183 = tpu.memref_slice %arg12[%mul3A_178] : memref<20480xi32, #tpu.memory_space<vmem>> -> memref<512xi32, #tpu.memory_space<vmem>>
        %dma_wait3A_184 = arith.constant 0 : i32
        %dma_wait3A_185 = arith.constant 0 : i32
        %dma_wait3A_186 = tpu.memref_slice %arg26[%dma_wait3A_184, %dma_wait3A_185] : memref<10240x32xf32, #tpu.memory_space<vmem_shared>> -> memref<10240x32xf32, #tpu.memory_space<vmem_shared>>
        tpu.wait_indirect_dma semaphore(%run_scoped3A : memref<!tpu.dma_semaphore, #tpu.memory_space<semaphore_mem>>) src(%arg14 : memref<512x32xf32, #tpu.memory_space<vmem>>) dst(%dma_wait3A_186 : memref<10240x32xf32, #tpu.memory_space<vmem_shared>>)
        tpu.yield
      }) : () -> ()
    }
    %scan3A_73 = arith.constant 20 : i32
    %barrier3A_74 = arith.constant 0 : index
    tpu.barrier barrier_id(%barrier3A_74)
    %scan3A_75 = arith.constant 0 : i32
    %scan3A_76 = arith.constant 4 : i32
    %scan3A_77 = arith.addi %scan3A_75, %scan3A_76 : i32
    %scan3A_78 = arith.constant 1 : i32
    scf.for %scan3A_148 = %scan3A_75 to %scan3A_77 step %scan3A_78  : i32 {
      %mul3A_149 = arith.constant 1 : i32
      %mul3A_150 = arith.muli %scan3A_148, %mul3A_149 : i32
      %add3A = arith.constant 0 : i32
      %add3A_151 = arith.addi %add3A, %mul3A_150 : i32
      %mul3A_152 = arith.constant 160 : i32
      %mul3A_153 = arith.muli %add3A_151, %mul3A_152 : i32
      %add3A_154 = arith.addi %mul3A_0, %mul3A_153 : i32
      "tpu.region"() ({
        %run_scoped3A_158 = tpu.sem_alloc : memref<!tpu.dma_semaphore, #tpu.memory_space<semaphore_mem>>
        %dma_start3A_159 = arith.constant 0 : i32
        %dma_start3A_160 = tpu.memref_slice %arg26[%add3A_154, %dma_start3A_159] : memref<10240x32xf32, #tpu.memory_space<vmem_shared>> -> memref<160x32xf32, #tpu.memory_space<vmem_shared>>
        %dma_start3A_161 = arith.constant 0 : i32
        %dma_start3A_162 = tpu.memref_slice %arg26[%add3A_154, %dma_start3A_161] : memref<10240x32xf32, #tpu.memory_space<vmem_shared>> -> memref<160x32xf32, #tpu.memory_space<vmem_shared>>
        tpu.enqueue_dma source(%dma_start3A_162 : memref<160x32xf32, #tpu.memory_space<vmem_shared>>) target(%arg20 : memref<160x32xf32, #tpu.memory_space<vmem>>) target_semaphore(%run_scoped3A_158 : memref<!tpu.dma_semaphore, #tpu.memory_space<semaphore_mem>>)
        %dma_wait3A = arith.constant 0 : i32
        %dma_wait3A_163 = tpu.memref_slice %arg26[%add3A_154, %dma_wait3A] : memref<10240x32xf32, #tpu.memory_space<vmem_shared>> -> memref<160x32xf32, #tpu.memory_space<vmem_shared>>
        %dma_wait3A_164 = arith.constant 0 : i32
        %dma_wait3A_165 = tpu.memref_slice %arg26[%add3A_154, %dma_wait3A_164] : memref<10240x32xf32, #tpu.memory_space<vmem_shared>> -> memref<160x32xf32, #tpu.memory_space<vmem_shared>>
        tpu.wait_dma2 semaphore(%run_scoped3A_158 : memref<!tpu.dma_semaphore, #tpu.memory_space<semaphore_mem>>) src(%dma_wait3A_165 : memref<160x32xf32, #tpu.memory_space<vmem_shared>>) dst(%arg20 : memref<160x32xf32, #tpu.memory_space<vmem>>)
        tpu.yield
      }) : () -> ()
      %run_scoped3A = arith.constant 4 : i32
      "tpu.region"() ({
        %run_scoped3A_158 = tpu.sem_alloc : memref<!tpu.dma_semaphore, #tpu.memory_space<semaphore_mem>>
        %dma_start3A_159 = arith.constant 0 : i32
        %dma_start3A_160 = tpu.memref_slice %arg5[%arg0, %run_scoped3A, %add3A_154, %dma_start3A_159] : memref<2x8x10240x128xf32, #tpu.memory_space<hbm>> -> memref<1x1x160x32xf32, #tpu.memory_space<hbm>>
        %dma_start3A_161 = tpu.memref_squeeze %dma_start3A_160 : memref<1x1x160x32xf32, #tpu.memory_space<hbm>> -> memref<160x32xf32, #tpu.memory_space<hbm>>
        %dma_start3A_162 = arith.constant 0 : i32
        %dma_start3A_163 = tpu.memref_slice %arg5[%arg0, %run_scoped3A, %add3A_154, %dma_start3A_162] : memref<2x8x10240x128xf32, #tpu.memory_space<hbm>> -> memref<1x1x160x32xf32, #tpu.memory_space<hbm>>
        %dma_start3A_164 = tpu.memref_squeeze %dma_start3A_163 : memref<1x1x160x32xf32, #tpu.memory_space<hbm>> -> memref<160x32xf32, #tpu.memory_space<hbm>>
        tpu.enqueue_dma source(%dma_start3A_164 : memref<160x32xf32, #tpu.memory_space<hbm>>) target(%arg21 : memref<160x32xf32, #tpu.memory_space<vmem>>) target_semaphore(%run_scoped3A_158 : memref<!tpu.dma_semaphore, #tpu.memory_space<semaphore_mem>>)
        %dma_wait3A = arith.constant 0 : i32
        %dma_wait3A_165 = tpu.memref_slice %arg5[%arg0, %run_scoped3A, %add3A_154, %dma_wait3A] : memref<2x8x10240x128xf32, #tpu.memory_space<hbm>> -> memref<1x1x160x32xf32, #tpu.memory_space<hbm>>
        %dma_wait3A_166 = tpu.memref_squeeze %dma_wait3A_165 : memref<1x1x160x32xf32, #tpu.memory_space<hbm>> -> memref<160x32xf32, #tpu.memory_space<hbm>>
        %dma_wait3A_167 = arith.constant 0 : i32
        %dma_wait3A_168 = tpu.memref_slice %arg5[%arg0, %run_scoped3A, %add3A_154, %dma_wait3A_167] : memref<2x8x10240x128xf32, #tpu.memory_space<hbm>> -> memref<1x1x160x32xf32, #tpu.memory_space<hbm>>
        %dma_wait3A_169 = tpu.memref_squeeze %dma_wait3A_168 : memref<1x1x160x32xf32, #tpu.memory_space<hbm>> -> memref<160x32xf32, #tpu.memory_space<hbm>>
        tpu.wait_dma2 semaphore(%run_scoped3A_158 : memref<!tpu.dma_semaphore, #tpu.memory_space<semaphore_mem>>) src(%dma_wait3A_169 : memref<160x32xf32, #tpu.memory_space<hbm>>) dst(%arg21 : memref<160x32xf32, #tpu.memory_space<vmem>>)
        tpu.yield
      }) : () -> ()
      "tpu.region"() ({
        %run_scoped3A_158 = tpu.sem_alloc : memref<!tpu.dma_semaphore, #tpu.memory_space<semaphore_mem>>
        %dma_start3A_159 = arith.constant 0 : i32
        %dma_start3A_160 = tpu.memref_slice %arg10[%arg0, %add3A_154, %dma_start3A_159] : memref<2x10240x32xf32, #tpu.memory_space<hbm>> -> memref<1x160x32xf32, #tpu.memory_space<hbm>>
        %dma_start3A_161 = tpu.memref_squeeze %dma_start3A_160 : memref<1x160x32xf32, #tpu.memory_space<hbm>> -> memref<160x32xf32, #tpu.memory_space<hbm>>
        %dma_start3A_162 = arith.constant 0 : i32
        %dma_start3A_163 = tpu.memref_slice %arg10[%arg0, %add3A_154, %dma_start3A_162] : memref<2x10240x32xf32, #tpu.memory_space<hbm>> -> memref<1x160x32xf32, #tpu.memory_space<hbm>>
        %dma_start3A_164 = tpu.memref_squeeze %dma_start3A_163 : memref<1x160x32xf32, #tpu.memory_space<hbm>> -> memref<160x32xf32, #tpu.memory_space<hbm>>
        tpu.enqueue_dma source(%dma_start3A_164 : memref<160x32xf32, #tpu.memory_space<hbm>>) target(%arg22 : memref<160x32xf32, #tpu.memory_space<vmem>>) target_semaphore(%run_scoped3A_158 : memref<!tpu.dma_semaphore, #tpu.memory_space<semaphore_mem>>)
        %dma_wait3A = arith.constant 0 : i32
        %dma_wait3A_165 = tpu.memref_slice %arg10[%arg0, %add3A_154, %dma_wait3A] : memref<2x10240x32xf32, #tpu.memory_space<hbm>> -> memref<1x160x32xf32, #tpu.memory_space<hbm>>
        %dma_wait3A_166 = tpu.memref_squeeze %dma_wait3A_165 : memref<1x160x32xf32, #tpu.memory_space<hbm>> -> memref<160x32xf32, #tpu.memory_space<hbm>>
        %dma_wait3A_167 = arith.constant 0 : i32
        %dma_wait3A_168 = tpu.memref_slice %arg10[%arg0, %add3A_154, %dma_wait3A_167] : memref<2x10240x32xf32, #tpu.memory_space<hbm>> -> memref<1x160x32xf32, #tpu.memory_space<hbm>>
        %dma_wait3A_169 = tpu.memref_squeeze %dma_wait3A_168 : memref<1x160x32xf32, #tpu.memory_space<hbm>> -> memref<160x32xf32, #tpu.memory_space<hbm>>
        tpu.wait_dma2 semaphore(%run_scoped3A_158 : memref<!tpu.dma_semaphore, #tpu.memory_space<semaphore_mem>>) src(%dma_wait3A_169 : memref<160x32xf32, #tpu.memory_space<hbm>>) dst(%arg22 : memref<160x32xf32, #tpu.memory_space<vmem>>)
        tpu.yield
      }) : () -> ()
      %parallel_loop3A = arith.constant 0 : i32
      %parallel_loop3A_155 = arith.constant 160 : i32
      %parallel_loop3A_156 = arith.constant 1 : i32
      scf.for %parallel_loop3A_158 = %parallel_loop3A to %parallel_loop3A_155 step %parallel_loop3A_156  : i32 {
        %parallel_loop3A_159 = arith.constant 160 : i32
        %parallel_loop3A_160 = arith.muli %add3A_151, %parallel_loop3A_159 : i32
        %parallel_loop3A_161 = arith.addi %parallel_loop3A_160, %parallel_loop3A_158 : i32
        %parallel_loop3A_162 = vector.broadcast %parallel_loop3A_161 : i32 to vector<16xi32>
        %parallel_loop3A_163 = tpu.vector_load_idx %arg18[%parallel_loop3A_162] : memref<640xf32, #tpu.memory_space<vmem>>[vector<16xi32>], vector<16xf32>,
        %parallel_loop3A_164 = arith.constant 160 : i32
        %parallel_loop3A_165 = arith.muli %add3A_151, %parallel_loop3A_164 : i32
        %parallel_loop3A_166 = arith.addi %parallel_loop3A_165, %parallel_loop3A_158 : i32
        %parallel_loop3A_167 = vector.broadcast %parallel_loop3A_166 : i32 to vector<16xi32>
        %parallel_loop3A_168 = tpu.vector_load_idx %arg17[%parallel_loop3A_167] : memref<640xf32, #tpu.memory_space<vmem>>[vector<16xi32>], vector<16xf32>,
        %parallel_loop3A_169 = arith.index_cast %parallel_loop3A_158 : i32 to index
        %parallel_loop3A_170 = arith.constant 0 : index
        %parallel_loop3A_171 = tpu.vector_load %arg21[%parallel_loop3A_169, %parallel_loop3A_170] {strides = array<i32>} : memref<160x32xf32, #tpu.memory_space<vmem>>, vector<16xf32>,
        %parallel_loop3A_172 = arith.index_cast %parallel_loop3A_158 : i32 to index
        %parallel_loop3A_173 = arith.constant 0 : index
        %parallel_loop3A_174 = tpu.vector_load %arg20[%parallel_loop3A_172, %parallel_loop3A_173] {strides = array<i32>} : memref<160x32xf32, #tpu.memory_space<vmem>>, vector<16xf32>,
        %parallel_loop3A_175 = arith.mulf %parallel_loop3A_163, %parallel_loop3A_174 : vector<16xf32>
        %parallel_loop3A_176 = arith.subf %parallel_loop3A_171, %parallel_loop3A_175 : vector<16xf32>
        %parallel_loop3A_177 = arith.index_cast %parallel_loop3A_158 : i32 to index
        %parallel_loop3A_178 = arith.constant 0 : index
        %parallel_loop3A_179 = tpu.vector_load %arg22[%parallel_loop3A_177, %parallel_loop3A_178] {strides = array<i32>} : memref<160x32xf32, #tpu.memory_space<vmem>>, vector<16xf32>,
        %parallel_loop3A_180 = arith.subf %parallel_loop3A_176, %parallel_loop3A_179 : vector<16xf32>
        %parallel_loop3A_181 = arith.index_cast %parallel_loop3A_158 : i32 to index
        %parallel_loop3A_182 = arith.constant 0 : index
        %parallel_loop3A_183 = tpu.vector_load %arg23[%parallel_loop3A_181, %parallel_loop3A_182] {strides = array<i32>} : memref<160x32xf32, #tpu.memory_space<vmem>>, vector<16xf32>,
        tpu.vector_store %arg23[%parallel_loop3A_181, %parallel_loop3A_182], %parallel_loop3A_180 {strides = array<i32>} : memref<160x32xf32, #tpu.memory_space<vmem>>, vector<16xf32>,
        %parallel_loop3A_184 = arith.mulf %parallel_loop3A_180, %parallel_loop3A_168 : vector<16xf32>
        %parallel_loop3A_185 = arith.index_cast %parallel_loop3A_158 : i32 to index
        %parallel_loop3A_186 = arith.constant 0 : index
        %parallel_loop3A_187 = tpu.vector_load %arg24[%parallel_loop3A_185, %parallel_loop3A_186] {strides = array<i32>} : memref<160x32xf32, #tpu.memory_space<vmem>>, vector<16xf32>,
        tpu.vector_store %arg24[%parallel_loop3A_185, %parallel_loop3A_186], %parallel_loop3A_184 {strides = array<i32>} : memref<160x32xf32, #tpu.memory_space<vmem>>, vector<16xf32>,
        %parallel_loop3A_188 = arith.index_cast %parallel_loop3A_158 : i32 to index
        %parallel_loop3A_189 = arith.constant 16 : index
        %parallel_loop3A_190 = tpu.vector_load %arg21[%parallel_loop3A_188, %parallel_loop3A_189] {strides = array<i32>} : memref<160x32xf32, #tpu.memory_space<vmem>>, vector<16xf32>,
        %parallel_loop3A_191 = arith.index_cast %parallel_loop3A_158 : i32 to index
        %parallel_loop3A_192 = arith.constant 16 : index
        %parallel_loop3A_193 = tpu.vector_load %arg20[%parallel_loop3A_191, %parallel_loop3A_192] {strides = array<i32>} : memref<160x32xf32, #tpu.memory_space<vmem>>, vector<16xf32>,
        %parallel_loop3A_194 = arith.mulf %parallel_loop3A_163, %parallel_loop3A_193 : vector<16xf32>
        %parallel_loop3A_195 = arith.subf %parallel_loop3A_190, %parallel_loop3A_194 : vector<16xf32>
        %parallel_loop3A_196 = arith.index_cast %parallel_loop3A_158 : i32 to index
        %parallel_loop3A_197 = arith.constant 16 : index
        %parallel_loop3A_198 = tpu.vector_load %arg22[%parallel_loop3A_196, %parallel_loop3A_197] {strides = array<i32>} : memref<160x32xf32, #tpu.memory_space<vmem>>, vector<16xf32>,
        %parallel_loop3A_199 = arith.subf %parallel_loop3A_195, %parallel_loop3A_198 : vector<16xf32>
        %parallel_loop3A_200 = arith.index_cast %parallel_loop3A_158 : i32 to index
        %parallel_loop3A_201 = arith.constant 16 : index
        %parallel_loop3A_202 = tpu.vector_load %arg23[%parallel_loop3A_200, %parallel_loop3A_201] {strides = array<i32>} : memref<160x32xf32, #tpu.memory_space<vmem>>, vector<16xf32>,
        tpu.vector_store %arg23[%parallel_loop3A_200, %parallel_loop3A_201], %parallel_loop3A_199 {strides = array<i32>} : memref<160x32xf32, #tpu.memory_space<vmem>>, vector<16xf32>,
        %parallel_loop3A_203 = arith.mulf %parallel_loop3A_199, %parallel_loop3A_168 : vector<16xf32>
        %parallel_loop3A_204 = arith.index_cast %parallel_loop3A_158 : i32 to index
        %parallel_loop3A_205 = arith.constant 16 : index
        %parallel_loop3A_206 = tpu.vector_load %arg24[%parallel_loop3A_204, %parallel_loop3A_205] {strides = array<i32>} : memref<160x32xf32, #tpu.memory_space<vmem>>, vector<16xf32>,
        tpu.vector_store %arg24[%parallel_loop3A_204, %parallel_loop3A_205], %parallel_loop3A_203 {strides = array<i32>} : memref<160x32xf32, #tpu.memory_space<vmem>>, vector<16xf32>,
      } {sc.loop_unroll_factor = 4 : i64, sc.parallel_access}
      "tpu.region"() ({
        %run_scoped3A_158 = tpu.sem_alloc : memref<!tpu.dma_semaphore, #tpu.memory_space<semaphore_mem>>
        %dma_start3A_159 = arith.constant 0 : i32
        %dma_start3A_160 = tpu.memref_slice %arg10[%arg0, %add3A_154, %dma_start3A_159] : memref<2x10240x32xf32, #tpu.memory_space<hbm>> -> memref<1x160x32xf32, #tpu.memory_space<hbm>>
        %dma_start3A_161 = tpu.memref_squeeze %dma_start3A_160 : memref<1x160x32xf32, #tpu.memory_space<hbm>> -> memref<160x32xf32, #tpu.memory_space<hbm>>
        %dma_start3A_162 = arith.constant 0 : i32
        %dma_start3A_163 = tpu.memref_slice %arg10[%arg0, %add3A_154, %dma_start3A_162] : memref<2x10240x32xf32, #tpu.memory_space<hbm>> -> memref<1x160x32xf32, #tpu.memory_space<hbm>>
        %dma_start3A_164 = tpu.memref_squeeze %dma_start3A_163 : memref<1x160x32xf32, #tpu.memory_space<hbm>> -> memref<160x32xf32, #tpu.memory_space<hbm>>
        tpu.enqueue_dma source(%arg23 : memref<160x32xf32, #tpu.memory_space<vmem>>) target(%dma_start3A_164 : memref<160x32xf32, #tpu.memory_space<hbm>>) target_semaphore(%run_scoped3A_158 : memref<!tpu.dma_semaphore, #tpu.memory_space<semaphore_mem>>)
        %dma_wait3A = arith.constant 0 : i32
        %dma_wait3A_165 = tpu.memref_slice %arg10[%arg0, %add3A_154, %dma_wait3A] : memref<2x10240x32xf32, #tpu.memory_space<hbm>> -> memref<1x160x32xf32, #tpu.memory_space<hbm>>
        %dma_wait3A_166 = tpu.memref_squeeze %dma_wait3A_165 : memref<1x160x32xf32, #tpu.memory_space<hbm>> -> memref<160x32xf32, #tpu.memory_space<hbm>>
        %dma_wait3A_167 = arith.constant 0 : i32
        %dma_wait3A_168 = tpu.memref_slice %arg10[%arg0, %add3A_154, %dma_wait3A_167] : memref<2x10240x32xf32, #tpu.memory_space<hbm>> -> memref<1x160x32xf32, #tpu.memory_space<hbm>>
        %dma_wait3A_169 = tpu.memref_squeeze %dma_wait3A_168 : memref<1x160x32xf32, #tpu.memory_space<hbm>> -> memref<160x32xf32, #tpu.memory_space<hbm>>
        tpu.wait_dma2 semaphore(%run_scoped3A_158 : memref<!tpu.dma_semaphore, #tpu.memory_space<semaphore_mem>>) src(%arg23 : memref<160x32xf32, #tpu.memory_space<vmem>>) dst(%dma_wait3A_169 : memref<160x32xf32, #tpu.memory_space<hbm>>)
        tpu.yield
      }) : () -> ()
      %add3A_157 = arith.addi %mul3A_2, %add3A_154 : i32
      "tpu.region"() ({
        %run_scoped3A_158 = tpu.sem_alloc : memref<!tpu.dma_semaphore, #tpu.memory_space<semaphore_mem>>
        %dma_start3A_159 = arith.constant 0 : i32
        %dma_start3A_160 = tpu.memref_slice %arg8[%add3A_157, %dma_start3A_159] : memref<20480x32xf32, #tpu.memory_space<hbm>> -> memref<160x32xf32, #tpu.memory_space<hbm>>
        %dma_start3A_161 = arith.constant 0 : i32
        %dma_start3A_162 = tpu.memref_slice %arg8[%add3A_157, %dma_start3A_161] : memref<20480x32xf32, #tpu.memory_space<hbm>> -> memref<160x32xf32, #tpu.memory_space<hbm>>
        tpu.enqueue_dma source(%arg24 : memref<160x32xf32, #tpu.memory_space<vmem>>) target(%dma_start3A_162 : memref<160x32xf32, #tpu.memory_space<hbm>>) target_semaphore(%run_scoped3A_158 : memref<!tpu.dma_semaphore, #tpu.memory_space<semaphore_mem>>)
        %dma_wait3A = arith.constant 0 : i32
        %dma_wait3A_163 = tpu.memref_slice %arg8[%add3A_157, %dma_wait3A] : memref<20480x32xf32, #tpu.memory_space<hbm>> -> memref<160x32xf32, #tpu.memory_space<hbm>>
        %dma_wait3A_164 = arith.constant 0 : i32
        %dma_wait3A_165 = tpu.memref_slice %arg8[%add3A_157, %dma_wait3A_164] : memref<20480x32xf32, #tpu.memory_space<hbm>> -> memref<160x32xf32, #tpu.memory_space<hbm>>
        tpu.wait_dma2 semaphore(%run_scoped3A_158 : memref<!tpu.dma_semaphore, #tpu.memory_space<semaphore_mem>>) src(%arg24 : memref<160x32xf32, #tpu.memory_space<vmem>>) dst(%dma_wait3A_165 : memref<160x32xf32, #tpu.memory_space<hbm>>)
        tpu.yield
      }) : () -> ()
      "tpu.region"() ({
        %run_scoped3A_158 = tpu.sem_alloc : memref<!tpu.dma_semaphore, #tpu.memory_space<semaphore_mem>>
        %dma_start3A_159 = arith.constant 0 : i32
        %dma_start3A_160 = tpu.memref_slice %arg26[%add3A_154, %dma_start3A_159] : memref<10240x32xf32, #tpu.memory_space<vmem_shared>> -> memref<160x32xf32, #tpu.memory_space<vmem_shared>>
        %dma_start3A_161 = arith.constant 0 : i32
        %dma_start3A_162 = tpu.memref_slice %arg26[%add3A_154, %dma_start3A_161] : memref<10240x32xf32, #tpu.memory_space<vmem_shared>> -> memref<160x32xf32, #tpu.memory_space<vmem_shared>>
        tpu.enqueue_dma source(%arg19 : memref<160x32xf32, #tpu.memory_space<vmem>>) target(%dma_start3A_162 : memref<160x32xf32, #tpu.memory_space<vmem_shared>>) target_semaphore(%run_scoped3A_158 : memref<!tpu.dma_semaphore, #tpu.memory_space<semaphore_mem>>)
        %dma_wait3A = arith.constant 0 : i32
        %dma_wait3A_163 = tpu.memref_slice %arg26[%add3A_154, %dma_wait3A] : memref<10240x32xf32, #tpu.memory_space<vmem_shared>> -> memref<160x32xf32, #tpu.memory_space<vmem_shared>>
        %dma_wait3A_164 = arith.constant 0 : i32
        %dma_wait3A_165 = tpu.memref_slice %arg26[%add3A_154, %dma_wait3A_164] : memref<10240x32xf32, #tpu.memory_space<vmem_shared>> -> memref<160x32xf32, #tpu.memory_space<vmem_shared>>
        tpu.wait_dma2 semaphore(%run_scoped3A_158 : memref<!tpu.dma_semaphore, #tpu.memory_space<semaphore_mem>>) src(%arg19 : memref<160x32xf32, #tpu.memory_space<vmem>>) dst(%dma_wait3A_165 : memref<160x32xf32, #tpu.memory_space<vmem_shared>>)
        tpu.yield
      }) : () -> ()
    }
    %scan3A_79 = arith.constant 4 : i32
    %barrier3A_80 = arith.constant 0 : index
    tpu.barrier barrier_id(%barrier3A_80)
    %dma_start3A_81 = arith.constant 0 : i32
    %dma_start3A_82 = tpu.memref_slice %arg11[%dma_start3A_81] : memref<20480xi32, #tpu.memory_space<vmem>> -> memref<512xi32, #tpu.memory_space<vmem>>
    %dma_start3A_83 = arith.constant 0 : i32
    %dma_start3A_84 = arith.constant 0 : i32
    %dma_start3A_85 = tpu.memref_slice %arg8[%dma_start3A_83, %dma_start3A_84] : memref<20480x32xf32, #tpu.memory_space<hbm>> -> memref<20480x32xf32, #tpu.memory_space<hbm>>
    tpu.enqueue_indirect_dma source(%dma_start3A_85 : memref<20480x32xf32, #tpu.memory_space<hbm>>) target(%arg13 : memref<512x32xf32, #tpu.memory_space<vmem>>) offsets(%dma_start3A_82 : memref<512xi32, #tpu.memory_space<vmem>>) semaphore(%arg15 : memref<!tpu.dma_semaphore, #tpu.memory_space<semaphore_mem>>)
    %scan3A_86 = arith.constant 0 : i32
    %scan3A_87 = arith.constant 20 : i32
    %scan3A_88 = arith.addi %scan3A_86, %scan3A_87 : i32
    %scan3A_89 = arith.constant 1 : i32
    scf.for %scan3A_148 = %scan3A_86 to %scan3A_88 step %scan3A_89  : i32 {
      %mul3A_149 = arith.constant 2 : i32
      %mul3A_150 = arith.muli %scan3A_148, %mul3A_149 : i32
      %add3A = arith.constant 0 : i32
      %add3A_151 = arith.addi %add3A, %mul3A_150 : i32
      %add3A_152 = arith.constant 1 : i32
      %add3A_153 = arith.addi %add3A_151, %add3A_152 : i32
      %mul3A_154 = arith.constant 512 : i32
      %mul3A_155 = arith.muli %add3A_153, %mul3A_154 : i32
      %dma_start3A_156 = tpu.memref_slice %arg11[%mul3A_155] : memref<20480xi32, #tpu.memory_space<vmem>> -> memref<512xi32, #tpu.memory_space<vmem>>
      %dma_start3A_157 = arith.constant 0 : i32
      %dma_start3A_158 = arith.constant 0 : i32
      %dma_start3A_159 = tpu.memref_slice %arg8[%dma_start3A_157, %dma_start3A_158] : memref<20480x32xf32, #tpu.memory_space<hbm>> -> memref<20480x32xf32, #tpu.memory_space<hbm>>
      tpu.enqueue_indirect_dma source(%dma_start3A_159 : memref<20480x32xf32, #tpu.memory_space<hbm>>) target(%arg14 : memref<512x32xf32, #tpu.memory_space<vmem>>) offsets(%dma_start3A_156 : memref<512xi32, #tpu.memory_space<vmem>>) semaphore(%arg16 : memref<!tpu.dma_semaphore, #tpu.memory_space<semaphore_mem>>)
      %dma_wait3A = arith.constant 0 : i32
      %dma_wait3A_160 = tpu.memref_slice %arg11[%dma_wait3A] : memref<20480xi32, #tpu.memory_space<vmem>> -> memref<512xi32, #tpu.memory_space<vmem>>
      %dma_wait3A_161 = arith.constant 0 : i32
      %dma_wait3A_162 = arith.constant 0 : i32
      %dma_wait3A_163 = tpu.memref_slice %arg8[%dma_wait3A_161, %dma_wait3A_162] : memref<20480x32xf32, #tpu.memory_space<hbm>> -> memref<20480x32xf32, #tpu.memory_space<hbm>>
      tpu.wait_indirect_dma semaphore(%arg15 : memref<!tpu.dma_semaphore, #tpu.memory_space<semaphore_mem>>) src(%dma_wait3A_163 : memref<20480x32xf32, #tpu.memory_space<hbm>>) dst(%arg13 : memref<512x32xf32, #tpu.memory_space<vmem>>)
      %mul3A_164 = arith.constant 512 : i32
      %mul3A_165 = arith.muli %add3A_151, %mul3A_164 : i32
      "tpu.region"() ({
        %run_scoped3A = tpu.sem_alloc : memref<!tpu.dma_semaphore, #tpu.memory_space<semaphore_mem>>
        %dma_start3A_179 = tpu.memref_slice %arg12[%mul3A_165] : memref<20480xi32, #tpu.memory_space<vmem>> -> memref<512xi32, #tpu.memory_space<vmem>>
        %dma_start3A_180 = arith.constant 0 : i32
        %dma_start3A_181 = arith.constant 0 : i32
        %dma_start3A_182 = tpu.memref_slice %arg26[%dma_start3A_180, %dma_start3A_181] : memref<10240x32xf32, #tpu.memory_space<vmem_shared>> -> memref<10240x32xf32, #tpu.memory_space<vmem_shared>>
        tpu.enqueue_indirect_dma source(%arg13 : memref<512x32xf32, #tpu.memory_space<vmem>>) target(%dma_start3A_182 : memref<10240x32xf32, #tpu.memory_space<vmem_shared>>) offsets(%dma_start3A_179 : memref<512xi32, #tpu.memory_space<vmem>>) semaphore(%run_scoped3A : memref<!tpu.dma_semaphore, #tpu.memory_space<semaphore_mem>>) {add = true}
        %dma_wait3A_183 = tpu.memref_slice %arg12[%mul3A_165] : memref<20480xi32, #tpu.memory_space<vmem>> -> memref<512xi32, #tpu.memory_space<vmem>>
        %dma_wait3A_184 = arith.constant 0 : i32
        %dma_wait3A_185 = arith.constant 0 : i32
        %dma_wait3A_186 = tpu.memref_slice %arg26[%dma_wait3A_184, %dma_wait3A_185] : memref<10240x32xf32, #tpu.memory_space<vmem_shared>> -> memref<10240x32xf32, #tpu.memory_space<vmem_shared>>
        tpu.wait_indirect_dma semaphore(%run_scoped3A : memref<!tpu.dma_semaphore, #tpu.memory_space<semaphore_mem>>) src(%arg13 : memref<512x32xf32, #tpu.memory_space<vmem>>) dst(%dma_wait3A_186 : memref<10240x32xf32, #tpu.memory_space<vmem_shared>>)
        tpu.yield
      }) : () -> ()
      %add3A_166 = arith.constant 2 : i32
      %add3A_167 = arith.addi %add3A_151, %add3A_166 : i32
      %lt3A = arith.constant 40 : i32
      %lt3A_168 = arith.cmpi slt, %add3A_167, %lt3A : i32
      %convert_element_type3A = arith.extui %lt3A_168 : i1 to i32
      %cond3A = arith.constant 0 : i32
      %cond3A_169 = arith.cmpi ne, %convert_element_type3A, %cond3A : i32
      scf.if %cond3A_169 {
        %add3A_179 = arith.constant 2 : i32
        %add3A_180 = arith.addi %add3A_151, %add3A_179 : i32
        %mul3A_181 = arith.constant 512 : i32
        %mul3A_182 = arith.muli %add3A_180, %mul3A_181 : i32
        %dma_start3A_183 = tpu.memref_slice %arg11[%mul3A_182] : memref<20480xi32, #tpu.memory_space<vmem>> -> memref<512xi32, #tpu.memory_space<vmem>>
        %dma_start3A_184 = arith.constant 0 : i32
        %dma_start3A_185 = arith.constant 0 : i32
        %dma_start3A_186 = tpu.memref_slice %arg8[%dma_start3A_184, %dma_start3A_185] : memref<20480x32xf32, #tpu.memory_space<hbm>> -> memref<20480x32xf32, #tpu.memory_space<hbm>>
        tpu.enqueue_indirect_dma source(%dma_start3A_186 : memref<20480x32xf32, #tpu.memory_space<hbm>>) target(%arg13 : memref<512x32xf32, #tpu.memory_space<vmem>>) offsets(%dma_start3A_183 : memref<512xi32, #tpu.memory_space<vmem>>) semaphore(%arg15 : memref<!tpu.dma_semaphore, #tpu.memory_space<semaphore_mem>>)
      } else {
      }
      %dma_wait3A_170 = arith.constant 0 : i32
      %dma_wait3A_171 = tpu.memref_slice %arg11[%dma_wait3A_170] : memref<20480xi32, #tpu.memory_space<vmem>> -> memref<512xi32, #tpu.memory_space<vmem>>
      %dma_wait3A_172 = arith.constant 0 : i32
      %dma_wait3A_173 = arith.constant 0 : i32
      %dma_wait3A_174 = tpu.memref_slice %arg8[%dma_wait3A_172, %dma_wait3A_173] : memref<20480x32xf32, #tpu.memory_space<hbm>> -> memref<20480x32xf32, #tpu.memory_space<hbm>>
      tpu.wait_indirect_dma semaphore(%arg16 : memref<!tpu.dma_semaphore, #tpu.memory_space<semaphore_mem>>) src(%dma_wait3A_174 : memref<20480x32xf32, #tpu.memory_space<hbm>>) dst(%arg14 : memref<512x32xf32, #tpu.memory_space<vmem>>)
      %add3A_175 = arith.constant 1 : i32
      %add3A_176 = arith.addi %add3A_151, %add3A_175 : i32
      %mul3A_177 = arith.constant 512 : i32
      %mul3A_178 = arith.muli %add3A_176, %mul3A_177 : i32
      "tpu.region"() ({
        %run_scoped3A = tpu.sem_alloc : memref<!tpu.dma_semaphore, #tpu.memory_space<semaphore_mem>>
        %dma_start3A_179 = tpu.memref_slice %arg12[%mul3A_178] : memref<20480xi32, #tpu.memory_space<vmem>> -> memref<512xi32, #tpu.memory_space<vmem>>
        %dma_start3A_180 = arith.constant 0 : i32
        %dma_start3A_181 = arith.constant 0 : i32
        %dma_start3A_182 = tpu.memref_slice %arg26[%dma_start3A_180, %dma_start3A_181] : memref<10240x32xf32, #tpu.memory_space<vmem_shared>> -> memref<10240x32xf32, #tpu.memory_space<vmem_shared>>
        tpu.enqueue_indirect_dma source(%arg14 : memref<512x32xf32, #tpu.memory_space<vmem>>) target(%dma_start3A_182 : memref<10240x32xf32, #tpu.memory_space<vmem_shared>>) offsets(%dma_start3A_179 : memref<512xi32, #tpu.memory_space<vmem>>) semaphore(%run_scoped3A : memref<!tpu.dma_semaphore, #tpu.memory_space<semaphore_mem>>) {add = true}
        %dma_wait3A_183 = tpu.memref_slice %arg12[%mul3A_178] : memref<20480xi32, #tpu.memory_space<vmem>> -> memref<512xi32, #tpu.memory_space<vmem>>
        %dma_wait3A_184 = arith.constant 0 : i32
        %dma_wait3A_185 = arith.constant 0 : i32
        %dma_wait3A_186 = tpu.memref_slice %arg26[%dma_wait3A_184, %dma_wait3A_185] : memref<10240x32xf32, #tpu.memory_space<vmem_shared>> -> memref<10240x32xf32, #tpu.memory_space<vmem_shared>>
        tpu.wait_indirect_dma semaphore(%run_scoped3A : memref<!tpu.dma_semaphore, #tpu.memory_space<semaphore_mem>>) src(%arg14 : memref<512x32xf32, #tpu.memory_space<vmem>>) dst(%dma_wait3A_186 : memref<10240x32xf32, #tpu.memory_space<vmem_shared>>)
        tpu.yield
      }) : () -> ()
    }
    %scan3A_90 = arith.constant 20 : i32
    %barrier3A_91 = arith.constant 0 : index
    tpu.barrier barrier_id(%barrier3A_91)
    %scan3A_92 = arith.constant 0 : i32
    %scan3A_93 = arith.constant 4 : i32
    %scan3A_94 = arith.addi %scan3A_92, %scan3A_93 : i32
    %scan3A_95 = arith.constant 1 : i32
    scf.for %scan3A_148 = %scan3A_92 to %scan3A_94 step %scan3A_95  : i32 {
      %mul3A_149 = arith.constant 1 : i32
      %mul3A_150 = arith.muli %scan3A_148, %mul3A_149 : i32
      %add3A = arith.constant 0 : i32
      %add3A_151 = arith.addi %add3A, %mul3A_150 : i32
      %mul3A_152 = arith.constant 160 : i32
      %mul3A_153 = arith.muli %add3A_151, %mul3A_152 : i32
      %add3A_154 = arith.addi %mul3A_0, %mul3A_153 : i32
      "tpu.region"() ({
        %run_scoped3A_158 = tpu.sem_alloc : memref<!tpu.dma_semaphore, #tpu.memory_space<semaphore_mem>>
        %dma_start3A_159 = arith.constant 0 : i32
        %dma_start3A_160 = tpu.memref_slice %arg26[%add3A_154, %dma_start3A_159] : memref<10240x32xf32, #tpu.memory_space<vmem_shared>> -> memref<160x32xf32, #tpu.memory_space<vmem_shared>>
        %dma_start3A_161 = arith.constant 0 : i32
        %dma_start3A_162 = tpu.memref_slice %arg26[%add3A_154, %dma_start3A_161] : memref<10240x32xf32, #tpu.memory_space<vmem_shared>> -> memref<160x32xf32, #tpu.memory_space<vmem_shared>>
        tpu.enqueue_dma source(%dma_start3A_162 : memref<160x32xf32, #tpu.memory_space<vmem_shared>>) target(%arg20 : memref<160x32xf32, #tpu.memory_space<vmem>>) target_semaphore(%run_scoped3A_158 : memref<!tpu.dma_semaphore, #tpu.memory_space<semaphore_mem>>)
        %dma_wait3A = arith.constant 0 : i32
        %dma_wait3A_163 = tpu.memref_slice %arg26[%add3A_154, %dma_wait3A] : memref<10240x32xf32, #tpu.memory_space<vmem_shared>> -> memref<160x32xf32, #tpu.memory_space<vmem_shared>>
        %dma_wait3A_164 = arith.constant 0 : i32
        %dma_wait3A_165 = tpu.memref_slice %arg26[%add3A_154, %dma_wait3A_164] : memref<10240x32xf32, #tpu.memory_space<vmem_shared>> -> memref<160x32xf32, #tpu.memory_space<vmem_shared>>
        tpu.wait_dma2 semaphore(%run_scoped3A_158 : memref<!tpu.dma_semaphore, #tpu.memory_space<semaphore_mem>>) src(%dma_wait3A_165 : memref<160x32xf32, #tpu.memory_space<vmem_shared>>) dst(%arg20 : memref<160x32xf32, #tpu.memory_space<vmem>>)
        tpu.yield
      }) : () -> ()
      %run_scoped3A = arith.constant 3 : i32
      "tpu.region"() ({
        %run_scoped3A_158 = tpu.sem_alloc : memref<!tpu.dma_semaphore, #tpu.memory_space<semaphore_mem>>
        %dma_start3A_159 = arith.constant 0 : i32
        %dma_start3A_160 = tpu.memref_slice %arg5[%arg0, %run_scoped3A, %add3A_154, %dma_start3A_159] : memref<2x8x10240x128xf32, #tpu.memory_space<hbm>> -> memref<1x1x160x32xf32, #tpu.memory_space<hbm>>
        %dma_start3A_161 = tpu.memref_squeeze %dma_start3A_160 : memref<1x1x160x32xf32, #tpu.memory_space<hbm>> -> memref<160x32xf32, #tpu.memory_space<hbm>>
        %dma_start3A_162 = arith.constant 0 : i32
        %dma_start3A_163 = tpu.memref_slice %arg5[%arg0, %run_scoped3A, %add3A_154, %dma_start3A_162] : memref<2x8x10240x128xf32, #tpu.memory_space<hbm>> -> memref<1x1x160x32xf32, #tpu.memory_space<hbm>>
        %dma_start3A_164 = tpu.memref_squeeze %dma_start3A_163 : memref<1x1x160x32xf32, #tpu.memory_space<hbm>> -> memref<160x32xf32, #tpu.memory_space<hbm>>
        tpu.enqueue_dma source(%dma_start3A_164 : memref<160x32xf32, #tpu.memory_space<hbm>>) target(%arg21 : memref<160x32xf32, #tpu.memory_space<vmem>>) target_semaphore(%run_scoped3A_158 : memref<!tpu.dma_semaphore, #tpu.memory_space<semaphore_mem>>)
        %dma_wait3A = arith.constant 0 : i32
        %dma_wait3A_165 = tpu.memref_slice %arg5[%arg0, %run_scoped3A, %add3A_154, %dma_wait3A] : memref<2x8x10240x128xf32, #tpu.memory_space<hbm>> -> memref<1x1x160x32xf32, #tpu.memory_space<hbm>>
        %dma_wait3A_166 = tpu.memref_squeeze %dma_wait3A_165 : memref<1x1x160x32xf32, #tpu.memory_space<hbm>> -> memref<160x32xf32, #tpu.memory_space<hbm>>
        %dma_wait3A_167 = arith.constant 0 : i32
        %dma_wait3A_168 = tpu.memref_slice %arg5[%arg0, %run_scoped3A, %add3A_154, %dma_wait3A_167] : memref<2x8x10240x128xf32, #tpu.memory_space<hbm>> -> memref<1x1x160x32xf32, #tpu.memory_space<hbm>>
        %dma_wait3A_169 = tpu.memref_squeeze %dma_wait3A_168 : memref<1x1x160x32xf32, #tpu.memory_space<hbm>> -> memref<160x32xf32, #tpu.memory_space<hbm>>
        tpu.wait_dma2 semaphore(%run_scoped3A_158 : memref<!tpu.dma_semaphore, #tpu.memory_space<semaphore_mem>>) src(%dma_wait3A_169 : memref<160x32xf32, #tpu.memory_space<hbm>>) dst(%arg21 : memref<160x32xf32, #tpu.memory_space<vmem>>)
        tpu.yield
      }) : () -> ()
      "tpu.region"() ({
        %run_scoped3A_158 = tpu.sem_alloc : memref<!tpu.dma_semaphore, #tpu.memory_space<semaphore_mem>>
        %dma_start3A_159 = arith.constant 0 : i32
        %dma_start3A_160 = tpu.memref_slice %arg9[%arg0, %add3A_154, %dma_start3A_159] : memref<2x10240x32xf32, #tpu.memory_space<hbm>> -> memref<1x160x32xf32, #tpu.memory_space<hbm>>
        %dma_start3A_161 = tpu.memref_squeeze %dma_start3A_160 : memref<1x160x32xf32, #tpu.memory_space<hbm>> -> memref<160x32xf32, #tpu.memory_space<hbm>>
        %dma_start3A_162 = arith.constant 0 : i32
        %dma_start3A_163 = tpu.memref_slice %arg9[%arg0, %add3A_154, %dma_start3A_162] : memref<2x10240x32xf32, #tpu.memory_space<hbm>> -> memref<1x160x32xf32, #tpu.memory_space<hbm>>
        %dma_start3A_164 = tpu.memref_squeeze %dma_start3A_163 : memref<1x160x32xf32, #tpu.memory_space<hbm>> -> memref<160x32xf32, #tpu.memory_space<hbm>>
        tpu.enqueue_dma source(%dma_start3A_164 : memref<160x32xf32, #tpu.memory_space<hbm>>) target(%arg22 : memref<160x32xf32, #tpu.memory_space<vmem>>) target_semaphore(%run_scoped3A_158 : memref<!tpu.dma_semaphore, #tpu.memory_space<semaphore_mem>>)
        %dma_wait3A = arith.constant 0 : i32
        %dma_wait3A_165 = tpu.memref_slice %arg9[%arg0, %add3A_154, %dma_wait3A] : memref<2x10240x32xf32, #tpu.memory_space<hbm>> -> memref<1x160x32xf32, #tpu.memory_space<hbm>>
        %dma_wait3A_166 = tpu.memref_squeeze %dma_wait3A_165 : memref<1x160x32xf32, #tpu.memory_space<hbm>> -> memref<160x32xf32, #tpu.memory_space<hbm>>
        %dma_wait3A_167 = arith.constant 0 : i32
        %dma_wait3A_168 = tpu.memref_slice %arg9[%arg0, %add3A_154, %dma_wait3A_167] : memref<2x10240x32xf32, #tpu.memory_space<hbm>> -> memref<1x160x32xf32, #tpu.memory_space<hbm>>
        %dma_wait3A_169 = tpu.memref_squeeze %dma_wait3A_168 : memref<1x160x32xf32, #tpu.memory_space<hbm>> -> memref<160x32xf32, #tpu.memory_space<hbm>>
        tpu.wait_dma2 semaphore(%run_scoped3A_158 : memref<!tpu.dma_semaphore, #tpu.memory_space<semaphore_mem>>) src(%dma_wait3A_169 : memref<160x32xf32, #tpu.memory_space<hbm>>) dst(%arg22 : memref<160x32xf32, #tpu.memory_space<vmem>>)
        tpu.yield
      }) : () -> ()
      %parallel_loop3A = arith.constant 0 : i32
      %parallel_loop3A_155 = arith.constant 160 : i32
      %parallel_loop3A_156 = arith.constant 1 : i32
      scf.for %parallel_loop3A_158 = %parallel_loop3A to %parallel_loop3A_155 step %parallel_loop3A_156  : i32 {
        %parallel_loop3A_159 = arith.constant 160 : i32
        %parallel_loop3A_160 = arith.muli %add3A_151, %parallel_loop3A_159 : i32
        %parallel_loop3A_161 = arith.addi %parallel_loop3A_160, %parallel_loop3A_158 : i32
        %parallel_loop3A_162 = vector.broadcast %parallel_loop3A_161 : i32 to vector<16xi32>
        %parallel_loop3A_163 = tpu.vector_load_idx %arg18[%parallel_loop3A_162] : memref<640xf32, #tpu.memory_space<vmem>>[vector<16xi32>], vector<16xf32>,
        %parallel_loop3A_164 = arith.constant 160 : i32
        %parallel_loop3A_165 = arith.muli %add3A_151, %parallel_loop3A_164 : i32
        %parallel_loop3A_166 = arith.addi %parallel_loop3A_165, %parallel_loop3A_158 : i32
        %parallel_loop3A_167 = vector.broadcast %parallel_loop3A_166 : i32 to vector<16xi32>
        %parallel_loop3A_168 = tpu.vector_load_idx %arg17[%parallel_loop3A_167] : memref<640xf32, #tpu.memory_space<vmem>>[vector<16xi32>], vector<16xf32>,
        %parallel_loop3A_169 = arith.index_cast %parallel_loop3A_158 : i32 to index
        %parallel_loop3A_170 = arith.constant 0 : index
        %parallel_loop3A_171 = tpu.vector_load %arg21[%parallel_loop3A_169, %parallel_loop3A_170] {strides = array<i32>} : memref<160x32xf32, #tpu.memory_space<vmem>>, vector<16xf32>,
        %parallel_loop3A_172 = arith.index_cast %parallel_loop3A_158 : i32 to index
        %parallel_loop3A_173 = arith.constant 0 : index
        %parallel_loop3A_174 = tpu.vector_load %arg20[%parallel_loop3A_172, %parallel_loop3A_173] {strides = array<i32>} : memref<160x32xf32, #tpu.memory_space<vmem>>, vector<16xf32>,
        %parallel_loop3A_175 = arith.mulf %parallel_loop3A_163, %parallel_loop3A_174 : vector<16xf32>
        %parallel_loop3A_176 = arith.subf %parallel_loop3A_171, %parallel_loop3A_175 : vector<16xf32>
        %parallel_loop3A_177 = arith.index_cast %parallel_loop3A_158 : i32 to index
        %parallel_loop3A_178 = arith.constant 0 : index
        %parallel_loop3A_179 = tpu.vector_load %arg22[%parallel_loop3A_177, %parallel_loop3A_178] {strides = array<i32>} : memref<160x32xf32, #tpu.memory_space<vmem>>, vector<16xf32>,
        %parallel_loop3A_180 = arith.subf %parallel_loop3A_176, %parallel_loop3A_179 : vector<16xf32>
        %parallel_loop3A_181 = arith.index_cast %parallel_loop3A_158 : i32 to index
        %parallel_loop3A_182 = arith.constant 0 : index
        %parallel_loop3A_183 = tpu.vector_load %arg23[%parallel_loop3A_181, %parallel_loop3A_182] {strides = array<i32>} : memref<160x32xf32, #tpu.memory_space<vmem>>, vector<16xf32>,
        tpu.vector_store %arg23[%parallel_loop3A_181, %parallel_loop3A_182], %parallel_loop3A_180 {strides = array<i32>} : memref<160x32xf32, #tpu.memory_space<vmem>>, vector<16xf32>,
        %parallel_loop3A_184 = arith.mulf %parallel_loop3A_180, %parallel_loop3A_168 : vector<16xf32>
        %parallel_loop3A_185 = arith.index_cast %parallel_loop3A_158 : i32 to index
        %parallel_loop3A_186 = arith.constant 0 : index
        %parallel_loop3A_187 = tpu.vector_load %arg24[%parallel_loop3A_185, %parallel_loop3A_186] {strides = array<i32>} : memref<160x32xf32, #tpu.memory_space<vmem>>, vector<16xf32>,
        tpu.vector_store %arg24[%parallel_loop3A_185, %parallel_loop3A_186], %parallel_loop3A_184 {strides = array<i32>} : memref<160x32xf32, #tpu.memory_space<vmem>>, vector<16xf32>,
        %parallel_loop3A_188 = arith.index_cast %parallel_loop3A_158 : i32 to index
        %parallel_loop3A_189 = arith.constant 16 : index
        %parallel_loop3A_190 = tpu.vector_load %arg21[%parallel_loop3A_188, %parallel_loop3A_189] {strides = array<i32>} : memref<160x32xf32, #tpu.memory_space<vmem>>, vector<16xf32>,
        %parallel_loop3A_191 = arith.index_cast %parallel_loop3A_158 : i32 to index
        %parallel_loop3A_192 = arith.constant 16 : index
        %parallel_loop3A_193 = tpu.vector_load %arg20[%parallel_loop3A_191, %parallel_loop3A_192] {strides = array<i32>} : memref<160x32xf32, #tpu.memory_space<vmem>>, vector<16xf32>,
        %parallel_loop3A_194 = arith.mulf %parallel_loop3A_163, %parallel_loop3A_193 : vector<16xf32>
        %parallel_loop3A_195 = arith.subf %parallel_loop3A_190, %parallel_loop3A_194 : vector<16xf32>
        %parallel_loop3A_196 = arith.index_cast %parallel_loop3A_158 : i32 to index
        %parallel_loop3A_197 = arith.constant 16 : index
        %parallel_loop3A_198 = tpu.vector_load %arg22[%parallel_loop3A_196, %parallel_loop3A_197] {strides = array<i32>} : memref<160x32xf32, #tpu.memory_space<vmem>>, vector<16xf32>,
        %parallel_loop3A_199 = arith.subf %parallel_loop3A_195, %parallel_loop3A_198 : vector<16xf32>
        %parallel_loop3A_200 = arith.index_cast %parallel_loop3A_158 : i32 to index
        %parallel_loop3A_201 = arith.constant 16 : index
        %parallel_loop3A_202 = tpu.vector_load %arg23[%parallel_loop3A_200, %parallel_loop3A_201] {strides = array<i32>} : memref<160x32xf32, #tpu.memory_space<vmem>>, vector<16xf32>,
        tpu.vector_store %arg23[%parallel_loop3A_200, %parallel_loop3A_201], %parallel_loop3A_199 {strides = array<i32>} : memref<160x32xf32, #tpu.memory_space<vmem>>, vector<16xf32>,
        %parallel_loop3A_203 = arith.mulf %parallel_loop3A_199, %parallel_loop3A_168 : vector<16xf32>
        %parallel_loop3A_204 = arith.index_cast %parallel_loop3A_158 : i32 to index
        %parallel_loop3A_205 = arith.constant 16 : index
        %parallel_loop3A_206 = tpu.vector_load %arg24[%parallel_loop3A_204, %parallel_loop3A_205] {strides = array<i32>} : memref<160x32xf32, #tpu.memory_space<vmem>>, vector<16xf32>,
        tpu.vector_store %arg24[%parallel_loop3A_204, %parallel_loop3A_205], %parallel_loop3A_203 {strides = array<i32>} : memref<160x32xf32, #tpu.memory_space<vmem>>, vector<16xf32>,
      } {sc.loop_unroll_factor = 4 : i64, sc.parallel_access}
      "tpu.region"() ({
        %run_scoped3A_158 = tpu.sem_alloc : memref<!tpu.dma_semaphore, #tpu.memory_space<semaphore_mem>>
        %dma_start3A_159 = arith.constant 0 : i32
        %dma_start3A_160 = tpu.memref_slice %arg9[%arg0, %add3A_154, %dma_start3A_159] : memref<2x10240x32xf32, #tpu.memory_space<hbm>> -> memref<1x160x32xf32, #tpu.memory_space<hbm>>
        %dma_start3A_161 = tpu.memref_squeeze %dma_start3A_160 : memref<1x160x32xf32, #tpu.memory_space<hbm>> -> memref<160x32xf32, #tpu.memory_space<hbm>>
        %dma_start3A_162 = arith.constant 0 : i32
        %dma_start3A_163 = tpu.memref_slice %arg9[%arg0, %add3A_154, %dma_start3A_162] : memref<2x10240x32xf32, #tpu.memory_space<hbm>> -> memref<1x160x32xf32, #tpu.memory_space<hbm>>
        %dma_start3A_164 = tpu.memref_squeeze %dma_start3A_163 : memref<1x160x32xf32, #tpu.memory_space<hbm>> -> memref<160x32xf32, #tpu.memory_space<hbm>>
        tpu.enqueue_dma source(%arg23 : memref<160x32xf32, #tpu.memory_space<vmem>>) target(%dma_start3A_164 : memref<160x32xf32, #tpu.memory_space<hbm>>) target_semaphore(%run_scoped3A_158 : memref<!tpu.dma_semaphore, #tpu.memory_space<semaphore_mem>>)
        %dma_wait3A = arith.constant 0 : i32
        %dma_wait3A_165 = tpu.memref_slice %arg9[%arg0, %add3A_154, %dma_wait3A] : memref<2x10240x32xf32, #tpu.memory_space<hbm>> -> memref<1x160x32xf32, #tpu.memory_space<hbm>>
        %dma_wait3A_166 = tpu.memref_squeeze %dma_wait3A_165 : memref<1x160x32xf32, #tpu.memory_space<hbm>> -> memref<160x32xf32, #tpu.memory_space<hbm>>
        %dma_wait3A_167 = arith.constant 0 : i32
        %dma_wait3A_168 = tpu.memref_slice %arg9[%arg0, %add3A_154, %dma_wait3A_167] : memref<2x10240x32xf32, #tpu.memory_space<hbm>> -> memref<1x160x32xf32, #tpu.memory_space<hbm>>
        %dma_wait3A_169 = tpu.memref_squeeze %dma_wait3A_168 : memref<1x160x32xf32, #tpu.memory_space<hbm>> -> memref<160x32xf32, #tpu.memory_space<hbm>>
        tpu.wait_dma2 semaphore(%run_scoped3A_158 : memref<!tpu.dma_semaphore, #tpu.memory_space<semaphore_mem>>) src(%arg23 : memref<160x32xf32, #tpu.memory_space<vmem>>) dst(%dma_wait3A_169 : memref<160x32xf32, #tpu.memory_space<hbm>>)
        tpu.yield
      }) : () -> ()
      %add3A_157 = arith.addi %mul3A_2, %add3A_154 : i32
      "tpu.region"() ({
        %run_scoped3A_158 = tpu.sem_alloc : memref<!tpu.dma_semaphore, #tpu.memory_space<semaphore_mem>>
        %dma_start3A_159 = arith.constant 0 : i32
        %dma_start3A_160 = tpu.memref_slice %arg8[%add3A_157, %dma_start3A_159] : memref<20480x32xf32, #tpu.memory_space<hbm>> -> memref<160x32xf32, #tpu.memory_space<hbm>>
        %dma_start3A_161 = arith.constant 0 : i32
        %dma_start3A_162 = tpu.memref_slice %arg8[%add3A_157, %dma_start3A_161] : memref<20480x32xf32, #tpu.memory_space<hbm>> -> memref<160x32xf32, #tpu.memory_space<hbm>>
        tpu.enqueue_dma source(%arg24 : memref<160x32xf32, #tpu.memory_space<vmem>>) target(%dma_start3A_162 : memref<160x32xf32, #tpu.memory_space<hbm>>) target_semaphore(%run_scoped3A_158 : memref<!tpu.dma_semaphore, #tpu.memory_space<semaphore_mem>>)
        %dma_wait3A = arith.constant 0 : i32
        %dma_wait3A_163 = tpu.memref_slice %arg8[%add3A_157, %dma_wait3A] : memref<20480x32xf32, #tpu.memory_space<hbm>> -> memref<160x32xf32, #tpu.memory_space<hbm>>
        %dma_wait3A_164 = arith.constant 0 : i32
        %dma_wait3A_165 = tpu.memref_slice %arg8[%add3A_157, %dma_wait3A_164] : memref<20480x32xf32, #tpu.memory_space<hbm>> -> memref<160x32xf32, #tpu.memory_space<hbm>>
        tpu.wait_dma2 semaphore(%run_scoped3A_158 : memref<!tpu.dma_semaphore, #tpu.memory_space<semaphore_mem>>) src(%arg24 : memref<160x32xf32, #tpu.memory_space<vmem>>) dst(%dma_wait3A_165 : memref<160x32xf32, #tpu.memory_space<hbm>>)
        tpu.yield
      }) : () -> ()
      "tpu.region"() ({
        %run_scoped3A_158 = tpu.sem_alloc : memref<!tpu.dma_semaphore, #tpu.memory_space<semaphore_mem>>
        %dma_start3A_159 = arith.constant 0 : i32
        %dma_start3A_160 = tpu.memref_slice %arg26[%add3A_154, %dma_start3A_159] : memref<10240x32xf32, #tpu.memory_space<vmem_shared>> -> memref<160x32xf32, #tpu.memory_space<vmem_shared>>
        %dma_start3A_161 = arith.constant 0 : i32
        %dma_start3A_162 = tpu.memref_slice %arg26[%add3A_154, %dma_start3A_161] : memref<10240x32xf32, #tpu.memory_space<vmem_shared>> -> memref<160x32xf32, #tpu.memory_space<vmem_shared>>
        tpu.enqueue_dma source(%arg19 : memref<160x32xf32, #tpu.memory_space<vmem>>) target(%dma_start3A_162 : memref<160x32xf32, #tpu.memory_space<vmem_shared>>) target_semaphore(%run_scoped3A_158 : memref<!tpu.dma_semaphore, #tpu.memory_space<semaphore_mem>>)
        %dma_wait3A = arith.constant 0 : i32
        %dma_wait3A_163 = tpu.memref_slice %arg26[%add3A_154, %dma_wait3A] : memref<10240x32xf32, #tpu.memory_space<vmem_shared>> -> memref<160x32xf32, #tpu.memory_space<vmem_shared>>
        %dma_wait3A_164 = arith.constant 0 : i32
        %dma_wait3A_165 = tpu.memref_slice %arg26[%add3A_154, %dma_wait3A_164] : memref<10240x32xf32, #tpu.memory_space<vmem_shared>> -> memref<160x32xf32, #tpu.memory_space<vmem_shared>>
        tpu.wait_dma2 semaphore(%run_scoped3A_158 : memref<!tpu.dma_semaphore, #tpu.memory_space<semaphore_mem>>) src(%arg19 : memref<160x32xf32, #tpu.memory_space<vmem>>) dst(%dma_wait3A_165 : memref<160x32xf32, #tpu.memory_space<vmem_shared>>)
        tpu.yield
      }) : () -> ()
    }
    %scan3A_96 = arith.constant 4 : i32
    %barrier3A_97 = arith.constant 0 : index
    tpu.barrier barrier_id(%barrier3A_97)
    %dma_start3A_98 = arith.constant 0 : i32
    %dma_start3A_99 = tpu.memref_slice %arg11[%dma_start3A_98] : memref<20480xi32, #tpu.memory_space<vmem>> -> memref<512xi32, #tpu.memory_space<vmem>>
    %dma_start3A_100 = arith.constant 0 : i32
    %dma_start3A_101 = arith.constant 0 : i32
    %dma_start3A_102 = tpu.memref_slice %arg8[%dma_start3A_100, %dma_start3A_101] : memref<20480x32xf32, #tpu.memory_space<hbm>> -> memref<20480x32xf32, #tpu.memory_space<hbm>>
    tpu.enqueue_indirect_dma source(%dma_start3A_102 : memref<20480x32xf32, #tpu.memory_space<hbm>>) target(%arg13 : memref<512x32xf32, #tpu.memory_space<vmem>>) offsets(%dma_start3A_99 : memref<512xi32, #tpu.memory_space<vmem>>) semaphore(%arg15 : memref<!tpu.dma_semaphore, #tpu.memory_space<semaphore_mem>>)
    %scan3A_103 = arith.constant 0 : i32
    %scan3A_104 = arith.constant 20 : i32
    %scan3A_105 = arith.addi %scan3A_103, %scan3A_104 : i32
    %scan3A_106 = arith.constant 1 : i32
    scf.for %scan3A_148 = %scan3A_103 to %scan3A_105 step %scan3A_106  : i32 {
      %mul3A_149 = arith.constant 2 : i32
      %mul3A_150 = arith.muli %scan3A_148, %mul3A_149 : i32
      %add3A = arith.constant 0 : i32
      %add3A_151 = arith.addi %add3A, %mul3A_150 : i32
      %add3A_152 = arith.constant 1 : i32
      %add3A_153 = arith.addi %add3A_151, %add3A_152 : i32
      %mul3A_154 = arith.constant 512 : i32
      %mul3A_155 = arith.muli %add3A_153, %mul3A_154 : i32
      %dma_start3A_156 = tpu.memref_slice %arg11[%mul3A_155] : memref<20480xi32, #tpu.memory_space<vmem>> -> memref<512xi32, #tpu.memory_space<vmem>>
      %dma_start3A_157 = arith.constant 0 : i32
      %dma_start3A_158 = arith.constant 0 : i32
      %dma_start3A_159 = tpu.memref_slice %arg8[%dma_start3A_157, %dma_start3A_158] : memref<20480x32xf32, #tpu.memory_space<hbm>> -> memref<20480x32xf32, #tpu.memory_space<hbm>>
      tpu.enqueue_indirect_dma source(%dma_start3A_159 : memref<20480x32xf32, #tpu.memory_space<hbm>>) target(%arg14 : memref<512x32xf32, #tpu.memory_space<vmem>>) offsets(%dma_start3A_156 : memref<512xi32, #tpu.memory_space<vmem>>) semaphore(%arg16 : memref<!tpu.dma_semaphore, #tpu.memory_space<semaphore_mem>>)
      %dma_wait3A = arith.constant 0 : i32
      %dma_wait3A_160 = tpu.memref_slice %arg11[%dma_wait3A] : memref<20480xi32, #tpu.memory_space<vmem>> -> memref<512xi32, #tpu.memory_space<vmem>>
      %dma_wait3A_161 = arith.constant 0 : i32
      %dma_wait3A_162 = arith.constant 0 : i32
      %dma_wait3A_163 = tpu.memref_slice %arg8[%dma_wait3A_161, %dma_wait3A_162] : memref<20480x32xf32, #tpu.memory_space<hbm>> -> memref<20480x32xf32, #tpu.memory_space<hbm>>
      tpu.wait_indirect_dma semaphore(%arg15 : memref<!tpu.dma_semaphore, #tpu.memory_space<semaphore_mem>>) src(%dma_wait3A_163 : memref<20480x32xf32, #tpu.memory_space<hbm>>) dst(%arg13 : memref<512x32xf32, #tpu.memory_space<vmem>>)
      %mul3A_164 = arith.constant 512 : i32
      %mul3A_165 = arith.muli %add3A_151, %mul3A_164 : i32
      "tpu.region"() ({
        %run_scoped3A = tpu.sem_alloc : memref<!tpu.dma_semaphore, #tpu.memory_space<semaphore_mem>>
        %dma_start3A_179 = tpu.memref_slice %arg12[%mul3A_165] : memref<20480xi32, #tpu.memory_space<vmem>> -> memref<512xi32, #tpu.memory_space<vmem>>
        %dma_start3A_180 = arith.constant 0 : i32
        %dma_start3A_181 = arith.constant 0 : i32
        %dma_start3A_182 = tpu.memref_slice %arg26[%dma_start3A_180, %dma_start3A_181] : memref<10240x32xf32, #tpu.memory_space<vmem_shared>> -> memref<10240x32xf32, #tpu.memory_space<vmem_shared>>
        tpu.enqueue_indirect_dma source(%arg13 : memref<512x32xf32, #tpu.memory_space<vmem>>) target(%dma_start3A_182 : memref<10240x32xf32, #tpu.memory_space<vmem_shared>>) offsets(%dma_start3A_179 : memref<512xi32, #tpu.memory_space<vmem>>) semaphore(%run_scoped3A : memref<!tpu.dma_semaphore, #tpu.memory_space<semaphore_mem>>) {add = true}
        %dma_wait3A_183 = tpu.memref_slice %arg12[%mul3A_165] : memref<20480xi32, #tpu.memory_space<vmem>> -> memref<512xi32, #tpu.memory_space<vmem>>
        %dma_wait3A_184 = arith.constant 0 : i32
        %dma_wait3A_185 = arith.constant 0 : i32
        %dma_wait3A_186 = tpu.memref_slice %arg26[%dma_wait3A_184, %dma_wait3A_185] : memref<10240x32xf32, #tpu.memory_space<vmem_shared>> -> memref<10240x32xf32, #tpu.memory_space<vmem_shared>>
        tpu.wait_indirect_dma semaphore(%run_scoped3A : memref<!tpu.dma_semaphore, #tpu.memory_space<semaphore_mem>>) src(%arg13 : memref<512x32xf32, #tpu.memory_space<vmem>>) dst(%dma_wait3A_186 : memref<10240x32xf32, #tpu.memory_space<vmem_shared>>)
        tpu.yield
      }) : () -> ()
      %add3A_166 = arith.constant 2 : i32
      %add3A_167 = arith.addi %add3A_151, %add3A_166 : i32
      %lt3A = arith.constant 40 : i32
      %lt3A_168 = arith.cmpi slt, %add3A_167, %lt3A : i32
      %convert_element_type3A = arith.extui %lt3A_168 : i1 to i32
      %cond3A = arith.constant 0 : i32
      %cond3A_169 = arith.cmpi ne, %convert_element_type3A, %cond3A : i32
      scf.if %cond3A_169 {
        %add3A_179 = arith.constant 2 : i32
        %add3A_180 = arith.addi %add3A_151, %add3A_179 : i32
        %mul3A_181 = arith.constant 512 : i32
        %mul3A_182 = arith.muli %add3A_180, %mul3A_181 : i32
        %dma_start3A_183 = tpu.memref_slice %arg11[%mul3A_182] : memref<20480xi32, #tpu.memory_space<vmem>> -> memref<512xi32, #tpu.memory_space<vmem>>
        %dma_start3A_184 = arith.constant 0 : i32
        %dma_start3A_185 = arith.constant 0 : i32
        %dma_start3A_186 = tpu.memref_slice %arg8[%dma_start3A_184, %dma_start3A_185] : memref<20480x32xf32, #tpu.memory_space<hbm>> -> memref<20480x32xf32, #tpu.memory_space<hbm>>
        tpu.enqueue_indirect_dma source(%dma_start3A_186 : memref<20480x32xf32, #tpu.memory_space<hbm>>) target(%arg13 : memref<512x32xf32, #tpu.memory_space<vmem>>) offsets(%dma_start3A_183 : memref<512xi32, #tpu.memory_space<vmem>>) semaphore(%arg15 : memref<!tpu.dma_semaphore, #tpu.memory_space<semaphore_mem>>)
      } else {
      }
      %dma_wait3A_170 = arith.constant 0 : i32
      %dma_wait3A_171 = tpu.memref_slice %arg11[%dma_wait3A_170] : memref<20480xi32, #tpu.memory_space<vmem>> -> memref<512xi32, #tpu.memory_space<vmem>>
      %dma_wait3A_172 = arith.constant 0 : i32
      %dma_wait3A_173 = arith.constant 0 : i32
      %dma_wait3A_174 = tpu.memref_slice %arg8[%dma_wait3A_172, %dma_wait3A_173] : memref<20480x32xf32, #tpu.memory_space<hbm>> -> memref<20480x32xf32, #tpu.memory_space<hbm>>
      tpu.wait_indirect_dma semaphore(%arg16 : memref<!tpu.dma_semaphore, #tpu.memory_space<semaphore_mem>>) src(%dma_wait3A_174 : memref<20480x32xf32, #tpu.memory_space<hbm>>) dst(%arg14 : memref<512x32xf32, #tpu.memory_space<vmem>>)
      %add3A_175 = arith.constant 1 : i32
      %add3A_176 = arith.addi %add3A_151, %add3A_175 : i32
      %mul3A_177 = arith.constant 512 : i32
      %mul3A_178 = arith.muli %add3A_176, %mul3A_177 : i32
      "tpu.region"() ({
        %run_scoped3A = tpu.sem_alloc : memref<!tpu.dma_semaphore, #tpu.memory_space<semaphore_mem>>
        %dma_start3A_179 = tpu.memref_slice %arg12[%mul3A_178] : memref<20480xi32, #tpu.memory_space<vmem>> -> memref<512xi32, #tpu.memory_space<vmem>>
        %dma_start3A_180 = arith.constant 0 : i32
        %dma_start3A_181 = arith.constant 0 : i32
        %dma_start3A_182 = tpu.memref_slice %arg26[%dma_start3A_180, %dma_start3A_181] : memref<10240x32xf32, #tpu.memory_space<vmem_shared>> -> memref<10240x32xf32, #tpu.memory_space<vmem_shared>>
        tpu.enqueue_indirect_dma source(%arg14 : memref<512x32xf32, #tpu.memory_space<vmem>>) target(%dma_start3A_182 : memref<10240x32xf32, #tpu.memory_space<vmem_shared>>) offsets(%dma_start3A_179 : memref<512xi32, #tpu.memory_space<vmem>>) semaphore(%run_scoped3A : memref<!tpu.dma_semaphore, #tpu.memory_space<semaphore_mem>>) {add = true}
        %dma_wait3A_183 = tpu.memref_slice %arg12[%mul3A_178] : memref<20480xi32, #tpu.memory_space<vmem>> -> memref<512xi32, #tpu.memory_space<vmem>>
        %dma_wait3A_184 = arith.constant 0 : i32
        %dma_wait3A_185 = arith.constant 0 : i32
        %dma_wait3A_186 = tpu.memref_slice %arg26[%dma_wait3A_184, %dma_wait3A_185] : memref<10240x32xf32, #tpu.memory_space<vmem_shared>> -> memref<10240x32xf32, #tpu.memory_space<vmem_shared>>
        tpu.wait_indirect_dma semaphore(%run_scoped3A : memref<!tpu.dma_semaphore, #tpu.memory_space<semaphore_mem>>) src(%arg14 : memref<512x32xf32, #tpu.memory_space<vmem>>) dst(%dma_wait3A_186 : memref<10240x32xf32, #tpu.memory_space<vmem_shared>>)
        tpu.yield
      }) : () -> ()
    }
    %scan3A_107 = arith.constant 20 : i32
    %barrier3A_108 = arith.constant 0 : index
    tpu.barrier barrier_id(%barrier3A_108)
    %scan3A_109 = arith.constant 0 : i32
    %scan3A_110 = arith.constant 4 : i32
    %scan3A_111 = arith.addi %scan3A_109, %scan3A_110 : i32
    %scan3A_112 = arith.constant 1 : i32
    scf.for %scan3A_148 = %scan3A_109 to %scan3A_111 step %scan3A_112  : i32 {
      %mul3A_149 = arith.constant 1 : i32
      %mul3A_150 = arith.muli %scan3A_148, %mul3A_149 : i32
      %add3A = arith.constant 0 : i32
      %add3A_151 = arith.addi %add3A, %mul3A_150 : i32
      %mul3A_152 = arith.constant 160 : i32
      %mul3A_153 = arith.muli %add3A_151, %mul3A_152 : i32
      %add3A_154 = arith.addi %mul3A_0, %mul3A_153 : i32
      "tpu.region"() ({
        %run_scoped3A_158 = tpu.sem_alloc : memref<!tpu.dma_semaphore, #tpu.memory_space<semaphore_mem>>
        %dma_start3A_159 = arith.constant 0 : i32
        %dma_start3A_160 = tpu.memref_slice %arg26[%add3A_154, %dma_start3A_159] : memref<10240x32xf32, #tpu.memory_space<vmem_shared>> -> memref<160x32xf32, #tpu.memory_space<vmem_shared>>
        %dma_start3A_161 = arith.constant 0 : i32
        %dma_start3A_162 = tpu.memref_slice %arg26[%add3A_154, %dma_start3A_161] : memref<10240x32xf32, #tpu.memory_space<vmem_shared>> -> memref<160x32xf32, #tpu.memory_space<vmem_shared>>
        tpu.enqueue_dma source(%dma_start3A_162 : memref<160x32xf32, #tpu.memory_space<vmem_shared>>) target(%arg20 : memref<160x32xf32, #tpu.memory_space<vmem>>) target_semaphore(%run_scoped3A_158 : memref<!tpu.dma_semaphore, #tpu.memory_space<semaphore_mem>>)
        %dma_wait3A = arith.constant 0 : i32
        %dma_wait3A_163 = tpu.memref_slice %arg26[%add3A_154, %dma_wait3A] : memref<10240x32xf32, #tpu.memory_space<vmem_shared>> -> memref<160x32xf32, #tpu.memory_space<vmem_shared>>
        %dma_wait3A_164 = arith.constant 0 : i32
        %dma_wait3A_165 = tpu.memref_slice %arg26[%add3A_154, %dma_wait3A_164] : memref<10240x32xf32, #tpu.memory_space<vmem_shared>> -> memref<160x32xf32, #tpu.memory_space<vmem_shared>>
        tpu.wait_dma2 semaphore(%run_scoped3A_158 : memref<!tpu.dma_semaphore, #tpu.memory_space<semaphore_mem>>) src(%dma_wait3A_165 : memref<160x32xf32, #tpu.memory_space<vmem_shared>>) dst(%arg20 : memref<160x32xf32, #tpu.memory_space<vmem>>)
        tpu.yield
      }) : () -> ()
      %run_scoped3A = arith.constant 2 : i32
      "tpu.region"() ({
        %run_scoped3A_158 = tpu.sem_alloc : memref<!tpu.dma_semaphore, #tpu.memory_space<semaphore_mem>>
        %dma_start3A_159 = arith.constant 0 : i32
        %dma_start3A_160 = tpu.memref_slice %arg5[%arg0, %run_scoped3A, %add3A_154, %dma_start3A_159] : memref<2x8x10240x128xf32, #tpu.memory_space<hbm>> -> memref<1x1x160x32xf32, #tpu.memory_space<hbm>>
        %dma_start3A_161 = tpu.memref_squeeze %dma_start3A_160 : memref<1x1x160x32xf32, #tpu.memory_space<hbm>> -> memref<160x32xf32, #tpu.memory_space<hbm>>
        %dma_start3A_162 = arith.constant 0 : i32
        %dma_start3A_163 = tpu.memref_slice %arg5[%arg0, %run_scoped3A, %add3A_154, %dma_start3A_162] : memref<2x8x10240x128xf32, #tpu.memory_space<hbm>> -> memref<1x1x160x32xf32, #tpu.memory_space<hbm>>
        %dma_start3A_164 = tpu.memref_squeeze %dma_start3A_163 : memref<1x1x160x32xf32, #tpu.memory_space<hbm>> -> memref<160x32xf32, #tpu.memory_space<hbm>>
        tpu.enqueue_dma source(%dma_start3A_164 : memref<160x32xf32, #tpu.memory_space<hbm>>) target(%arg21 : memref<160x32xf32, #tpu.memory_space<vmem>>) target_semaphore(%run_scoped3A_158 : memref<!tpu.dma_semaphore, #tpu.memory_space<semaphore_mem>>)
        %dma_wait3A = arith.constant 0 : i32
        %dma_wait3A_165 = tpu.memref_slice %arg5[%arg0, %run_scoped3A, %add3A_154, %dma_wait3A] : memref<2x8x10240x128xf32, #tpu.memory_space<hbm>> -> memref<1x1x160x32xf32, #tpu.memory_space<hbm>>
        %dma_wait3A_166 = tpu.memref_squeeze %dma_wait3A_165 : memref<1x1x160x32xf32, #tpu.memory_space<hbm>> -> memref<160x32xf32, #tpu.memory_space<hbm>>
        %dma_wait3A_167 = arith.constant 0 : i32
        %dma_wait3A_168 = tpu.memref_slice %arg5[%arg0, %run_scoped3A, %add3A_154, %dma_wait3A_167] : memref<2x8x10240x128xf32, #tpu.memory_space<hbm>> -> memref<1x1x160x32xf32, #tpu.memory_space<hbm>>
        %dma_wait3A_169 = tpu.memref_squeeze %dma_wait3A_168 : memref<1x1x160x32xf32, #tpu.memory_space<hbm>> -> memref<160x32xf32, #tpu.memory_space<hbm>>
        tpu.wait_dma2 semaphore(%run_scoped3A_158 : memref<!tpu.dma_semaphore, #tpu.memory_space<semaphore_mem>>) src(%dma_wait3A_169 : memref<160x32xf32, #tpu.memory_space<hbm>>) dst(%arg21 : memref<160x32xf32, #tpu.memory_space<vmem>>)
        tpu.yield
      }) : () -> ()
      "tpu.region"() ({
        %run_scoped3A_158 = tpu.sem_alloc : memref<!tpu.dma_semaphore, #tpu.memory_space<semaphore_mem>>
        %dma_start3A_159 = arith.constant 0 : i32
        %dma_start3A_160 = tpu.memref_slice %arg10[%arg0, %add3A_154, %dma_start3A_159] : memref<2x10240x32xf32, #tpu.memory_space<hbm>> -> memref<1x160x32xf32, #tpu.memory_space<hbm>>
        %dma_start3A_161 = tpu.memref_squeeze %dma_start3A_160 : memref<1x160x32xf32, #tpu.memory_space<hbm>> -> memref<160x32xf32, #tpu.memory_space<hbm>>
        %dma_start3A_162 = arith.constant 0 : i32
        %dma_start3A_163 = tpu.memref_slice %arg10[%arg0, %add3A_154, %dma_start3A_162] : memref<2x10240x32xf32, #tpu.memory_space<hbm>> -> memref<1x160x32xf32, #tpu.memory_space<hbm>>
        %dma_start3A_164 = tpu.memref_squeeze %dma_start3A_163 : memref<1x160x32xf32, #tpu.memory_space<hbm>> -> memref<160x32xf32, #tpu.memory_space<hbm>>
        tpu.enqueue_dma source(%dma_start3A_164 : memref<160x32xf32, #tpu.memory_space<hbm>>) target(%arg22 : memref<160x32xf32, #tpu.memory_space<vmem>>) target_semaphore(%run_scoped3A_158 : memref<!tpu.dma_semaphore, #tpu.memory_space<semaphore_mem>>)
        %dma_wait3A = arith.constant 0 : i32
        %dma_wait3A_165 = tpu.memref_slice %arg10[%arg0, %add3A_154, %dma_wait3A] : memref<2x10240x32xf32, #tpu.memory_space<hbm>> -> memref<1x160x32xf32, #tpu.memory_space<hbm>>
        %dma_wait3A_166 = tpu.memref_squeeze %dma_wait3A_165 : memref<1x160x32xf32, #tpu.memory_space<hbm>> -> memref<160x32xf32, #tpu.memory_space<hbm>>
        %dma_wait3A_167 = arith.constant 0 : i32
        %dma_wait3A_168 = tpu.memref_slice %arg10[%arg0, %add3A_154, %dma_wait3A_167] : memref<2x10240x32xf32, #tpu.memory_space<hbm>> -> memref<1x160x32xf32, #tpu.memory_space<hbm>>
        %dma_wait3A_169 = tpu.memref_squeeze %dma_wait3A_168 : memref<1x160x32xf32, #tpu.memory_space<hbm>> -> memref<160x32xf32, #tpu.memory_space<hbm>>
        tpu.wait_dma2 semaphore(%run_scoped3A_158 : memref<!tpu.dma_semaphore, #tpu.memory_space<semaphore_mem>>) src(%dma_wait3A_169 : memref<160x32xf32, #tpu.memory_space<hbm>>) dst(%arg22 : memref<160x32xf32, #tpu.memory_space<vmem>>)
        tpu.yield
      }) : () -> ()
      %parallel_loop3A = arith.constant 0 : i32
      %parallel_loop3A_155 = arith.constant 160 : i32
      %parallel_loop3A_156 = arith.constant 1 : i32
      scf.for %parallel_loop3A_158 = %parallel_loop3A to %parallel_loop3A_155 step %parallel_loop3A_156  : i32 {
        %parallel_loop3A_159 = arith.constant 160 : i32
        %parallel_loop3A_160 = arith.muli %add3A_151, %parallel_loop3A_159 : i32
        %parallel_loop3A_161 = arith.addi %parallel_loop3A_160, %parallel_loop3A_158 : i32
        %parallel_loop3A_162 = vector.broadcast %parallel_loop3A_161 : i32 to vector<16xi32>
        %parallel_loop3A_163 = tpu.vector_load_idx %arg18[%parallel_loop3A_162] : memref<640xf32, #tpu.memory_space<vmem>>[vector<16xi32>], vector<16xf32>,
        %parallel_loop3A_164 = arith.constant 160 : i32
        %parallel_loop3A_165 = arith.muli %add3A_151, %parallel_loop3A_164 : i32
        %parallel_loop3A_166 = arith.addi %parallel_loop3A_165, %parallel_loop3A_158 : i32
        %parallel_loop3A_167 = vector.broadcast %parallel_loop3A_166 : i32 to vector<16xi32>
        %parallel_loop3A_168 = tpu.vector_load_idx %arg17[%parallel_loop3A_167] : memref<640xf32, #tpu.memory_space<vmem>>[vector<16xi32>], vector<16xf32>,
        %parallel_loop3A_169 = arith.index_cast %parallel_loop3A_158 : i32 to index
        %parallel_loop3A_170 = arith.constant 0 : index
        %parallel_loop3A_171 = tpu.vector_load %arg21[%parallel_loop3A_169, %parallel_loop3A_170] {strides = array<i32>} : memref<160x32xf32, #tpu.memory_space<vmem>>, vector<16xf32>,
        %parallel_loop3A_172 = arith.index_cast %parallel_loop3A_158 : i32 to index
        %parallel_loop3A_173 = arith.constant 0 : index
        %parallel_loop3A_174 = tpu.vector_load %arg20[%parallel_loop3A_172, %parallel_loop3A_173] {strides = array<i32>} : memref<160x32xf32, #tpu.memory_space<vmem>>, vector<16xf32>,
        %parallel_loop3A_175 = arith.mulf %parallel_loop3A_163, %parallel_loop3A_174 : vector<16xf32>
        %parallel_loop3A_176 = arith.subf %parallel_loop3A_171, %parallel_loop3A_175 : vector<16xf32>
        %parallel_loop3A_177 = arith.index_cast %parallel_loop3A_158 : i32 to index
        %parallel_loop3A_178 = arith.constant 0 : index
        %parallel_loop3A_179 = tpu.vector_load %arg22[%parallel_loop3A_177, %parallel_loop3A_178] {strides = array<i32>} : memref<160x32xf32, #tpu.memory_space<vmem>>, vector<16xf32>,
        %parallel_loop3A_180 = arith.subf %parallel_loop3A_176, %parallel_loop3A_179 : vector<16xf32>
        %parallel_loop3A_181 = arith.index_cast %parallel_loop3A_158 : i32 to index
        %parallel_loop3A_182 = arith.constant 0 : index
        %parallel_loop3A_183 = tpu.vector_load %arg23[%parallel_loop3A_181, %parallel_loop3A_182] {strides = array<i32>} : memref<160x32xf32, #tpu.memory_space<vmem>>, vector<16xf32>,
        tpu.vector_store %arg23[%parallel_loop3A_181, %parallel_loop3A_182], %parallel_loop3A_180 {strides = array<i32>} : memref<160x32xf32, #tpu.memory_space<vmem>>, vector<16xf32>,
        %parallel_loop3A_184 = arith.mulf %parallel_loop3A_180, %parallel_loop3A_168 : vector<16xf32>
        %parallel_loop3A_185 = arith.index_cast %parallel_loop3A_158 : i32 to index
        %parallel_loop3A_186 = arith.constant 0 : index
        %parallel_loop3A_187 = tpu.vector_load %arg24[%parallel_loop3A_185, %parallel_loop3A_186] {strides = array<i32>} : memref<160x32xf32, #tpu.memory_space<vmem>>, vector<16xf32>,
        tpu.vector_store %arg24[%parallel_loop3A_185, %parallel_loop3A_186], %parallel_loop3A_184 {strides = array<i32>} : memref<160x32xf32, #tpu.memory_space<vmem>>, vector<16xf32>,
        %parallel_loop3A_188 = arith.index_cast %parallel_loop3A_158 : i32 to index
        %parallel_loop3A_189 = arith.constant 16 : index
        %parallel_loop3A_190 = tpu.vector_load %arg21[%parallel_loop3A_188, %parallel_loop3A_189] {strides = array<i32>} : memref<160x32xf32, #tpu.memory_space<vmem>>, vector<16xf32>,
        %parallel_loop3A_191 = arith.index_cast %parallel_loop3A_158 : i32 to index
        %parallel_loop3A_192 = arith.constant 16 : index
        %parallel_loop3A_193 = tpu.vector_load %arg20[%parallel_loop3A_191, %parallel_loop3A_192] {strides = array<i32>} : memref<160x32xf32, #tpu.memory_space<vmem>>, vector<16xf32>,
        %parallel_loop3A_194 = arith.mulf %parallel_loop3A_163, %parallel_loop3A_193 : vector<16xf32>
        %parallel_loop3A_195 = arith.subf %parallel_loop3A_190, %parallel_loop3A_194 : vector<16xf32>
        %parallel_loop3A_196 = arith.index_cast %parallel_loop3A_158 : i32 to index
        %parallel_loop3A_197 = arith.constant 16 : index
        %parallel_loop3A_198 = tpu.vector_load %arg22[%parallel_loop3A_196, %parallel_loop3A_197] {strides = array<i32>} : memref<160x32xf32, #tpu.memory_space<vmem>>, vector<16xf32>,
        %parallel_loop3A_199 = arith.subf %parallel_loop3A_195, %parallel_loop3A_198 : vector<16xf32>
        %parallel_loop3A_200 = arith.index_cast %parallel_loop3A_158 : i32 to index
        %parallel_loop3A_201 = arith.constant 16 : index
        %parallel_loop3A_202 = tpu.vector_load %arg23[%parallel_loop3A_200, %parallel_loop3A_201] {strides = array<i32>} : memref<160x32xf32, #tpu.memory_space<vmem>>, vector<16xf32>,
        tpu.vector_store %arg23[%parallel_loop3A_200, %parallel_loop3A_201], %parallel_loop3A_199 {strides = array<i32>} : memref<160x32xf32, #tpu.memory_space<vmem>>, vector<16xf32>,
        %parallel_loop3A_203 = arith.mulf %parallel_loop3A_199, %parallel_loop3A_168 : vector<16xf32>
        %parallel_loop3A_204 = arith.index_cast %parallel_loop3A_158 : i32 to index
        %parallel_loop3A_205 = arith.constant 16 : index
        %parallel_loop3A_206 = tpu.vector_load %arg24[%parallel_loop3A_204, %parallel_loop3A_205] {strides = array<i32>} : memref<160x32xf32, #tpu.memory_space<vmem>>, vector<16xf32>,
        tpu.vector_store %arg24[%parallel_loop3A_204, %parallel_loop3A_205], %parallel_loop3A_203 {strides = array<i32>} : memref<160x32xf32, #tpu.memory_space<vmem>>, vector<16xf32>,
      } {sc.loop_unroll_factor = 4 : i64, sc.parallel_access}
      "tpu.region"() ({
        %run_scoped3A_158 = tpu.sem_alloc : memref<!tpu.dma_semaphore, #tpu.memory_space<semaphore_mem>>
        %dma_start3A_159 = arith.constant 0 : i32
        %dma_start3A_160 = tpu.memref_slice %arg10[%arg0, %add3A_154, %dma_start3A_159] : memref<2x10240x32xf32, #tpu.memory_space<hbm>> -> memref<1x160x32xf32, #tpu.memory_space<hbm>>
        %dma_start3A_161 = tpu.memref_squeeze %dma_start3A_160 : memref<1x160x32xf32, #tpu.memory_space<hbm>> -> memref<160x32xf32, #tpu.memory_space<hbm>>
        %dma_start3A_162 = arith.constant 0 : i32
        %dma_start3A_163 = tpu.memref_slice %arg10[%arg0, %add3A_154, %dma_start3A_162] : memref<2x10240x32xf32, #tpu.memory_space<hbm>> -> memref<1x160x32xf32, #tpu.memory_space<hbm>>
        %dma_start3A_164 = tpu.memref_squeeze %dma_start3A_163 : memref<1x160x32xf32, #tpu.memory_space<hbm>> -> memref<160x32xf32, #tpu.memory_space<hbm>>
        tpu.enqueue_dma source(%arg23 : memref<160x32xf32, #tpu.memory_space<vmem>>) target(%dma_start3A_164 : memref<160x32xf32, #tpu.memory_space<hbm>>) target_semaphore(%run_scoped3A_158 : memref<!tpu.dma_semaphore, #tpu.memory_space<semaphore_mem>>)
        %dma_wait3A = arith.constant 0 : i32
        %dma_wait3A_165 = tpu.memref_slice %arg10[%arg0, %add3A_154, %dma_wait3A] : memref<2x10240x32xf32, #tpu.memory_space<hbm>> -> memref<1x160x32xf32, #tpu.memory_space<hbm>>
        %dma_wait3A_166 = tpu.memref_squeeze %dma_wait3A_165 : memref<1x160x32xf32, #tpu.memory_space<hbm>> -> memref<160x32xf32, #tpu.memory_space<hbm>>
        %dma_wait3A_167 = arith.constant 0 : i32
        %dma_wait3A_168 = tpu.memref_slice %arg10[%arg0, %add3A_154, %dma_wait3A_167] : memref<2x10240x32xf32, #tpu.memory_space<hbm>> -> memref<1x160x32xf32, #tpu.memory_space<hbm>>
        %dma_wait3A_169 = tpu.memref_squeeze %dma_wait3A_168 : memref<1x160x32xf32, #tpu.memory_space<hbm>> -> memref<160x32xf32, #tpu.memory_space<hbm>>
        tpu.wait_dma2 semaphore(%run_scoped3A_158 : memref<!tpu.dma_semaphore, #tpu.memory_space<semaphore_mem>>) src(%arg23 : memref<160x32xf32, #tpu.memory_space<vmem>>) dst(%dma_wait3A_169 : memref<160x32xf32, #tpu.memory_space<hbm>>)
        tpu.yield
      }) : () -> ()
      %add3A_157 = arith.addi %mul3A_2, %add3A_154 : i32
      "tpu.region"() ({
        %run_scoped3A_158 = tpu.sem_alloc : memref<!tpu.dma_semaphore, #tpu.memory_space<semaphore_mem>>
        %dma_start3A_159 = arith.constant 0 : i32
        %dma_start3A_160 = tpu.memref_slice %arg8[%add3A_157, %dma_start3A_159] : memref<20480x32xf32, #tpu.memory_space<hbm>> -> memref<160x32xf32, #tpu.memory_space<hbm>>
        %dma_start3A_161 = arith.constant 0 : i32
        %dma_start3A_162 = tpu.memref_slice %arg8[%add3A_157, %dma_start3A_161] : memref<20480x32xf32, #tpu.memory_space<hbm>> -> memref<160x32xf32, #tpu.memory_space<hbm>>
        tpu.enqueue_dma source(%arg24 : memref<160x32xf32, #tpu.memory_space<vmem>>) target(%dma_start3A_162 : memref<160x32xf32, #tpu.memory_space<hbm>>) target_semaphore(%run_scoped3A_158 : memref<!tpu.dma_semaphore, #tpu.memory_space<semaphore_mem>>)
        %dma_wait3A = arith.constant 0 : i32
        %dma_wait3A_163 = tpu.memref_slice %arg8[%add3A_157, %dma_wait3A] : memref<20480x32xf32, #tpu.memory_space<hbm>> -> memref<160x32xf32, #tpu.memory_space<hbm>>
        %dma_wait3A_164 = arith.constant 0 : i32
        %dma_wait3A_165 = tpu.memref_slice %arg8[%add3A_157, %dma_wait3A_164] : memref<20480x32xf32, #tpu.memory_space<hbm>> -> memref<160x32xf32, #tpu.memory_space<hbm>>
        tpu.wait_dma2 semaphore(%run_scoped3A_158 : memref<!tpu.dma_semaphore, #tpu.memory_space<semaphore_mem>>) src(%arg24 : memref<160x32xf32, #tpu.memory_space<vmem>>) dst(%dma_wait3A_165 : memref<160x32xf32, #tpu.memory_space<hbm>>)
        tpu.yield
      }) : () -> ()
      "tpu.region"() ({
        %run_scoped3A_158 = tpu.sem_alloc : memref<!tpu.dma_semaphore, #tpu.memory_space<semaphore_mem>>
        %dma_start3A_159 = arith.constant 0 : i32
        %dma_start3A_160 = tpu.memref_slice %arg26[%add3A_154, %dma_start3A_159] : memref<10240x32xf32, #tpu.memory_space<vmem_shared>> -> memref<160x32xf32, #tpu.memory_space<vmem_shared>>
        %dma_start3A_161 = arith.constant 0 : i32
        %dma_start3A_162 = tpu.memref_slice %arg26[%add3A_154, %dma_start3A_161] : memref<10240x32xf32, #tpu.memory_space<vmem_shared>> -> memref<160x32xf32, #tpu.memory_space<vmem_shared>>
        tpu.enqueue_dma source(%arg19 : memref<160x32xf32, #tpu.memory_space<vmem>>) target(%dma_start3A_162 : memref<160x32xf32, #tpu.memory_space<vmem_shared>>) target_semaphore(%run_scoped3A_158 : memref<!tpu.dma_semaphore, #tpu.memory_space<semaphore_mem>>)
        %dma_wait3A = arith.constant 0 : i32
        %dma_wait3A_163 = tpu.memref_slice %arg26[%add3A_154, %dma_wait3A] : memref<10240x32xf32, #tpu.memory_space<vmem_shared>> -> memref<160x32xf32, #tpu.memory_space<vmem_shared>>
        %dma_wait3A_164 = arith.constant 0 : i32
        %dma_wait3A_165 = tpu.memref_slice %arg26[%add3A_154, %dma_wait3A_164] : memref<10240x32xf32, #tpu.memory_space<vmem_shared>> -> memref<160x32xf32, #tpu.memory_space<vmem_shared>>
        tpu.wait_dma2 semaphore(%run_scoped3A_158 : memref<!tpu.dma_semaphore, #tpu.memory_space<semaphore_mem>>) src(%arg19 : memref<160x32xf32, #tpu.memory_space<vmem>>) dst(%dma_wait3A_165 : memref<160x32xf32, #tpu.memory_space<vmem_shared>>)
        tpu.yield
      }) : () -> ()
    }
    %scan3A_113 = arith.constant 4 : i32
    %barrier3A_114 = arith.constant 0 : index
    tpu.barrier barrier_id(%barrier3A_114)
    %dma_start3A_115 = arith.constant 0 : i32
    %dma_start3A_116 = tpu.memref_slice %arg11[%dma_start3A_115] : memref<20480xi32, #tpu.memory_space<vmem>> -> memref<512xi32, #tpu.memory_space<vmem>>
    %dma_start3A_117 = arith.constant 0 : i32
    %dma_start3A_118 = arith.constant 0 : i32
    %dma_start3A_119 = tpu.memref_slice %arg8[%dma_start3A_117, %dma_start3A_118] : memref<20480x32xf32, #tpu.memory_space<hbm>> -> memref<20480x32xf32, #tpu.memory_space<hbm>>
    tpu.enqueue_indirect_dma source(%dma_start3A_119 : memref<20480x32xf32, #tpu.memory_space<hbm>>) target(%arg13 : memref<512x32xf32, #tpu.memory_space<vmem>>) offsets(%dma_start3A_116 : memref<512xi32, #tpu.memory_space<vmem>>) semaphore(%arg15 : memref<!tpu.dma_semaphore, #tpu.memory_space<semaphore_mem>>)
    %scan3A_120 = arith.constant 0 : i32
    %scan3A_121 = arith.constant 20 : i32
    %scan3A_122 = arith.addi %scan3A_120, %scan3A_121 : i32
    %scan3A_123 = arith.constant 1 : i32
    scf.for %scan3A_148 = %scan3A_120 to %scan3A_122 step %scan3A_123  : i32 {
      %mul3A_149 = arith.constant 2 : i32
      %mul3A_150 = arith.muli %scan3A_148, %mul3A_149 : i32
      %add3A = arith.constant 0 : i32
      %add3A_151 = arith.addi %add3A, %mul3A_150 : i32
      %add3A_152 = arith.constant 1 : i32
      %add3A_153 = arith.addi %add3A_151, %add3A_152 : i32
      %mul3A_154 = arith.constant 512 : i32
      %mul3A_155 = arith.muli %add3A_153, %mul3A_154 : i32
      %dma_start3A_156 = tpu.memref_slice %arg11[%mul3A_155] : memref<20480xi32, #tpu.memory_space<vmem>> -> memref<512xi32, #tpu.memory_space<vmem>>
      %dma_start3A_157 = arith.constant 0 : i32
      %dma_start3A_158 = arith.constant 0 : i32
      %dma_start3A_159 = tpu.memref_slice %arg8[%dma_start3A_157, %dma_start3A_158] : memref<20480x32xf32, #tpu.memory_space<hbm>> -> memref<20480x32xf32, #tpu.memory_space<hbm>>
      tpu.enqueue_indirect_dma source(%dma_start3A_159 : memref<20480x32xf32, #tpu.memory_space<hbm>>) target(%arg14 : memref<512x32xf32, #tpu.memory_space<vmem>>) offsets(%dma_start3A_156 : memref<512xi32, #tpu.memory_space<vmem>>) semaphore(%arg16 : memref<!tpu.dma_semaphore, #tpu.memory_space<semaphore_mem>>)
      %dma_wait3A = arith.constant 0 : i32
      %dma_wait3A_160 = tpu.memref_slice %arg11[%dma_wait3A] : memref<20480xi32, #tpu.memory_space<vmem>> -> memref<512xi32, #tpu.memory_space<vmem>>
      %dma_wait3A_161 = arith.constant 0 : i32
      %dma_wait3A_162 = arith.constant 0 : i32
      %dma_wait3A_163 = tpu.memref_slice %arg8[%dma_wait3A_161, %dma_wait3A_162] : memref<20480x32xf32, #tpu.memory_space<hbm>> -> memref<20480x32xf32, #tpu.memory_space<hbm>>
      tpu.wait_indirect_dma semaphore(%arg15 : memref<!tpu.dma_semaphore, #tpu.memory_space<semaphore_mem>>) src(%dma_wait3A_163 : memref<20480x32xf32, #tpu.memory_space<hbm>>) dst(%arg13 : memref<512x32xf32, #tpu.memory_space<vmem>>)
      %mul3A_164 = arith.constant 512 : i32
      %mul3A_165 = arith.muli %add3A_151, %mul3A_164 : i32
      "tpu.region"() ({
        %run_scoped3A = tpu.sem_alloc : memref<!tpu.dma_semaphore, #tpu.memory_space<semaphore_mem>>
        %dma_start3A_179 = tpu.memref_slice %arg12[%mul3A_165] : memref<20480xi32, #tpu.memory_space<vmem>> -> memref<512xi32, #tpu.memory_space<vmem>>
        %dma_start3A_180 = arith.constant 0 : i32
        %dma_start3A_181 = arith.constant 0 : i32
        %dma_start3A_182 = tpu.memref_slice %arg26[%dma_start3A_180, %dma_start3A_181] : memref<10240x32xf32, #tpu.memory_space<vmem_shared>> -> memref<10240x32xf32, #tpu.memory_space<vmem_shared>>
        tpu.enqueue_indirect_dma source(%arg13 : memref<512x32xf32, #tpu.memory_space<vmem>>) target(%dma_start3A_182 : memref<10240x32xf32, #tpu.memory_space<vmem_shared>>) offsets(%dma_start3A_179 : memref<512xi32, #tpu.memory_space<vmem>>) semaphore(%run_scoped3A : memref<!tpu.dma_semaphore, #tpu.memory_space<semaphore_mem>>) {add = true}
        %dma_wait3A_183 = tpu.memref_slice %arg12[%mul3A_165] : memref<20480xi32, #tpu.memory_space<vmem>> -> memref<512xi32, #tpu.memory_space<vmem>>
        %dma_wait3A_184 = arith.constant 0 : i32
        %dma_wait3A_185 = arith.constant 0 : i32
        %dma_wait3A_186 = tpu.memref_slice %arg26[%dma_wait3A_184, %dma_wait3A_185] : memref<10240x32xf32, #tpu.memory_space<vmem_shared>> -> memref<10240x32xf32, #tpu.memory_space<vmem_shared>>
        tpu.wait_indirect_dma semaphore(%run_scoped3A : memref<!tpu.dma_semaphore, #tpu.memory_space<semaphore_mem>>) src(%arg13 : memref<512x32xf32, #tpu.memory_space<vmem>>) dst(%dma_wait3A_186 : memref<10240x32xf32, #tpu.memory_space<vmem_shared>>)
        tpu.yield
      }) : () -> ()
      %add3A_166 = arith.constant 2 : i32
      %add3A_167 = arith.addi %add3A_151, %add3A_166 : i32
      %lt3A = arith.constant 40 : i32
      %lt3A_168 = arith.cmpi slt, %add3A_167, %lt3A : i32
      %convert_element_type3A = arith.extui %lt3A_168 : i1 to i32
      %cond3A = arith.constant 0 : i32
      %cond3A_169 = arith.cmpi ne, %convert_element_type3A, %cond3A : i32
      scf.if %cond3A_169 {
        %add3A_179 = arith.constant 2 : i32
        %add3A_180 = arith.addi %add3A_151, %add3A_179 : i32
        %mul3A_181 = arith.constant 512 : i32
        %mul3A_182 = arith.muli %add3A_180, %mul3A_181 : i32
        %dma_start3A_183 = tpu.memref_slice %arg11[%mul3A_182] : memref<20480xi32, #tpu.memory_space<vmem>> -> memref<512xi32, #tpu.memory_space<vmem>>
        %dma_start3A_184 = arith.constant 0 : i32
        %dma_start3A_185 = arith.constant 0 : i32
        %dma_start3A_186 = tpu.memref_slice %arg8[%dma_start3A_184, %dma_start3A_185] : memref<20480x32xf32, #tpu.memory_space<hbm>> -> memref<20480x32xf32, #tpu.memory_space<hbm>>
        tpu.enqueue_indirect_dma source(%dma_start3A_186 : memref<20480x32xf32, #tpu.memory_space<hbm>>) target(%arg13 : memref<512x32xf32, #tpu.memory_space<vmem>>) offsets(%dma_start3A_183 : memref<512xi32, #tpu.memory_space<vmem>>) semaphore(%arg15 : memref<!tpu.dma_semaphore, #tpu.memory_space<semaphore_mem>>)
      } else {
      }
      %dma_wait3A_170 = arith.constant 0 : i32
      %dma_wait3A_171 = tpu.memref_slice %arg11[%dma_wait3A_170] : memref<20480xi32, #tpu.memory_space<vmem>> -> memref<512xi32, #tpu.memory_space<vmem>>
      %dma_wait3A_172 = arith.constant 0 : i32
      %dma_wait3A_173 = arith.constant 0 : i32
      %dma_wait3A_174 = tpu.memref_slice %arg8[%dma_wait3A_172, %dma_wait3A_173] : memref<20480x32xf32, #tpu.memory_space<hbm>> -> memref<20480x32xf32, #tpu.memory_space<hbm>>
      tpu.wait_indirect_dma semaphore(%arg16 : memref<!tpu.dma_semaphore, #tpu.memory_space<semaphore_mem>>) src(%dma_wait3A_174 : memref<20480x32xf32, #tpu.memory_space<hbm>>) dst(%arg14 : memref<512x32xf32, #tpu.memory_space<vmem>>)
      %add3A_175 = arith.constant 1 : i32
      %add3A_176 = arith.addi %add3A_151, %add3A_175 : i32
      %mul3A_177 = arith.constant 512 : i32
      %mul3A_178 = arith.muli %add3A_176, %mul3A_177 : i32
      "tpu.region"() ({
        %run_scoped3A = tpu.sem_alloc : memref<!tpu.dma_semaphore, #tpu.memory_space<semaphore_mem>>
        %dma_start3A_179 = tpu.memref_slice %arg12[%mul3A_178] : memref<20480xi32, #tpu.memory_space<vmem>> -> memref<512xi32, #tpu.memory_space<vmem>>
        %dma_start3A_180 = arith.constant 0 : i32
        %dma_start3A_181 = arith.constant 0 : i32
        %dma_start3A_182 = tpu.memref_slice %arg26[%dma_start3A_180, %dma_start3A_181] : memref<10240x32xf32, #tpu.memory_space<vmem_shared>> -> memref<10240x32xf32, #tpu.memory_space<vmem_shared>>
        tpu.enqueue_indirect_dma source(%arg14 : memref<512x32xf32, #tpu.memory_space<vmem>>) target(%dma_start3A_182 : memref<10240x32xf32, #tpu.memory_space<vmem_shared>>) offsets(%dma_start3A_179 : memref<512xi32, #tpu.memory_space<vmem>>) semaphore(%run_scoped3A : memref<!tpu.dma_semaphore, #tpu.memory_space<semaphore_mem>>) {add = true}
        %dma_wait3A_183 = tpu.memref_slice %arg12[%mul3A_178] : memref<20480xi32, #tpu.memory_space<vmem>> -> memref<512xi32, #tpu.memory_space<vmem>>
        %dma_wait3A_184 = arith.constant 0 : i32
        %dma_wait3A_185 = arith.constant 0 : i32
        %dma_wait3A_186 = tpu.memref_slice %arg26[%dma_wait3A_184, %dma_wait3A_185] : memref<10240x32xf32, #tpu.memory_space<vmem_shared>> -> memref<10240x32xf32, #tpu.memory_space<vmem_shared>>
        tpu.wait_indirect_dma semaphore(%run_scoped3A : memref<!tpu.dma_semaphore, #tpu.memory_space<semaphore_mem>>) src(%arg14 : memref<512x32xf32, #tpu.memory_space<vmem>>) dst(%dma_wait3A_186 : memref<10240x32xf32, #tpu.memory_space<vmem_shared>>)
        tpu.yield
      }) : () -> ()
    }
    %scan3A_124 = arith.constant 20 : i32
    %barrier3A_125 = arith.constant 0 : index
    tpu.barrier barrier_id(%barrier3A_125)
    %scan3A_126 = arith.constant 0 : i32
    %scan3A_127 = arith.constant 4 : i32
    %scan3A_128 = arith.addi %scan3A_126, %scan3A_127 : i32
    %scan3A_129 = arith.constant 1 : i32
    scf.for %scan3A_148 = %scan3A_126 to %scan3A_128 step %scan3A_129  : i32 {
      %mul3A_149 = arith.constant 1 : i32
      %mul3A_150 = arith.muli %scan3A_148, %mul3A_149 : i32
      %add3A = arith.constant 0 : i32
      %add3A_151 = arith.addi %add3A, %mul3A_150 : i32
      %mul3A_152 = arith.constant 160 : i32
      %mul3A_153 = arith.muli %add3A_151, %mul3A_152 : i32
      %add3A_154 = arith.addi %mul3A_0, %mul3A_153 : i32
      "tpu.region"() ({
        %run_scoped3A_158 = tpu.sem_alloc : memref<!tpu.dma_semaphore, #tpu.memory_space<semaphore_mem>>
        %dma_start3A_159 = arith.constant 0 : i32
        %dma_start3A_160 = tpu.memref_slice %arg26[%add3A_154, %dma_start3A_159] : memref<10240x32xf32, #tpu.memory_space<vmem_shared>> -> memref<160x32xf32, #tpu.memory_space<vmem_shared>>
        %dma_start3A_161 = arith.constant 0 : i32
        %dma_start3A_162 = tpu.memref_slice %arg26[%add3A_154, %dma_start3A_161] : memref<10240x32xf32, #tpu.memory_space<vmem_shared>> -> memref<160x32xf32, #tpu.memory_space<vmem_shared>>
        tpu.enqueue_dma source(%dma_start3A_162 : memref<160x32xf32, #tpu.memory_space<vmem_shared>>) target(%arg20 : memref<160x32xf32, #tpu.memory_space<vmem>>) target_semaphore(%run_scoped3A_158 : memref<!tpu.dma_semaphore, #tpu.memory_space<semaphore_mem>>)
        %dma_wait3A = arith.constant 0 : i32
        %dma_wait3A_163 = tpu.memref_slice %arg26[%add3A_154, %dma_wait3A] : memref<10240x32xf32, #tpu.memory_space<vmem_shared>> -> memref<160x32xf32, #tpu.memory_space<vmem_shared>>
        %dma_wait3A_164 = arith.constant 0 : i32
        %dma_wait3A_165 = tpu.memref_slice %arg26[%add3A_154, %dma_wait3A_164] : memref<10240x32xf32, #tpu.memory_space<vmem_shared>> -> memref<160x32xf32, #tpu.memory_space<vmem_shared>>
        tpu.wait_dma2 semaphore(%run_scoped3A_158 : memref<!tpu.dma_semaphore, #tpu.memory_space<semaphore_mem>>) src(%dma_wait3A_165 : memref<160x32xf32, #tpu.memory_space<vmem_shared>>) dst(%arg20 : memref<160x32xf32, #tpu.memory_space<vmem>>)
        tpu.yield
      }) : () -> ()
      %run_scoped3A = arith.constant 1 : i32
      "tpu.region"() ({
        %run_scoped3A_158 = tpu.sem_alloc : memref<!tpu.dma_semaphore, #tpu.memory_space<semaphore_mem>>
        %dma_start3A_159 = arith.constant 0 : i32
        %dma_start3A_160 = tpu.memref_slice %arg5[%arg0, %run_scoped3A, %add3A_154, %dma_start3A_159] : memref<2x8x10240x128xf32, #tpu.memory_space<hbm>> -> memref<1x1x160x32xf32, #tpu.memory_space<hbm>>
        %dma_start3A_161 = tpu.memref_squeeze %dma_start3A_160 : memref<1x1x160x32xf32, #tpu.memory_space<hbm>> -> memref<160x32xf32, #tpu.memory_space<hbm>>
        %dma_start3A_162 = arith.constant 0 : i32
        %dma_start3A_163 = tpu.memref_slice %arg5[%arg0, %run_scoped3A, %add3A_154, %dma_start3A_162] : memref<2x8x10240x128xf32, #tpu.memory_space<hbm>> -> memref<1x1x160x32xf32, #tpu.memory_space<hbm>>
        %dma_start3A_164 = tpu.memref_squeeze %dma_start3A_163 : memref<1x1x160x32xf32, #tpu.memory_space<hbm>> -> memref<160x32xf32, #tpu.memory_space<hbm>>
        tpu.enqueue_dma source(%dma_start3A_164 : memref<160x32xf32, #tpu.memory_space<hbm>>) target(%arg21 : memref<160x32xf32, #tpu.memory_space<vmem>>) target_semaphore(%run_scoped3A_158 : memref<!tpu.dma_semaphore, #tpu.memory_space<semaphore_mem>>)
        %dma_wait3A = arith.constant 0 : i32
        %dma_wait3A_165 = tpu.memref_slice %arg5[%arg0, %run_scoped3A, %add3A_154, %dma_wait3A] : memref<2x8x10240x128xf32, #tpu.memory_space<hbm>> -> memref<1x1x160x32xf32, #tpu.memory_space<hbm>>
        %dma_wait3A_166 = tpu.memref_squeeze %dma_wait3A_165 : memref<1x1x160x32xf32, #tpu.memory_space<hbm>> -> memref<160x32xf32, #tpu.memory_space<hbm>>
        %dma_wait3A_167 = arith.constant 0 : i32
        %dma_wait3A_168 = tpu.memref_slice %arg5[%arg0, %run_scoped3A, %add3A_154, %dma_wait3A_167] : memref<2x8x10240x128xf32, #tpu.memory_space<hbm>> -> memref<1x1x160x32xf32, #tpu.memory_space<hbm>>
        %dma_wait3A_169 = tpu.memref_squeeze %dma_wait3A_168 : memref<1x1x160x32xf32, #tpu.memory_space<hbm>> -> memref<160x32xf32, #tpu.memory_space<hbm>>
        tpu.wait_dma2 semaphore(%run_scoped3A_158 : memref<!tpu.dma_semaphore, #tpu.memory_space<semaphore_mem>>) src(%dma_wait3A_169 : memref<160x32xf32, #tpu.memory_space<hbm>>) dst(%arg21 : memref<160x32xf32, #tpu.memory_space<vmem>>)
        tpu.yield
      }) : () -> ()
      "tpu.region"() ({
        %run_scoped3A_158 = tpu.sem_alloc : memref<!tpu.dma_semaphore, #tpu.memory_space<semaphore_mem>>
        %dma_start3A_159 = arith.constant 0 : i32
        %dma_start3A_160 = tpu.memref_slice %arg9[%arg0, %add3A_154, %dma_start3A_159] : memref<2x10240x32xf32, #tpu.memory_space<hbm>> -> memref<1x160x32xf32, #tpu.memory_space<hbm>>
        %dma_start3A_161 = tpu.memref_squeeze %dma_start3A_160 : memref<1x160x32xf32, #tpu.memory_space<hbm>> -> memref<160x32xf32, #tpu.memory_space<hbm>>
        %dma_start3A_162 = arith.constant 0 : i32
        %dma_start3A_163 = tpu.memref_slice %arg9[%arg0, %add3A_154, %dma_start3A_162] : memref<2x10240x32xf32, #tpu.memory_space<hbm>> -> memref<1x160x32xf32, #tpu.memory_space<hbm>>
        %dma_start3A_164 = tpu.memref_squeeze %dma_start3A_163 : memref<1x160x32xf32, #tpu.memory_space<hbm>> -> memref<160x32xf32, #tpu.memory_space<hbm>>
        tpu.enqueue_dma source(%dma_start3A_164 : memref<160x32xf32, #tpu.memory_space<hbm>>) target(%arg22 : memref<160x32xf32, #tpu.memory_space<vmem>>) target_semaphore(%run_scoped3A_158 : memref<!tpu.dma_semaphore, #tpu.memory_space<semaphore_mem>>)
        %dma_wait3A = arith.constant 0 : i32
        %dma_wait3A_165 = tpu.memref_slice %arg9[%arg0, %add3A_154, %dma_wait3A] : memref<2x10240x32xf32, #tpu.memory_space<hbm>> -> memref<1x160x32xf32, #tpu.memory_space<hbm>>
        %dma_wait3A_166 = tpu.memref_squeeze %dma_wait3A_165 : memref<1x160x32xf32, #tpu.memory_space<hbm>> -> memref<160x32xf32, #tpu.memory_space<hbm>>
        %dma_wait3A_167 = arith.constant 0 : i32
        %dma_wait3A_168 = tpu.memref_slice %arg9[%arg0, %add3A_154, %dma_wait3A_167] : memref<2x10240x32xf32, #tpu.memory_space<hbm>> -> memref<1x160x32xf32, #tpu.memory_space<hbm>>
        %dma_wait3A_169 = tpu.memref_squeeze %dma_wait3A_168 : memref<1x160x32xf32, #tpu.memory_space<hbm>> -> memref<160x32xf32, #tpu.memory_space<hbm>>
        tpu.wait_dma2 semaphore(%run_scoped3A_158 : memref<!tpu.dma_semaphore, #tpu.memory_space<semaphore_mem>>) src(%dma_wait3A_169 : memref<160x32xf32, #tpu.memory_space<hbm>>) dst(%arg22 : memref<160x32xf32, #tpu.memory_space<vmem>>)
        tpu.yield
      }) : () -> ()
      %parallel_loop3A = arith.constant 0 : i32
      %parallel_loop3A_155 = arith.constant 160 : i32
      %parallel_loop3A_156 = arith.constant 1 : i32
      scf.for %parallel_loop3A_158 = %parallel_loop3A to %parallel_loop3A_155 step %parallel_loop3A_156  : i32 {
        %parallel_loop3A_159 = arith.constant 160 : i32
        %parallel_loop3A_160 = arith.muli %add3A_151, %parallel_loop3A_159 : i32
        %parallel_loop3A_161 = arith.addi %parallel_loop3A_160, %parallel_loop3A_158 : i32
        %parallel_loop3A_162 = vector.broadcast %parallel_loop3A_161 : i32 to vector<16xi32>
        %parallel_loop3A_163 = tpu.vector_load_idx %arg18[%parallel_loop3A_162] : memref<640xf32, #tpu.memory_space<vmem>>[vector<16xi32>], vector<16xf32>,
        %parallel_loop3A_164 = arith.constant 160 : i32
        %parallel_loop3A_165 = arith.muli %add3A_151, %parallel_loop3A_164 : i32
        %parallel_loop3A_166 = arith.addi %parallel_loop3A_165, %parallel_loop3A_158 : i32
        %parallel_loop3A_167 = vector.broadcast %parallel_loop3A_166 : i32 to vector<16xi32>
        %parallel_loop3A_168 = tpu.vector_load_idx %arg17[%parallel_loop3A_167] : memref<640xf32, #tpu.memory_space<vmem>>[vector<16xi32>], vector<16xf32>,
        %parallel_loop3A_169 = arith.index_cast %parallel_loop3A_158 : i32 to index
        %parallel_loop3A_170 = arith.constant 0 : index
        %parallel_loop3A_171 = tpu.vector_load %arg21[%parallel_loop3A_169, %parallel_loop3A_170] {strides = array<i32>} : memref<160x32xf32, #tpu.memory_space<vmem>>, vector<16xf32>,
        %parallel_loop3A_172 = arith.index_cast %parallel_loop3A_158 : i32 to index
        %parallel_loop3A_173 = arith.constant 0 : index
        %parallel_loop3A_174 = tpu.vector_load %arg20[%parallel_loop3A_172, %parallel_loop3A_173] {strides = array<i32>} : memref<160x32xf32, #tpu.memory_space<vmem>>, vector<16xf32>,
        %parallel_loop3A_175 = arith.mulf %parallel_loop3A_163, %parallel_loop3A_174 : vector<16xf32>
        %parallel_loop3A_176 = arith.subf %parallel_loop3A_171, %parallel_loop3A_175 : vector<16xf32>
        %parallel_loop3A_177 = arith.index_cast %parallel_loop3A_158 : i32 to index
        %parallel_loop3A_178 = arith.constant 0 : index
        %parallel_loop3A_179 = tpu.vector_load %arg22[%parallel_loop3A_177, %parallel_loop3A_178] {strides = array<i32>} : memref<160x32xf32, #tpu.memory_space<vmem>>, vector<16xf32>,
        %parallel_loop3A_180 = arith.subf %parallel_loop3A_176, %parallel_loop3A_179 : vector<16xf32>
        %parallel_loop3A_181 = arith.index_cast %parallel_loop3A_158 : i32 to index
        %parallel_loop3A_182 = arith.constant 0 : index
        %parallel_loop3A_183 = tpu.vector_load %arg23[%parallel_loop3A_181, %parallel_loop3A_182] {strides = array<i32>} : memref<160x32xf32, #tpu.memory_space<vmem>>, vector<16xf32>,
        tpu.vector_store %arg23[%parallel_loop3A_181, %parallel_loop3A_182], %parallel_loop3A_180 {strides = array<i32>} : memref<160x32xf32, #tpu.memory_space<vmem>>, vector<16xf32>,
        %parallel_loop3A_184 = arith.mulf %parallel_loop3A_180, %parallel_loop3A_168 : vector<16xf32>
        %parallel_loop3A_185 = arith.index_cast %parallel_loop3A_158 : i32 to index
        %parallel_loop3A_186 = arith.constant 0 : index
        %parallel_loop3A_187 = tpu.vector_load %arg24[%parallel_loop3A_185, %parallel_loop3A_186] {strides = array<i32>} : memref<160x32xf32, #tpu.memory_space<vmem>>, vector<16xf32>,
        tpu.vector_store %arg24[%parallel_loop3A_185, %parallel_loop3A_186], %parallel_loop3A_184 {strides = array<i32>} : memref<160x32xf32, #tpu.memory_space<vmem>>, vector<16xf32>,
        %parallel_loop3A_188 = arith.index_cast %parallel_loop3A_158 : i32 to index
        %parallel_loop3A_189 = arith.constant 16 : index
        %parallel_loop3A_190 = tpu.vector_load %arg21[%parallel_loop3A_188, %parallel_loop3A_189] {strides = array<i32>} : memref<160x32xf32, #tpu.memory_space<vmem>>, vector<16xf32>,
        %parallel_loop3A_191 = arith.index_cast %parallel_loop3A_158 : i32 to index
        %parallel_loop3A_192 = arith.constant 16 : index
        %parallel_loop3A_193 = tpu.vector_load %arg20[%parallel_loop3A_191, %parallel_loop3A_192] {strides = array<i32>} : memref<160x32xf32, #tpu.memory_space<vmem>>, vector<16xf32>,
        %parallel_loop3A_194 = arith.mulf %parallel_loop3A_163, %parallel_loop3A_193 : vector<16xf32>
        %parallel_loop3A_195 = arith.subf %parallel_loop3A_190, %parallel_loop3A_194 : vector<16xf32>
        %parallel_loop3A_196 = arith.index_cast %parallel_loop3A_158 : i32 to index
        %parallel_loop3A_197 = arith.constant 16 : index
        %parallel_loop3A_198 = tpu.vector_load %arg22[%parallel_loop3A_196, %parallel_loop3A_197] {strides = array<i32>} : memref<160x32xf32, #tpu.memory_space<vmem>>, vector<16xf32>,
        %parallel_loop3A_199 = arith.subf %parallel_loop3A_195, %parallel_loop3A_198 : vector<16xf32>
        %parallel_loop3A_200 = arith.index_cast %parallel_loop3A_158 : i32 to index
        %parallel_loop3A_201 = arith.constant 16 : index
        %parallel_loop3A_202 = tpu.vector_load %arg23[%parallel_loop3A_200, %parallel_loop3A_201] {strides = array<i32>} : memref<160x32xf32, #tpu.memory_space<vmem>>, vector<16xf32>,
        tpu.vector_store %arg23[%parallel_loop3A_200, %parallel_loop3A_201], %parallel_loop3A_199 {strides = array<i32>} : memref<160x32xf32, #tpu.memory_space<vmem>>, vector<16xf32>,
        %parallel_loop3A_203 = arith.mulf %parallel_loop3A_199, %parallel_loop3A_168 : vector<16xf32>
        %parallel_loop3A_204 = arith.index_cast %parallel_loop3A_158 : i32 to index
        %parallel_loop3A_205 = arith.constant 16 : index
        %parallel_loop3A_206 = tpu.vector_load %arg24[%parallel_loop3A_204, %parallel_loop3A_205] {strides = array<i32>} : memref<160x32xf32, #tpu.memory_space<vmem>>, vector<16xf32>,
        tpu.vector_store %arg24[%parallel_loop3A_204, %parallel_loop3A_205], %parallel_loop3A_203 {strides = array<i32>} : memref<160x32xf32, #tpu.memory_space<vmem>>, vector<16xf32>,
      } {sc.loop_unroll_factor = 4 : i64, sc.parallel_access}
      "tpu.region"() ({
        %run_scoped3A_158 = tpu.sem_alloc : memref<!tpu.dma_semaphore, #tpu.memory_space<semaphore_mem>>
        %dma_start3A_159 = arith.constant 0 : i32
        %dma_start3A_160 = tpu.memref_slice %arg9[%arg0, %add3A_154, %dma_start3A_159] : memref<2x10240x32xf32, #tpu.memory_space<hbm>> -> memref<1x160x32xf32, #tpu.memory_space<hbm>>
        %dma_start3A_161 = tpu.memref_squeeze %dma_start3A_160 : memref<1x160x32xf32, #tpu.memory_space<hbm>> -> memref<160x32xf32, #tpu.memory_space<hbm>>
        %dma_start3A_162 = arith.constant 0 : i32
        %dma_start3A_163 = tpu.memref_slice %arg9[%arg0, %add3A_154, %dma_start3A_162] : memref<2x10240x32xf32, #tpu.memory_space<hbm>> -> memref<1x160x32xf32, #tpu.memory_space<hbm>>
        %dma_start3A_164 = tpu.memref_squeeze %dma_start3A_163 : memref<1x160x32xf32, #tpu.memory_space<hbm>> -> memref<160x32xf32, #tpu.memory_space<hbm>>
        tpu.enqueue_dma source(%arg23 : memref<160x32xf32, #tpu.memory_space<vmem>>) target(%dma_start3A_164 : memref<160x32xf32, #tpu.memory_space<hbm>>) target_semaphore(%run_scoped3A_158 : memref<!tpu.dma_semaphore, #tpu.memory_space<semaphore_mem>>)
        %dma_wait3A = arith.constant 0 : i32
        %dma_wait3A_165 = tpu.memref_slice %arg9[%arg0, %add3A_154, %dma_wait3A] : memref<2x10240x32xf32, #tpu.memory_space<hbm>> -> memref<1x160x32xf32, #tpu.memory_space<hbm>>
        %dma_wait3A_166 = tpu.memref_squeeze %dma_wait3A_165 : memref<1x160x32xf32, #tpu.memory_space<hbm>> -> memref<160x32xf32, #tpu.memory_space<hbm>>
        %dma_wait3A_167 = arith.constant 0 : i32
        %dma_wait3A_168 = tpu.memref_slice %arg9[%arg0, %add3A_154, %dma_wait3A_167] : memref<2x10240x32xf32, #tpu.memory_space<hbm>> -> memref<1x160x32xf32, #tpu.memory_space<hbm>>
        %dma_wait3A_169 = tpu.memref_squeeze %dma_wait3A_168 : memref<1x160x32xf32, #tpu.memory_space<hbm>> -> memref<160x32xf32, #tpu.memory_space<hbm>>
        tpu.wait_dma2 semaphore(%run_scoped3A_158 : memref<!tpu.dma_semaphore, #tpu.memory_space<semaphore_mem>>) src(%arg23 : memref<160x32xf32, #tpu.memory_space<vmem>>) dst(%dma_wait3A_169 : memref<160x32xf32, #tpu.memory_space<hbm>>)
        tpu.yield
      }) : () -> ()
      %add3A_157 = arith.addi %mul3A_2, %add3A_154 : i32
      "tpu.region"() ({
        %run_scoped3A_158 = tpu.sem_alloc : memref<!tpu.dma_semaphore, #tpu.memory_space<semaphore_mem>>
        %dma_start3A_159 = arith.constant 0 : i32
        %dma_start3A_160 = tpu.memref_slice %arg8[%add3A_157, %dma_start3A_159] : memref<20480x32xf32, #tpu.memory_space<hbm>> -> memref<160x32xf32, #tpu.memory_space<hbm>>
        %dma_start3A_161 = arith.constant 0 : i32
        %dma_start3A_162 = tpu.memref_slice %arg8[%add3A_157, %dma_start3A_161] : memref<20480x32xf32, #tpu.memory_space<hbm>> -> memref<160x32xf32, #tpu.memory_space<hbm>>
        tpu.enqueue_dma source(%arg24 : memref<160x32xf32, #tpu.memory_space<vmem>>) target(%dma_start3A_162 : memref<160x32xf32, #tpu.memory_space<hbm>>) target_semaphore(%run_scoped3A_158 : memref<!tpu.dma_semaphore, #tpu.memory_space<semaphore_mem>>)
        %dma_wait3A = arith.constant 0 : i32
        %dma_wait3A_163 = tpu.memref_slice %arg8[%add3A_157, %dma_wait3A] : memref<20480x32xf32, #tpu.memory_space<hbm>> -> memref<160x32xf32, #tpu.memory_space<hbm>>
        %dma_wait3A_164 = arith.constant 0 : i32
        %dma_wait3A_165 = tpu.memref_slice %arg8[%add3A_157, %dma_wait3A_164] : memref<20480x32xf32, #tpu.memory_space<hbm>> -> memref<160x32xf32, #tpu.memory_space<hbm>>
        tpu.wait_dma2 semaphore(%run_scoped3A_158 : memref<!tpu.dma_semaphore, #tpu.memory_space<semaphore_mem>>) src(%arg24 : memref<160x32xf32, #tpu.memory_space<vmem>>) dst(%dma_wait3A_165 : memref<160x32xf32, #tpu.memory_space<hbm>>)
        tpu.yield
      }) : () -> ()
      "tpu.region"() ({
        %run_scoped3A_158 = tpu.sem_alloc : memref<!tpu.dma_semaphore, #tpu.memory_space<semaphore_mem>>
        %dma_start3A_159 = arith.constant 0 : i32
        %dma_start3A_160 = tpu.memref_slice %arg26[%add3A_154, %dma_start3A_159] : memref<10240x32xf32, #tpu.memory_space<vmem_shared>> -> memref<160x32xf32, #tpu.memory_space<vmem_shared>>
        %dma_start3A_161 = arith.constant 0 : i32
        %dma_start3A_162 = tpu.memref_slice %arg26[%add3A_154, %dma_start3A_161] : memref<10240x32xf32, #tpu.memory_space<vmem_shared>> -> memref<160x32xf32, #tpu.memory_space<vmem_shared>>
        tpu.enqueue_dma source(%arg19 : memref<160x32xf32, #tpu.memory_space<vmem>>) target(%dma_start3A_162 : memref<160x32xf32, #tpu.memory_space<vmem_shared>>) target_semaphore(%run_scoped3A_158 : memref<!tpu.dma_semaphore, #tpu.memory_space<semaphore_mem>>)
        %dma_wait3A = arith.constant 0 : i32
        %dma_wait3A_163 = tpu.memref_slice %arg26[%add3A_154, %dma_wait3A] : memref<10240x32xf32, #tpu.memory_space<vmem_shared>> -> memref<160x32xf32, #tpu.memory_space<vmem_shared>>
        %dma_wait3A_164 = arith.constant 0 : i32
        %dma_wait3A_165 = tpu.memref_slice %arg26[%add3A_154, %dma_wait3A_164] : memref<10240x32xf32, #tpu.memory_space<vmem_shared>> -> memref<160x32xf32, #tpu.memory_space<vmem_shared>>
        tpu.wait_dma2 semaphore(%run_scoped3A_158 : memref<!tpu.dma_semaphore, #tpu.memory_space<semaphore_mem>>) src(%arg19 : memref<160x32xf32, #tpu.memory_space<vmem>>) dst(%dma_wait3A_165 : memref<160x32xf32, #tpu.memory_space<vmem_shared>>)
        tpu.yield
      }) : () -> ()
    }
    %scan3A_130 = arith.constant 4 : i32
    %barrier3A_131 = arith.constant 0 : index
    tpu.barrier barrier_id(%barrier3A_131)
    %dma_start3A_132 = arith.constant 0 : i32
    %dma_start3A_133 = tpu.memref_slice %arg11[%dma_start3A_132] : memref<20480xi32, #tpu.memory_space<vmem>> -> memref<512xi32, #tpu.memory_space<vmem>>
    %dma_start3A_134 = arith.constant 0 : i32
    %dma_start3A_135 = arith.constant 0 : i32
    %dma_start3A_136 = tpu.memref_slice %arg8[%dma_start3A_134, %dma_start3A_135] : memref<20480x32xf32, #tpu.memory_space<hbm>> -> memref<20480x32xf32, #tpu.memory_space<hbm>>
    tpu.enqueue_indirect_dma source(%dma_start3A_136 : memref<20480x32xf32, #tpu.memory_space<hbm>>) target(%arg13 : memref<512x32xf32, #tpu.memory_space<vmem>>) offsets(%dma_start3A_133 : memref<512xi32, #tpu.memory_space<vmem>>) semaphore(%arg15 : memref<!tpu.dma_semaphore, #tpu.memory_space<semaphore_mem>>)
    %scan3A_137 = arith.constant 0 : i32
    %scan3A_138 = arith.constant 20 : i32
    %scan3A_139 = arith.addi %scan3A_137, %scan3A_138 : i32
    %scan3A_140 = arith.constant 1 : i32
    scf.for %scan3A_148 = %scan3A_137 to %scan3A_139 step %scan3A_140  : i32 {
      %mul3A_149 = arith.constant 2 : i32
      %mul3A_150 = arith.muli %scan3A_148, %mul3A_149 : i32
      %add3A = arith.constant 0 : i32
      %add3A_151 = arith.addi %add3A, %mul3A_150 : i32
      %add3A_152 = arith.constant 1 : i32
      %add3A_153 = arith.addi %add3A_151, %add3A_152 : i32
      %mul3A_154 = arith.constant 512 : i32
      %mul3A_155 = arith.muli %add3A_153, %mul3A_154 : i32
      %dma_start3A_156 = tpu.memref_slice %arg11[%mul3A_155] : memref<20480xi32, #tpu.memory_space<vmem>> -> memref<512xi32, #tpu.memory_space<vmem>>
      %dma_start3A_157 = arith.constant 0 : i32
      %dma_start3A_158 = arith.constant 0 : i32
      %dma_start3A_159 = tpu.memref_slice %arg8[%dma_start3A_157, %dma_start3A_158] : memref<20480x32xf32, #tpu.memory_space<hbm>> -> memref<20480x32xf32, #tpu.memory_space<hbm>>
      tpu.enqueue_indirect_dma source(%dma_start3A_159 : memref<20480x32xf32, #tpu.memory_space<hbm>>) target(%arg14 : memref<512x32xf32, #tpu.memory_space<vmem>>) offsets(%dma_start3A_156 : memref<512xi32, #tpu.memory_space<vmem>>) semaphore(%arg16 : memref<!tpu.dma_semaphore, #tpu.memory_space<semaphore_mem>>)
      %dma_wait3A = arith.constant 0 : i32
      %dma_wait3A_160 = tpu.memref_slice %arg11[%dma_wait3A] : memref<20480xi32, #tpu.memory_space<vmem>> -> memref<512xi32, #tpu.memory_space<vmem>>
      %dma_wait3A_161 = arith.constant 0 : i32
      %dma_wait3A_162 = arith.constant 0 : i32
      %dma_wait3A_163 = tpu.memref_slice %arg8[%dma_wait3A_161, %dma_wait3A_162] : memref<20480x32xf32, #tpu.memory_space<hbm>> -> memref<20480x32xf32, #tpu.memory_space<hbm>>
      tpu.wait_indirect_dma semaphore(%arg15 : memref<!tpu.dma_semaphore, #tpu.memory_space<semaphore_mem>>) src(%dma_wait3A_163 : memref<20480x32xf32, #tpu.memory_space<hbm>>) dst(%arg13 : memref<512x32xf32, #tpu.memory_space<vmem>>)
      %mul3A_164 = arith.constant 512 : i32
      %mul3A_165 = arith.muli %add3A_151, %mul3A_164 : i32
      "tpu.region"() ({
        %run_scoped3A = tpu.sem_alloc : memref<!tpu.dma_semaphore, #tpu.memory_space<semaphore_mem>>
        %dma_start3A_179 = tpu.memref_slice %arg12[%mul3A_165] : memref<20480xi32, #tpu.memory_space<vmem>> -> memref<512xi32, #tpu.memory_space<vmem>>
        %dma_start3A_180 = arith.constant 0 : i32
        %dma_start3A_181 = arith.constant 0 : i32
        %dma_start3A_182 = tpu.memref_slice %arg26[%dma_start3A_180, %dma_start3A_181] : memref<10240x32xf32, #tpu.memory_space<vmem_shared>> -> memref<10240x32xf32, #tpu.memory_space<vmem_shared>>
        tpu.enqueue_indirect_dma source(%arg13 : memref<512x32xf32, #tpu.memory_space<vmem>>) target(%dma_start3A_182 : memref<10240x32xf32, #tpu.memory_space<vmem_shared>>) offsets(%dma_start3A_179 : memref<512xi32, #tpu.memory_space<vmem>>) semaphore(%run_scoped3A : memref<!tpu.dma_semaphore, #tpu.memory_space<semaphore_mem>>) {add = true}
        %dma_wait3A_183 = tpu.memref_slice %arg12[%mul3A_165] : memref<20480xi32, #tpu.memory_space<vmem>> -> memref<512xi32, #tpu.memory_space<vmem>>
        %dma_wait3A_184 = arith.constant 0 : i32
        %dma_wait3A_185 = arith.constant 0 : i32
        %dma_wait3A_186 = tpu.memref_slice %arg26[%dma_wait3A_184, %dma_wait3A_185] : memref<10240x32xf32, #tpu.memory_space<vmem_shared>> -> memref<10240x32xf32, #tpu.memory_space<vmem_shared>>
        tpu.wait_indirect_dma semaphore(%run_scoped3A : memref<!tpu.dma_semaphore, #tpu.memory_space<semaphore_mem>>) src(%arg13 : memref<512x32xf32, #tpu.memory_space<vmem>>) dst(%dma_wait3A_186 : memref<10240x32xf32, #tpu.memory_space<vmem_shared>>)
        tpu.yield
      }) : () -> ()
      %add3A_166 = arith.constant 2 : i32
      %add3A_167 = arith.addi %add3A_151, %add3A_166 : i32
      %lt3A = arith.constant 40 : i32
      %lt3A_168 = arith.cmpi slt, %add3A_167, %lt3A : i32
      %convert_element_type3A = arith.extui %lt3A_168 : i1 to i32
      %cond3A = arith.constant 0 : i32
      %cond3A_169 = arith.cmpi ne, %convert_element_type3A, %cond3A : i32
      scf.if %cond3A_169 {
        %add3A_179 = arith.constant 2 : i32
        %add3A_180 = arith.addi %add3A_151, %add3A_179 : i32
        %mul3A_181 = arith.constant 512 : i32
        %mul3A_182 = arith.muli %add3A_180, %mul3A_181 : i32
        %dma_start3A_183 = tpu.memref_slice %arg11[%mul3A_182] : memref<20480xi32, #tpu.memory_space<vmem>> -> memref<512xi32, #tpu.memory_space<vmem>>
        %dma_start3A_184 = arith.constant 0 : i32
        %dma_start3A_185 = arith.constant 0 : i32
        %dma_start3A_186 = tpu.memref_slice %arg8[%dma_start3A_184, %dma_start3A_185] : memref<20480x32xf32, #tpu.memory_space<hbm>> -> memref<20480x32xf32, #tpu.memory_space<hbm>>
        tpu.enqueue_indirect_dma source(%dma_start3A_186 : memref<20480x32xf32, #tpu.memory_space<hbm>>) target(%arg13 : memref<512x32xf32, #tpu.memory_space<vmem>>) offsets(%dma_start3A_183 : memref<512xi32, #tpu.memory_space<vmem>>) semaphore(%arg15 : memref<!tpu.dma_semaphore, #tpu.memory_space<semaphore_mem>>)
      } else {
      }
      %dma_wait3A_170 = arith.constant 0 : i32
      %dma_wait3A_171 = tpu.memref_slice %arg11[%dma_wait3A_170] : memref<20480xi32, #tpu.memory_space<vmem>> -> memref<512xi32, #tpu.memory_space<vmem>>
      %dma_wait3A_172 = arith.constant 0 : i32
      %dma_wait3A_173 = arith.constant 0 : i32
      %dma_wait3A_174 = tpu.memref_slice %arg8[%dma_wait3A_172, %dma_wait3A_173] : memref<20480x32xf32, #tpu.memory_space<hbm>> -> memref<20480x32xf32, #tpu.memory_space<hbm>>
      tpu.wait_indirect_dma semaphore(%arg16 : memref<!tpu.dma_semaphore, #tpu.memory_space<semaphore_mem>>) src(%dma_wait3A_174 : memref<20480x32xf32, #tpu.memory_space<hbm>>) dst(%arg14 : memref<512x32xf32, #tpu.memory_space<vmem>>)
      %add3A_175 = arith.constant 1 : i32
      %add3A_176 = arith.addi %add3A_151, %add3A_175 : i32
      %mul3A_177 = arith.constant 512 : i32
      %mul3A_178 = arith.muli %add3A_176, %mul3A_177 : i32
      "tpu.region"() ({
        %run_scoped3A = tpu.sem_alloc : memref<!tpu.dma_semaphore, #tpu.memory_space<semaphore_mem>>
        %dma_start3A_179 = tpu.memref_slice %arg12[%mul3A_178] : memref<20480xi32, #tpu.memory_space<vmem>> -> memref<512xi32, #tpu.memory_space<vmem>>
        %dma_start3A_180 = arith.constant 0 : i32
        %dma_start3A_181 = arith.constant 0 : i32
        %dma_start3A_182 = tpu.memref_slice %arg26[%dma_start3A_180, %dma_start3A_181] : memref<10240x32xf32, #tpu.memory_space<vmem_shared>> -> memref<10240x32xf32, #tpu.memory_space<vmem_shared>>
        tpu.enqueue_indirect_dma source(%arg14 : memref<512x32xf32, #tpu.memory_space<vmem>>) target(%dma_start3A_182 : memref<10240x32xf32, #tpu.memory_space<vmem_shared>>) offsets(%dma_start3A_179 : memref<512xi32, #tpu.memory_space<vmem>>) semaphore(%run_scoped3A : memref<!tpu.dma_semaphore, #tpu.memory_space<semaphore_mem>>) {add = true}
        %dma_wait3A_183 = tpu.memref_slice %arg12[%mul3A_178] : memref<20480xi32, #tpu.memory_space<vmem>> -> memref<512xi32, #tpu.memory_space<vmem>>
        %dma_wait3A_184 = arith.constant 0 : i32
        %dma_wait3A_185 = arith.constant 0 : i32
        %dma_wait3A_186 = tpu.memref_slice %arg26[%dma_wait3A_184, %dma_wait3A_185] : memref<10240x32xf32, #tpu.memory_space<vmem_shared>> -> memref<10240x32xf32, #tpu.memory_space<vmem_shared>>
        tpu.wait_indirect_dma semaphore(%run_scoped3A : memref<!tpu.dma_semaphore, #tpu.memory_space<semaphore_mem>>) src(%arg14 : memref<512x32xf32, #tpu.memory_space<vmem>>) dst(%dma_wait3A_186 : memref<10240x32xf32, #tpu.memory_space<vmem_shared>>)
        tpu.yield
      }) : () -> ()
    }
    %scan3A_141 = arith.constant 20 : i32
    %barrier3A_142 = arith.constant 0 : index
    tpu.barrier barrier_id(%barrier3A_142)
    %scan3A_143 = arith.constant 0 : i32
    %scan3A_144 = arith.constant 4 : i32
    %scan3A_145 = arith.addi %scan3A_143, %scan3A_144 : i32
    %scan3A_146 = arith.constant 1 : i32
    scf.for %scan3A_148 = %scan3A_143 to %scan3A_145 step %scan3A_146  : i32 {
      %mul3A_149 = arith.constant 1 : i32
      %mul3A_150 = arith.muli %scan3A_148, %mul3A_149 : i32
      %add3A = arith.constant 0 : i32
      %add3A_151 = arith.addi %add3A, %mul3A_150 : i32
      %mul3A_152 = arith.constant 160 : i32
      %mul3A_153 = arith.muli %add3A_151, %mul3A_152 : i32
      %add3A_154 = arith.addi %mul3A_0, %mul3A_153 : i32
      "tpu.region"() ({
        %run_scoped3A_159 = tpu.sem_alloc : memref<!tpu.dma_semaphore, #tpu.memory_space<semaphore_mem>>
        %dma_start3A_160 = arith.constant 0 : i32
        %dma_start3A_161 = tpu.memref_slice %arg26[%add3A_154, %dma_start3A_160] : memref<10240x32xf32, #tpu.memory_space<vmem_shared>> -> memref<160x32xf32, #tpu.memory_space<vmem_shared>>
        %dma_start3A_162 = arith.constant 0 : i32
        %dma_start3A_163 = tpu.memref_slice %arg26[%add3A_154, %dma_start3A_162] : memref<10240x32xf32, #tpu.memory_space<vmem_shared>> -> memref<160x32xf32, #tpu.memory_space<vmem_shared>>
        tpu.enqueue_dma source(%dma_start3A_163 : memref<160x32xf32, #tpu.memory_space<vmem_shared>>) target(%arg20 : memref<160x32xf32, #tpu.memory_space<vmem>>) target_semaphore(%run_scoped3A_159 : memref<!tpu.dma_semaphore, #tpu.memory_space<semaphore_mem>>)
        %dma_wait3A = arith.constant 0 : i32
        %dma_wait3A_164 = tpu.memref_slice %arg26[%add3A_154, %dma_wait3A] : memref<10240x32xf32, #tpu.memory_space<vmem_shared>> -> memref<160x32xf32, #tpu.memory_space<vmem_shared>>
        %dma_wait3A_165 = arith.constant 0 : i32
        %dma_wait3A_166 = tpu.memref_slice %arg26[%add3A_154, %dma_wait3A_165] : memref<10240x32xf32, #tpu.memory_space<vmem_shared>> -> memref<160x32xf32, #tpu.memory_space<vmem_shared>>
        tpu.wait_dma2 semaphore(%run_scoped3A_159 : memref<!tpu.dma_semaphore, #tpu.memory_space<semaphore_mem>>) src(%dma_wait3A_166 : memref<160x32xf32, #tpu.memory_space<vmem_shared>>) dst(%arg20 : memref<160x32xf32, #tpu.memory_space<vmem>>)
        tpu.yield
      }) : () -> ()
      %run_scoped3A = arith.constant 0 : i32
      "tpu.region"() ({
        %run_scoped3A_159 = tpu.sem_alloc : memref<!tpu.dma_semaphore, #tpu.memory_space<semaphore_mem>>
        %dma_start3A_160 = arith.constant 0 : i32
        %dma_start3A_161 = tpu.memref_slice %arg5[%arg0, %run_scoped3A, %add3A_154, %dma_start3A_160] : memref<2x8x10240x128xf32, #tpu.memory_space<hbm>> -> memref<1x1x160x32xf32, #tpu.memory_space<hbm>>
        %dma_start3A_162 = tpu.memref_squeeze %dma_start3A_161 : memref<1x1x160x32xf32, #tpu.memory_space<hbm>> -> memref<160x32xf32, #tpu.memory_space<hbm>>
        %dma_start3A_163 = arith.constant 0 : i32
        %dma_start3A_164 = tpu.memref_slice %arg5[%arg0, %run_scoped3A, %add3A_154, %dma_start3A_163] : memref<2x8x10240x128xf32, #tpu.memory_space<hbm>> -> memref<1x1x160x32xf32, #tpu.memory_space<hbm>>
        %dma_start3A_165 = tpu.memref_squeeze %dma_start3A_164 : memref<1x1x160x32xf32, #tpu.memory_space<hbm>> -> memref<160x32xf32, #tpu.memory_space<hbm>>
        tpu.enqueue_dma source(%dma_start3A_165 : memref<160x32xf32, #tpu.memory_space<hbm>>) target(%arg21 : memref<160x32xf32, #tpu.memory_space<vmem>>) target_semaphore(%run_scoped3A_159 : memref<!tpu.dma_semaphore, #tpu.memory_space<semaphore_mem>>)
        %dma_wait3A = arith.constant 0 : i32
        %dma_wait3A_166 = tpu.memref_slice %arg5[%arg0, %run_scoped3A, %add3A_154, %dma_wait3A] : memref<2x8x10240x128xf32, #tpu.memory_space<hbm>> -> memref<1x1x160x32xf32, #tpu.memory_space<hbm>>
        %dma_wait3A_167 = tpu.memref_squeeze %dma_wait3A_166 : memref<1x1x160x32xf32, #tpu.memory_space<hbm>> -> memref<160x32xf32, #tpu.memory_space<hbm>>
        %dma_wait3A_168 = arith.constant 0 : i32
        %dma_wait3A_169 = tpu.memref_slice %arg5[%arg0, %run_scoped3A, %add3A_154, %dma_wait3A_168] : memref<2x8x10240x128xf32, #tpu.memory_space<hbm>> -> memref<1x1x160x32xf32, #tpu.memory_space<hbm>>
        %dma_wait3A_170 = tpu.memref_squeeze %dma_wait3A_169 : memref<1x1x160x32xf32, #tpu.memory_space<hbm>> -> memref<160x32xf32, #tpu.memory_space<hbm>>
        tpu.wait_dma2 semaphore(%run_scoped3A_159 : memref<!tpu.dma_semaphore, #tpu.memory_space<semaphore_mem>>) src(%dma_wait3A_170 : memref<160x32xf32, #tpu.memory_space<hbm>>) dst(%arg21 : memref<160x32xf32, #tpu.memory_space<vmem>>)
        tpu.yield
      }) : () -> ()
      "tpu.region"() ({
        %run_scoped3A_159 = tpu.sem_alloc : memref<!tpu.dma_semaphore, #tpu.memory_space<semaphore_mem>>
        %dma_start3A_160 = arith.constant 0 : i32
        %dma_start3A_161 = tpu.memref_slice %arg10[%arg0, %add3A_154, %dma_start3A_160] : memref<2x10240x32xf32, #tpu.memory_space<hbm>> -> memref<1x160x32xf32, #tpu.memory_space<hbm>>
        %dma_start3A_162 = tpu.memref_squeeze %dma_start3A_161 : memref<1x160x32xf32, #tpu.memory_space<hbm>> -> memref<160x32xf32, #tpu.memory_space<hbm>>
        %dma_start3A_163 = arith.constant 0 : i32
        %dma_start3A_164 = tpu.memref_slice %arg10[%arg0, %add3A_154, %dma_start3A_163] : memref<2x10240x32xf32, #tpu.memory_space<hbm>> -> memref<1x160x32xf32, #tpu.memory_space<hbm>>
        %dma_start3A_165 = tpu.memref_squeeze %dma_start3A_164 : memref<1x160x32xf32, #tpu.memory_space<hbm>> -> memref<160x32xf32, #tpu.memory_space<hbm>>
        tpu.enqueue_dma source(%dma_start3A_165 : memref<160x32xf32, #tpu.memory_space<hbm>>) target(%arg22 : memref<160x32xf32, #tpu.memory_space<vmem>>) target_semaphore(%run_scoped3A_159 : memref<!tpu.dma_semaphore, #tpu.memory_space<semaphore_mem>>)
        %dma_wait3A = arith.constant 0 : i32
        %dma_wait3A_166 = tpu.memref_slice %arg10[%arg0, %add3A_154, %dma_wait3A] : memref<2x10240x32xf32, #tpu.memory_space<hbm>> -> memref<1x160x32xf32, #tpu.memory_space<hbm>>
        %dma_wait3A_167 = tpu.memref_squeeze %dma_wait3A_166 : memref<1x160x32xf32, #tpu.memory_space<hbm>> -> memref<160x32xf32, #tpu.memory_space<hbm>>
        %dma_wait3A_168 = arith.constant 0 : i32
        %dma_wait3A_169 = tpu.memref_slice %arg10[%arg0, %add3A_154, %dma_wait3A_168] : memref<2x10240x32xf32, #tpu.memory_space<hbm>> -> memref<1x160x32xf32, #tpu.memory_space<hbm>>
        %dma_wait3A_170 = tpu.memref_squeeze %dma_wait3A_169 : memref<1x160x32xf32, #tpu.memory_space<hbm>> -> memref<160x32xf32, #tpu.memory_space<hbm>>
        tpu.wait_dma2 semaphore(%run_scoped3A_159 : memref<!tpu.dma_semaphore, #tpu.memory_space<semaphore_mem>>) src(%dma_wait3A_170 : memref<160x32xf32, #tpu.memory_space<hbm>>) dst(%arg22 : memref<160x32xf32, #tpu.memory_space<vmem>>)
        tpu.yield
      }) : () -> ()
      %parallel_loop3A = arith.constant 0 : i32
      %parallel_loop3A_155 = arith.constant 160 : i32
      %parallel_loop3A_156 = arith.constant 1 : i32
      scf.for %parallel_loop3A_159 = %parallel_loop3A to %parallel_loop3A_155 step %parallel_loop3A_156  : i32 {
        %parallel_loop3A_160 = arith.constant 160 : i32
        %parallel_loop3A_161 = arith.muli %add3A_151, %parallel_loop3A_160 : i32
        %parallel_loop3A_162 = arith.addi %parallel_loop3A_161, %parallel_loop3A_159 : i32
        %parallel_loop3A_163 = vector.broadcast %parallel_loop3A_162 : i32 to vector<16xi32>
        %parallel_loop3A_164 = tpu.vector_load_idx %arg17[%parallel_loop3A_163] : memref<640xf32, #tpu.memory_space<vmem>>[vector<16xi32>], vector<16xf32>,
        %parallel_loop3A_165 = arith.index_cast %parallel_loop3A_159 : i32 to index
        %parallel_loop3A_166 = arith.constant 0 : index
        %parallel_loop3A_167 = tpu.vector_load %arg21[%parallel_loop3A_165, %parallel_loop3A_166] {strides = array<i32>} : memref<160x32xf32, #tpu.memory_space<vmem>>, vector<16xf32>,
        %parallel_loop3A_168 = arith.index_cast %parallel_loop3A_159 : i32 to index
        %parallel_loop3A_169 = arith.constant 0 : index
        %parallel_loop3A_170 = tpu.vector_load %arg20[%parallel_loop3A_168, %parallel_loop3A_169] {strides = array<i32>} : memref<160x32xf32, #tpu.memory_space<vmem>>, vector<16xf32>,
        %parallel_loop3A_171 = arith.mulf %parallel_loop3A_164, %parallel_loop3A_170 : vector<16xf32>
        %parallel_loop3A_172 = arith.subf %parallel_loop3A_167, %parallel_loop3A_171 : vector<16xf32>
        %parallel_loop3A_173 = arith.index_cast %parallel_loop3A_159 : i32 to index
        %parallel_loop3A_174 = arith.constant 0 : index
        %parallel_loop3A_175 = tpu.vector_load %arg22[%parallel_loop3A_173, %parallel_loop3A_174] {strides = array<i32>} : memref<160x32xf32, #tpu.memory_space<vmem>>, vector<16xf32>,
        %parallel_loop3A_176 = arith.subf %parallel_loop3A_172, %parallel_loop3A_175 : vector<16xf32>
        %parallel_loop3A_177 = arith.constant 0 : index
        %parallel_loop3A_178 = tpu.vector_load %arg25[%parallel_loop3A_177] {strides = array<i32>} : memref<32xf32, #tpu.memory_space<vmem>>, vector<16xf32>,
        %parallel_loop3A_179 = arith.addf %parallel_loop3A_176, %parallel_loop3A_178 : vector<16xf32>
        %parallel_loop3A_180 = arith.constant 0.000000e+00 : f32
        %parallel_loop3A_181 = vector.broadcast %parallel_loop3A_180 : f32 to vector<16xf32>
        %parallel_loop3A_182 = arith.cmpf ogt, %parallel_loop3A_179, %parallel_loop3A_181 : vector<16xf32>
        %parallel_loop3A_183 = math.exp %parallel_loop3A_179 : vector<16xf32>
        %parallel_loop3A_184 = arith.constant 1.000000e+00 : f32
        %parallel_loop3A_185 = vector.broadcast %parallel_loop3A_184 : f32 to vector<16xf32>
        %parallel_loop3A_186 = arith.subf %parallel_loop3A_183, %parallel_loop3A_185 : vector<16xf32>
        %parallel_loop3A_187 = arith.select %parallel_loop3A_182, %parallel_loop3A_179, %parallel_loop3A_186 : vector<16xi1>, vector<16xf32>
        %parallel_loop3A_188 = arith.index_cast %parallel_loop3A_159 : i32 to index
        %parallel_loop3A_189 = arith.constant 0 : index
        %parallel_loop3A_190 = tpu.vector_load %arg23[%parallel_loop3A_188, %parallel_loop3A_189] {strides = array<i32>} : memref<160x32xf32, #tpu.memory_space<vmem>>, vector<16xf32>,
        tpu.vector_store %arg23[%parallel_loop3A_188, %parallel_loop3A_189], %parallel_loop3A_187 {strides = array<i32>} : memref<160x32xf32, #tpu.memory_space<vmem>>, vector<16xf32>,
        %parallel_loop3A_191 = arith.index_cast %parallel_loop3A_159 : i32 to index
        %parallel_loop3A_192 = arith.constant 16 : index
        %parallel_loop3A_193 = tpu.vector_load %arg21[%parallel_loop3A_191, %parallel_loop3A_192] {strides = array<i32>} : memref<160x32xf32, #tpu.memory_space<vmem>>, vector<16xf32>,
        %parallel_loop3A_194 = arith.index_cast %parallel_loop3A_159 : i32 to index
        %parallel_loop3A_195 = arith.constant 16 : index
        %parallel_loop3A_196 = tpu.vector_load %arg20[%parallel_loop3A_194, %parallel_loop3A_195] {strides = array<i32>} : memref<160x32xf32, #tpu.memory_space<vmem>>, vector<16xf32>,
        %parallel_loop3A_197 = arith.mulf %parallel_loop3A_164, %parallel_loop3A_196 : vector<16xf32>
        %parallel_loop3A_198 = arith.subf %parallel_loop3A_193, %parallel_loop3A_197 : vector<16xf32>
        %parallel_loop3A_199 = arith.index_cast %parallel_loop3A_159 : i32 to index
        %parallel_loop3A_200 = arith.constant 16 : index
        %parallel_loop3A_201 = tpu.vector_load %arg22[%parallel_loop3A_199, %parallel_loop3A_200] {strides = array<i32>} : memref<160x32xf32, #tpu.memory_space<vmem>>, vector<16xf32>,
        %parallel_loop3A_202 = arith.subf %parallel_loop3A_198, %parallel_loop3A_201 : vector<16xf32>
        %parallel_loop3A_203 = arith.constant 16 : index
        %parallel_loop3A_204 = tpu.vector_load %arg25[%parallel_loop3A_203] {strides = array<i32>} : memref<32xf32, #tpu.memory_space<vmem>>, vector<16xf32>,
        %parallel_loop3A_205 = arith.addf %parallel_loop3A_202, %parallel_loop3A_204 : vector<16xf32>
        %parallel_loop3A_206 = arith.constant 0.000000e+00 : f32
        %parallel_loop3A_207 = vector.broadcast %parallel_loop3A_206 : f32 to vector<16xf32>
        %parallel_loop3A_208 = arith.cmpf ogt, %parallel_loop3A_205, %parallel_loop3A_207 : vector<16xf32>
        %parallel_loop3A_209 = math.exp %parallel_loop3A_205 : vector<16xf32>
        %parallel_loop3A_210 = arith.constant 1.000000e+00 : f32
        %parallel_loop3A_211 = vector.broadcast %parallel_loop3A_210 : f32 to vector<16xf32>
        %parallel_loop3A_212 = arith.subf %parallel_loop3A_209, %parallel_loop3A_211 : vector<16xf32>
        %parallel_loop3A_213 = arith.select %parallel_loop3A_208, %parallel_loop3A_205, %parallel_loop3A_212 : vector<16xi1>, vector<16xf32>
        %parallel_loop3A_214 = arith.index_cast %parallel_loop3A_159 : i32 to index
        %parallel_loop3A_215 = arith.constant 16 : index
        %parallel_loop3A_216 = tpu.vector_load %arg23[%parallel_loop3A_214, %parallel_loop3A_215] {strides = array<i32>} : memref<160x32xf32, #tpu.memory_space<vmem>>, vector<16xf32>,
        tpu.vector_store %arg23[%parallel_loop3A_214, %parallel_loop3A_215], %parallel_loop3A_213 {strides = array<i32>} : memref<160x32xf32, #tpu.memory_space<vmem>>, vector<16xf32>,
      } {sc.loop_unroll_factor = 4 : i64, sc.parallel_access}
      %mul3A_157 = arith.constant 32 : i32
      %mul3A_158 = arith.muli %arg0, %mul3A_157 : i32
      "tpu.region"() ({
        %run_scoped3A_159 = tpu.sem_alloc : memref<!tpu.dma_semaphore, #tpu.memory_space<semaphore_mem>>
        %dma_start3A_160 = tpu.memref_slice %arg7[%add3A_154, %mul3A_158] : memref<10240x64xf32, #tpu.memory_space<hbm>> -> memref<160x32xf32, #tpu.memory_space<hbm>>
        %dma_start3A_161 = tpu.memref_slice %arg7[%add3A_154, %mul3A_158] : memref<10240x64xf32, #tpu.memory_space<hbm>> -> memref<160x32xf32, #tpu.memory_space<hbm>>
        tpu.enqueue_dma source(%arg23 : memref<160x32xf32, #tpu.memory_space<vmem>>) target(%dma_start3A_161 : memref<160x32xf32, #tpu.memory_space<hbm>>) target_semaphore(%run_scoped3A_159 : memref<!tpu.dma_semaphore, #tpu.memory_space<semaphore_mem>>)
        %dma_wait3A = tpu.memref_slice %arg7[%add3A_154, %mul3A_158] : memref<10240x64xf32, #tpu.memory_space<hbm>> -> memref<160x32xf32, #tpu.memory_space<hbm>>
        %dma_wait3A_162 = tpu.memref_slice %arg7[%add3A_154, %mul3A_158] : memref<10240x64xf32, #tpu.memory_space<hbm>> -> memref<160x32xf32, #tpu.memory_space<hbm>>
        tpu.wait_dma2 semaphore(%run_scoped3A_159 : memref<!tpu.dma_semaphore, #tpu.memory_space<semaphore_mem>>) src(%arg23 : memref<160x32xf32, #tpu.memory_space<vmem>>) dst(%dma_wait3A_162 : memref<160x32xf32, #tpu.memory_space<hbm>>)
        tpu.yield
      }) : () -> ()
    }
    %scan3A_147 = arith.constant 4 : i32
    return
  }
}

module attributes {stable_mosaic.version = 14 : i64} {
  func.func @_mm_body(%arg0: i32, %arg1: memref<1024x128xf32, #tpu.memory_space<vmem>>, %arg2: memref<128x512xf32, #tpu.memory_space<vmem>>, %arg3: memref<2x8x1024x128xf32, #tpu.memory_space<vmem>>) attributes {dimension_semantics = [#tpu.dimension_semantics<arbitrary>], iteration_bounds = array<i64: 10>, scalar_prefetch = 0 : i64, scratch_operands = 0 : i64, tpu.core_type = #tpu.core_type<tc>, window_params = [{transform_indices = @transform_0, window_bounds = array<i64: 1024, 128>}, {pipeline_mode = #tpu.pipeline_mode<synchronous>, transform_indices = @transform_1, window_bounds = array<i64: 128, 512>}, {transform_indices = @transform_2, window_bounds = array<i64: 2, 8, 1024, 128>}]} {
    %get3A = arith.constant 0 : index
    %get3A_0 = arith.constant 0 : index
    %get3A_1 = vector.load %arg1[%get3A, %get3A_0] : memref<1024x128xf32, #tpu.memory_space<vmem>>, vector<1024x128xf32>
    %get3A_2 = arith.constant 0 : index
    %get3A_3 = arith.constant 0 : index
    %get3A_4 = vector.load %arg2[%get3A_2, %get3A_3] : memref<128x512xf32, #tpu.memory_space<vmem>>, vector<128x512xf32>
    %dot_general3A = arith.constant dense<0.000000e+00> : vector<1024x512xf32>
    %dot_general3A_5 = tpu.matmul %get3A_1, %get3A_4, %dot_general3A {dimension_numbers = #tpu.dot_dimension_numbers<[1], [0], [0], [1], [0, 0, 1, 1], [], []>, precision = #tpu.contract_precision<fp32>, transpose_lhs_hint = false} : vector<1024x128xf32>, vector<128x512xf32>, vector<1024x512xf32> -> vector<1024x512xf32>
    %slice3A = vector.extract_strided_slice %dot_general3A_5 {offsets = [0, 0], sizes = [1024, 32], strides = [1, 1]} : vector<1024x512xf32> to vector<1024x32xf32>
    %swap3A = arith.constant 0 : index
    %swap3A_6 = arith.constant 0 : index
    %swap3A_7 = arith.constant 0 : index
    %swap3A_8 = arith.constant 0 : index
    %swap3A_9 = vector.load %arg3[%swap3A, %swap3A_6, %swap3A_7, %swap3A_8] : memref<2x8x1024x128xf32, #tpu.memory_space<vmem>>, vector<1x1x1024x32xf32>
    %swap3A_10 = vector.shape_cast %swap3A_9 : vector<1x1x1024x32xf32> to vector<1024x32xf32>
    %swap3A_11 = vector.shape_cast %slice3A : vector<1024x32xf32> to vector<1x1x1024x32xf32>
    tpu.vector_store %arg3[%swap3A, %swap3A_6, %swap3A_7, %swap3A_8], %swap3A_11 {strides = array<i32>} : memref<2x8x1024x128xf32, #tpu.memory_space<vmem>>, vector<1x1x1024x32xf32>,
    %slice3A_12 = vector.extract_strided_slice %dot_general3A_5 {offsets = [0, 32], sizes = [1024, 32], strides = [1, 1]} : vector<1024x512xf32> to vector<1024x32xf32>
    %swap3A_13 = arith.constant 0 : index
    %swap3A_14 = arith.constant 1 : index
    %swap3A_15 = arith.constant 0 : index
    %swap3A_16 = arith.constant 0 : index
    %swap3A_17 = vector.load %arg3[%swap3A_13, %swap3A_14, %swap3A_15, %swap3A_16] : memref<2x8x1024x128xf32, #tpu.memory_space<vmem>>, vector<1x1x1024x32xf32>
    %swap3A_18 = vector.shape_cast %swap3A_17 : vector<1x1x1024x32xf32> to vector<1024x32xf32>
    %swap3A_19 = vector.shape_cast %slice3A_12 : vector<1024x32xf32> to vector<1x1x1024x32xf32>
    tpu.vector_store %arg3[%swap3A_13, %swap3A_14, %swap3A_15, %swap3A_16], %swap3A_19 {strides = array<i32>} : memref<2x8x1024x128xf32, #tpu.memory_space<vmem>>, vector<1x1x1024x32xf32>,
    %slice3A_20 = vector.extract_strided_slice %dot_general3A_5 {offsets = [0, 64], sizes = [1024, 32], strides = [1, 1]} : vector<1024x512xf32> to vector<1024x32xf32>
    %swap3A_21 = arith.constant 0 : index
    %swap3A_22 = arith.constant 2 : index
    %swap3A_23 = arith.constant 0 : index
    %swap3A_24 = arith.constant 0 : index
    %swap3A_25 = vector.load %arg3[%swap3A_21, %swap3A_22, %swap3A_23, %swap3A_24] : memref<2x8x1024x128xf32, #tpu.memory_space<vmem>>, vector<1x1x1024x32xf32>
    %swap3A_26 = vector.shape_cast %swap3A_25 : vector<1x1x1024x32xf32> to vector<1024x32xf32>
    %swap3A_27 = vector.shape_cast %slice3A_20 : vector<1024x32xf32> to vector<1x1x1024x32xf32>
    tpu.vector_store %arg3[%swap3A_21, %swap3A_22, %swap3A_23, %swap3A_24], %swap3A_27 {strides = array<i32>} : memref<2x8x1024x128xf32, #tpu.memory_space<vmem>>, vector<1x1x1024x32xf32>,
    %slice3A_28 = vector.extract_strided_slice %dot_general3A_5 {offsets = [0, 96], sizes = [1024, 32], strides = [1, 1]} : vector<1024x512xf32> to vector<1024x32xf32>
    %swap3A_29 = arith.constant 0 : index
    %swap3A_30 = arith.constant 3 : index
    %swap3A_31 = arith.constant 0 : index
    %swap3A_32 = arith.constant 0 : index
    %swap3A_33 = vector.load %arg3[%swap3A_29, %swap3A_30, %swap3A_31, %swap3A_32] : memref<2x8x1024x128xf32, #tpu.memory_space<vmem>>, vector<1x1x1024x32xf32>
    %swap3A_34 = vector.shape_cast %swap3A_33 : vector<1x1x1024x32xf32> to vector<1024x32xf32>
    %swap3A_35 = vector.shape_cast %slice3A_28 : vector<1024x32xf32> to vector<1x1x1024x32xf32>
    tpu.vector_store %arg3[%swap3A_29, %swap3A_30, %swap3A_31, %swap3A_32], %swap3A_35 {strides = array<i32>} : memref<2x8x1024x128xf32, #tpu.memory_space<vmem>>, vector<1x1x1024x32xf32>,
    %slice3A_36 = vector.extract_strided_slice %dot_general3A_5 {offsets = [0, 128], sizes = [1024, 32], strides = [1, 1]} : vector<1024x512xf32> to vector<1024x32xf32>
    %swap3A_37 = arith.constant 0 : index
    %swap3A_38 = arith.constant 4 : index
    %swap3A_39 = arith.constant 0 : index
    %swap3A_40 = arith.constant 0 : index
    %swap3A_41 = vector.load %arg3[%swap3A_37, %swap3A_38, %swap3A_39, %swap3A_40] : memref<2x8x1024x128xf32, #tpu.memory_space<vmem>>, vector<1x1x1024x32xf32>
    %swap3A_42 = vector.shape_cast %swap3A_41 : vector<1x1x1024x32xf32> to vector<1024x32xf32>
    %swap3A_43 = vector.shape_cast %slice3A_36 : vector<1024x32xf32> to vector<1x1x1024x32xf32>
    tpu.vector_store %arg3[%swap3A_37, %swap3A_38, %swap3A_39, %swap3A_40], %swap3A_43 {strides = array<i32>} : memref<2x8x1024x128xf32, #tpu.memory_space<vmem>>, vector<1x1x1024x32xf32>,
    %slice3A_44 = vector.extract_strided_slice %dot_general3A_5 {offsets = [0, 160], sizes = [1024, 32], strides = [1, 1]} : vector<1024x512xf32> to vector<1024x32xf32>
    %swap3A_45 = arith.constant 0 : index
    %swap3A_46 = arith.constant 5 : index
    %swap3A_47 = arith.constant 0 : index
    %swap3A_48 = arith.constant 0 : index
    %swap3A_49 = vector.load %arg3[%swap3A_45, %swap3A_46, %swap3A_47, %swap3A_48] : memref<2x8x1024x128xf32, #tpu.memory_space<vmem>>, vector<1x1x1024x32xf32>
    %swap3A_50 = vector.shape_cast %swap3A_49 : vector<1x1x1024x32xf32> to vector<1024x32xf32>
    %swap3A_51 = vector.shape_cast %slice3A_44 : vector<1024x32xf32> to vector<1x1x1024x32xf32>
    tpu.vector_store %arg3[%swap3A_45, %swap3A_46, %swap3A_47, %swap3A_48], %swap3A_51 {strides = array<i32>} : memref<2x8x1024x128xf32, #tpu.memory_space<vmem>>, vector<1x1x1024x32xf32>,
    %slice3A_52 = vector.extract_strided_slice %dot_general3A_5 {offsets = [0, 192], sizes = [1024, 32], strides = [1, 1]} : vector<1024x512xf32> to vector<1024x32xf32>
    %swap3A_53 = arith.constant 0 : index
    %swap3A_54 = arith.constant 6 : index
    %swap3A_55 = arith.constant 0 : index
    %swap3A_56 = arith.constant 0 : index
    %swap3A_57 = vector.load %arg3[%swap3A_53, %swap3A_54, %swap3A_55, %swap3A_56] : memref<2x8x1024x128xf32, #tpu.memory_space<vmem>>, vector<1x1x1024x32xf32>
    %swap3A_58 = vector.shape_cast %swap3A_57 : vector<1x1x1024x32xf32> to vector<1024x32xf32>
    %swap3A_59 = vector.shape_cast %slice3A_52 : vector<1024x32xf32> to vector<1x1x1024x32xf32>
    tpu.vector_store %arg3[%swap3A_53, %swap3A_54, %swap3A_55, %swap3A_56], %swap3A_59 {strides = array<i32>} : memref<2x8x1024x128xf32, #tpu.memory_space<vmem>>, vector<1x1x1024x32xf32>,
    %slice3A_60 = vector.extract_strided_slice %dot_general3A_5 {offsets = [0, 224], sizes = [1024, 32], strides = [1, 1]} : vector<1024x512xf32> to vector<1024x32xf32>
    %swap3A_61 = arith.constant 0 : index
    %swap3A_62 = arith.constant 7 : index
    %swap3A_63 = arith.constant 0 : index
    %swap3A_64 = arith.constant 0 : index
    %swap3A_65 = vector.load %arg3[%swap3A_61, %swap3A_62, %swap3A_63, %swap3A_64] : memref<2x8x1024x128xf32, #tpu.memory_space<vmem>>, vector<1x1x1024x32xf32>
    %swap3A_66 = vector.shape_cast %swap3A_65 : vector<1x1x1024x32xf32> to vector<1024x32xf32>
    %swap3A_67 = vector.shape_cast %slice3A_60 : vector<1024x32xf32> to vector<1x1x1024x32xf32>
    tpu.vector_store %arg3[%swap3A_61, %swap3A_62, %swap3A_63, %swap3A_64], %swap3A_67 {strides = array<i32>} : memref<2x8x1024x128xf32, #tpu.memory_space<vmem>>, vector<1x1x1024x32xf32>,
    %slice3A_68 = vector.extract_strided_slice %dot_general3A_5 {offsets = [0, 256], sizes = [1024, 32], strides = [1, 1]} : vector<1024x512xf32> to vector<1024x32xf32>
    %swap3A_69 = arith.constant 1 : index
    %swap3A_70 = arith.constant 0 : index
    %swap3A_71 = arith.constant 0 : index
    %swap3A_72 = arith.constant 0 : index
    %swap3A_73 = vector.load %arg3[%swap3A_69, %swap3A_70, %swap3A_71, %swap3A_72] : memref<2x8x1024x128xf32, #tpu.memory_space<vmem>>, vector<1x1x1024x32xf32>
    %swap3A_74 = vector.shape_cast %swap3A_73 : vector<1x1x1024x32xf32> to vector<1024x32xf32>
    %swap3A_75 = vector.shape_cast %slice3A_68 : vector<1024x32xf32> to vector<1x1x1024x32xf32>
    tpu.vector_store %arg3[%swap3A_69, %swap3A_70, %swap3A_71, %swap3A_72], %swap3A_75 {strides = array<i32>} : memref<2x8x1024x128xf32, #tpu.memory_space<vmem>>, vector<1x1x1024x32xf32>,
    %slice3A_76 = vector.extract_strided_slice %dot_general3A_5 {offsets = [0, 288], sizes = [1024, 32], strides = [1, 1]} : vector<1024x512xf32> to vector<1024x32xf32>
    %swap3A_77 = arith.constant 1 : index
    %swap3A_78 = arith.constant 1 : index
    %swap3A_79 = arith.constant 0 : index
    %swap3A_80 = arith.constant 0 : index
    %swap3A_81 = vector.load %arg3[%swap3A_77, %swap3A_78, %swap3A_79, %swap3A_80] : memref<2x8x1024x128xf32, #tpu.memory_space<vmem>>, vector<1x1x1024x32xf32>
    %swap3A_82 = vector.shape_cast %swap3A_81 : vector<1x1x1024x32xf32> to vector<1024x32xf32>
    %swap3A_83 = vector.shape_cast %slice3A_76 : vector<1024x32xf32> to vector<1x1x1024x32xf32>
    tpu.vector_store %arg3[%swap3A_77, %swap3A_78, %swap3A_79, %swap3A_80], %swap3A_83 {strides = array<i32>} : memref<2x8x1024x128xf32, #tpu.memory_space<vmem>>, vector<1x1x1024x32xf32>,
    %slice3A_84 = vector.extract_strided_slice %dot_general3A_5 {offsets = [0, 320], sizes = [1024, 32], strides = [1, 1]} : vector<1024x512xf32> to vector<1024x32xf32>
    %swap3A_85 = arith.constant 1 : index
    %swap3A_86 = arith.constant 2 : index
    %swap3A_87 = arith.constant 0 : index
    %swap3A_88 = arith.constant 0 : index
    %swap3A_89 = vector.load %arg3[%swap3A_85, %swap3A_86, %swap3A_87, %swap3A_88] : memref<2x8x1024x128xf32, #tpu.memory_space<vmem>>, vector<1x1x1024x32xf32>
    %swap3A_90 = vector.shape_cast %swap3A_89 : vector<1x1x1024x32xf32> to vector<1024x32xf32>
    %swap3A_91 = vector.shape_cast %slice3A_84 : vector<1024x32xf32> to vector<1x1x1024x32xf32>
    tpu.vector_store %arg3[%swap3A_85, %swap3A_86, %swap3A_87, %swap3A_88], %swap3A_91 {strides = array<i32>} : memref<2x8x1024x128xf32, #tpu.memory_space<vmem>>, vector<1x1x1024x32xf32>,
    %slice3A_92 = vector.extract_strided_slice %dot_general3A_5 {offsets = [0, 352], sizes = [1024, 32], strides = [1, 1]} : vector<1024x512xf32> to vector<1024x32xf32>
    %swap3A_93 = arith.constant 1 : index
    %swap3A_94 = arith.constant 3 : index
    %swap3A_95 = arith.constant 0 : index
    %swap3A_96 = arith.constant 0 : index
    %swap3A_97 = vector.load %arg3[%swap3A_93, %swap3A_94, %swap3A_95, %swap3A_96] : memref<2x8x1024x128xf32, #tpu.memory_space<vmem>>, vector<1x1x1024x32xf32>
    %swap3A_98 = vector.shape_cast %swap3A_97 : vector<1x1x1024x32xf32> to vector<1024x32xf32>
    %swap3A_99 = vector.shape_cast %slice3A_92 : vector<1024x32xf32> to vector<1x1x1024x32xf32>
    tpu.vector_store %arg3[%swap3A_93, %swap3A_94, %swap3A_95, %swap3A_96], %swap3A_99 {strides = array<i32>} : memref<2x8x1024x128xf32, #tpu.memory_space<vmem>>, vector<1x1x1024x32xf32>,
    %slice3A_100 = vector.extract_strided_slice %dot_general3A_5 {offsets = [0, 384], sizes = [1024, 32], strides = [1, 1]} : vector<1024x512xf32> to vector<1024x32xf32>
    %swap3A_101 = arith.constant 1 : index
    %swap3A_102 = arith.constant 4 : index
    %swap3A_103 = arith.constant 0 : index
    %swap3A_104 = arith.constant 0 : index
    %swap3A_105 = vector.load %arg3[%swap3A_101, %swap3A_102, %swap3A_103, %swap3A_104] : memref<2x8x1024x128xf32, #tpu.memory_space<vmem>>, vector<1x1x1024x32xf32>
    %swap3A_106 = vector.shape_cast %swap3A_105 : vector<1x1x1024x32xf32> to vector<1024x32xf32>
    %swap3A_107 = vector.shape_cast %slice3A_100 : vector<1024x32xf32> to vector<1x1x1024x32xf32>
    tpu.vector_store %arg3[%swap3A_101, %swap3A_102, %swap3A_103, %swap3A_104], %swap3A_107 {strides = array<i32>} : memref<2x8x1024x128xf32, #tpu.memory_space<vmem>>, vector<1x1x1024x32xf32>,
    %slice3A_108 = vector.extract_strided_slice %dot_general3A_5 {offsets = [0, 416], sizes = [1024, 32], strides = [1, 1]} : vector<1024x512xf32> to vector<1024x32xf32>
    %swap3A_109 = arith.constant 1 : index
    %swap3A_110 = arith.constant 5 : index
    %swap3A_111 = arith.constant 0 : index
    %swap3A_112 = arith.constant 0 : index
    %swap3A_113 = vector.load %arg3[%swap3A_109, %swap3A_110, %swap3A_111, %swap3A_112] : memref<2x8x1024x128xf32, #tpu.memory_space<vmem>>, vector<1x1x1024x32xf32>
    %swap3A_114 = vector.shape_cast %swap3A_113 : vector<1x1x1024x32xf32> to vector<1024x32xf32>
    %swap3A_115 = vector.shape_cast %slice3A_108 : vector<1024x32xf32> to vector<1x1x1024x32xf32>
    tpu.vector_store %arg3[%swap3A_109, %swap3A_110, %swap3A_111, %swap3A_112], %swap3A_115 {strides = array<i32>} : memref<2x8x1024x128xf32, #tpu.memory_space<vmem>>, vector<1x1x1024x32xf32>,
    %slice3A_116 = vector.extract_strided_slice %dot_general3A_5 {offsets = [0, 448], sizes = [1024, 32], strides = [1, 1]} : vector<1024x512xf32> to vector<1024x32xf32>
    %swap3A_117 = arith.constant 1 : index
    %swap3A_118 = arith.constant 6 : index
    %swap3A_119 = arith.constant 0 : index
    %swap3A_120 = arith.constant 0 : index
    %swap3A_121 = vector.load %arg3[%swap3A_117, %swap3A_118, %swap3A_119, %swap3A_120] : memref<2x8x1024x128xf32, #tpu.memory_space<vmem>>, vector<1x1x1024x32xf32>
    %swap3A_122 = vector.shape_cast %swap3A_121 : vector<1x1x1024x32xf32> to vector<1024x32xf32>
    %swap3A_123 = vector.shape_cast %slice3A_116 : vector<1024x32xf32> to vector<1x1x1024x32xf32>
    tpu.vector_store %arg3[%swap3A_117, %swap3A_118, %swap3A_119, %swap3A_120], %swap3A_123 {strides = array<i32>} : memref<2x8x1024x128xf32, #tpu.memory_space<vmem>>, vector<1x1x1024x32xf32>,
    %slice3A_124 = vector.extract_strided_slice %dot_general3A_5 {offsets = [0, 480], sizes = [1024, 32], strides = [1, 1]} : vector<1024x512xf32> to vector<1024x32xf32>
    %swap3A_125 = arith.constant 1 : index
    %swap3A_126 = arith.constant 7 : index
    %swap3A_127 = arith.constant 0 : index
    %swap3A_128 = arith.constant 0 : index
    %swap3A_129 = vector.load %arg3[%swap3A_125, %swap3A_126, %swap3A_127, %swap3A_128] : memref<2x8x1024x128xf32, #tpu.memory_space<vmem>>, vector<1x1x1024x32xf32>
    %swap3A_130 = vector.shape_cast %swap3A_129 : vector<1x1x1024x32xf32> to vector<1024x32xf32>
    %swap3A_131 = vector.shape_cast %slice3A_124 : vector<1024x32xf32> to vector<1x1x1024x32xf32>
    tpu.vector_store %arg3[%swap3A_125, %swap3A_126, %swap3A_127, %swap3A_128], %swap3A_131 {strides = array<i32>} : memref<2x8x1024x128xf32, #tpu.memory_space<vmem>>, vector<1x1x1024x32xf32>,
    return
  }
  func.func @transform_0(%arg0: i32) -> (i32, i32) {
    %c0_i32 = arith.constant 0 : i32
    %c0_i32_0 = arith.constant 0 : i32
    return %arg0, %c0_i32 : i32, i32
  }
  func.func @transform_1(%arg0: i32) -> (i32, i32) {
    %c0_i32 = arith.constant 0 : i32
    %c0_i32_0 = arith.constant 0 : i32
    %c0_i32_1 = arith.constant 0 : i32
    return %c0_i32, %c0_i32_0 : i32, i32
  }
  func.func @transform_2(%arg0: i32) -> (i32, i32, i32, i32) {
    %c0_i32 = arith.constant 0 : i32
    %c0_i32_0 = arith.constant 0 : i32
    %c0_i32_1 = arith.constant 0 : i32
    %c0_i32_2 = arith.constant 0 : i32
    return %c0_i32, %c0_i32_0, %arg0, %c0_i32_1 : i32, i32, i32, i32
  }
}

</mosaic_0001>

<sc_bundles>
// kernel: kernel.5.cloned.1.call-start
scs
__scs_entry_jumppad:
0x0: {  	(pc) =	sbr.rel $0x88, $3  }
0x1: {  	(tag) =	ssettag $0x0;
	lr =	simm.s32 $0x1  }
0x2: {  	[smem:$0x3F9D] =	sst lr;
	_ =	strace $0xD0000000  }
0x3: {  	_ = 	snop  }
0x4: {  	_ = 	snop  }
0x5: {  	_ = 	snop  }
0x6: {  	_ = 	snop  }
0x7: {  	_ = 	snop  }
__scs_overlays_trampoline_lowered:
0x8: {  	[smem:$0x3FAC] =	sst s0  }
0x9: {  	[smem:$0x3FAD] =	sst s1  }
0xa: {  	[smem:$0x3FAE] =	sst s2  }
0xb: {  	[smem:$0x3FAF] =	sst s3  }
0xc: {  	[smem:$0x3FB0] =	sst s4  }
0xd: {  	[smem:$0x3FB1] =	sst s5  }
0xe: {  	[smem:$0x3FB2] =	sst s6  }
0xf: {  	[smem:$0x3FB3] =	sst s7  }
0x10: {  	[smem:$0x3FB4] =	sst s8  }
0x11: {  	[smem:$0x3FB5] =	sst s9;
	s0 =	simm.s32 @!p0 $0x0  }
0x12: {  	s1 =	sld [smem:$0x3F9B];
	s0 =	simm.s32 @p0 $0x1  }
0x13: {  	[smem:$0x3FB6] =	sst s0;
	s0 =	simm.s32 @!p1 $0x0  }
0x14: {  	s2 =	sld [smem:$0x3F9A];
	s0 =	simm.s32 @p1 $0x1  }
0x15: {  	[smem:$0x3FB7] =	sst s0;
	s0 =	simm.s32 @!p2 $0x0  }
0x16: {  	s3 =	sld [smem:$0x3FDB];
	s0 =	simm.s32 @p2 $0x1  }
0x17: {  	s4 =	simm.s32 $0x1BF5;
	[smem:$0x3FB9] =	sst s0  }
0x18: {  	s0 =	sld [smem:$0x3F9C];
	_ =	swait.ge [sflag:s4], $0x0  }
0x19: {  	s7 =	sld [smem:$0x3F9D]  }
0x1a: {  	s8 =	sadd.s32 $0xFFFFE003, lr  }
0x1b: {  	s9 =	sadd.s32 $0xFFFFFEF7, lr;
	s5 =	simm.s32 $0xFFFFFFFF;
	p2 =	slt.u32 s8, $0xFFFFF086  }
0x1c: {  	p1 =	slt.u32 s9, $0xF7A;
	s5 =	simm.s32 @!p2 $0x0  }
0x1d: {  	s5 =	simm.s32 @p1 $0x1;
	p0 =	seq.s32 s7, s2  }
0x1e: {  	s7 =	smul.u32 @!p0 $0xF7A, s2;
	p2 =	seq.s32 @!p0 s5, $0x0  }
0x1f: {  	s9 =	smul.u32 $0xF7A, s1;
	s8 =	simm.s32 @!p0 $0x1BF5;
	p2 =	por !p2, p0  }
0x20: {  	[sflag:s8] =	ssyncset.s32 @!p0 $0xFFFFF086;
	s6 =	sadd.s32 @!p0 s3, s7;
	s7 =	simm.s32 @!p0 $0x108  }
0x21: {  	s3 =	sadd.s32 s3, s9;
	s6 =	sadd.s32 @!p0 $0x88, s6;
	s7 =	simm.s32 @p2 $0x1082  }
0x22: {  	[simem:s7], [sflag:s8] =	dma.local @!p0 [hbm:s6], $0xF7A  }
0x23: {  	s9 =	sor.u32 $0xD0000000, s2;
	s6 =	simm.s32 $0x108;
	_ =	swait.ge @!p0 [sflag:s8], $0x0  }
0x24: {  	s3 =	sadd.s32 $0x88, s3;
	s6 =	simm.s32 @!p1 $0x1082;
	[sflag:s4] =	ssyncset.s32 $0xFFFFF086  }
0x25: {  	[simem:s6], [sflag:s4] =	dma.local [hbm:s3], $0xF7A  }
0x26: {  	[smem:$0x3F9D] =	sst s1;
	(tag) =	ssettag s2;
	_ =	strace s9  }
0x27: {  	s1 =	sld [smem:$0x3FAD]  }
0x28: {  	s2 =	sld [smem:$0x3FAE]  }
0x29: {  	s4 =	sld [smem:$0x3FB0]  }
0x2a: {  	p0 =	seq.s32 s5, $0x0;
	s5 =	sld [smem:$0x3FB1]  }
0x2b: {  	s6 =	sld [smem:$0x3FB2]  }
0x2c: {  	s7 =	sld [smem:$0x3FB3]  }
0x2d: {  	s3 =	simm.s32 $0x108;
	s8 =	sld [smem:$0x3FB4]  }
0x2e: {  	s3 =	simm.s32 @!p0 $0x1082;
	s9 =	sld [smem:$0x3FB5]  }
0x2f: {  	lr =	sadd.s32 s0, s3;
	s0 =	sld [smem:$0x3FAC]  }
0x30: {  	s3 =	sld [smem:$0x3FAF]  }
0x31: {  	[smem:$0x3FB8] =	sst s10  }
0x32: {  	s10 =	sld [smem:$0x3FB6];
	_ =	sdelay $0x3  }
0x33: {  	p0 =	seq.s32 s10, $0x1;
	s10 =	sld [smem:$0x3FB8];
	_ =	sdelay $0x3  }
0x34: {  	[smem:$0x3FB8] =	sst s10  }
0x35: {  	s10 =	sld [smem:$0x3FB7];
	_ =	sdelay $0x3  }
0x36: {  	p1 =	seq.s32 s10, $0x1;
	s10 =	sld [smem:$0x3FB8];
	_ =	sdelay $0x3  }
0x37: {  	[smem:$0x3FB8] =	sst s10  }
0x38: {  	s10 =	sld [smem:$0x3FB9]  }
0x39: {  	_ = 	snop;
	(pc) =	sbr.ind lr, $3  }
0x3a: {  	_ = 	snop  }
0x3b: {  	_ = 	snop  }
0x3c: {  	p2 =	seq.s32 s10, $0x1;
	s10 =	sld [smem:$0x3FB8]  }
0x3d: {  	_ =	shalt  }
0x3e: {  	_ =	shalt  }
0x3f: {  	_ =	shalt  }
0x40: {  	_ =	shalt  }
0x41: {  	_ =	shalt  }
0x42: {  	_ =	shalt  }
0x43: {  	_ =	shalt  }
0x44: {  	_ =	shalt  }
0x45: {  	_ =	shalt  }
0x46: {  	_ =	shalt  }
0x47: {  	_ =	shalt  }
0x48: {  	_ =	shalt  }
0x49: {  	_ =	shalt  }
0x4a: {  	_ =	shalt  }
0x4b: {  	_ =	shalt  }
0x4c: {  	_ =	shalt  }
0x4d: {  	_ =	shalt  }
0x4e: {  	_ =	shalt  }
0x4f: {  	_ =	shalt  }
0x50: {  	_ =	shalt  }
0x51: {  	_ =	shalt  }
0x52: {  	_ =	shalt  }
0x53: {  	_ =	shalt  }
0x54: {  	_ =	shalt  }
0x55: {  	_ =	shalt  }
0x56: {  	_ =	shalt  }
0x57: {  	_ =	shalt  }
0x58: {  	_ =	shalt  }
0x59: {  	_ =	shalt  }
0x5a: {  	_ =	shalt  }
0x5b: {  	_ =	shalt  }
0x5c: {  	_ =	shalt  }
0x5d: {  	_ =	shalt  }
0x5e: {  	_ =	shalt  }
0x5f: {  	_ =	shalt  }
0x60: {  	_ =	shalt  }
0x61: {  	_ =	shalt  }
0x62: {  	_ =	shalt  }
0x63: {  	_ =	shalt  }
0x64: {  	_ =	shalt  }
0x65: {  	_ =	shalt  }
0x66: {  	_ =	shalt  }
0x67: {  	_ =	shalt  }
0x68: {  	_ =	shalt  }
0x69: {  	_ =	shalt  }
0x6a: {  	_ =	shalt  }
0x6b: {  	_ =	shalt  }
0x6c: {  	_ =	shalt  }
0x6d: {  	_ =	shalt  }
0x6e: {  	_ =	shalt  }
0x6f: {  	_ =	shalt  }
0x70: {  	_ =	shalt  }
0x71: {  	_ =	shalt  }
0x72: {  	_ =	shalt  }
0x73: {  	_ =	shalt  }
0x74: {  	_ =	shalt  }
0x75: {  	_ =	shalt  }
0x76: {  	_ =	shalt  }
0x77: {  	_ =	shalt  }
0x78: {  	_ =	shalt  }
0x79: {  	_ =	shalt  }
0x7a: {  	_ =	shalt  }
0x7b: {  	_ =	shalt  }
0x7c: {  	_ =	shalt  }
0x7d: {  	_ =	shalt  }
0x7e: {  	_ =	shalt  }
0x7f: {  	_ =	shalt  }
0x80: {  	_ =	shalt  }
0x81: {  	_ =	shalt  }
0x82: {  	_ =	shalt  }
0x83: {  	_ =	shalt  }
0x84: {  	_ =	shalt  }
0x85: {  	_ =	shalt  }
0x86: {  	_ =	shalt  }
0x87: {  	_ =	shalt  }
.Lfunc_end0:
.L_simem_size_0:
called_computation_lowered:
.L_overlay_start_0:
0x88: {  	s2 =	sld [smem:$0x3FD9]  }
0x89: {  	s3 =	sld [smem:$0x3FFE];
	_ =	sdelay $0x1  }
0x8a: {  	s1 =	srdreg.scid  }
0x8b: {  	s0 =	sand.u32 $0x1, s1  }
0x8c: {  	s16 =	sshll.u32 s0, $0xA;
	s2 =	sadd.s32 s3, s2  }
0x8d: {  	s2 =	sadd.s32 s2, s16  }
0x8e: {  	[smem:$0x3FC4] =	sst s2  }
0x8f: {  	_ = 	snop  }
0x90: {  	(tm) =	ssettm $0x1  }
0x91: {  	s17 =	sld [smem:$0x3FFB];
	_ =	sdelay $0x3  }
0x92: {  	_ =	strace s17  }
0x93: {  	s2 =	sld [smem:$0x3FFC];
	_ =	sdelay $0x3  }
0x94: {  	_ =	strace s2  }
0x95: {  	s2 =	sld [smem:$0x3FFD];
	_ =	sdelay $0x3  }
0x96: {  	_ =	strace s2  }
0x97: {  	_ =	strace $0x8FFFFFFF  }
0x98: {  	s18 =	sld [smem:$0x3FDB];
	_ =	sdelay $0x1  }
0x99: {  	s19 =	simm.s32 $_scs_section_size  }
0x9a: {  	s4 =	simm.s32 $_size__tile_overlayer_lowered;
	s5 =	simm.s32 $_tile_overlayer_lowered  }
0x9b: {  	s22 =	simm.s32 $0x1BFF;
	s21 =	sshll.u32 s5, $0x1;
	s2 =	sadd.s32 s19, s18  }
0x9c: {  	s6 =	simm.s32 $0x0;
	s20 =	sshll.u32 s4, $0x1;
	s4 =	sadd.s32 s21, s2  }
0x9d: {  	[timem:s6], [sflag:s22] =	dma.local [hbm:s4], s20  }
0x9e: {  	_ =	swait.ge [sflag:s22], s20  }
0x9f: {  	s3 =	ssub.s32 $0x0, s20;
	[sflag:s22] =	ssyncset.done $0x0  }
0xa0: {  	[sflag:s22] =	ssyncadd.s32 s3;
	_ =	sdelay $0x1  }
0xa1: {  	s23 =	simm.s32 $0x1B8B  }
0xa2: {  	_ =	swait.ge [sflag:s23], $0x1  }
0xa3: {  	[sflag:s23] =	ssyncset.done $0x0  }
0xa4: {  	s25 =	simm.s32 $0x1B8E;
	s24 =	sld [smem:$0x3FFE];
	[sflag:s23] =	ssyncadd.s32 $0xFFFFFFFF  }
0xa5: {  	s26 =	simm.s32 $execute0_lowered;
	[smem:$0x3FD2] =	sst s25  }
0xa6: {  	s4 =	sshll.u32 s26, $0x1;
	_ =	strace $0x80000046;
	[dreg:$0x1] =	wrdreg $0xFFFFFFFF  }
0xa7: {  	s28 =	simm.s32 $_size_execute0_lowered;
	s2 =	sadd.s32 s2, s4;
	[dreg:$0x0] =	wrdreg $0x0  }
0xa8: {  	s4 =	sshll.u32 s28, $0x1;
	[dreg:$0x2] =	wrdreg s2  }
0xa9: {  	[dreg:$0x3] =	wrdreg s4  }
0xaa: {  	[dreg:$0x4] =	wrdreg $0xC0  }
0xab: {  	_ =	task [dreg:s6], $0x5FFFF  }
0xac: {  	[dreg:$0x1] =	wrdreg $0xFFFFFFFF  }
0xad: {  	[dreg:$0x0] =	wrdreg $0x60  }
0xae: {  	[dreg:$0x2] =	wrdreg s24  }
0xaf: {  	[dreg:$0x3] =	wrdreg $0x54800  }
0xb0: {  	[dreg:$0x4] =	wrdreg $0x9  }
0xb1: {  	_ =	task.clear_ibuf [dreg:s6], $0x5FFFF;
	_ =	strace $0x90000046  }
0xb2: {  	s29 =	simm.s32 $0x9;
	_ =	strace $0x80000048  }
0xb3: {  	_ =	swait.ge [sflag:s29], $0x1  }
0xb4: {  	[sflag:s29] =	ssyncadd.s32 $0xFFFFFFFF  }
0xb5: {  	_ =	strace $0x90000048  }
0xb6: {  	_ =	sfence  }
0xb7: {  	s30 =	sld [smem:$0x0];
	_ =	sdelay $0x2  }
0xb8: {  	s31 =	sshll.u32 s1, $0xD;
	s1 =	sshrl.u32 s1, $0x2  }
0xb9: {  	s3 =	sand.u32 $0x4000, s31;
	s1 =	sadd.s32 s1, s30  }
0xba: {  	s0 =	sor.u32 s3, s0;
	s1 =	sshll.u32 s1, $0x11  }
0xbb: {  	s0 =	sor.u32 s1, s0  }
0xbc: {  	s0 =	sadd.s32 $0x8F2B, s0  }
0xbd: {  	[sflag:s0] =	ssyncadd.remote.s32 $0x1  }
0xbe: {  	_ =	sfence.sel $0xFFFF  }
0xbf: {  	[dreg:$0x0] =	wrdreg $0xFFFFFFFF;
	(pc) =	sbr.abs _section_cstart, $3  }
0xc0: {  	[dreg:$0x1] =	wrdreg $0xFFFFFFFF  }
0xc1: {  	_ =	task.clear_ibuf [dreg:s6], $0x2FFFF;
	_ =	strace $0x9FFFFFFF  }
0xc2: {  	(tm) =	ssettm $0x7FFFFFFF  }
0xc3: {  	_ =	shalt  }
tec
execute0_lowered:
.L_overlay_start_1:
0x0: {  	(tag) =	ssettag $0x1  }
0x1: {  	s4 =	rddreg [dreg:$0x0];
	s0 =	stileid.u32  }
0x2: {  	s1 =	srdreg.scid;
	s2 =	rddreg [dreg:$0x1]  }
0x3: {  	s3 =	simm.s32 $0x0;
	s10 =	simm.s32 $0x200;
	s6 =	smul.u32 $0x280, s0  }
0x4: {  	s11 =	simm.s32 $0x5000;
	s5 =	sand.u32 $0x1, s1;
	s8 =	smul.u32 $0x9C4, s0  }
0x5: {  	s12 =	simm.s32 $0x0;
	[smem:$0x7FF] =	sst s3;
	s7 =	smul.u32 $0x2800, s5  }
0x6: {  	s1 =	rddreg [dreg:$0x2];
	s5 =	ssub.s32 $0x2, s5;
	_ =	strace $0x80000047  }
0x7: {  	s9 =	sshrl.u32 s5, $0x1;
	s8 =	sadd.s32 s8, s4;
	s7 =	sadd.s32 s6, s7  }
0x8: {  	s9 =	ssub.s32 s5, s9;
	s5 =	sadd.s32 s6, s2;
	s7 =	sshrl.u32 s7, $0x3  }
0x9: {  	s7 =	sadd.s32 s7, s4;
	s4 =	sadd.s32 $0x800, s8;
	s8 =	simm.s32 $0x1  }
0xa: {  	v0 =	vlaneseq.u32;
	v1 =	vimm.f32 $1.000000000e+00;
	v2 =	vimm.f32 $0.0e+00;
	s6 =	sadd.s32 $0xA600, s7;
	s7 =	smax.u32 s9, $0x1;
	s9 =	simm.s32 $0x5200  }
.LBB2_1:
0xb: {  	v4 =	vor.u32 s3, v0  }
0xc: {  	v3 =	vmulhi.u32 $0x88888889, v4;
	_ =	sdelay $0x1  }
0xd: {  	s13 =	simm.s32 $0x10;
	v3 =	vshrl.u32 v3, $0x7  }
0xe: {  	[tilespmem:s3], [sflag:$0x1] =	stream.linear.gather [hbm4b:s4+s3], $0x4E20, $0x38;
	v5 =	vmul.u32 $0xF0, v3;
	v3 =	vor.u32 s13, v0;
	[tilespmem:$0x5700] =	vst v63  }
0xf: {  	_ =	swait.ge [sflag:s8], $0x4E20;
	v6 =	vmulhi.u32 $0x88888889, v3  }
0x10: {  	[sflag:s8] =	ssyncset.done $0x0;
	v4 =	vsub.s32 v4, v5  }
0x11: {  	[sflag:s8] =	ssyncadd.s32 $0xFFFFB1E0;
	s13 =	simm.s32 $0x4E20;
	v4 =	vadd.s32 $0x2710, v4;
	v5 =	vshrl.u32 v6, $0x7  }
0x12: {  	s14 =	simm.s32 $0x20;
	[tilespmem:s13+$0x0] =	vst v4;
	v4 =	vmul.u32 $0xF0, v5  }
.LBB2_2:
0x13: {  	p0 =	sne.s32 s14, $0x1D0  }
.Ltmp0:
0x14: {  	v4 =	vsub.s32 v3, v4;
	v3 =	vor.u32 s14, v0;
	s14 =	sadd.s32 $0x10, s14;
	(pc) =	sbr.rel @p0 .LBB2_2-.Ltmp0, $4  }
0x15: {  	s13 =	sadd.s32 $0x10, s13;
	v5 =	vmulhi.u32 $0x88888889, v3;
	v4 =	vadd.s32 $0x2710, v4  }
0x16: {  	[tilespmem:s13+$0x0] =	vst v4  }
0x17: {  	v4 =	vshrl.u32 v5, $0x7  }
0x18: {  	v4 =	vmul.u32 $0xF0, v4  }
0x19: {  	_ = 	snop  }
0x1a: {  	v3 =	vsub.s32 v3, v4  }
0x1b: {  	s13 =	sadd.s32 $0x10, s13;
	v3 =	vadd.s32 $0x2710, v3  }
0x1c: {  	[tilespmem:s13+$0x0] =	vst v3  }
0x1d: {  	[tilespmem:$0x5000] =	vst v1  }
0x1e: {  	[tilespmem:$0x5010] =	vst v1  }
0x1f: {  	[tilespmem:$0x5020] =	vst v1  }
0x20: {  	[tilespmem:$0x5030] =	vst v1  }
0x21: {  	[tilespmem:$0x5040] =	vst v1  }
0x22: {  	[tilespmem:$0x5050] =	vst v1  }
0x23: {  	[tilespmem:$0x5060] =	vst v1  }
0x24: {  	[tilespmem:$0x5070] =	vst v1  }
0x25: {  	[tilespmem:$0x5080] =	vst v1  }
0x26: {  	[tilespmem:$0x5090] =	vst v1  }
0x27: {  	[tilespmem:$0x50A0] =	vst v1  }
0x28: {  	[tilespmem:$0x50B0] =	vst v1  }
0x29: {  	[tilespmem:$0x50C0] =	vst v1  }
0x2a: {  	[tilespmem:$0x50D0] =	vst v1  }
0x2b: {  	[tilespmem:$0x50E0] =	vst v1  }
0x2c: {  	[tilespmem:$0x50F0] =	vst v1  }
0x2d: {  	[tilespmem:$0x5100] =	vst v1  }
0x2e: {  	[tilespmem:$0x5110] =	vst v1  }
0x2f: {  	[tilespmem:$0x5120] =	vst v1  }
0x30: {  	[tilespmem:$0x5130] =	vst v1  }
0x31: {  	[tilespmem:$0x5140] =	vst v1  }
0x32: {  	[tilespmem:$0x5150] =	vst v1  }
0x33: {  	[tilespmem:$0x5160] =	vst v1  }
0x34: {  	[tilespmem:$0x5170] =	vst v1  }
0x35: {  	[tilespmem:$0x5180] =	vst v1  }
0x36: {  	[tilespmem:$0x5190] =	vst v1  }
0x37: {  	[tilespmem:$0x51A0] =	vst v1  }
0x38: {  	[tilespmem:$0x51B0] =	vst v1  }
0x39: {  	[tilespmem:$0x51C0] =	vst v1  }
0x3a: {  	[tilespmem:$0x51D0] =	vst v1  }
0x3b: {  	[tilespmem:$0x51E0] =	vst v1  }
0x3c: {  	[tilespmem:$0x51F0] =	vst v1  }
0x3d: {  	[tilespmem:$0x5200] =	vst v2  }
0x3e: {  	[tilespmem:$0x5210] =	vst v2  }
0x3f: {  	[tilespmem:$0x5220] =	vst v2  }
0x40: {  	[tilespmem:$0x5230] =	vst v2  }
0x41: {  	[tilespmem:$0x5240] =	vst v2  }
0x42: {  	[tilespmem:$0x5250] =	vst v2  }
0x43: {  	[tilespmem:$0x5260] =	vst v2  }
0x44: {  	[tilespmem:$0x5270] =	vst v2  }
0x45: {  	[tilespmem:$0x5280] =	vst v2  }
0x46: {  	[tilespmem:$0x5290] =	vst v2  }
0x47: {  	[tilespmem:$0x52A0] =	vst v2  }
0x48: {  	[tilespmem:$0x52B0] =	vst v2  }
0x49: {  	[tilespmem:$0x52C0] =	vst v2  }
0x4a: {  	[tilespmem:$0x52D0] =	vst v2  }
0x4b: {  	[tilespmem:$0x52E0] =	vst v2  }
0x4c: {  	[tilespmem:$0x52F0] =	vst v2  }
0x4d: {  	[tilespmem:$0x5300] =	vst v2  }
0x4e: {  	[tilespmem:$0x5310] =	vst v2  }
0x4f: {  	[tilespmem:$0x5320] =	vst v2  }
0x50: {  	[tilespmem:$0x5330] =	vst v2  }
0x51: {  	[tilespmem:$0x5340] =	vst v2  }
0x52: {  	[tilespmem:$0x5350] =	vst v2  }
0x53: {  	[tilespmem:$0x5360] =	vst v2  }
0x54: {  	[tilespmem:$0x5370] =	vst v2  }
0x55: {  	[tilespmem:$0x5380] =	vst v2  }
0x56: {  	[tilespmem:$0x5390] =	vst v2  }
0x57: {  	[tilespmem:$0x53A0] =	vst v2  }
0x58: {  	[tilespmem:$0x53B0] =	vst v2  }
0x59: {  	[tilespmem:$0x53C0] =	vst v2  }
0x5a: {  	[tilespmem:$0x53D0] =	vst v2  }
0x5b: {  	[tilespmem:$0x53E0] =	vst v2  }
0x5c: {  	[tilespmem:$0x53F0] =	vst v2  }
0x5d: {  	[tilespmem:$0x5400] =	vst v2  }
0x5e: {  	[tilespmem:$0x5410] =	vst v2  }
0x5f: {  	[tilespmem:$0x5420] =	vst v2  }
0x60: {  	[tilespmem:$0x5430] =	vst v2  }
0x61: {  	[tilespmem:$0x5440] =	vst v2  }
0x62: {  	[tilespmem:$0x5450] =	vst v2  }
0x63: {  	[tilespmem:$0x5460] =	vst v2  }
0x64: {  	[tilespmem:$0x5470] =	vst v2  }
0x65: {  	[spmem:s5] =	stream.linear.scatter [tilespmem:s9], [sflag:$0x1], $0x280, $0x38;
	[tilespmem:$0x5700] =	vst v63  }
0x66: {  	_ =	swait.ge [sflag:s8], $0x280  }
0x67: {  	[sflag:s8] =	ssyncset.done $0x0  }
0x68: {  	[sflag:s8] =	ssyncadd.s32 $0xFFFFFD80  }
0x69: {  	s31 =	simm.s32 $0x0;
	[bflag:$0x0] =	sbarrier.arrive $0xFFFF  }
0x6a: {  	[spmem:s2] =	stream.indirect.scatter.add.f32 [tilespmem:s11], [sflag:$0x1], $0x1, s31, s10, $0xb8;
	[tilespmem:$0x5700] =	vst v63  }
0x6b: {  	_ =	swait.ge [sflag:s8], $0x200  }
0x6c: {  	s13 =	simm.s32 $0x800;
	[sflag:s8] =	ssyncset.done $0x0  }
.LBB2_4:
0x6d: {  	s14 =	sshra.s32 s13, $0x2;
	[sflag:s8] =	ssyncadd.s32 $0xFFFFFE00;
	p0 =	sne.s32 s13, $0x13800  }
0x6e: {  	[spmem:s2] =	stream.indirect.scatter.add.f32 [tilespmem:s11], [sflag:$0x1], $0x1, s14, s10, $0xb8;
	[tilespmem:$0x5700] =	vst v63  }
.Ltmp1:
0x6f: {  	_ = 	snop;
	(pc) =	sbr.rel @p0 .LBB2_4-.Ltmp1, $4  }
0x70: {  	_ = 	snop  }
0x71: {  	s13 =	sadd.s32 $0x800, s13  }
0x72: {  	_ =	swait.ge [sflag:s8], $0x200  }
0x73: {  	[sflag:s8] =	ssyncset.done $0x0  }
0x74: {  	[sflag:s8] =	ssyncadd.s32 $0xFFFFFE00  }
0x75: {  	[bflag:$0x0] =	sbarrier.arrive $0xFFFF  }
0x76: {  	[tilespmem:s9], [sflag:$0x1] =	stream.linear.gather [spmem:s5], $0x280, $0x38;
	[tilespmem:$0x5700] =	vst v63  }
0x77: {  	_ =	swait.ge [sflag:s8], $0x280  }
0x78: {  	[sflag:s8] =	ssyncset.done $0x0  }
0x79: {  	s13 =	simm.s32 $0x0;
	s14 =	simm.s32 $0x40;
	[sflag:s8] =	ssyncadd.s32 $0xFFFFFD80  }
.LBB2_6:
0x7a: {  	p0 =	sne.s32 s14, $0x9C0;
	v3 =	vld [tilespmem:s13+$0x5200];
	_ =	sdelay $0x4  }
0x7b: {  	v4 =	vshra.s32 v3, $0x1;
	v5 =	vmul.f32 $5.000000000e-01, v3  }
0x7c: {  	v4 =	vsub.s32 $0x5F3759DF, v4  }
0x7d: {  	v6 =	vmul.f32 v4, v5;
	_ =	sdelay $0x1  }
0x7e: {  	v6 =	vmul.f32 v4, v6;
	_ =	sdelay $0x1  }
0x7f: {  	v6 =	vsub.f32 $1.500000000e+00, v6;
	_ =	sdelay $0x1  }
0x80: {  	v4 =	vmul.f32 v4, v6;
	_ =	sdelay $0x1  }
0x81: {  	v6 =	vmul.f32 v4, v5;
	_ =	sdelay $0x1  }
0x82: {  	v6 =	vmul.f32 v6, v4;
	_ =	sdelay $0x1  }
0x83: {  	v6 =	vsub.f32 $1.500000000e+00, v6;
	_ =	sdelay $0x1  }
0x84: {  	v4 =	vmul.f32 v6, v4;
	_ =	sdelay $0x1  }
0x85: {  	v6 =	vmul.f32 v4, v5;
	_ =	sdelay $0x1  }
0x86: {  	v6 =	vmul.f32 v6, v4;
	_ =	sdelay $0x1  }
0x87: {  	v6 =	vsub.f32 $1.500000000e+00, v6;
	_ =	sdelay $0x1  }
0x88: {  	v4 =	vmul.f32 v6, v4;
	_ =	sdelay $0x1  }
0x89: {  	v5 =	vmul.f32 v4, v5;
	_ =	sdelay $0x1  }
0x8a: {  	v5 =	vmul.f32 v5, v4;
	_ =	sdelay $0x1  }
0x8b: {  	v5 =	vsub.f32 $1.500000000e+00, v5  }
.Ltmp2:
0x8c: {  	(pc) =	sbr.rel @p0 .LBB2_6-.Ltmp2, $4  }
0x8d: {  	v4 =	vmul.f32 v5, v4  }
0x8e: {  	vm0 =	vgt.f32 v3, $0.0e+00  }
0x8f: {  	v3 =	vnsel vm0, $0x0, v4  }
0x90: {  	[tilespmem:s13+$0x5200] =	vst v3;
	s13 =	sshra.s32 s14, $0x2;
	s14 =	sadd.s32 $0x40, s14  }
0x91: {  	v3 =	vld [tilespmem:s13+$0x5200];
	_ =	sdelay $0x4  }
0x92: {  	v4 =	vshra.s32 v3, $0x1;
	v5 =	vmul.f32 $5.000000000e-01, v3  }
0x93: {  	v4 =	vsub.s32 $0x5F3759DF, v4  }
0x94: {  	v6 =	vmul.f32 v4, v5;
	_ =	sdelay $0x1  }
0x95: {  	v6 =	vmul.f32 v4, v6;
	_ =	sdelay $0x1  }
0x96: {  	v6 =	vsub.f32 $1.500000000e+00, v6;
	_ =	sdelay $0x1  }
0x97: {  	v4 =	vmul.f32 v4, v6;
	_ =	sdelay $0x1  }
0x98: {  	v6 =	vmul.f32 v4, v5;
	_ =	sdelay $0x1  }
0x99: {  	v6 =	vmul.f32 v6, v4;
	_ =	sdelay $0x1  }
0x9a: {  	v6 =	vsub.f32 $1.500000000e+00, v6;
	_ =	sdelay $0x1  }
0x9b: {  	v4 =	vmul.f32 v6, v4;
	_ =	sdelay $0x1  }
0x9c: {  	v6 =	vmul.f32 v4, v5;
	_ =	sdelay $0x1  }
0x9d: {  	v6 =	vmul.f32 v6, v4;
	_ =	sdelay $0x1  }
0x9e: {  	v6 =	vsub.f32 $1.500000000e+00, v6;
	_ =	sdelay $0x1  }
0x9f: {  	v4 =	vmul.f32 v6, v4;
	_ =	sdelay $0x1  }
0xa0: {  	v5 =	vmul.f32 v4, v5;
	_ =	sdelay $0x1  }
0xa1: {  	v5 =	vmul.f32 v5, v4;
	_ =	sdelay $0x1  }
0xa2: {  	v5 =	vsub.f32 $1.500000000e+00, v5;
	_ =	sdelay $0x1  }
0xa3: {  	v4 =	vmul.f32 v5, v4  }
0xa4: {  	s12 =	sadd.s32 $0x1, s12;
	vm0 =	vgt.f32 v3, $0.0e+00  }
0xa5: {  	p0 =	sne.s32 s12, s7;
	v3 =	vnsel vm0, $0x0, v4  }
.Ltmp3:
0xa6: {  	[tilespmem:s13+$0x5200] =	vst v3;
	(pc) =	sbr.rel @p0 .LBB2_1-.Ltmp3, $4  }
0xa7: {  	[hbm4b:s6+s3] =	stream.linear.scatter [tilespmem:s9], [sflag:$0x1], $0x280, $0x38;
	[tilespmem:$0x5700] =	vst v63  }
0xa8: {  	_ =	swait.ge [sflag:s8], $0x280  }
0xa9: {  	[sflag:s8] =	ssyncset.done $0x0  }
0xaa: {  	[sflag:s8] =	ssyncadd.s32 $0xFFFFFD80  }
0xab: {  	_ =	sfence.sel $0x180000  }
0xac: {  	[bflag:$0x0] =	sbarrier.arrive $0xFFFF  }
0xad: {  	p0 =	sne.s32 s0, $0x0;
	_ =	strace $0x90000047  }
0xae: {  	s0 =	sadd.s32 @!p0 $0x100000, s1;
	[bflag:$0x2] =	sbarrier.arrive $0xFFFF  }
0xaf: {  	[sflag:s0] =	ssyncadd.tile.s32 @!p0 $0x1;
	_ =	shalt  }
.Lfunc_end2:
_tile_overlayer_lowered:
.L_overlay_start_2:
0xb0: {  	(tag) =	ssettag $0x2  }
0xb1: {  	s0 =	rddreg [dreg:$0x0];
	s2 =	stileid.u32  }
0xb2: {  	s1 =	rddreg [dreg:$0x1];
	p0 =	sne.s32 s2, $0x0  }
0xb3: {  	s3 =	rddreg [dreg:$0x2];
	[bflag:$0x3] =	sbarrier.arrive $0xFFFF;
	s2 =	simm.s32 @!p0 $0x1C01  }
0xb4: {  	[timem:s3], [sflag:s2] =	dma.local @!p0 [hbm:s0], s1  }
0xb5: {  	s0 =	simm.s32 @!p0 $0x1  }
0xb6: {  	_ =	swait.ge @!p0 [sflag:s0], s1  }
0xb7: {  	s1 =	ssub.s32 @!p0 $0x0, s1;
	[sflag:s0] =	ssyncset.done @!p0 $0x0  }
0xb8: {  	[sflag:s0] =	ssyncadd.s32 @!p0 s1  }
0xb9: {  	[bflag:$0x3] =	sbarrier.arrive $0xFFFF  }
0xba: {  	_ =	shalt  }

// kernel: kernel.8.cloned.1.call-start
scs
__scs_entry_jumppad:
0x0: {  	(pc) =	sbr.rel $0x88, $3  }
0x1: {  	(tag) =	ssettag $0x0;
	lr =	simm.s32 $0x1  }
0x2: {  	[smem:$0x3F9D] =	sst lr;
	_ =	strace $0xD0000000  }
0x3: {  	_ = 	snop  }
0x4: {  	_ = 	snop  }
0x5: {  	_ = 	snop  }
0x6: {  	_ = 	snop  }
0x7: {  	_ = 	snop  }
__scs_overlays_trampoline_lowered:
0x8: {  	[smem:$0x3FAC] =	sst s0  }
0x9: {  	[smem:$0x3FAD] =	sst s1  }
0xa: {  	[smem:$0x3FAE] =	sst s2  }
0xb: {  	[smem:$0x3FAF] =	sst s3  }
0xc: {  	[smem:$0x3FB0] =	sst s4  }
0xd: {  	[smem:$0x3FB1] =	sst s5  }
0xe: {  	[smem:$0x3FB2] =	sst s6  }
0xf: {  	[smem:$0x3FB3] =	sst s7  }
0x10: {  	[smem:$0x3FB4] =	sst s8  }
0x11: {  	[smem:$0x3FB5] =	sst s9;
	s0 =	simm.s32 @!p0 $0x0  }
0x12: {  	s1 =	sld [smem:$0x3F9B];
	s0 =	simm.s32 @p0 $0x1  }
0x13: {  	[smem:$0x3FB6] =	sst s0;
	s0 =	simm.s32 @!p1 $0x0  }
0x14: {  	s2 =	sld [smem:$0x3F9A];
	s0 =	simm.s32 @p1 $0x1  }
0x15: {  	[smem:$0x3FB7] =	sst s0;
	s0 =	simm.s32 @!p2 $0x0  }
0x16: {  	s3 =	sld [smem:$0x3FDB];
	s0 =	simm.s32 @p2 $0x1  }
0x17: {  	s4 =	simm.s32 $0x1BF5;
	[smem:$0x3FB9] =	sst s0  }
0x18: {  	s0 =	sld [smem:$0x3F9C];
	_ =	swait.ge [sflag:s4], $0x0  }
0x19: {  	s7 =	sld [smem:$0x3F9D]  }
0x1a: {  	s8 =	sadd.s32 $0xFFFFE003, lr  }
0x1b: {  	s9 =	sadd.s32 $0xFFFFFEF7, lr;
	s5 =	simm.s32 $0xFFFFFFFF;
	p2 =	slt.u32 s8, $0xFFFFF086  }
0x1c: {  	p1 =	slt.u32 s9, $0xF7A;
	s5 =	simm.s32 @!p2 $0x0  }
0x1d: {  	s5 =	simm.s32 @p1 $0x1;
	p0 =	seq.s32 s7, s2  }
0x1e: {  	s7 =	smul.u32 @!p0 $0xF7A, s2;
	p2 =	seq.s32 @!p0 s5, $0x0  }
0x1f: {  	s9 =	smul.u32 $0xF7A, s1;
	s8 =	simm.s32 @!p0 $0x1BF5;
	p2 =	por !p2, p0  }
0x20: {  	[sflag:s8] =	ssyncset.s32 @!p0 $0xFFFFF086;
	s6 =	sadd.s32 @!p0 s3, s7;
	s7 =	simm.s32 @!p0 $0x108  }
0x21: {  	s3 =	sadd.s32 s3, s9;
	s6 =	sadd.s32 @!p0 $0x88, s6;
	s7 =	simm.s32 @p2 $0x1082  }
0x22: {  	[simem:s7], [sflag:s8] =	dma.local @!p0 [hbm:s6], $0xF7A  }
0x23: {  	s9 =	sor.u32 $0xD0000000, s2;
	s6 =	simm.s32 $0x108;
	_ =	swait.ge @!p0 [sflag:s8], $0x0  }
0x24: {  	s3 =	sadd.s32 $0x88, s3;
	s6 =	simm.s32 @!p1 $0x1082;
	[sflag:s4] =	ssyncset.s32 $0xFFFFF086  }
0x25: {  	[simem:s6], [sflag:s4] =	dma.local [hbm:s3], $0xF7A  }
0x26: {  	[smem:$0x3F9D] =	sst s1;
	(tag) =	ssettag s2;
	_ =	strace s9  }
0x27: {  	s1 =	sld [smem:$0x3FAD]  }
0x28: {  	s2 =	sld [smem:$0x3FAE]  }
0x29: {  	s4 =	sld [smem:$0x3FB0]  }
0x2a: {  	p0 =	seq.s32 s5, $0x0;
	s5 =	sld [smem:$0x3FB1]  }
0x2b: {  	s6 =	sld [smem:$0x3FB2]  }
0x2c: {  	s7 =	sld [smem:$0x3FB3]  }
0x2d: {  	s3 =	simm.s32 $0x108;
	s8 =	sld [smem:$0x3FB4]  }
0x2e: {  	s3 =	simm.s32 @!p0 $0x1082;
	s9 =	sld [smem:$0x3FB5]  }
0x2f: {  	lr =	sadd.s32 s0, s3;
	s0 =	sld [smem:$0x3FAC]  }
0x30: {  	s3 =	sld [smem:$0x3FAF]  }
0x31: {  	[smem:$0x3FB8] =	sst s10  }
0x32: {  	s10 =	sld [smem:$0x3FB6];
	_ =	sdelay $0x3  }
0x33: {  	p0 =	seq.s32 s10, $0x1;
	s10 =	sld [smem:$0x3FB8];
	_ =	sdelay $0x3  }
0x34: {  	[smem:$0x3FB8] =	sst s10  }
0x35: {  	s10 =	sld [smem:$0x3FB7];
	_ =	sdelay $0x3  }
0x36: {  	p1 =	seq.s32 s10, $0x1;
	s10 =	sld [smem:$0x3FB8];
	_ =	sdelay $0x3  }
0x37: {  	[smem:$0x3FB8] =	sst s10  }
0x38: {  	s10 =	sld [smem:$0x3FB9]  }
0x39: {  	_ = 	snop;
	(pc) =	sbr.ind lr, $3  }
0x3a: {  	_ = 	snop  }
0x3b: {  	_ = 	snop  }
0x3c: {  	p2 =	seq.s32 s10, $0x1;
	s10 =	sld [smem:$0x3FB8]  }
0x3d: {  	_ =	shalt  }
0x3e: {  	_ =	shalt  }
0x3f: {  	_ =	shalt  }
0x40: {  	_ =	shalt  }
0x41: {  	_ =	shalt  }
0x42: {  	_ =	shalt  }
0x43: {  	_ =	shalt  }
0x44: {  	_ =	shalt  }
0x45: {  	_ =	shalt  }
0x46: {  	_ =	shalt  }
0x47: {  	_ =	shalt  }
0x48: {  	_ =	shalt  }
0x49: {  	_ =	shalt  }
0x4a: {  	_ =	shalt  }
0x4b: {  	_ =	shalt  }
0x4c: {  	_ =	shalt  }
0x4d: {  	_ =	shalt  }
0x4e: {  	_ =	shalt  }
0x4f: {  	_ =	shalt  }
0x50: {  	_ =	shalt  }
0x51: {  	_ =	shalt  }
0x52: {  	_ =	shalt  }
0x53: {  	_ =	shalt  }
0x54: {  	_ =	shalt  }
0x55: {  	_ =	shalt  }
0x56: {  	_ =	shalt  }
0x57: {  	_ =	shalt  }
0x58: {  	_ =	shalt  }
0x59: {  	_ =	shalt  }
0x5a: {  	_ =	shalt  }
0x5b: {  	_ =	shalt  }
0x5c: {  	_ =	shalt  }
0x5d: {  	_ =	shalt  }
0x5e: {  	_ =	shalt  }
0x5f: {  	_ =	shalt  }
0x60: {  	_ =	shalt  }
0x61: {  	_ =	shalt  }
0x62: {  	_ =	shalt  }
0x63: {  	_ =	shalt  }
0x64: {  	_ =	shalt  }
0x65: {  	_ =	shalt  }
0x66: {  	_ =	shalt  }
0x67: {  	_ =	shalt  }
0x68: {  	_ =	shalt  }
0x69: {  	_ =	shalt  }
0x6a: {  	_ =	shalt  }
0x6b: {  	_ =	shalt  }
0x6c: {  	_ =	shalt  }
0x6d: {  	_ =	shalt  }
0x6e: {  	_ =	shalt  }
0x6f: {  	_ =	shalt  }
0x70: {  	_ =	shalt  }
0x71: {  	_ =	shalt  }
0x72: {  	_ =	shalt  }
0x73: {  	_ =	shalt  }
0x74: {  	_ =	shalt  }
0x75: {  	_ =	shalt  }
0x76: {  	_ =	shalt  }
0x77: {  	_ =	shalt  }
0x78: {  	_ =	shalt  }
0x79: {  	_ =	shalt  }
0x7a: {  	_ =	shalt  }
0x7b: {  	_ =	shalt  }
0x7c: {  	_ =	shalt  }
0x7d: {  	_ =	shalt  }
0x7e: {  	_ =	shalt  }
0x7f: {  	_ =	shalt  }
0x80: {  	_ =	shalt  }
0x81: {  	_ =	shalt  }
0x82: {  	_ =	shalt  }
0x83: {  	_ =	shalt  }
0x84: {  	_ =	shalt  }
0x85: {  	_ =	shalt  }
0x86: {  	_ =	shalt  }
0x87: {  	_ =	shalt  }
.Lfunc_end0:
.L_simem_size_0:
called_computation.1_lowered:
.L_overlay_start_0:
0x88: {  	s2 =	sld [smem:$0x3FD9]  }
0x89: {  	s3 =	sld [smem:$0x3FFE];
	_ =	sdelay $0x1  }
0x8a: {  	s1 =	srdreg.scid  }
0x8b: {  	s0 =	sand.u32 $0x1, s1  }
0x8c: {  	s17 =	sshll.u32 s0, $0xA;
	s2 =	sadd.s32 s3, s2  }
0x8d: {  	s2 =	sadd.s32 s2, s17  }
0x8e: {  	[smem:$0x3FC4] =	sst s2  }
0x8f: {  	_ = 	snop  }
0x90: {  	s2 =	sld [smem:$0x3FC6]  }
0x91: {  	s18 =	sld [smem:$0x3FD0];
	(tm) =	ssettm $0x1  }
0x92: {  	s4 =	sld [smem:$0x3FFB];
	_ =	sdelay $0x3  }
0x93: {  	_ =	strace s4  }
0x94: {  	s4 =	sld [smem:$0x3FFC];
	_ =	sdelay $0x3  }
0x95: {  	_ =	strace s4  }
0x96: {  	s4 =	sld [smem:$0x3FFD];
	_ =	sdelay $0x3  }
0x97: {  	_ =	strace s4  }
0x98: {  	_ =	strace $0x8FFFFFFF  }
0x99: {  	s19 =	sld [smem:$0x3FDB];
	_ =	sdelay $0x1  }
0x9a: {  	s5 =	simm.s32 $_scs_section_size  }
0x9b: {  	s6 =	simm.s32 $_size__tile_overlayer_lowered;
	s7 =	simm.s32 $_tile_overlayer_lowered  }
0x9c: {  	s22 =	simm.s32 $0x1BFF;
	s21 =	sshll.u32 s7, $0x1;
	s4 =	sadd.s32 s5, s19  }
0x9d: {  	s8 =	simm.s32 $0x0;
	s20 =	sshll.u32 s6, $0x1;
	s6 =	sadd.s32 s21, s4  }
0x9e: {  	[timem:s8], [sflag:s22] =	dma.local [hbm:s6], s20  }
0x9f: {  	_ =	swait.ge [sflag:s22], s20  }
0xa0: {  	s5 =	ssub.s32 $0x0, s20;
	[sflag:s22] =	ssyncset.done $0x0  }
0xa1: {  	[sflag:s22] =	ssyncadd.s32 s5;
	_ =	sdelay $0x1  }
0xa2: {  	s23 =	simm.s32 $0x1B8B  }
0xa3: {  	_ =	swait.ge [sflag:s23], $0x1  }
0xa4: {  	[sflag:s23] =	ssyncset.done $0x0  }
0xa5: {  	s25 =	simm.s32 $0x1B8E;
	s24 =	sld [smem:$0x3FFE];
	[sflag:s23] =	ssyncadd.s32 $0xFFFFFFFF  }
0xa6: {  	s26 =	simm.s32 $execute0_lowered;
	[smem:$0x3FD2] =	sst s25  }
0xa7: {  	s6 =	sshll.u32 s26, $0x1;
	_ =	strace $0x80000049;
	[dreg:$0x1] =	wrdreg $0xFFFFFFFF  }
0xa8: {  	s28 =	simm.s32 $_size_execute0_lowered;
	s4 =	sadd.s32 s4, s6;
	[dreg:$0x0] =	wrdreg $0x0  }
0xa9: {  	s6 =	sshll.u32 s28, $0x1;
	[dreg:$0x2] =	wrdreg s4  }
0xaa: {  	[dreg:$0x3] =	wrdreg s6  }
0xab: {  	[dreg:$0x4] =	wrdreg $0xC0  }
0xac: {  	_ =	task [dreg:s8], $0x5FFFF  }
0xad: {  	[dreg:$0x1] =	wrdreg $0xFFFFFFFF  }
0xae: {  	[dreg:$0x0] =	wrdreg $0x60  }
0xaf: {  	[dreg:$0x2] =	wrdreg s24  }
0xb0: {  	[dreg:$0x3] =	wrdreg s18  }
0xb1: {  	[dreg:$0x4] =	wrdreg s2  }
0xb2: {  	[dreg:$0x5] =	wrdreg $0x19D200  }
0xb3: {  	[dreg:$0x6] =	wrdreg $0x9  }
0xb4: {  	_ =	task.clear_ibuf [dreg:s8], $0x7FFFF;
	_ =	strace $0x90000049  }
0xb5: {  	s29 =	simm.s32 $0x9;
	_ =	strace $0x8000004B  }
0xb6: {  	_ =	swait.ge [sflag:s29], $0x1  }
0xb7: {  	[sflag:s29] =	ssyncadd.s32 $0xFFFFFFFF  }
0xb8: {  	_ =	strace $0x9000004B  }
0xb9: {  	_ =	sfence  }
0xba: {  	s30 =	sld [smem:$0x0];
	_ =	sdelay $0x2  }
0xbb: {  	s31 =	sshll.u32 s1, $0xD;
	s1 =	sshrl.u32 s1, $0x2  }
0xbc: {  	s3 =	sand.u32 $0x4000, s31;
	s1 =	sadd.s32 s1, s30  }
0xbd: {  	s0 =	sor.u32 s3, s0;
	s1 =	sshll.u32 s1, $0x11  }
0xbe: {  	s0 =	sor.u32 s1, s0  }
0xbf: {  	s0 =	sadd.s32 $0x8F2B, s0  }
0xc0: {  	[sflag:s0] =	ssyncadd.remote.s32 $0x1  }
0xc1: {  	_ =	sfence.sel $0xFFFF  }
0xc2: {  	[dreg:$0x0] =	wrdreg $0xFFFFFFFF;
	(pc) =	sbr.abs _section_cstart, $3  }
0xc3: {  	[dreg:$0x1] =	wrdreg $0xFFFFFFFF  }
0xc4: {  	_ =	task.clear_ibuf [dreg:s8], $0x2FFFF;
	_ =	strace $0x9FFFFFFF  }
0xc5: {  	(tm) =	ssettm $0x7FFFFFFF  }
tec
execute0_lowered:
.L_overlay_start_1:
0x0: {  	(tag) =	ssettag $0x1  }
0x1: {  	s0 =	rddreg [dreg:$0x0]  }
0x2: {  	s1 =	rddreg [dreg:$0x1]  }
0x3: {  	s4 =	stileid.u32;
	s8 =	rddreg [dreg:$0x2]  }
0x4: {  	s2 =	srdreg.scid;
	s3 =	rddreg [dreg:$0x3]  }
0x5: {  	s5 =	simm.s32 $0x0;
	s28 =	simm.s32 $0x12000;
	s31 =	simm.s32 $0x20  }
0x6: {  	s29 =	simm.s32 $0x200;
	s9 =	sand.u32 $0x1, s2;
	s24 =	smul.u32 $0x280, s4  }
0x7: {  	s10 =	smul.u32 $0x9C4, s4;
	[smem:$0x7FF] =	sst s5;
	s25 =	sadd.s32 $0xB000, s0  }
0x8: {  	s26 =	sadd.s32 $0x29F000, s0;
	_ =	strace $0x8000004A;
	[dreg:$0x6] =	wrdreg s25  }
0x9: {  	s13 =	sshll.u32 s9, $0x2;
	[dreg:$0x7] =	wrdreg s26;
	s1 =	sadd.s32 s1, s10  }
0xa: {  	s21 =	smul.u32 $0x50000, s9;
	s20 =	sadd.s32 s8, s13;
	[dreg:$0x9] =	wrdreg s1  }
0xb: {  	s7 =	sadd.s32 $0x28B000, s0;
	s17 =	smul.u32 $0x2800, s9;
	[dreg:$0xd] =	wrdreg s20  }
0xc: {  	s15 =	ssub.s32 $0x2, s9;
	s2 =	smul.u32 $0xA00000, s9;
	[dreg:$0xf] =	wrdreg s21  }
0xd: {  	s16 =	smov.u32 s24;
	s11 =	sadd.s32 s10, s0;
	[dreg:$0x5] =	wrdreg s17  }
0xe: {  	s14 =	sadd.s32 s13, s0;
	s18 =	sadd.s32 $0x800, s11;
	[dreg:$0xa] =	wrdreg s2  }
0xf: {  	s30 =	sshrl.u32 s15, $0x1;
	s22 =	sadd.s32 $0x780000, s2;
	[dreg:$0xb] =	wrdreg s18  }
0x10: {  	s10 =	simm.s32 $0xA000;
	s23 =	sadd.s32 $0x640000, s2;
	[dreg:$0x10] =	wrdreg s22  }
0x11: {  	s6 =	sadd.s32 s24, s17;
	s24 =	sadd.s32 $0x500000, s2;
	[dreg:$0x11] =	wrdreg s23  }
0x12: {  	s13 =	simm.s32 $0x1;
	s25 =	sadd.s32 $0x3C0000, s2;
	[dreg:$0x12] =	wrdreg s24  }
0x13: {  	s4 =	sadd.s32 $0x8C0000, s2;
	s26 =	sadd.s32 $0x280000, s2;
	[dreg:$0x13] =	wrdreg s25  }
0x14: {  	s1 =	simm.s32 $0x0;
	s6 =	sshrl.u32 s6, $0x3;
	[dreg:$0x14] =	wrdreg s26  }
0x15: {  	[dreg:$0xe] =	wrdreg s4;
	s12 =	sadd.s32 s6, s0;
	s0 =	sadd.s32 $0x2B3000, s0  }
0x16: {  	s25 =	simm.s32 $0x3;
	[dreg:$0x8] =	wrdreg s0;
	s19 =	sadd.s32 $0xA600, s12  }
0x17: {  	s0 =	ssub.s32 s15, s30;
	s30 =	sor.u32 $0x140000, s2;
	[dreg:$0xc] =	wrdreg s19  }
0x18: {  	s23 =	simm.s32 $0x14D00;
	[dreg:$0x15] =	wrdreg s30;
	s0 =	smax.u32 s0, $0x1  }
0x19: {  	s12 =	simm.s32 $0xE000;
	s30 =	sadd.s32 $0x2C7000, s14;
	[dreg:$0x17] =	wrdreg s0  }
0x1a: {  	v1 =	vlaneseq.u32;
	v2 =	vimm.f32 $0.0e+00;
	v0 =	vmov s17;
	s15 =	simm.s32 $0x12280;
	s14 =	simm.s32 $0x2;
	[dreg:$0x16] =	wrdreg s30  }
.LBB2_1:
0x1b: {  	[dreg:$0x18] =	wrdreg s1  }
0x1c: {  	s0 =	rddreg [dreg:$0x9]  }
0x1d: {  	v4 =	vor.u32 s5, v1;
	[tilespmem:s5], [sflag:$0x3] =	stream.linear.gather [hbm4b:s0+s5], $0x4E20, $0x38;
	[tilespmem:$0x1ED20] =	vst v63  }
0x1e: {  	v3 =	vmulhi.u32 $0x88888889, v4;
	_ =	swait.ge [sflag:s25], $0x4E20  }
0x1f: {  	s26 =	simm.s32 $0x5000;
	[sflag:s25] =	ssyncset.done $0x0  }
0x20: {  	s30 =	simm.s32 $0x10;
	s24 =	rddreg [dreg:$0xb];
	v3 =	vshrl.u32 v3, $0x7;
	[sflag:s25] =	ssyncadd.s32 $0xFFFFB1E0  }
0x21: {  	v5 =	vmul.u32 $0xF0, v3;
	[tilespmem:s26], [sflag:$0x3] =	stream.linear.gather [hbm4b:s24+s5], $0x4E20, $0x38;
	[tilespmem:$0x1ED20] =	vst v63  }
0x22: {  	v3 =	vor.u32 s30, v1;
	_ =	swait.ge [sflag:s25], $0x4E20  }
0x23: {  	v4 =	vsub.s32 v4, v5;
	v5 =	vmulhi.u32 $0x88888889, v3;
	[sflag:s25] =	ssyncset.done $0x0  }
0x24: {  	s0 =	simm.s32 $0x4E20;
	v4 =	vadd.s32 $0x2710, v4;
	[sflag:s25] =	ssyncadd.s32 $0xFFFFB1E0  }
0x25: {  	s1 =	simm.s32 $0x9E20;
	v5 =	vshrl.u32 v5, $0x7;
	[tilespmem:s0+$0x0] =	vst v4  }
0x26: {  	s8 =	simm.s32 $0x20;
	[tilespmem:s1+$0x0] =	vst v4;
	v4 =	vmul.u32 $0xF0, v5  }
.LBB2_2:
0x27: {  	p0 =	sne.s32 s8, $0x1D0  }
.Ltmp0:
0x28: {  	v4 =	vsub.s32 v3, v4;
	v3 =	vor.u32 s8, v1;
	(pc) =	sbr.rel @p0 .LBB2_2-.Ltmp0, $4  }
0x29: {  	s0 =	sadd.s32 $0x10, s0;
	s8 =	sadd.s32 $0x10, s8;
	v5 =	vmulhi.u32 $0x88888889, v3;
	v4 =	vadd.s32 $0x2710, v4  }
0x2a: {  	s1 =	sadd.s32 $0x10, s1;
	[tilespmem:s0+$0x0] =	vst v4  }
0x2b: {  	v5 =	vshrl.u32 v5, $0x7;
	[tilespmem:s1+$0x0] =	vst v4  }
0x2c: {  	v4 =	vmul.u32 $0xF0, v5  }
0x2d: {  	_ = 	snop  }
0x2e: {  	v3 =	vsub.s32 v3, v4  }
0x2f: {  	s0 =	sadd.s32 $0x10, s0;
	v3 =	vadd.s32 $0x2710, v3  }
0x30: {  	s22 =	sadd.s32 $0x10, s1;
	[tilespmem:s0+$0x0] =	vst v3  }
0x31: {  	s24 =	simm.s32 $0x0;
	s26 =	rddreg [dreg:$0xc];
	[tilespmem:s22+$0x0] =	vst v3  }
0x32: {  	[tilespmem:s28], [sflag:$0x3] =	stream.linear.gather [hbm4b:s26+s24], $0x280, $0x38;
	[tilespmem:$0x1ED20] =	vst v63  }
0x33: {  	_ =	swait.ge [sflag:s25], $0x280  }
0x34: {  	[sflag:s25] =	ssyncset.done $0x0  }
0x35: {  	s2 =	simm.s32 $0x19D00;
	s30 =	rddreg [dreg:$0xd];
	[sflag:s25] =	ssyncadd.s32 $0xFFFFFD80  }
0x36: {  	[tilespmem:s2], [sflag:$0x3] =	stream.linear.gather [hbm4b:s30+s24], $0x20, $0x38;
	[tilespmem:$0x1ED20] =	vst v63  }
0x37: {  	_ =	swait.ge [sflag:s25], $0x20  }
0x38: {  	[sflag:s25] =	ssyncset.done $0x0  }
0x39: {  	s1 =	simm.s32 $0x40;
	s0 =	simm.s32 $0x0;
	[sflag:s25] =	ssyncadd.s32 $0xFFFFFFE0  }
.LBB2_4:
0x3a: {  	p0 =	sne.s32 s1, $0x13FC0;
	v3 =	vld [tilespmem:s0+$0x0];
	_ =	sdelay $0x1  }
.Ltmp1:
0x3b: {  	(pc) =	sbr.rel @p0 .LBB2_4-.Ltmp1, $3  }
0x3c: {  	_ =	sdelay $0x1  }
0x3d: {  	v3 =	vadd.s32 v0, v3  }
0x3e: {  	[tilespmem:s0+$0x0] =	vst v3;
	s0 =	sshra.s32 s1, $0x2;
	s1 =	sadd.s32 $0x40, s1  }
0x3f: {  	v3 =	vld [tilespmem:s0+$0x0];
	_ =	sdelay $0x4  }
0x40: {  	v3 =	vadd.s32 v0, v3  }
0x41: {  	[tilespmem:s0+$0x0] =	vst v3;
	s0 =	simm.s32 $0x0  }
0x42: {  	v3 =	vld [tilespmem:s0+$0x12000]  }
0x43: {  	s1 =	simm.s32 $0x40  }
.LBB2_6:
0x44: {  	p0 =	sne.s32 s1, $0x9C0  }
.Ltmp2:
0x45: {  	_ = 	snop;
	(pc) =	sbr.rel @p0 .LBB2_6-.Ltmp2, $4  }
0x46: {  	_ = 	snop  }
0x47: {  	s8 =	sshra.s32 s1, $0x2;
	s1 =	sadd.s32 $0x40, s1;
	v4 =	vadd.f32 v3, v3  }
0x48: {  	v3 =	vld [tilespmem:s8+$0x12000]  }
0x49: {  	[tilespmem:s0+$0x12280] =	vst v4;
	s0 =	smov.u32 s8  }
0x4a: {  	_ =	sdelay $0x2  }
0x4b: {  	v3 =	vadd.f32 v3, v3;
	_ =	sdelay $0x1  }
0x4c: {  	s1 =	simm.s32 $0x80;
	s8 =	simm.s32 $0x0;
	[tilespmem:s0+$0x12280] =	vst v3;
	s0 =	simm.s32 $0x0  }
.LBB2_8:
0x4d: {  	p0 =	sne.s32 s1, $0x4F80;
	[tilespmem:s8+$0x12500] =	vst v2;
	s9 =	smov.u32 s1;
	s1 =	sadd.s32 $0x80, s1  }
.Ltmp3:
0x4e: {  	[tilespmem:s8+$0x12510] =	vst v2;
	(pc) =	sbr.rel @p0 .LBB2_8-.Ltmp3, $2  }
0x4f: {  	_ =	sdelay $0x2  }
0x50: {  	s8 =	sshra.s32 s9, $0x2  }
0x51: {  	[tilespmem:s8+$0x12500] =	vst v2  }
0x52: {  	[tilespmem:s8+$0x12510] =	vst v2;
	s8 =	simm.s32 $0x0  }
.LBB2_10:
0x53: {  	s1 =	smul.u32 $0xA0, s8  }
0x54: {  	s11 =	sadd.s32 $0xFFFFFFFC, s0  }
0x55: {  	s24 =	sadd.s32 $0x6, s11;
	s9 =	sadd.s32 s16, s1  }
0x56: {  	v3 =	vmov s24;
	s17 =	sshll.u32 s9, $0x7  }
0x57: {  	s30 =	sadd.s32 $0x4, s11;
	v3 =	vand.u32 $0xFFFFFFFE, v3;
	s26 =	sadd.s32 s17, s4  }
0x58: {  	s2 =	rddreg [dreg:$0x6];
	s6 =	sadd.s32 $0x5, s11;
	v4 =	vmov s30;
	v3 =	vbroadcast v3, $0x0;
	s1 =	sshrl.u32 s26, $0x3  }
0x59: {  	s18 =	simm.s32 $0x80;
	v5 =	vmov s6;
	v4 =	vand.u32 $0xFFFFFFFC, v4;
	s1 =	sadd.s32 s2, s1  }
0x5a: {  	v5 =	vand.u32 $0xFFFFFFFD, v5;
	v4 =	vbroadcast v4, $0x0;
	[tilespmem:s23], [sflag:$0x3] =	stream.strided.gather [hbm4b:s1+s31], $0x1400, s18, s31, $0x38;
	[tilespmem:$0x1ED20] =	vst v63  }
0x5b: {  	v5 =	vbroadcast v5, $0x0;
	_ =	swait.ge [sflag:s25], $0x1400  }
0x5c: {  	s19 =	sadd.s32 $0x7, s11;
	[sflag:s25] =	ssyncset.done $0x0  }
0x5d: {  	v6 =	vmov s19;
	[sflag:s25] =	ssyncadd.s32 $0xFFFFEC00  }
0x5e: {  	s20 =	sadd.s32 $0x0, s0;
	s18 =	simm.s32 $0x14D40;
	v9 =	vld.idx.msk [tilespmem:v3+s28+$0x0], $0xffff  }
0x5f: {  	s21 =	sadd.s32 $0x6, s20;
	v7 =	vld [tilespmem:s18+$0x0]  }
0x60: {  	s22 =	sadd.s32 $0x4, s20;
	v3 =	vmov s21;
	v17 =	vld.idx.msk [tilespmem:v4+s28+$0x0], $0xffff  }
0x61: {  	s24 =	sadd.s32 $0x5, s20;
	v4 =	vld.idx.msk [tilespmem:v5+s28+$0x0], $0xffff;
	v5 =	vmov s22;
	v3 =	vand.u32 $0xFFFFFFFE, v3  }
0x62: {  	v5 =	vand.u32 $0xFFFFFFFC, v5;
	v8 =	vbroadcast v3, $0x0;
	v3 =	vld.idx.msk [tilespmem:v6+s28+$0x0], $0xffff;
	v6 =	vmov s24  }
0x63: {  	v10 =	vld [tilespmem:s18+$0xFFFFFFC0];
	v5 =	vbroadcast v5, $0x0;
	v6 =	vand.u32 $0xFFFFFFFD, v6  }
0x64: {  	v11 =	vld [tilespmem:s18+$0xFFFFFFE0];
	v6 =	vbroadcast v6, $0x0;
	v7 =	vmul.f32 v7, v9  }
0x65: {  	s11 =	simm.s32 $0x18940;
	s17 =	simm.s32 $0x14DC0;
	s1 =	sadd.s32 $0x7, s20;
	v12 =	vld [tilespmem:s18+$0x20]  }
0x66: {  	v13 =	vmov s1;
	v15 =	vld [tilespmem:s17+$0x0];
	[tilespmem:s11+$0x0] =	vst v7  }
0x67: {  	v14 =	vld [tilespmem:s18+$0x10]  }
0x68: {  	v8 =	vld.idx.msk [tilespmem:v8+s28+$0x0], $0xffff  }
0x69: {  	s19 =	sadd.s32 $0x4, s0;
	v7 =	vld.idx.msk [tilespmem:v5+s28+$0x0], $0xffff  }
0x6a: {  	s26 =	sadd.s32 $0x6, s19;
	v5 =	vld.idx.msk [tilespmem:v6+s28+$0x0], $0xffff  }
0x6b: {  	v16 =	vmov s26;
	v10 =	vmul.f32 v10, v17;
	v6 =	vld.idx.msk [tilespmem:v13+s28+$0x0], $0xffff  }
0x6c: {  	v13 =	vand.u32 $0xFFFFFFFE, v16;
	v16 =	vld [tilespmem:s17+$0xFFFFFFC0]  }
0x6d: {  	[tilespmem:s11+$0xFFFFFFC0] =	vst v10;
	v10 =	vmul.f32 v12, v3  }
0x6e: {  	s20 =	sadd.s32 $0x4, s19;
	v9 =	vmul.f32 v14, v9  }
0x6f: {  	v19 =	vld [tilespmem:s17+$0xFFFFFFE0];
	s21 =	sadd.s32 $0x5, s19;
	[tilespmem:s11+$0x20] =	vst v10;
	v10 =	vmov s20;
	v18 =	vbroadcast v13, $0x0;
	v13 =	vmul.f32 v15, v8  }
0x70: {  	s1 =	simm.s32 $0x189C0;
	v11 =	vmul.f32 v11, v4;
	v12 =	vmov s21;
	v15 =	vld [tilespmem:s17+$0x20];
	[tilespmem:s11+$0x10] =	vst v9;
	v9 =	vand.u32 $0xFFFFFFFC, v10  }
0x71: {  	v20 =	vld [tilespmem:s18+$0xFFFFFFD0];
	v12 =	vand.u32 $0xFFFFFFFD, v12;
	[tilespmem:s1+$0x0] =	vst v13;
	v21 =	vmul.f32 v16, v7;
	v16 =	vbroadcast v9, $0x0  }
0x72: {  	[tilespmem:s11+$0xFFFFFFE0] =	vst v11;
	v14 =	vbroadcast v12, $0x0;
	v13 =	vld [tilespmem:s17+$0x10]  }
0x73: {  	s30 =	sadd.s32 $0x7, s19;
	v11 =	vld [tilespmem:s18+$0xFFFFFFF0]  }
0x74: {  	v12 =	vmov s30;
	v19 =	vmul.f32 v19, v5;
	v10 =	vld [tilespmem:s18+$0x30]  }
0x75: {  	s18 =	simm.s32 $0x14E40;
	v9 =	vld.idx.msk [tilespmem:v18+s28+$0x0], $0xffff;
	[tilespmem:s1+$0xFFFFFFC0] =	vst v21;
	v18 =	vmul.f32 v15, v6  }
0x76: {  	s19 =	simm.s32 $0x8;
	v17 =	vmul.f32 v20, v17;
	[tilespmem:s1+$0xFFFFFFE0] =	vst v19;
	v15 =	vld [tilespmem:s18+$0x0]  }
.LBB2_11:
0x77: {  	s20 =	sadd.s32 s19, s0;
	s19 =	sadd.s32 $0x4, s19;
	v19 =	vld.idx.msk [tilespmem:v16+s28+$0x0], $0xffff;
	v8 =	vmul.f32 v13, v8;
	[tilespmem:s1+$0x20] =	vst v18  }
0x78: {  	s21 =	sadd.s32 $0x4, s20;
	s22 =	sadd.s32 $0x6, s20;
	p0 =	slt.u32 s19, $0x9C;
	[tilespmem:s11+$0xFFFFFFD0] =	vst v17;
	v11 =	vmul.f32 v11, v4;
	v4 =	vmov v5;
	v5 =	vld.idx.msk [tilespmem:v14+s28+$0x0], $0xffff  }
0x79: {  	v13 =	vmov s21;
	s21 =	sadd.s32 $0x5, s20;
	v14 =	vmov s22;
	s20 =	sadd.s32 $0x7, s20;
	[tilespmem:s1+$0x10] =	vst v8;
	v16 =	vmul.f32 v10, v3;
	v3 =	vmovc v6;
	v6 =	vld.idx.msk [tilespmem:v12+s28+$0x0], $0xffff  }
0x7a: {  	v10 =	vand.u32 $0xFFFFFFFC, v13;
	v12 =	vmov s21;
	v13 =	vand.u32 $0xFFFFFFFE, v14;
	v17 =	vld [tilespmem:s18+$0xFFFFFFC0];
	[tilespmem:s11+$0xFFFFFFF0] =	vst v11  }
0x7b: {  	v11 =	vand.u32 $0xFFFFFFFD, v12;
	v18 =	vbroadcast v13, $0x0;
	v20 =	vld [tilespmem:s18+$0xFFFFFFE0];
	v13 =	vmul.f32 v15, v9;
	[tilespmem:s11+$0x30] =	vst v16;
	v8 =	vmovc v9;
	s11 =	smov.u32 s1  }
0x7c: {  	v16 =	vbroadcast v10, $0x0;
	v12 =	vmov s20;
	s1 =	sadd.s32 $0x80, s1;
	v14 =	vbroadcast v11, $0x0;
	v15 =	vld [tilespmem:s18+$0x20]  }
0x7d: {  	[tilespmem:s1+$0x0] =	vst v13;
	v21 =	vld [tilespmem:s17+$0xFFFFFFD0]  }
.Ltmp4:
0x7e: {  	v13 =	vld [tilespmem:s18+$0x10];
	(pc) =	sbr.rel @p0 .LBB2_11-.Ltmp4, $4  }
0x7f: {  	v17 =	vmul.f32 v17, v19;
	v11 =	vld [tilespmem:s17+$0xFFFFFFF0]  }
0x80: {  	v20 =	vmul.f32 v20, v5;
	v10 =	vld [tilespmem:s17+$0x30];
	s17 =	smov.u32 s18  }
0x81: {  	s18 =	sadd.s32 $0x80, s18;
	v9 =	vld.idx.msk [tilespmem:v18+s28+$0x0], $0xffff;
	[tilespmem:s1+$0xFFFFFFC0] =	vst v17;
	v18 =	vmul.f32 v15, v6  }
0x82: {  	v15 =	vld [tilespmem:s18+$0x0];
	[tilespmem:s1+$0xFFFFFFE0] =	vst v20;
	v17 =	vmul.f32 v21, v7;
	v7 =	vmov v19  }
0x83: {  	_ =	sdelay $0x3  }
0x84: {  	v16 =	vld.idx.msk [tilespmem:v16+s28+$0x0], $0xffff  }
0x85: {  	v14 =	vld.idx.msk [tilespmem:v14+s28+$0x0], $0xffff  }
0x86: {  	v19 =	vld [tilespmem:s18+$0xFFFFFFC0]  }
0x87: {  	v12 =	vld.idx.msk [tilespmem:v12+s28+$0x0], $0xffff  }
0x88: {  	v51 =	vld [tilespmem:s18+$0x20]  }
0x89: {  	v20 =	vld [tilespmem:s18+$0xFFFFFFE0];
	[tilespmem:s1+$0x20] =	vst v18;
	v8 =	vmul.f32 v13, v8  }
0x8a: {  	[tilespmem:s11+$0xFFFFFFD0] =	vst v17;
	v15 =	vmul.f32 v15, v9  }
0x8b: {  	s19 =	sadd.s32 $0x80, s1;
	v52 =	vld [tilespmem:s17+$0xFFFFFFD0];
	[tilespmem:s1+$0x10] =	vst v8;
	v54 =	vmul.f32 v19, v16  }
0x8c: {  	v55 =	vld [tilespmem:s17+$0xFFFFFFF0];
	v4 =	vmul.f32 v11, v4;
	[tilespmem:s19+$0x0] =	vst v15  }
0x8d: {  	v58 =	vmul.f32 v51, v12;
	v53 =	vld [tilespmem:s18+$0x10];
	[tilespmem:s19+$0xFFFFFFC0] =	vst v54  }
0x8e: {  	[tilespmem:s11+$0xFFFFFFF0] =	vst v4;
	v56 =	vmul.f32 v20, v14;
	v59 =	vld [tilespmem:s18+$0xFFFFFFD0]  }
0x8f: {  	v57 =	vld [tilespmem:s17+$0x30];
	v3 =	vmul.f32 v10, v3;
	[tilespmem:s19+$0x20] =	vst v58  }
0x90: {  	v7 =	vmul.f32 v52, v7;
	[tilespmem:s19+$0xFFFFFFE0] =	vst v56;
	v61 =	vld [tilespmem:s18+$0x30]  }
0x91: {  	[tilespmem:s11+$0x30] =	vst v3;
	v4 =	vmul.f32 v55, v5;
	v60 =	vld [tilespmem:s18+$0xFFFFFFF0]  }
0x92: {  	[tilespmem:s1+$0xFFFFFFD0] =	vst v7;
	v3 =	vmul.f32 v53, v9  }
0x93: {  	[tilespmem:s1+$0xFFFFFFF0] =	vst v4;
	v62 =	vmul.f32 v59, v16  }
0x94: {  	[tilespmem:s19+$0x10] =	vst v3;
	v3 =	vmul.f32 v57, v6  }
0x95: {  	v63 =	vmul.f32 v61, v12;
	[tilespmem:s19+$0xFFFFFFD0] =	vst v62  }
0x96: {  	[tilespmem:s1+$0x30] =	vst v3;
	v3 =	vmul.f32 v60, v14  }
0x97: {  	s18 =	sshll.u32 s9, $0x5;
	s2 =	rddreg [dreg:$0xf];
	[tilespmem:s19+$0x30] =	vst v63  }
0x98: {  	s20 =	sadd.s32 s2, s18;
	[tilespmem:s19+$0xFFFFFFF0] =	vst v3  }
0x99: {  	s11 =	sshrl.u32 s20, $0x3;
	s21 =	rddreg [dreg:$0x7]  }
0x9a: {  	s11 =	sadd.s32 s21, s11  }
0x9b: {  	[hbm4b:s11+s5] =	stream.linear.scatter [tilespmem:s23], [sflag:$0x3], $0x1400, $0x38;
	[tilespmem:$0x1ED20] =	vst v63  }
0x9c: {  	_ =	swait.ge [sflag:s25], $0x1400  }
0x9d: {  	s22 =	rddreg [dreg:$0x5]  }
0x9e: {  	s24 =	sadd.s32 s22, s9  }
0x9f: {  	[sflag:s25] =	ssyncset.done $0x0;
	s9 =	sshll.u32 s24, $0x2  }
0xa0: {  	s26 =	simm.s32 $0x18900;
	[sflag:s25] =	ssyncadd.s32 $0xFFFFEC00;
	s9 =	sadd.s32 s7, s9  }
0xa1: {  	[hbm4b:s9+s5] =	stream.linear.scatter [tilespmem:s26], [sflag:$0x3], $0x1400, $0x38;
	[tilespmem:$0x1ED20] =	vst v63  }
0xa2: {  	s8 =	sadd.s32 $0x1, s8;
	_ =	swait.ge [sflag:s25], $0x1400  }
0xa3: {  	s30 =	simm.s32 $0x12500;
	p0 =	sne.s32 s8, $0x4;
	[sflag:s25] =	ssyncset.done $0x0  }
.Ltmp5:
0xa4: {  	s1 =	sadd.s32 s18, s3;
	[sflag:s25] =	ssyncadd.s32 $0xFFFFEC00;
	(pc) =	sbr.rel @p0 .LBB2_10-.Ltmp5, $4  }
0xa5: {  	[spmem:s1] =	stream.linear.scatter [tilespmem:s30], [sflag:$0x3], $0x1400, $0x38;
	[tilespmem:$0x1ED20] =	vst v63  }
0xa6: {  	_ =	swait.ge [sflag:s25], $0x1400  }
0xa7: {  	[sflag:s25] =	ssyncset.done $0x0  }
0xa8: {  	s0 =	sadd.s32 $0xA0, s0;
	[sflag:s25] =	ssyncadd.s32 $0xFFFFEC00  }
0xa9: {  	[bflag:$0x0] =	sbarrier.arrive $0xFFFF;
	s0 =	simm.s32 $0x0  }
0xaa: {  	[tilespmem:s10], [sflag:$0x1] =	stream.indirect.gather [hbm4b:s7+s29], $0x20, s0, s29, $0xb8;
	[tilespmem:$0x1ED20] =	vst v63  }
0xab: {  	s22 =	simm.s32 $0x200  }
0xac: {  	[tilespmem:s12], [sflag:$0x2] =	stream.indirect.gather [hbm4b:s7+s29], $0x20, s22, s29, $0xb8;
	[tilespmem:$0x1ED20] =	vst v63  }
0xad: {  	_ =	swait.ge [sflag:s13], $0x4000  }
0xae: {  	[sflag:s13] =	ssyncset.done $0x0  }
0xaf: {  	s24 =	simm.s32 $0x5000;
	[sflag:s13] =	ssyncadd.s32 $0xFFFFC000  }
0xb0: {  	[spmem:s3] =	stream.indirect.scatter.add.f32 [tilespmem:s10], [sflag:$0x3], $0x20, s24, s29, $0xb8;
	[tilespmem:$0x1ED20] =	vst v63  }
0xb1: {  	_ =	swait.ge [sflag:s25], $0x4000  }
0xb2: {  	[sflag:s25] =	ssyncset.done $0x0  }
0xb3: {  	s26 =	simm.s32 $0x400;
	[sflag:s25] =	ssyncadd.s32 $0xFFFFC000  }
0xb4: {  	[tilespmem:s10], [sflag:$0x1] =	stream.indirect.gather [hbm4b:s7+s29], $0x20, s26, s29, $0xb8;
	[tilespmem:$0x1ED20] =	vst v63  }
0xb5: {  	_ =	swait.ge [sflag:s14], $0x4000  }
0xb6: {  	[sflag:s14] =	ssyncset.done $0x0  }
0xb7: {  	s30 =	simm.s32 $0x5200;
	[sflag:s14] =	ssyncadd.s32 $0xFFFFC000  }
0xb8: {  	[spmem:s3] =	stream.indirect.scatter.add.f32 [tilespmem:s12], [sflag:$0x3], $0x20, s30, s29, $0xb8;
	[tilespmem:$0x1ED20] =	vst v63  }
0xb9: {  	_ =	swait.ge [sflag:s25], $0x4000  }
0xba: {  	s1 =	simm.s32 $0x2000;
	s0 =	simm.s32 $0x400;
	[sflag:s25] =	ssyncset.done $0x0  }
.LBB2_14:
0xbb: {  	s8 =	sadd.s32 $0x200, s0  }
0xbc: {  	[sflag:s25] =	ssyncadd.s32 $0xFFFFC000;
	s9 =	smov.u32 s1;
	s11 =	sadd.s32 $0x1000, s1  }
0xbd: {  	[tilespmem:s12], [sflag:$0x2] =	stream.indirect.gather [hbm4b:s7+s29], $0x20, s8, s29, $0xb8;
	[tilespmem:$0x1ED20] =	vst v63  }
0xbe: {  	p0 =	sne.s32 s1, $0x12000;
	_ =	swait.ge [sflag:s13], $0x4000  }
0xbf: {  	[sflag:s13] =	ssyncset.done $0x0  }
0xc0: {  	s1 =	sadd.s32 $0x5000, s0;
	[sflag:s13] =	ssyncadd.s32 $0xFFFFC000  }
0xc1: {  	[spmem:s3] =	stream.indirect.scatter.add.f32 [tilespmem:s10], [sflag:$0x3], $0x20, s1, s29, $0xb8;
	[tilespmem:$0x1ED20] =	vst v63  }
0xc2: {  	_ =	swait.ge [sflag:s25], $0x4000  }
0xc3: {  	[sflag:s25] =	ssyncset.done $0x0  }
0xc4: {  	s1 =	sadd.s32 $0x400, s0;
	[sflag:s25] =	ssyncadd.s32 $0xFFFFC000  }
0xc5: {  	[tilespmem:s10], [sflag:$0x1] =	stream.indirect.gather [hbm4b:s7+s29], $0x20, s1, s29, $0xb8;
	[tilespmem:$0x1ED20] =	vst v63  }
0xc6: {  	_ =	swait.ge [sflag:s14], $0x4000  }
.Ltmp6:
0xc7: {  	[sflag:s14] =	ssyncset.done $0x0;
	(pc) =	sbr.rel @p0 .LBB2_14-.Ltmp6, $4  }
0xc8: {  	s0 =	sadd.s32 $0x5200, s0;
	[sflag:s14] =	ssyncadd.s32 $0xFFFFC000  }
0xc9: {  	[spmem:s3] =	stream.indirect.scatter.add.f32 [tilespmem:s12], [sflag:$0x3], $0x20, s0, s29, $0xb8;
	[tilespmem:$0x1ED20] =	vst v63  }
0xca: {  	_ =	swait.ge [sflag:s25], $0x4000  }
0xcb: {  	s1 =	smov.u32 s11;
	s0 =	sshra.s32 s9, $0x2;
	[sflag:s25] =	ssyncset.done $0x0  }
0xcc: {  	s1 =	sadd.s32 $0x200, s0;
	[sflag:s25] =	ssyncadd.s32 $0xFFFFC000  }
0xcd: {  	[tilespmem:s12], [sflag:$0x2] =	stream.indirect.gather [hbm4b:s7+s29], $0x20, s1, s29, $0xb8;
	[tilespmem:$0x1ED20] =	vst v63  }
0xce: {  	_ =	swait.ge [sflag:s13], $0x4000  }
0xcf: {  	[sflag:s13] =	ssyncset.done $0x0  }
0xd0: {  	s20 =	sadd.s32 $0x5000, s0;
	[sflag:s13] =	ssyncadd.s32 $0xFFFFC000  }
0xd1: {  	[spmem:s3] =	stream.indirect.scatter.add.f32 [tilespmem:s10], [sflag:$0x3], $0x20, s20, s29, $0xb8;
	[tilespmem:$0x1ED20] =	vst v63  }
0xd2: {  	_ =	swait.ge [sflag:s25], $0x4000  }
0xd3: {  	[sflag:s25] =	ssyncset.done $0x0  }
0xd4: {  	s21 =	sadd.s32 $0x400, s0;
	[sflag:s25] =	ssyncadd.s32 $0xFFFFC000  }
0xd5: {  	[tilespmem:s10], [sflag:$0x1] =	stream.indirect.gather [hbm4b:s7+s29], $0x20, s21, s29, $0xb8;
	[tilespmem:$0x1ED20] =	vst v63  }
0xd6: {  	_ =	swait.ge [sflag:s14], $0x4000  }
0xd7: {  	[sflag:s14] =	ssyncset.done $0x0  }
0xd8: {  	s22 =	sadd.s32 $0x5200, s0;
	[sflag:s14] =	ssyncadd.s32 $0xFFFFC000  }
0xd9: {  	[spmem:s3] =	stream.indirect.scatter.add.f32 [tilespmem:s12], [sflag:$0x3], $0x20, s22, s29, $0xb8;
	[tilespmem:$0x1ED20] =	vst v63  }
0xda: {  	_ =	swait.ge [sflag:s25], $0x4000  }
0xdb: {  	[sflag:s25] =	ssyncset.done $0x0  }
0xdc: {  	s24 =	simm.s32 $0x4E00;
	[sflag:s25] =	ssyncadd.s32 $0xFFFFC000  }
0xdd: {  	[tilespmem:s12], [sflag:$0x2] =	stream.indirect.gather [hbm4b:s7+s29], $0x20, s24, s29, $0xb8;
	[tilespmem:$0x1ED20] =	vst v63  }
0xde: {  	_ =	swait.ge [sflag:s13], $0x4000  }
0xdf: {  	[sflag:s13] =	ssyncset.done $0x0  }
0xe0: {  	s26 =	simm.s32 $0x9C00;
	[sflag:s13] =	ssyncadd.s32 $0xFFFFC000  }
0xe1: {  	[spmem:s3] =	stream.indirect.scatter.add.f32 [tilespmem:s10], [sflag:$0x3], $0x20, s26, s29, $0xb8;
	[tilespmem:$0x1ED20] =	vst v63  }
0xe2: {  	_ =	swait.ge [sflag:s25], $0x4000  }
0xe3: {  	[sflag:s25] =	ssyncset.done $0x0  }
0xe4: {  	[sflag:s25] =	ssyncadd.s32 $0xFFFFC000  }
0xe5: {  	_ =	swait.ge [sflag:s14], $0x4000  }
0xe6: {  	[sflag:s14] =	ssyncset.done $0x0  }
0xe7: {  	s30 =	simm.s32 $0x9E00;
	[sflag:s14] =	ssyncadd.s32 $0xFFFFC000  }
0xe8: {  	[spmem:s3] =	stream.indirect.scatter.add.f32 [tilespmem:s12], [sflag:$0x3], $0x20, s30, s29, $0xb8;
	[tilespmem:$0x1ED20] =	vst v63  }
0xe9: {  	_ =	swait.ge [sflag:s25], $0x4000  }
0xea: {  	[sflag:s25] =	ssyncset.done $0x0  }
0xeb: {  	[sflag:s25] =	ssyncadd.s32 $0xFFFFC000  }
0xec: {  	s0 =	simm.s32 $0x0;
	s11 =	simm.s32 $0x0;
	[bflag:$0x0] =	sbarrier.arrive $0xFFFF  }
.LBB2_16:
0xed: {  	s1 =	smul.u32 $0xA0, s11;
	_ =	sdelay $0x1  }
0xee: {  	s17 =	sadd.s32 s16, s1  }
0xef: {  	s19 =	sshll.u32 s17, $0x5  }
0xf0: {  	s24 =	simm.s32 $0x13900;
	s18 =	sadd.s32 s19, s3  }
0xf1: {  	[tilespmem:s24], [sflag:$0x3] =	stream.linear.gather [spmem:s18], $0x1400, $0x38;
	[tilespmem:$0x1ED20] =	vst v63  }
0xf2: {  	_ =	swait.ge [sflag:s25], $0x1400  }
0xf3: {  	s26 =	sshll.u32 s17, $0x7;
	s2 =	rddreg [dreg:$0x10]  }
0xf4: {  	s1 =	sadd.s32 s26, s2  }
0xf5: {  	[sflag:s25] =	ssyncset.done $0x0;
	s30 =	rddreg [dreg:$0x6];
	s1 =	sshrl.u32 s1, $0x3  }
0xf6: {  	s4 =	simm.s32 $0x80;
	[sflag:s25] =	ssyncadd.s32 $0xFFFFEC00;
	s1 =	sadd.s32 s30, s1  }
0xf7: {  	[tilespmem:s23], [sflag:$0x3] =	stream.strided.gather [hbm4b:s1+s31], $0x1400, s4, s31, $0x38;
	[tilespmem:$0x1ED20] =	vst v63  }
0xf8: {  	s8 =	sadd.s32 $0xFFFFFFFC, s0;
	_ =	swait.ge [sflag:s25], $0x1400  }
0xf9: {  	s6 =	simm.s32 $0x14D40;
	s9 =	sadd.s32 $0x5, s8;
	[sflag:s25] =	ssyncset.done $0x0  }
0xfa: {  	s20 =	sadd.s32 $0x6, s8;
	s21 =	sadd.s32 $0x7, s8;
	v3 =	vmov s9;
	[sflag:s25] =	ssyncadd.s32 $0xFFFFEC00  }
0xfb: {  	v5 =	vmov s20;
	v6 =	vmov s21;
	v3 =	vand.u32 $0xFFFFFFFD, v3;
	v4 =	vld [tilespmem:s6+$0x20]  }
0xfc: {  	s22 =	simm.s32 $0x13940;
	s8 =	sadd.s32 $0x4, s8;
	v5 =	vand.u32 $0xFFFFFFFE, v5;
	v3 =	vbroadcast v3, $0x0;
	v7 =	vld [tilespmem:s6+$0x0]  }
0xfd: {  	v8 =	vmov s8;
	v5 =	vbroadcast v5, $0x0;
	v9 =	vld [tilespmem:s22+$0x20]  }
0xfe: {  	v8 =	vand.u32 $0xFFFFFFFC, v8;
	v10 =	vld [tilespmem:s22+$0xFFFFFFE0]  }
0xff: {  	v8 =	vbroadcast v8, $0x0;
	v11 =	vld [tilespmem:s6+$0xFFFFFFE0]  }
0x100: {  	v12 =	vld.idx.msk [tilespmem:v6+s28+$0x0], $0xffff  }
0x101: {  	v13 =	vld.idx.msk [tilespmem:v6+s15+$0x0], $0xffff  }
0x102: {  	v14 =	vld.idx.msk [tilespmem:v3+s15+$0x0], $0xffff  }
0x103: {  	v15 =	vld.idx.msk [tilespmem:v5+s15+$0x0], $0xffff  }
0x104: {  	v6 =	vld [tilespmem:s22+$0x0]  }
0x105: {  	v16 =	vld.idx.msk [tilespmem:v8+s15+$0x0], $0xffff  }
0x106: {  	v17 =	vld [tilespmem:s22+$0xFFFFFFC0]  }
0x107: {  	v18 =	vld.idx.msk [tilespmem:v5+s28+$0x0], $0xffff  }
0x108: {  	v5 =	vld [tilespmem:s6+$0xFFFFFFC0]  }
0x109: {  	s8 =	simm.s32 $0x14DC0;
	v3 =	vld.idx.msk [tilespmem:v3+s28+$0x0], $0xffff  }
0x10a: {  	v19 =	vld [tilespmem:s8+$0x20];
	v9 =	vmul.f32 v9, v13  }
0x10b: {  	s21 =	simm.s32 $0x139C0;
	v20 =	vld [tilespmem:s8+$0x0];
	v6 =	vmul.f32 v6, v15  }
0x10c: {  	v21 =	vld [tilespmem:s21+$0xFFFFFFE0];
	v10 =	vmul.f32 v10, v14;
	v9 =	vsub.f32 v4, v9  }
0x10d: {  	s20 =	simm.s32 $0x17540;
	v25 =	vld [tilespmem:s8+$0xFFFFFFE0];
	v6 =	vsub.f32 v7, v6  }
0x10e: {  	v4 =	vld.idx.msk [tilespmem:v8+s28+$0x0], $0xffff;
	v8 =	vmul.f32 v9, v12;
	[tilespmem:s20+$0x20] =	vst v9;
	v9 =	vsub.f32 v11, v10  }
0x10f: {  	s9 =	simm.s32 $0x18940;
	v63 =	vld [tilespmem:s21+$0xFFFFFFC0];
	v10 =	vmul.f32 v17, v16;
	[tilespmem:s20+$0x0] =	vst v6  }
0x110: {  	s30 =	sadd.s32 $0x0, s0;
	v17 =	vld [tilespmem:s21+$0x20];
	[tilespmem:s9+$0x20] =	vst v8;
	v7 =	vmul.f32 v9, v3  }
0x111: {  	s24 =	sadd.s32 $0x5, s30;
	s26 =	sadd.s32 $0x6, s30;
	[tilespmem:s20+$0xFFFFFFE0] =	vst v9;
	v5 =	vsub.f32 v5, v10;
	v10 =	vmul.f32 v6, v18;
	v8 =	vld [tilespmem:s22+$0x30]  }
0x112: {  	s31 =	sadd.s32 $0x7, s30;
	v9 =	vmov s24;
	v6 =	vmov s26;
	v11 =	vld [tilespmem:s6+$0x30];
	[tilespmem:s9+$0xFFFFFFE0] =	vst v7  }
0x113: {  	v7 =	vand.u32 $0xFFFFFFFD, v9;
	v9 =	vmov s31;
	v23 =	vmul.f32 v5, v4;
	[tilespmem:s9+$0x0] =	vst v10;
	v22 =	vld [tilespmem:s22+$0xFFFFFFF0]  }
0x114: {  	s23 =	sadd.s32 $0x4, s30;
	v6 =	vand.u32 $0xFFFFFFFE, v6;
	[tilespmem:s20+$0xFFFFFFC0] =	vst v5;
	v24 =	vbroadcast v7, $0x0;
	v26 =	vld [tilespmem:s22+$0x10]  }
0x115: {  	v5 =	vmov s23;
	v7 =	vbroadcast v6, $0x0;
	[tilespmem:s9+$0xFFFFFFC0] =	vst v23;
	v23 =	vld [tilespmem:s6+$0x10]  }
0x116: {  	v5 =	vand.u32 $0xFFFFFFFC, v5;
	v28 =	vld [tilespmem:s22+$0xFFFFFFD0]  }
0x117: {  	v27 =	vbroadcast v5, $0x0;
	v8 =	vmul.f32 v8, v13;
	v13 =	vld [tilespmem:s21+$0x0]  }
0x118: {  	v5 =	vld.idx.msk [tilespmem:v9+s28+$0x0], $0xffff  }
0x119: {  	v10 =	vld.idx.msk [tilespmem:v9+s15+$0x0], $0xffff  }
0x11a: {  	v6 =	vld.idx.msk [tilespmem:v24+s15+$0x0], $0xffff  }
0x11b: {  	v15 =	vmul.f32 v26, v15;
	v9 =	vld.idx.msk [tilespmem:v7+s15+$0x0], $0xffff  }
0x11c: {  	v11 =	vsub.f32 v11, v8;
	v7 =	vld.idx.msk [tilespmem:v7+s28+$0x0], $0xffff  }
0x11d: {  	v8 =	vld.idx.msk [tilespmem:v27+s15+$0x0], $0xffff;
	v15 =	vsub.f32 v23, v15  }
0x11e: {  	v12 =	vmul.f32 v11, v12;
	[tilespmem:s20+$0x30] =	vst v11;
	v11 =	vld.idx.msk [tilespmem:v24+s28+$0x0], $0xffff;
	v23 =	vmul.f32 v17, v10  }
0x11f: {  	v17 =	vld [tilespmem:s8+$0xFFFFFFC0];
	v18 =	vmul.f32 v15, v18  }
0x120: {  	[tilespmem:s9+$0x30] =	vst v12;
	v21 =	vmul.f32 v21, v6;
	v23 =	vsub.f32 v19, v23;
	v19 =	vmul.f32 v13, v9  }
0x121: {  	[tilespmem:s20+$0x10] =	vst v15;
	v12 =	vld.idx.msk [tilespmem:v27+s28+$0x0], $0xffff;
	v13 =	vmul.f32 v22, v14;
	v14 =	vmul.f32 v28, v16  }
0x122: {  	s1 =	simm.s32 $0x139C0;
	s22 =	simm.s32 $0x175C0;
	v15 =	vld [tilespmem:s6+$0xFFFFFFF0];
	[tilespmem:s9+$0x10] =	vst v18;
	v16 =	vsub.f32 v25, v21;
	v21 =	vmul.f32 v63, v8;
	v19 =	vsub.f32 v20, v19  }
0x123: {  	s24 =	simm.s32 $0x4;
	s26 =	simm.s32 $0x14E40;
	s23 =	simm.s32 $0x189C0;
	v18 =	vld [tilespmem:s6+$0xFFFFFFD0];
	[tilespmem:s22+$0x20] =	vst v23;
	v20 =	vmul.f32 v23, v5  }
.LBB2_17:
0x124: {  	s30 =	sadd.s32 s24, s0;
	v22 =	vld [tilespmem:s26+$0x20];
	s24 =	sadd.s32 $0x4, s24;
	v17 =	vsub.f32 v17, v21;
	[tilespmem:s22+$0x0] =	vst v19;
	s21 =	sadd.s32 $0x80, s21  }
0x125: {  	v19 =	vmul.f32 v19, v7;
	s31 =	sadd.s32 $0x5, s30;
	s4 =	sadd.s32 $0x6, s30;
	v23 =	vld [tilespmem:s26+$0x0];
	s2 =	sadd.s32 $0x7, s30;
	[tilespmem:s23+$0x20] =	vst v20  }
0x126: {  	s30 =	sadd.s32 $0x4, s30;
	p0 =	slt.u32 s24, $0x9C;
	v20 =	vmov s31;
	v21 =	vmov s4;
	[tilespmem:s22+$0xFFFFFFE0] =	vst v16;
	v16 =	vmul.f32 v16, v11;
	v24 =	vld [tilespmem:s1+$0x30]  }
0x127: {  	v20 =	vand.u32 $0xFFFFFFFD, v20;
	v21 =	vand.u32 $0xFFFFFFFE, v21;
	[tilespmem:s22+$0xFFFFFFC0] =	vst v17;
	v17 =	vmul.f32 v17, v12;
	v25 =	vld [tilespmem:s8+$0x30]  }
0x128: {  	v26 =	vmov s30;
	v13 =	vsub.f32 v15, v13;
	v27 =	vld [tilespmem:s21+$0x20];
	[tilespmem:s23+$0xFFFFFFE0] =	vst v16;
	v14 =	vsub.f32 v18, v14  }
0x129: {  	v15 =	vand.u32 $0xFFFFFFFC, v26;
	v16 =	vbroadcast v20, $0x0;
	v18 =	vld [tilespmem:s21+$0xFFFFFFE0];
	[tilespmem:s23+$0x0] =	vst v19  }
0x12a: {  	v20 =	vmov s2;
	v19 =	vbroadcast v21, $0x0;
	v26 =	vmul.f32 v13, v3;
	v3 =	vmovc v11;
	v21 =	vld [tilespmem:s1+$0xFFFFFFF0];
	[tilespmem:s20+$0xFFFFFFD0] =	vst v14  }
0x12b: {  	v11 =	vmul.f32 v14, v4;
	v4 =	vmov v12;
	v28 =	vld [tilespmem:s26+$0xFFFFFFE0];
	v10 =	vmul.f32 v24, v10;
	[tilespmem:s20+$0xFFFFFFF0] =	vst v13;
	s20 =	smov.u32 s22  }
0x12c: {  	[tilespmem:s23+$0xFFFFFFC0] =	vst v17;
	v12 =	vld [tilespmem:s1+$0x10]  }
0x12d: {  	v17 =	vld [tilespmem:s8+$0x10];
	v10 =	vsub.f32 v25, v10;
	[tilespmem:s9+$0xFFFFFFD0] =	vst v11  }
0x12e: {  	v15 =	vbroadcast v15, $0x0;
	v11 =	vld [tilespmem:s1+$0xFFFFFFD0];
	[tilespmem:s9+$0xFFFFFFF0] =	vst v26;
	s1 =	smov.u32 s21;
	s9 =	smov.u32 s23  }
0x12f: {  	v13 =	vmul.f32 v21, v6;
	[tilespmem:s22+$0x30] =	vst v10;
	v14 =	vmul.f32 v10, v5;
	v5 =	vld.idx.msk [tilespmem:v20+s28+$0x0], $0xffff  }
0x130: {  	v10 =	vld.idx.msk [tilespmem:v20+s15+$0x0], $0xffff  }
0x131: {  	v6 =	vld.idx.msk [tilespmem:v16+s15+$0x0], $0xffff;
	v12 =	vmul.f32 v12, v9;
	[tilespmem:s23+$0x30] =	vst v14  }
0x132: {  	v9 =	vld.idx.msk [tilespmem:v19+s15+$0x0], $0xffff  }
0x133: {  	v20 =	vld [tilespmem:s21+$0x0];
	v14 =	vmul.f32 v11, v8;
	v11 =	vsub.f32 v17, v12  }
0x134: {  	s22 =	sadd.s32 $0x80, s22;
	v8 =	vld.idx.msk [tilespmem:v15+s15+$0x0], $0xffff  }
0x135: {  	v21 =	vld [tilespmem:s21+$0xFFFFFFC0];
	[tilespmem:s20+$0x10] =	vst v11;
	v11 =	vmul.f32 v11, v7  }
0x136: {  	s23 =	sadd.s32 $0x80, s23;
	v12 =	vmul.f32 v27, v10;
	v7 =	vld.idx.msk [tilespmem:v19+s28+$0x0], $0xffff  }
.Ltmp7:
0x137: {  	v18 =	vmul.f32 v18, v6;
	v17 =	vld [tilespmem:s26+$0xFFFFFFC0];
	[tilespmem:s9+$0x10] =	vst v11;
	(pc) =	sbr.rel @p0 .LBB2_17-.Ltmp7, $4  }
0x138: {  	v11 =	vld.idx.msk [tilespmem:v16+s28+$0x0], $0xffff;
	v19 =	vmul.f32 v20, v9;
	v20 =	vsub.f32 v22, v12  }
0x139: {  	v16 =	vsub.f32 v28, v18;
	v12 =	vld.idx.msk [tilespmem:v15+s28+$0x0], $0xffff  }
0x13a: {  	v21 =	vmul.f32 v21, v8;
	v19 =	vsub.f32 v23, v19;
	[tilespmem:s22+$0x20] =	vst v20;
	v20 =	vmul.f32 v20, v5;
	v15 =	vld [tilespmem:s8+$0xFFFFFFF0]  }
0x13b: {  	v18 =	vld [tilespmem:s8+$0xFFFFFFD0];
	s8 =	smov.u32 s26;
	s26 =	sadd.s32 $0x80, s26  }
0x13c: {  	[tilespmem:s23+$0x20] =	vst v20;
	v52 =	vmul.f32 v19, v7  }
0x13d: {  	v17 =	vsub.f32 v17, v21;
	[tilespmem:s22+$0x0] =	vst v19;
	v53 =	vld [tilespmem:s1+$0x30]  }
0x13e: {  	v54 =	vld [tilespmem:s8+$0x30];
	[tilespmem:s23+$0x0] =	vst v52  }
0x13f: {  	[tilespmem:s22+$0xFFFFFFC0] =	vst v17;
	v17 =	vmul.f32 v17, v12;
	v20 =	vld [tilespmem:s1+$0x10]  }
0x140: {  	[tilespmem:s22+$0xFFFFFFE0] =	vst v16;
	v55 =	vmul.f32 v16, v11  }
0x141: {  	v56 =	vld [tilespmem:s8+$0x10];
	v13 =	vsub.f32 v15, v13;
	[tilespmem:s23+$0xFFFFFFC0] =	vst v17  }
0x142: {  	[tilespmem:s23+$0xFFFFFFE0] =	vst v55;
	v14 =	vsub.f32 v18, v14;
	v57 =	vld [tilespmem:s1+$0xFFFFFFD0];
	v10 =	vmul.f32 v53, v10  }
0x143: {  	v16 =	vld [tilespmem:s1+$0xFFFFFFF0];
	v3 =	vmul.f32 v13, v3;
	[tilespmem:s20+$0xFFFFFFF0] =	vst v13  }
0x144: {  	v58 =	vld [tilespmem:s8+$0xFFFFFFD0];
	[tilespmem:s20+$0xFFFFFFD0] =	vst v14;
	v4 =	vmul.f32 v14, v4;
	v10 =	vsub.f32 v54, v10;
	v9 =	vmul.f32 v20, v9  }
0x145: {  	v59 =	vld [tilespmem:s8+$0xFFFFFFF0];
	[tilespmem:s9+$0xFFFFFFF0] =	vst v3  }
0x146: {  	[tilespmem:s9+$0xFFFFFFD0] =	vst v4;
	v3 =	vmul.f32 v10, v5;
	v60 =	vsub.f32 v56, v9  }
0x147: {  	[tilespmem:s22+$0x30] =	vst v10;
	v8 =	vmul.f32 v57, v8  }
0x148: {  	v6 =	vmul.f32 v16, v6;
	[tilespmem:s23+$0x30] =	vst v3;
	v3 =	vmul.f32 v60, v7  }
0x149: {  	[tilespmem:s22+$0x10] =	vst v60;
	v61 =	vsub.f32 v58, v8  }
0x14a: {  	[tilespmem:s23+$0x10] =	vst v3;
	v3 =	vsub.f32 v59, v6  }
0x14b: {  	[tilespmem:s22+$0xFFFFFFD0] =	vst v61;
	v62 =	vmul.f32 v61, v12  }
0x14c: {  	v63 =	vmul.f32 v3, v11;
	[tilespmem:s22+$0xFFFFFFF0] =	vst v3  }
0x14d: {  	s22 =	rddreg [dreg:$0xf];
	[tilespmem:s23+$0xFFFFFFD0] =	vst v62  }
0x14e: {  	s1 =	sadd.s32 s22, s19;
	[tilespmem:s23+$0xFFFFFFF0] =	vst v63  }
0x14f: {  	s1 =	sshrl.u32 s1, $0x3;
	s2 =	rddreg [dreg:$0x8]  }
0x150: {  	s23 =	simm.s32 $0x17500;
	s1 =	sadd.s32 s2, s1  }
0x151: {  	[hbm4b:s1+s5] =	stream.linear.scatter [tilespmem:s23], [sflag:$0x3], $0x1400, $0x38;
	[tilespmem:$0x1ED20] =	vst v63  }
0x152: {  	_ =	swait.ge [sflag:s25], $0x1400  }
0x153: {  	s24 =	rddreg [dreg:$0x5]  }
0x154: {  	s1 =	sadd.s32 s24, s17  }
0x155: {  	[sflag:s25] =	ssyncset.done $0x0;
	s1 =	sshll.u32 s1, $0x2  }
0x156: {  	s26 =	simm.s32 $0x18900;
	[sflag:s25] =	ssyncadd.s32 $0xFFFFEC00;
	s1 =	sadd.s32 s7, s1  }
0x157: {  	[hbm4b:s1+s5] =	stream.linear.scatter [tilespmem:s26], [sflag:$0x3], $0x1400, $0x38;
	[tilespmem:$0x1ED20] =	vst v63  }
0x158: {  	s11 =	sadd.s32 $0x1, s11;
	_ =	swait.ge [sflag:s25], $0x1400  }
0x159: {  	p0 =	sne.s32 s11, $0x4;
	[sflag:s25] =	ssyncset.done $0x0  }
.Ltmp8:
0x15a: {  	s30 =	simm.s32 $0x12500;
	[sflag:s25] =	ssyncadd.s32 $0xFFFFEC00;
	(pc) =	sbr.rel @p0 .LBB2_16-.Ltmp8, $4  }
0x15b: {  	[spmem:s18] =	stream.linear.scatter [tilespmem:s30], [sflag:$0x3], $0x1400, $0x38;
	[tilespmem:$0x1ED20] =	vst v63  }
0x15c: {  	_ =	swait.ge [sflag:s25], $0x1400  }
0x15d: {  	s0 =	sadd.s32 $0xA0, s0;
	[sflag:s25] =	ssyncset.done $0x0  }
0x15e: {  	s31 =	simm.s32 $0x20;
	s23 =	simm.s32 $0x14D00;
	[sflag:s25] =	ssyncadd.s32 $0xFFFFEC00  }
0x15f: {  	[bflag:$0x0] =	sbarrier.arrive $0xFFFF;
	s0 =	simm.s32 $0x0  }
0x160: {  	[tilespmem:s10], [sflag:$0x1] =	stream.indirect.gather [hbm4b:s7+s29], $0x20, s0, s29, $0xb8;
	[tilespmem:$0x1ED20] =	vst v63  }
0x161: {  	s22 =	simm.s32 $0x200  }
0x162: {  	[tilespmem:s12], [sflag:$0x2] =	stream.indirect.gather [hbm4b:s7+s29], $0x20, s22, s29, $0xb8;
	[tilespmem:$0x1ED20] =	vst v63  }
0x163: {  	_ =	swait.ge [sflag:s13], $0x4000  }
0x164: {  	[sflag:s13] =	ssyncset.done $0x0  }
0x165: {  	s24 =	simm.s32 $0x5000;
	[sflag:s13] =	ssyncadd.s32 $0xFFFFC000  }
0x166: {  	[spmem:s3] =	stream.indirect.scatter.add.f32 [tilespmem:s10], [sflag:$0x3], $0x20, s24, s29, $0xb8;
	[tilespmem:$0x1ED20] =	vst v63  }
0x167: {  	_ =	swait.ge [sflag:s25], $0x4000  }
0x168: {  	[sflag:s25] =	ssyncset.done $0x0  }
0x169: {  	s26 =	simm.s32 $0x400;
	[sflag:s25] =	ssyncadd.s32 $0xFFFFC000  }
0x16a: {  	[tilespmem:s10], [sflag:$0x1] =	stream.indirect.gather [hbm4b:s7+s29], $0x20, s26, s29, $0xb8;
	[tilespmem:$0x1ED20] =	vst v63  }
0x16b: {  	_ =	swait.ge [sflag:s14], $0x4000  }
0x16c: {  	[sflag:s14] =	ssyncset.done $0x0  }
0x16d: {  	s30 =	simm.s32 $0x5200;
	[sflag:s14] =	ssyncadd.s32 $0xFFFFC000  }
0x16e: {  	[spmem:s3] =	stream.indirect.scatter.add.f32 [tilespmem:s12], [sflag:$0x3], $0x20, s30, s29, $0xb8;
	[tilespmem:$0x1ED20] =	vst v63  }
0x16f: {  	_ =	swait.ge [sflag:s25], $0x4000  }
0x170: {  	s1 =	simm.s32 $0x2000;
	s0 =	simm.s32 $0x400;
	[sflag:s25] =	ssyncset.done $0x0  }
.LBB2_20:
0x171: {  	s2 =	sadd.s32 $0x200, s0  }
0x172: {  	[sflag:s25] =	ssyncadd.s32 $0xFFFFC000;
	s4 =	smov.u32 s1;
	s8 =	sadd.s32 $0x1000, s1  }
0x173: {  	[tilespmem:s12], [sflag:$0x2] =	stream.indirect.gather [hbm4b:s7+s29], $0x20, s2, s29, $0xb8;
	[tilespmem:$0x1ED20] =	vst v63  }
0x174: {  	p0 =	sne.s32 s1, $0x12000;
	_ =	swait.ge [sflag:s13], $0x4000  }
0x175: {  	[sflag:s13] =	ssyncset.done $0x0  }
0x176: {  	s1 =	sadd.s32 $0x5000, s0;
	[sflag:s13] =	ssyncadd.s32 $0xFFFFC000  }
0x177: {  	[spmem:s3] =	stream.indirect.scatter.add.f32 [tilespmem:s10], [sflag:$0x3], $0x20, s1, s29, $0xb8;
	[tilespmem:$0x1ED20] =	vst v63  }
0x178: {  	_ =	swait.ge [sflag:s25], $0x4000  }
0x179: {  	[sflag:s25] =	ssyncset.done $0x0  }
0x17a: {  	s1 =	sadd.s32 $0x400, s0;
	[sflag:s25] =	ssyncadd.s32 $0xFFFFC000  }
0x17b: {  	[tilespmem:s10], [sflag:$0x1] =	stream.indirect.gather [hbm4b:s7+s29], $0x20, s1, s29, $0xb8;
	[tilespmem:$0x1ED20] =	vst v63  }
0x17c: {  	_ =	swait.ge [sflag:s14], $0x4000  }
.Ltmp9:
0x17d: {  	[sflag:s14] =	ssyncset.done $0x0;
	(pc) =	sbr.rel @p0 .LBB2_20-.Ltmp9, $4  }
0x17e: {  	s0 =	sadd.s32 $0x5200, s0;
	[sflag:s14] =	ssyncadd.s32 $0xFFFFC000  }
0x17f: {  	[spmem:s3] =	stream.indirect.scatter.add.f32 [tilespmem:s12], [sflag:$0x3], $0x20, s0, s29, $0xb8;
	[tilespmem:$0x1ED20] =	vst v63  }
0x180: {  	_ =	swait.ge [sflag:s25], $0x4000  }
0x181: {  	s1 =	smov.u32 s8;
	s0 =	sshra.s32 s4, $0x2;
	[sflag:s25] =	ssyncset.done $0x0  }
0x182: {  	s1 =	sadd.s32 $0x200, s0;
	[sflag:s25] =	ssyncadd.s32 $0xFFFFC000  }
0x183: {  	[tilespmem:s12], [sflag:$0x2] =	stream.indirect.gather [hbm4b:s7+s29], $0x20, s1, s29, $0xb8;
	[tilespmem:$0x1ED20] =	vst v63  }
0x184: {  	_ =	swait.ge [sflag:s13], $0x4000  }
0x185: {  	[sflag:s13] =	ssyncset.done $0x0  }
0x186: {  	s20 =	sadd.s32 $0x5000, s0;
	[sflag:s13] =	ssyncadd.s32 $0xFFFFC000  }
0x187: {  	[spmem:s3] =	stream.indirect.scatter.add.f32 [tilespmem:s10], [sflag:$0x3], $0x20, s20, s29, $0xb8;
	[tilespmem:$0x1ED20] =	vst v63  }
0x188: {  	_ =	swait.ge [sflag:s25], $0x4000  }
0x189: {  	[sflag:s25] =	ssyncset.done $0x0  }
0x18a: {  	s21 =	sadd.s32 $0x400, s0;
	[sflag:s25] =	ssyncadd.s32 $0xFFFFC000  }
0x18b: {  	[tilespmem:s10], [sflag:$0x1] =	stream.indirect.gather [hbm4b:s7+s29], $0x20, s21, s29, $0xb8;
	[tilespmem:$0x1ED20] =	vst v63  }
0x18c: {  	_ =	swait.ge [sflag:s14], $0x4000  }
0x18d: {  	[sflag:s14] =	ssyncset.done $0x0  }
0x18e: {  	s22 =	sadd.s32 $0x5200, s0;
	[sflag:s14] =	ssyncadd.s32 $0xFFFFC000  }
0x18f: {  	[spmem:s3] =	stream.indirect.scatter.add.f32 [tilespmem:s12], [sflag:$0x3], $0x20, s22, s29, $0xb8;
	[tilespmem:$0x1ED20] =	vst v63  }
0x190: {  	_ =	swait.ge [sflag:s25], $0x4000  }
0x191: {  	[sflag:s25] =	ssyncset.done $0x0  }
0x192: {  	s24 =	simm.s32 $0x4E00;
	[sflag:s25] =	ssyncadd.s32 $0xFFFFC000  }
0x193: {  	[tilespmem:s12], [sflag:$0x2] =	stream.indirect.gather [hbm4b:s7+s29], $0x20, s24, s29, $0xb8;
	[tilespmem:$0x1ED20] =	vst v63  }
0x194: {  	_ =	swait.ge [sflag:s13], $0x4000  }
0x195: {  	[sflag:s13] =	ssyncset.done $0x0  }
0x196: {  	s26 =	simm.s32 $0x9C00;
	[sflag:s13] =	ssyncadd.s32 $0xFFFFC000  }
0x197: {  	[spmem:s3] =	stream.indirect.scatter.add.f32 [tilespmem:s10], [sflag:$0x3], $0x20, s26, s29, $0xb8;
	[tilespmem:$0x1ED20] =	vst v63  }
0x198: {  	_ =	swait.ge [sflag:s25], $0x4000  }
0x199: {  	[sflag:s25] =	ssyncset.done $0x0  }
0x19a: {  	[sflag:s25] =	ssyncadd.s32 $0xFFFFC000  }
0x19b: {  	_ =	swait.ge [sflag:s14], $0x4000  }
0x19c: {  	[sflag:s14] =	ssyncset.done $0x0  }
0x19d: {  	s30 =	simm.s32 $0x9E00;
	[sflag:s14] =	ssyncadd.s32 $0xFFFFC000  }
0x19e: {  	[spmem:s3] =	stream.indirect.scatter.add.f32 [tilespmem:s12], [sflag:$0x3], $0x20, s30, s29, $0xb8;
	[tilespmem:$0x1ED20] =	vst v63  }
0x19f: {  	_ =	swait.ge [sflag:s25], $0x4000  }
0x1a0: {  	[sflag:s25] =	ssyncset.done $0x0  }
0x1a1: {  	[sflag:s25] =	ssyncadd.s32 $0xFFFFC000  }
0x1a2: {  	s11 =	simm.s32 $0x0;
	s18 =	simm.s32 $0x0;
	[bflag:$0x0] =	sbarrier.arrive $0xFFFF  }
.LBB2_22:
0x1a3: {  	s0 =	smul.u32 $0xA0, s18;
	_ =	sdelay $0x1  }
0x1a4: {  	s20 =	sadd.s32 s16, s0  }
0x1a5: {  	s0 =	sshll.u32 s20, $0x5  }
0x1a6: {  	s1 =	simm.s32 $0x13900;
	s19 =	sadd.s32 s0, s3  }
0x1a7: {  	[tilespmem:s1], [sflag:$0x3] =	stream.linear.gather [spmem:s19], $0x1400, $0x38;
	[tilespmem:$0x1ED20] =	vst v63  }
0x1a8: {  	_ =	swait.ge [sflag:s25], $0x1400  }
0x1a9: {  	s8 =	sshll.u32 s20, $0x7;
	s2 =	rddreg [dreg:$0x11]  }
0x1aa: {  	s9 =	sadd.s32 $0xFFFFFFFC, s11;
	s1 =	sadd.s32 s8, s2  }
0x1ab: {  	[sflag:s25] =	ssyncset.done $0x0;
	s4 =	rddreg [dreg:$0x6];
	s1 =	sshrl.u32 s1, $0x3  }
0x1ac: {  	s6 =	simm.s32 $0x80;
	[sflag:s25] =	ssyncadd.s32 $0xFFFFEC00;
	s1 =	sadd.s32 s4, s1  }
0x1ad: {  	[tilespmem:s23], [sflag:$0x3] =	stream.strided.gather [hbm4b:s1+s31], $0x1400, s6, s31, $0x38;
	[tilespmem:$0x1ED20] =	vst v63  }
0x1ae: {  	s17 =	sadd.s32 $0x6, s9;
	_ =	swait.ge [sflag:s25], $0x1400  }
0x1af: {  	v3 =	vmov s17;
	s21 =	rddreg [dreg:$0xf]  }
0x1b0: {  	s26 =	simm.s32 $0x16100;
	s22 =	sadd.s32 $0x4, s9;
	v3 =	vand.u32 $0xFFFFFFFE, v3;
	s0 =	sadd.s32 s21, s0  }
0x1b1: {  	v4 =	vmov s22;
	v3 =	vbroadcast v3, $0x0;
	[sflag:s25] =	ssyncset.done $0x0;
	s23 =	rddreg [dreg:$0x7];
	s0 =	sshrl.u32 s0, $0x3  }
0x1b2: {  	s24 =	sadd.s32 $0x5, s9;
	v4 =	vand.u32 $0xFFFFFFFC, v4;
	[sflag:s25] =	ssyncadd.s32 $0xFFFFEC00;
	s21 =	sadd.s32 s23, s0  }
0x1b3: {  	v5 =	vmov s24;
	v6 =	vbroadcast v4, $0x0;
	[tilespmem:s26], [sflag:$0x3] =	stream.linear.gather [hbm4b:s21+s5], $0x1400, $0x38;
	[tilespmem:$0x1ED20] =	vst v63  }
0x1b4: {  	v4 =	vand.u32 $0xFFFFFFFD, v5;
	_ =	swait.ge [sflag:s25], $0x1400  }
0x1b5: {  	v7 =	vbroadcast v4, $0x0;
	[sflag:s25] =	ssyncset.done $0x0  }
0x1b6: {  	[sflag:s25] =	ssyncadd.s32 $0xFFFFEC00  }
0x1b7: {  	s23 =	simm.s32 $0x13940;
	v13 =	vld.idx.msk [tilespmem:v3+s15+$0x0], $0xffff  }
0x1b8: {  	s4 =	sadd.s32 $0x7, s9;
	v8 =	vld [tilespmem:s23+$0x0]  }
0x1b9: {  	s24 =	simm.s32 $0x14D40;
	v9 =	vmov s4;
	v5 =	vld.idx.msk [tilespmem:v6+s15+$0x0], $0xffff  }
0x1ba: {  	v10 =	vld [tilespmem:s24+$0x0]  }
0x1bb: {  	s22 =	simm.s32 $0x16140;
	v14 =	vld.idx.msk [tilespmem:v7+s15+$0x0], $0xffff  }
0x1bc: {  	v11 =	vld [tilespmem:s22+$0x0]  }
0x1bd: {  	v15 =	vld.idx.msk [tilespmem:v3+s28+$0x0], $0xffff  }
0x1be: {  	v4 =	vld.idx.msk [tilespmem:v9+s15+$0x0], $0xffff  }
0x1bf: {  	v16 =	vld [tilespmem:s23+$0xFFFFFFC0]  }
0x1c0: {  	v17 =	vld [tilespmem:s23+$0x20]  }
0x1c1: {  	v3 =	vmul.f32 v8, v13;
	v8 =	vld [tilespmem:s23+$0xFFFFFFE0]  }
0x1c2: {  	v18 =	vld [tilespmem:s24+$0xFFFFFFC0]  }
0x1c3: {  	v3 =	vsub.f32 v10, v3;
	v10 =	vld [tilespmem:s24+$0xFFFFFFE0]  }
0x1c4: {  	v19 =	vld [tilespmem:s24+$0x20]  }
0x1c5: {  	v20 =	vld [tilespmem:s22+$0xFFFFFFC0]  }
0x1c6: {  	s6 =	sadd.s32 $0x0, s11;
	v23 =	vld [tilespmem:s22+$0x20];
	v3 =	vsub.f32 v3, v11;
	v8 =	vmul.f32 v8, v14  }
0x1c7: {  	s8 =	sadd.s32 $0x6, s6;
	s0 =	simm.s32 $0x17540;
	v11 =	vld [tilespmem:s22+$0xFFFFFFE0]  }
0x1c8: {  	s31 =	simm.s32 $0x14DC0;
	v12 =	vmul.f32 v3, v15;
	[tilespmem:s0+$0x0] =	vst v3;
	v3 =	vld.idx.msk [tilespmem:v7+s28+$0x0], $0xffff;
	v7 =	vsub.f32 v10, v8;
	v8 =	vmov s8  }
0x1c9: {  	s30 =	simm.s32 $0x139C0;
	s17 =	simm.s32 $0x18940;
	v29 =	vld [tilespmem:s31+$0x0];
	v8 =	vand.u32 $0xFFFFFFFE, v8  }
0x1ca: {  	v32 =	vld [tilespmem:s30+$0xFFFFFFC0];
	[tilespmem:s17+$0x0] =	vst v12;
	v12 =	vbroadcast v8, $0x0  }
0x1cb: {  	v60 =	vld [tilespmem:s30+$0xFFFFFFE0];
	v16 =	vmul.f32 v16, v5  }
0x1cc: {  	v61 =	vld [tilespmem:s30+$0x20];
	v17 =	vmul.f32 v17, v4  }
0x1cd: {  	v16 =	vsub.f32 v18, v16;
	v18 =	vld [tilespmem:s31+$0xFFFFFFC0];
	v10 =	vsub.f32 v7, v11  }
0x1ce: {  	v17 =	vsub.f32 v19, v17;
	v19 =	vld [tilespmem:s31+$0x20]  }
0x1cf: {  	v11 =	vmul.f32 v10, v3;
	[tilespmem:s0+$0xFFFFFFE0] =	vst v10;
	v10 =	vld [tilespmem:s30+$0x0]  }
0x1d0: {  	s9 =	sadd.s32 $0x4, s6;
	s8 =	simm.s32 $0x161C0;
	v28 =	vld.idx.msk [tilespmem:v12+s15+$0x0], $0xffff  }
0x1d1: {  	v30 =	vld [tilespmem:s8+$0x0];
	v7 =	vmov s9  }
0x1d2: {  	s26 =	sadd.s32 $0x5, s6;
	v21 =	vld [tilespmem:s23+$0x10];
	v7 =	vand.u32 $0xFFFFFFFC, v7  }
0x1d3: {  	v22 =	vld [tilespmem:s24+$0x10];
	v8 =	vmov s26;
	v25 =	vbroadcast v7, $0x0  }
0x1d4: {  	v24 =	vld [tilespmem:s22+$0x10];
	v8 =	vand.u32 $0xFFFFFFFD, v8  }
0x1d5: {  	v7 =	vld.idx.msk [tilespmem:v6+s28+$0x0], $0xffff;
	v26 =	vbroadcast v8, $0x0;
	v31 =	vmul.f32 v10, v28  }
0x1d6: {  	s1 =	sadd.s32 $0x7, s6;
	v12 =	vld.idx.msk [tilespmem:v12+s28+$0x0], $0xffff  }
0x1d7: {  	v6 =	vld.idx.msk [tilespmem:v9+s28+$0x0], $0xffff;
	[tilespmem:s17+$0xFFFFFFE0] =	vst v11;
	v11 =	vmov s1;
	v29 =	vsub.f32 v29, v31  }
0x1d8: {  	v27 =	vld [tilespmem:s23+$0xFFFFFFF0];
	v13 =	vmul.f32 v21, v13  }
0x1d9: {  	v9 =	vld.idx.msk [tilespmem:v25+s15+$0x0], $0xffff;
	v21 =	vsub.f32 v29, v30  }
0x1da: {  	v13 =	vsub.f32 v22, v13;
	v22 =	vld [tilespmem:s31+$0xFFFFFFE0]  }
0x1db: {  	s26 =	simm.s32 $0x175C0;
	v8 =	vld.idx.msk [tilespmem:v26+s15+$0x0], $0xffff;
	v30 =	vmul.f32 v21, v12  }
0x1dc: {  	v16 =	vsub.f32 v16, v20;
	s9 =	simm.s32 $0x189C0;
	v10 =	vld.idx.msk [tilespmem:v11+s15+$0x0], $0xffff;
	[tilespmem:s26+$0x0] =	vst v21  }
0x1dd: {  	v17 =	vsub.f32 v17, v23;
	v13 =	vsub.f32 v13, v24;
	v21 =	vld [tilespmem:s8+$0xFFFFFFC0];
	[tilespmem:s9+$0x0] =	vst v30  }
0x1de: {  	[tilespmem:s0+$0xFFFFFFC0] =	vst v16;
	v20 =	vmul.f32 v32, v9;
	v23 =	vld [tilespmem:s30+$0x10]  }
0x1df: {  	v62 =	vld [tilespmem:s8+$0xFFFFFFE0];
	[tilespmem:s0+$0x20] =	vst v17;
	v15 =	vmul.f32 v13, v15  }
0x1e0: {  	[tilespmem:s0+$0x10] =	vst v13;
	v13 =	vmul.f32 v16, v7;
	v16 =	vmul.f32 v60, v8;
	v63 =	vsub.f32 v18, v20;
	v18 =	vld [tilespmem:s31+$0x10]  }
0x1e1: {  	[tilespmem:s17+$0x10] =	vst v15;
	v15 =	vmul.f32 v17, v6;
	v20 =	vld [tilespmem:s8+$0x20]  }
0x1e2: {  	[tilespmem:s17+$0xFFFFFFC0] =	vst v13;
	v31 =	vsub.f32 v22, v16;
	v29 =	vmul.f32 v61, v10;
	v17 =	vld [tilespmem:s8+$0x10];
	v16 =	vsub.f32 v63, v21  }
0x1e3: {  	v13 =	vmul.f32 v27, v14;
	v14 =	vld.idx.msk [tilespmem:v26+s28+$0x0], $0xffff;
	[tilespmem:s17+$0x20] =	vst v15;
	v22 =	vmul.f32 v23, v28  }
0x1e4: {  	s1 =	simm.s32 $0x4;
	v15 =	vld.idx.msk [tilespmem:v25+s28+$0x0], $0xffff;
	v21 =	vsub.f32 v19, v29;
	v19 =	vsub.f32 v31, v62;
	[tilespmem:s26+$0xFFFFFFC0] =	vst v16  }
.LBB2_23:
0x1e5: {  	s2 =	sadd.s32 s1, s11;
	s1 =	sadd.s32 $0x4, s1;
	v18 =	vsub.f32 v18, v22;
	v22 =	vld.idx.msk [tilespmem:v11+s28+$0x0], $0xffff  }
0x1e6: {  	s4 =	sadd.s32 $0x4, s2;
	s6 =	sadd.s32 $0x6, s2;
	p0 =	slt.u32 s1, $0x9C;
	[tilespmem:s26+$0xFFFFFFE0] =	vst v19;
	v20 =	vsub.f32 v21, v20;
	v21 =	vld [tilespmem:s23+$0xFFFFFFD0]  }
0x1e7: {  	v11 =	vmov s4;
	s4 =	sadd.s32 $0x5, s2;
	v23 =	vmov s6;
	s2 =	sadd.s32 $0x7, s2;
	v17 =	vsub.f32 v18, v17;
	v18 =	vld [tilespmem:s23+$0x30];
	s23 =	smov.u32 s30  }
0x1e8: {  	v11 =	vand.u32 $0xFFFFFFFC, v11;
	v24 =	vmov s4;
	v23 =	vand.u32 $0xFFFFFFFE, v23;
	[tilespmem:s26+$0x20] =	vst v20;
	v25 =	vld [tilespmem:s24+$0xFFFFFFD0]  }
0x1e9: {  	v24 =	vand.u32 $0xFFFFFFFD, v24;
	v23 =	vbroadcast v23, $0x0;
	v12 =	vmul.f32 v17, v12;
	v26 =	vld [tilespmem:s24+$0xFFFFFFF0]  }
0x1ea: {  	v27 =	vbroadcast v11, $0x0;
	v11 =	vmov s2;
	v24 =	vbroadcast v24, $0x0;
	[tilespmem:s26+$0x10] =	vst v17;
	v17 =	vld [tilespmem:s24+$0x30];
	s24 =	smov.u32 s31  }
0x1eb: {  	v16 =	vmul.f32 v16, v15;
	v19 =	vmul.f32 v19, v14;
	[tilespmem:s9+$0x10] =	vst v12;
	v12 =	vld [tilespmem:s22+$0xFFFFFFD0]  }
0x1ec: {  	v20 =	vmul.f32 v20, v22;
	v21 =	vmul.f32 v21, v5;
	v5 =	vmov v9;
	v28 =	vld [tilespmem:s22+$0xFFFFFFF0]  }
0x1ed: {  	v9 =	vmul.f32 v18, v4;
	v4 =	vmov v10;
	[tilespmem:s9+$0xFFFFFFE0] =	vst v19;
	v18 =	vld [tilespmem:s22+$0x30];
	s22 =	smov.u32 s8  }
0x1ee: {  	[tilespmem:s9+$0xFFFFFFC0] =	vst v16;
	v10 =	vld [tilespmem:s30+$0xFFFFFFF0];
	v16 =	vsub.f32 v25, v21;
	v13 =	vsub.f32 v26, v13  }
0x1ef: {  	s30 =	sadd.s32 $0x80, s30;
	v19 =	vld.idx.msk [tilespmem:v23+s15+$0x0], $0xffff;
	[tilespmem:s9+$0x20] =	vst v20;
	v17 =	vsub.f32 v17, v9  }
0x1f0: {  	v20 =	vld [tilespmem:s30+$0x0];
	v12 =	vsub.f32 v16, v12  }
0x1f1: {  	s31 =	sadd.s32 $0x80, s31;
	v9 =	vld.idx.msk [tilespmem:v27+s15+$0x0], $0xffff;
	v16 =	vsub.f32 v13, v28  }
0x1f2: {  	v21 =	vld [tilespmem:s31+$0x0];
	[tilespmem:s0+$0xFFFFFFD0] =	vst v12;
	v12 =	vmul.f32 v12, v7;
	v17 =	vsub.f32 v17, v18;
	v7 =	vmov v15  }
0x1f3: {  	s8 =	sadd.s32 $0x80, s8;
	v13 =	vmul.f32 v10, v8;
	v8 =	vld.idx.msk [tilespmem:v24+s15+$0x0], $0xffff;
	[tilespmem:s0+$0xFFFFFFF0] =	vst v16;
	v10 =	vmul.f32 v16, v3;
	v3 =	vmov v14  }
0x1f4: {  	v14 =	vld [tilespmem:s8+$0x0];
	[tilespmem:s17+$0xFFFFFFD0] =	vst v12;
	v15 =	vmul.f32 v17, v6;
	v6 =	vmov v22  }
0x1f5: {  	v12 =	vld.idx.msk [tilespmem:v23+s28+$0x0], $0xffff;
	v16 =	vmul.f32 v20, v19;
	[tilespmem:s17+$0xFFFFFFF0] =	vst v10  }
0x1f6: {  	v10 =	vld.idx.msk [tilespmem:v11+s15+$0x0], $0xffff;
	[tilespmem:s0+$0x30] =	vst v17;
	s0 =	smov.u32 s26  }
0x1f7: {  	v17 =	vld [tilespmem:s30+$0xFFFFFFC0];
	v16 =	vsub.f32 v21, v16;
	[tilespmem:s17+$0x30] =	vst v15;
	s17 =	smov.u32 s9  }
0x1f8: {  	v15 =	vld [tilespmem:s30+$0xFFFFFFE0]  }
0x1f9: {  	v14 =	vsub.f32 v16, v14;
	v16 =	vld [tilespmem:s30+$0x20]  }
0x1fa: {  	v18 =	vld [tilespmem:s31+$0xFFFFFFC0]  }
0x1fb: {  	s26 =	sadd.s32 $0x80, s26;
	v20 =	vld [tilespmem:s31+$0xFFFFFFE0];
	v21 =	vmul.f32 v14, v12  }
0x1fc: {  	s9 =	sadd.s32 $0x80, s9;
	v17 =	vmul.f32 v17, v9;
	[tilespmem:s26+$0x0] =	vst v14;
	v14 =	vld [tilespmem:s31+$0x20]  }
0x1fd: {  	v22 =	vld [tilespmem:s8+$0xFFFFFFC0];
	v15 =	vmul.f32 v15, v8;
	[tilespmem:s9+$0x0] =	vst v21  }
0x1fe: {  	v23 =	vld [tilespmem:s30+$0x10];
	v16 =	vmul.f32 v16, v10  }
0x1ff: {  	v17 =	vsub.f32 v18, v17;
	v25 =	vld [tilespmem:s8+$0xFFFFFFE0]  }
.Ltmp10:
0x200: {  	v26 =	vsub.f32 v20, v15;
	v18 =	vld [tilespmem:s31+$0x10];
	(pc) =	sbr.rel @p0 .LBB2_23-.Ltmp10, $4  }
0x201: {  	v21 =	vsub.f32 v14, v16;
	v20 =	vld [tilespmem:s8+$0x20]  }
0x202: {  	v16 =	vsub.f32 v17, v22;
	v17 =	vld [tilespmem:s8+$0x10]  }
0x203: {  	v15 =	vld.idx.msk [tilespmem:v27+s28+$0x0], $0xffff;
	v22 =	vmul.f32 v23, v19  }
0x204: {  	[tilespmem:s26+$0xFFFFFFC0] =	vst v16;
	v14 =	vld.idx.msk [tilespmem:v24+s28+$0x0], $0xffff;
	v19 =	vsub.f32 v26, v25  }
0x205: {  	_ =	sdelay $0x3  }
0x206: {  	v11 =	vld.idx.msk [tilespmem:v11+s28+$0x0], $0xffff  }
0x207: {  	v23 =	vld [tilespmem:s23+$0xFFFFFFD0]  }
0x208: {  	v24 =	vld [tilespmem:s23+$0x30]  }
0x209: {  	v25 =	vld [tilespmem:s24+$0xFFFFFFD0]  }
0x20a: {  	v26 =	vld [tilespmem:s24+$0xFFFFFFF0]  }
0x20b: {  	v46 =	vld [tilespmem:s24+$0x30]  }
0x20c: {  	v27 =	vld [tilespmem:s22+$0xFFFFFFD0];
	v16 =	vmul.f32 v16, v15  }
0x20d: {  	v28 =	vld [tilespmem:s22+$0xFFFFFFF0]  }
0x20e: {  	v48 =	vld [tilespmem:s22+$0x30];
	v20 =	vsub.f32 v21, v20;
	[tilespmem:s9+$0xFFFFFFC0] =	vst v16  }
0x20f: {  	v18 =	vsub.f32 v18, v22;
	[tilespmem:s26+$0xFFFFFFE0] =	vst v19;
	v47 =	vmul.f32 v19, v14;
	v50 =	vld [tilespmem:s30+$0xFFFFFFD0]  }
0x210: {  	[tilespmem:s26+$0x20] =	vst v20;
	v52 =	vld [tilespmem:s31+$0xFFFFFFD0]  }
0x211: {  	v17 =	vsub.f32 v18, v17;
	v20 =	vmul.f32 v20, v11;
	v5 =	vmul.f32 v23, v5;
	[tilespmem:s9+$0xFFFFFFE0] =	vst v47;
	v56 =	vld [tilespmem:s8+$0xFFFFFFD0]  }
0x212: {  	v13 =	vsub.f32 v26, v13;
	v49 =	vld [tilespmem:s30+$0xFFFFFFF0]  }
0x213: {  	v12 =	vmul.f32 v17, v12;
	v4 =	vmul.f32 v24, v4;
	[tilespmem:s9+$0x20] =	vst v20;
	v5 =	vsub.f32 v25, v5;
	v53 =	vld [tilespmem:s31+$0xFFFFFFF0]  }
0x214: {  	[tilespmem:s26+$0x10] =	vst v17;
	v55 =	vsub.f32 v13, v28;
	v51 =	vld [tilespmem:s30+$0x30]  }
0x215: {  	[tilespmem:s9+$0x10] =	vst v12;
	v4 =	vsub.f32 v46, v4;
	v58 =	vld [tilespmem:s8+$0xFFFFFFF0];
	v5 =	vsub.f32 v5, v27  }
0x216: {  	v54 =	vld [tilespmem:s31+$0x30];
	[tilespmem:s0+$0xFFFFFFF0] =	vst v55;
	v3 =	vmul.f32 v55, v3;
	v57 =	vmul.f32 v50, v9  }
0x217: {  	v4 =	vsub.f32 v4, v48;
	[tilespmem:s0+$0xFFFFFFD0] =	vst v5;
	v8 =	vmul.f32 v49, v8  }
0x218: {  	v59 =	vld [tilespmem:s8+$0x30];
	v5 =	vmul.f32 v5, v7;
	[tilespmem:s17+$0xFFFFFFF0] =	vst v3;
	v7 =	vsub.f32 v52, v57  }
0x219: {  	v6 =	vmul.f32 v4, v6;
	[tilespmem:s0+$0x30] =	vst v4;
	v3 =	vmul.f32 v51, v10;
	v8 =	vsub.f32 v53, v8  }
0x21a: {  	[tilespmem:s17+$0xFFFFFFD0] =	vst v5;
	v60 =	vsub.f32 v7, v56  }
0x21b: {  	[tilespmem:s17+$0x30] =	vst v6;
	v3 =	vsub.f32 v54, v3;
	v61 =	vsub.f32 v8, v58  }
0x21c: {  	[tilespmem:s26+$0xFFFFFFD0] =	vst v60;
	v4 =	vmul.f32 v60, v15  }
0x21d: {  	v3 =	vsub.f32 v3, v59;
	[tilespmem:s26+$0xFFFFFFF0] =	vst v61  }
0x21e: {  	v62 =	vmul.f32 v61, v14;
	[tilespmem:s9+$0xFFFFFFD0] =	vst v4  }
0x21f: {  	v63 =	vmul.f32 v3, v11;
	[tilespmem:s26+$0x30] =	vst v3  }
0x220: {  	[tilespmem:s9+$0xFFFFFFF0] =	vst v62  }
0x221: {  	s24 =	simm.s32 $0x17500;
	[tilespmem:s9+$0x30] =	vst v63  }
0x222: {  	[hbm4b:s21+s5] =	stream.linear.scatter [tilespmem:s24], [sflag:$0x3], $0x1400, $0x38;
	[tilespmem:$0x1ED20] =	vst v63  }
0x223: {  	_ =	swait.ge [sflag:s25], $0x1400  }
0x224: {  	s26 =	rddreg [dreg:$0x5]  }
0x225: {  	s0 =	sadd.s32 s26, s20  }
0x226: {  	[sflag:s25] =	ssyncset.done $0x0;
	s0 =	sshll.u32 s0, $0x2  }
0x227: {  	s1 =	simm.s32 $0x18900;
	[sflag:s25] =	ssyncadd.s32 $0xFFFFEC00;
	s0 =	sadd.s32 s7, s0  }
0x228: {  	[hbm4b:s0+s5] =	stream.linear.scatter [tilespmem:s1], [sflag:$0x3], $0x1400, $0x38;
	[tilespmem:$0x1ED20] =	vst v63  }
0x229: {  	s18 =	sadd.s32 $0x1, s18;
	_ =	swait.ge [sflag:s25], $0x1400  }
0x22a: {  	p0 =	sne.s32 s18, $0x4;
	[sflag:s25] =	ssyncset.done $0x0  }
.Ltmp11:
0x22b: {  	s30 =	simm.s32 $0x12500;
	[sflag:s25] =	ssyncadd.s32 $0xFFFFEC00;
	(pc) =	sbr.rel @p0 .LBB2_22-.Ltmp11, $4  }
0x22c: {  	[spmem:s19] =	stream.linear.scatter [tilespmem:s30], [sflag:$0x3], $0x1400, $0x38;
	[tilespmem:$0x1ED20] =	vst v63  }
0x22d: {  	_ =	swait.ge [sflag:s25], $0x1400  }
0x22e: {  	s11 =	sadd.s32 $0xA0, s11;
	[sflag:s25] =	ssyncset.done $0x0  }
0x22f: {  	s23 =	simm.s32 $0x14D00;
	s31 =	simm.s32 $0x20;
	[sflag:s25] =	ssyncadd.s32 $0xFFFFEC00  }
0x230: {  	[bflag:$0x0] =	sbarrier.arrive $0xFFFF;
	s0 =	simm.s32 $0x0  }
0x231: {  	[tilespmem:s10], [sflag:$0x1] =	stream.indirect.gather [hbm4b:s7+s29], $0x20, s0, s29, $0xb8;
	[tilespmem:$0x1ED20] =	vst v63  }
0x232: {  	s22 =	simm.s32 $0x200  }
0x233: {  	[tilespmem:s12], [sflag:$0x2] =	stream.indirect.gather [hbm4b:s7+s29], $0x20, s22, s29, $0xb8;
	[tilespmem:$0x1ED20] =	vst v63  }
0x234: {  	_ =	swait.ge [sflag:s13], $0x4000  }
0x235: {  	[sflag:s13] =	ssyncset.done $0x0  }
0x236: {  	s24 =	simm.s32 $0x5000;
	[sflag:s13] =	ssyncadd.s32 $0xFFFFC000  }
0x237: {  	[spmem:s3] =	stream.indirect.scatter.add.f32 [tilespmem:s10], [sflag:$0x3], $0x20, s24, s29, $0xb8;
	[tilespmem:$0x1ED20] =	vst v63  }
0x238: {  	_ =	swait.ge [sflag:s25], $0x4000  }
0x239: {  	[sflag:s25] =	ssyncset.done $0x0  }
0x23a: {  	s26 =	simm.s32 $0x400;
	[sflag:s25] =	ssyncadd.s32 $0xFFFFC000  }
0x23b: {  	[tilespmem:s10], [sflag:$0x1] =	stream.indirect.gather [hbm4b:s7+s29], $0x20, s26, s29, $0xb8;
	[tilespmem:$0x1ED20] =	vst v63  }
0x23c: {  	_ =	swait.ge [sflag:s14], $0x4000  }
0x23d: {  	[sflag:s14] =	ssyncset.done $0x0  }
0x23e: {  	s30 =	simm.s32 $0x5200;
	[sflag:s14] =	ssyncadd.s32 $0xFFFFC000  }
0x23f: {  	[spmem:s3] =	stream.indirect.scatter.add.f32 [tilespmem:s12], [sflag:$0x3], $0x20, s30, s29, $0xb8;
	[tilespmem:$0x1ED20] =	vst v63  }
0x240: {  	_ =	swait.ge [sflag:s25], $0x4000  }
0x241: {  	s1 =	simm.s32 $0x2000;
	s0 =	simm.s32 $0x400;
	[sflag:s25] =	ssyncset.done $0x0  }
.LBB2_26:
0x242: {  	s2 =	sadd.s32 $0x200, s0  }
0x243: {  	[sflag:s25] =	ssyncadd.s32 $0xFFFFC000;
	s4 =	smov.u32 s1;
	s6 =	sadd.s32 $0x1000, s1  }
0x244: {  	[tilespmem:s12], [sflag:$0x2] =	stream.indirect.gather [hbm4b:s7+s29], $0x20, s2, s29, $0xb8;
	[tilespmem:$0x1ED20] =	vst v63  }
0x245: {  	p0 =	sne.s32 s1, $0x12000;
	_ =	swait.ge [sflag:s13], $0x4000  }
0x246: {  	[sflag:s13] =	ssyncset.done $0x0  }
0x247: {  	s1 =	sadd.s32 $0x5000, s0;
	[sflag:s13] =	ssyncadd.s32 $0xFFFFC000  }
0x248: {  	[spmem:s3] =	stream.indirect.scatter.add.f32 [tilespmem:s10], [sflag:$0x3], $0x20, s1, s29, $0xb8;
	[tilespmem:$0x1ED20] =	vst v63  }
0x249: {  	_ =	swait.ge [sflag:s25], $0x4000  }
0x24a: {  	[sflag:s25] =	ssyncset.done $0x0  }
0x24b: {  	s1 =	sadd.s32 $0x400, s0;
	[sflag:s25] =	ssyncadd.s32 $0xFFFFC000  }
0x24c: {  	[tilespmem:s10], [sflag:$0x1] =	stream.indirect.gather [hbm4b:s7+s29], $0x20, s1, s29, $0xb8;
	[tilespmem:$0x1ED20] =	vst v63  }
0x24d: {  	_ =	swait.ge [sflag:s14], $0x4000  }
.Ltmp12:
0x24e: {  	[sflag:s14] =	ssyncset.done $0x0;
	(pc) =	sbr.rel @p0 .LBB2_26-.Ltmp12, $4  }
0x24f: {  	s0 =	sadd.s32 $0x5200, s0;
	[sflag:s14] =	ssyncadd.s32 $0xFFFFC000  }
0x250: {  	[spmem:s3] =	stream.indirect.scatter.add.f32 [tilespmem:s12], [sflag:$0x3], $0x20, s0, s29, $0xb8;
	[tilespmem:$0x1ED20] =	vst v63  }
0x251: {  	_ =	swait.ge [sflag:s25], $0x4000  }
0x252: {  	s1 =	smov.u32 s6;
	s0 =	sshra.s32 s4, $0x2;
	[sflag:s25] =	ssyncset.done $0x0  }
0x253: {  	s1 =	sadd.s32 $0x200, s0;
	[sflag:s25] =	ssyncadd.s32 $0xFFFFC000  }
0x254: {  	[tilespmem:s12], [sflag:$0x2] =	stream.indirect.gather [hbm4b:s7+s29], $0x20, s1, s29, $0xb8;
	[tilespmem:$0x1ED20] =	vst v63  }
0x255: {  	_ =	swait.ge [sflag:s13], $0x4000  }
0x256: {  	[sflag:s13] =	ssyncset.done $0x0  }
0x257: {  	s20 =	sadd.s32 $0x5000, s0;
	[sflag:s13] =	ssyncadd.s32 $0xFFFFC000  }
0x258: {  	[spmem:s3] =	stream.indirect.scatter.add.f32 [tilespmem:s10], [sflag:$0x3], $0x20, s20, s29, $0xb8;
	[tilespmem:$0x1ED20] =	vst v63  }
0x259: {  	_ =	swait.ge [sflag:s25], $0x4000  }
0x25a: {  	[sflag:s25] =	ssyncset.done $0x0  }
0x25b: {  	s21 =	sadd.s32 $0x400, s0;
	[sflag:s25] =	ssyncadd.s32 $0xFFFFC000  }
0x25c: {  	[tilespmem:s10], [sflag:$0x1] =	stream.indirect.gather [hbm4b:s7+s29], $0x20, s21, s29, $0xb8;
	[tilespmem:$0x1ED20] =	vst v63  }
0x25d: {  	_ =	swait.ge [sflag:s14], $0x4000  }
0x25e: {  	[sflag:s14] =	ssyncset.done $0x0  }
0x25f: {  	s22 =	sadd.s32 $0x5200, s0;
	[sflag:s14] =	ssyncadd.s32 $0xFFFFC000  }
0x260: {  	[spmem:s3] =	stream.indirect.scatter.add.f32 [tilespmem:s12], [sflag:$0x3], $0x20, s22, s29, $0xb8;
	[tilespmem:$0x1ED20] =	vst v63  }
0x261: {  	_ =	swait.ge [sflag:s25], $0x4000  }
0x262: {  	[sflag:s25] =	ssyncset.done $0x0  }
0x263: {  	s24 =	simm.s32 $0x4E00;
	[sflag:s25] =	ssyncadd.s32 $0xFFFFC000  }
0x264: {  	[tilespmem:s12], [sflag:$0x2] =	stream.indirect.gather [hbm4b:s7+s29], $0x20, s24, s29, $0xb8;
	[tilespmem:$0x1ED20] =	vst v63  }
0x265: {  	_ =	swait.ge [sflag:s13], $0x4000  }
0x266: {  	[sflag:s13] =	ssyncset.done $0x0  }
0x267: {  	s26 =	simm.s32 $0x9C00;
	[sflag:s13] =	ssyncadd.s32 $0xFFFFC000  }
0x268: {  	[spmem:s3] =	stream.indirect.scatter.add.f32 [tilespmem:s10], [sflag:$0x3], $0x20, s26, s29, $0xb8;
	[tilespmem:$0x1ED20] =	vst v63  }
0x269: {  	_ =	swait.ge [sflag:s25], $0x4000  }
0x26a: {  	[sflag:s25] =	ssyncset.done $0x0  }
0x26b: {  	[sflag:s25] =	ssyncadd.s32 $0xFFFFC000  }
0x26c: {  	_ =	swait.ge [sflag:s14], $0x4000  }
0x26d: {  	[sflag:s14] =	ssyncset.done $0x0  }
0x26e: {  	s30 =	simm.s32 $0x9E00;
	[sflag:s14] =	ssyncadd.s32 $0xFFFFC000  }
0x26f: {  	[spmem:s3] =	stream.indirect.scatter.add.f32 [tilespmem:s12], [sflag:$0x3], $0x20, s30, s29, $0xb8;
	[tilespmem:$0x1ED20] =	vst v63  }
0x270: {  	_ =	swait.ge [sflag:s25], $0x4000  }
0x271: {  	[sflag:s25] =	ssyncset.done $0x0  }
0x272: {  	[sflag:s25] =	ssyncadd.s32 $0xFFFFC000  }
0x273: {  	s11 =	simm.s32 $0x0;
	s18 =	simm.s32 $0x0;
	[bflag:$0x0] =	sbarrier.arrive $0xFFFF  }
.LBB2_28:
0x274: {  	s0 =	smul.u32 $0xA0, s18;
	_ =	sdelay $0x1  }
0x275: {  	s20 =	sadd.s32 s16, s0  }
0x276: {  	s0 =	sshll.u32 s20, $0x5  }
0x277: {  	s1 =	simm.s32 $0x13900;
	s19 =	sadd.s32 s0, s3  }
0x278: {  	[tilespmem:s1], [sflag:$0x3] =	stream.linear.gather [spmem:s19], $0x1400, $0x38;
	[tilespmem:$0x1ED20] =	vst v63  }
0x279: {  	_ =	swait.ge [sflag:s25], $0x1400  }
0x27a: {  	s8 =	sshll.u32 s20, $0x7;
	s2 =	rddreg [dreg:$0x12]  }
0x27b: {  	s9 =	sadd.s32 $0xFFFFFFFC, s11;
	s1 =	sadd.s32 s8, s2  }
0x27c: {  	[sflag:s25] =	ssyncset.done $0x0;
	s4 =	rddreg [dreg:$0x6];
	s1 =	sshrl.u32 s1, $0x3  }
0x27d: {  	s6 =	simm.s32 $0x80;
	[sflag:s25] =	ssyncadd.s32 $0xFFFFEC00;
	s1 =	sadd.s32 s4, s1  }
0x27e: {  	[tilespmem:s23], [sflag:$0x3] =	stream.strided.gather [hbm4b:s1+s31], $0x1400, s6, s31, $0x38;
	[tilespmem:$0x1ED20] =	vst v63  }
0x27f: {  	s17 =	sadd.s32 $0x6, s9;
	_ =	swait.ge [sflag:s25], $0x1400  }
0x280: {  	v3 =	vmov s17;
	s21 =	rddreg [dreg:$0xf]  }
0x281: {  	s26 =	simm.s32 $0x16100;
	s22 =	sadd.s32 $0x4, s9;
	v3 =	vand.u32 $0xFFFFFFFE, v3;
	s0 =	sadd.s32 s21, s0  }
0x282: {  	v4 =	vmov s22;
	v3 =	vbroadcast v3, $0x0;
	[sflag:s25] =	ssyncset.done $0x0;
	s23 =	rddreg [dreg:$0x8];
	s0 =	sshrl.u32 s0, $0x3  }
0x283: {  	s24 =	sadd.s32 $0x5, s9;
	v4 =	vand.u32 $0xFFFFFFFC, v4;
	[sflag:s25] =	ssyncadd.s32 $0xFFFFEC00;
	s21 =	sadd.s32 s23, s0  }
0x284: {  	v5 =	vmov s24;
	v6 =	vbroadcast v4, $0x0;
	[tilespmem:s26], [sflag:$0x3] =	stream.linear.gather [hbm4b:s21+s5], $0x1400, $0x38;
	[tilespmem:$0x1ED20] =	vst v63  }
0x285: {  	v4 =	vand.u32 $0xFFFFFFFD, v5;
	_ =	swait.ge [sflag:s25], $0x1400  }
0x286: {  	v7 =	vbroadcast v4, $0x0;
	[sflag:s25] =	ssyncset.done $0x0  }
0x287: {  	[sflag:s25] =	ssyncadd.s32 $0xFFFFEC00  }
0x288: {  	s23 =	simm.s32 $0x13940;
	v13 =	vld.idx.msk [tilespmem:v3+s15+$0x0], $0xffff  }
0x289: {  	s4 =	sadd.s32 $0x7, s9;
	v8 =	vld [tilespmem:s23+$0x0]  }
0x28a: {  	s24 =	simm.s32 $0x14D40;
	v9 =	vmov s4;
	v5 =	vld.idx.msk [tilespmem:v6+s15+$0x0], $0xffff  }
0x28b: {  	v10 =	vld [tilespmem:s24+$0x0]  }
0x28c: {  	s22 =	simm.s32 $0x16140;
	v14 =	vld.idx.msk [tilespmem:v7+s15+$0x0], $0xffff  }
0x28d: {  	v11 =	vld [tilespmem:s22+$0x0]  }
0x28e: {  	v15 =	vld.idx.msk [tilespmem:v3+s28+$0x0], $0xffff  }
0x28f: {  	v4 =	vld.idx.msk [tilespmem:v9+s15+$0x0], $0xffff  }
0x290: {  	v16 =	vld [tilespmem:s23+$0xFFFFFFC0]  }
0x291: {  	v17 =	vld [tilespmem:s23+$0x20]  }
0x292: {  	v3 =	vmul.f32 v8, v13;
	v8 =	vld [tilespmem:s23+$0xFFFFFFE0]  }
0x293: {  	v18 =	vld [tilespmem:s24+$0xFFFFFFC0]  }
0x294: {  	v3 =	vsub.f32 v10, v3;
	v10 =	vld [tilespmem:s24+$0xFFFFFFE0]  }
0x295: {  	v19 =	vld [tilespmem:s24+$0x20]  }
0x296: {  	v20 =	vld [tilespmem:s22+$0xFFFFFFC0]  }
0x297: {  	s6 =	sadd.s32 $0x0, s11;
	v23 =	vld [tilespmem:s22+$0x20];
	v3 =	vsub.f32 v3, v11;
	v8 =	vmul.f32 v8, v14  }
0x298: {  	s8 =	sadd.s32 $0x6, s6;
	s0 =	simm.s32 $0x17540;
	v11 =	vld [tilespmem:s22+$0xFFFFFFE0]  }
0x299: {  	s31 =	simm.s32 $0x14DC0;
	v12 =	vmul.f32 v3, v15;
	[tilespmem:s0+$0x0] =	vst v3;
	v3 =	vld.idx.msk [tilespmem:v7+s28+$0x0], $0xffff;
	v7 =	vsub.f32 v10, v8;
	v8 =	vmov s8  }
0x29a: {  	s30 =	simm.s32 $0x139C0;
	s17 =	simm.s32 $0x18940;
	v29 =	vld [tilespmem:s31+$0x0];
	v8 =	vand.u32 $0xFFFFFFFE, v8  }
0x29b: {  	v32 =	vld [tilespmem:s30+$0xFFFFFFC0];
	[tilespmem:s17+$0x0] =	vst v12;
	v12 =	vbroadcast v8, $0x0  }
0x29c: {  	v60 =	vld [tilespmem:s30+$0xFFFFFFE0];
	v16 =	vmul.f32 v16, v5  }
0x29d: {  	v61 =	vld [tilespmem:s30+$0x20];
	v17 =	vmul.f32 v17, v4  }
0x29e: {  	v16 =	vsub.f32 v18, v16;
	v18 =	vld [tilespmem:s31+$0xFFFFFFC0];
	v10 =	vsub.f32 v7, v11  }
0x29f: {  	v17 =	vsub.f32 v19, v17;
	v19 =	vld [tilespmem:s31+$0x20]  }
0x2a0: {  	v11 =	vmul.f32 v10, v3;
	[tilespmem:s0+$0xFFFFFFE0] =	vst v10;
	v10 =	vld [tilespmem:s30+$0x0]  }
0x2a1: {  	s9 =	sadd.s32 $0x4, s6;
	s8 =	simm.s32 $0x161C0;
	v28 =	vld.idx.msk [tilespmem:v12+s15+$0x0], $0xffff  }
0x2a2: {  	v30 =	vld [tilespmem:s8+$0x0];
	v7 =	vmov s9  }
0x2a3: {  	s26 =	sadd.s32 $0x5, s6;
	v21 =	vld [tilespmem:s23+$0x10];
	v7 =	vand.u32 $0xFFFFFFFC, v7  }
0x2a4: {  	v22 =	vld [tilespmem:s24+$0x10];
	v8 =	vmov s26;
	v25 =	vbroadcast v7, $0x0  }
0x2a5: {  	v24 =	vld [tilespmem:s22+$0x10];
	v8 =	vand.u32 $0xFFFFFFFD, v8  }
0x2a6: {  	v7 =	vld.idx.msk [tilespmem:v6+s28+$0x0], $0xffff;
	v26 =	vbroadcast v8, $0x0;
	v31 =	vmul.f32 v10, v28  }
0x2a7: {  	s1 =	sadd.s32 $0x7, s6;
	v12 =	vld.idx.msk [tilespmem:v12+s28+$0x0], $0xffff  }
0x2a8: {  	v6 =	vld.idx.msk [tilespmem:v9+s28+$0x0], $0xffff;
	[tilespmem:s17+$0xFFFFFFE0] =	vst v11;
	v11 =	vmov s1;
	v29 =	vsub.f32 v29, v31  }
0x2a9: {  	v27 =	vld [tilespmem:s23+$0xFFFFFFF0];
	v13 =	vmul.f32 v21, v13  }
0x2aa: {  	v9 =	vld.idx.msk [tilespmem:v25+s15+$0x0], $0xffff;
	v21 =	vsub.f32 v29, v30  }
0x2ab: {  	v13 =	vsub.f32 v22, v13;
	v22 =	vld [tilespmem:s31+$0xFFFFFFE0]  }
0x2ac: {  	s26 =	simm.s32 $0x175C0;
	v8 =	vld.idx.msk [tilespmem:v26+s15+$0x0], $0xffff;
	v30 =	vmul.f32 v21, v12  }
0x2ad: {  	v16 =	vsub.f32 v16, v20;
	s9 =	simm.s32 $0x189C0;
	v10 =	vld.idx.msk [tilespmem:v11+s15+$0x0], $0xffff;
	[tilespmem:s26+$0x0] =	vst v21  }
0x2ae: {  	v17 =	vsub.f32 v17, v23;
	v13 =	vsub.f32 v13, v24;
	v21 =	vld [tilespmem:s8+$0xFFFFFFC0];
	[tilespmem:s9+$0x0] =	vst v30  }
0x2af: {  	[tilespmem:s0+$0xFFFFFFC0] =	vst v16;
	v20 =	vmul.f32 v32, v9;
	v23 =	vld [tilespmem:s30+$0x10]  }
0x2b0: {  	v62 =	vld [tilespmem:s8+$0xFFFFFFE0];
	[tilespmem:s0+$0x20] =	vst v17;
	v15 =	vmul.f32 v13, v15  }
0x2b1: {  	[tilespmem:s0+$0x10] =	vst v13;
	v13 =	vmul.f32 v16, v7;
	v16 =	vmul.f32 v60, v8;
	v63 =	vsub.f32 v18, v20;
	v18 =	vld [tilespmem:s31+$0x10]  }
0x2b2: {  	[tilespmem:s17+$0x10] =	vst v15;
	v15 =	vmul.f32 v17, v6;
	v20 =	vld [tilespmem:s8+$0x20]  }
0x2b3: {  	[tilespmem:s17+$0xFFFFFFC0] =	vst v13;
	v31 =	vsub.f32 v22, v16;
	v29 =	vmul.f32 v61, v10;
	v17 =	vld [tilespmem:s8+$0x10];
	v16 =	vsub.f32 v63, v21  }
0x2b4: {  	v13 =	vmul.f32 v27, v14;
	v14 =	vld.idx.msk [tilespmem:v26+s28+$0x0], $0xffff;
	[tilespmem:s17+$0x20] =	vst v15;
	v22 =	vmul.f32 v23, v28  }
0x2b5: {  	s1 =	simm.s32 $0x4;
	v15 =	vld.idx.msk [tilespmem:v25+s28+$0x0], $0xffff;
	v21 =	vsub.f32 v19, v29;
	v19 =	vsub.f32 v31, v62;
	[tilespmem:s26+$0xFFFFFFC0] =	vst v16  }
.LBB2_29:
0x2b6: {  	s2 =	sadd.s32 s1, s11;
	s1 =	sadd.s32 $0x4, s1;
	v18 =	vsub.f32 v18, v22;
	v22 =	vld.idx.msk [tilespmem:v11+s28+$0x0], $0xffff  }
0x2b7: {  	s4 =	sadd.s32 $0x4, s2;
	s6 =	sadd.s32 $0x6, s2;
	p0 =	slt.u32 s1, $0x9C;
	[tilespmem:s26+$0xFFFFFFE0] =	vst v19;
	v20 =	vsub.f32 v21, v20;
	v21 =	vld [tilespmem:s23+$0xFFFFFFD0]  }
0x2b8: {  	v11 =	vmov s4;
	s4 =	sadd.s32 $0x5, s2;
	v23 =	vmov s6;
	s2 =	sadd.s32 $0x7, s2;
	v17 =	vsub.f32 v18, v17;
	v18 =	vld [tilespmem:s23+$0x30];
	s23 =	smov.u32 s30  }
0x2b9: {  	v11 =	vand.u32 $0xFFFFFFFC, v11;
	v24 =	vmov s4;
	v23 =	vand.u32 $0xFFFFFFFE, v23;
	[tilespmem:s26+$0x20] =	vst v20;
	v25 =	vld [tilespmem:s24+$0xFFFFFFD0]  }
0x2ba: {  	v24 =	vand.u32 $0xFFFFFFFD, v24;
	v23 =	vbroadcast v23, $0x0;
	v12 =	vmul.f32 v17, v12;
	v26 =	vld [tilespmem:s24+$0xFFFFFFF0]  }
0x2bb: {  	v27 =	vbroadcast v11, $0x0;
	v11 =	vmov s2;
	v24 =	vbroadcast v24, $0x0;
	[tilespmem:s26+$0x10] =	vst v17;
	v17 =	vld [tilespmem:s24+$0x30];
	s24 =	smov.u32 s31  }
0x2bc: {  	v16 =	vmul.f32 v16, v15;
	v19 =	vmul.f32 v19, v14;
	[tilespmem:s9+$0x10] =	vst v12;
	v12 =	vld [tilespmem:s22+$0xFFFFFFD0]  }
0x2bd: {  	v20 =	vmul.f32 v20, v22;
	v21 =	vmul.f32 v21, v5;
	v5 =	vmov v9;
	v28 =	vld [tilespmem:s22+$0xFFFFFFF0]  }
0x2be: {  	v9 =	vmul.f32 v18, v4;
	v4 =	vmov v10;
	[tilespmem:s9+$0xFFFFFFE0] =	vst v19;
	v18 =	vld [tilespmem:s22+$0x30];
	s22 =	smov.u32 s8  }
0x2bf: {  	[tilespmem:s9+$0xFFFFFFC0] =	vst v16;
	v10 =	vld [tilespmem:s30+$0xFFFFFFF0];
	v16 =	vsub.f32 v25, v21;
	v13 =	vsub.f32 v26, v13  }
0x2c0: {  	s30 =	sadd.s32 $0x80, s30;
	v19 =	vld.idx.msk [tilespmem:v23+s15+$0x0], $0xffff;
	[tilespmem:s9+$0x20] =	vst v20;
	v17 =	vsub.f32 v17, v9  }
0x2c1: {  	v20 =	vld [tilespmem:s30+$0x0];
	v12 =	vsub.f32 v16, v12  }
0x2c2: {  	s31 =	sadd.s32 $0x80, s31;
	v9 =	vld.idx.msk [tilespmem:v27+s15+$0x0], $0xffff;
	v16 =	vsub.f32 v13, v28  }
0x2c3: {  	v21 =	vld [tilespmem:s31+$0x0];
	[tilespmem:s0+$0xFFFFFFD0] =	vst v12;
	v12 =	vmul.f32 v12, v7;
	v17 =	vsub.f32 v17, v18;
	v7 =	vmov v15  }
0x2c4: {  	s8 =	sadd.s32 $0x80, s8;
	v13 =	vmul.f32 v10, v8;
	v8 =	vld.idx.msk [tilespmem:v24+s15+$0x0], $0xffff;
	[tilespmem:s0+$0xFFFFFFF0] =	vst v16;
	v10 =	vmul.f32 v16, v3;
	v3 =	vmov v14  }
0x2c5: {  	v14 =	vld [tilespmem:s8+$0x0];
	[tilespmem:s17+$0xFFFFFFD0] =	vst v12;
	v15 =	vmul.f32 v17, v6;
	v6 =	vmov v22  }
0x2c6: {  	v12 =	vld.idx.msk [tilespmem:v23+s28+$0x0], $0xffff;
	v16 =	vmul.f32 v20, v19;
	[tilespmem:s17+$0xFFFFFFF0] =	vst v10  }
0x2c7: {  	v10 =	vld.idx.msk [tilespmem:v11+s15+$0x0], $0xffff;
	[tilespmem:s0+$0x30] =	vst v17;
	s0 =	smov.u32 s26  }
0x2c8: {  	v17 =	vld [tilespmem:s30+$0xFFFFFFC0];
	v16 =	vsub.f32 v21, v16;
	[tilespmem:s17+$0x30] =	vst v15;
	s17 =	smov.u32 s9  }
0x2c9: {  	v15 =	vld [tilespmem:s30+$0xFFFFFFE0]  }
0x2ca: {  	v14 =	vsub.f32 v16, v14;
	v16 =	vld [tilespmem:s30+$0x20]  }
0x2cb: {  	v18 =	vld [tilespmem:s31+$0xFFFFFFC0]  }
0x2cc: {  	s26 =	sadd.s32 $0x80, s26;
	v20 =	vld [tilespmem:s31+$0xFFFFFFE0];
	v21 =	vmul.f32 v14, v12  }
0x2cd: {  	s9 =	sadd.s32 $0x80, s9;
	v17 =	vmul.f32 v17, v9;
	[tilespmem:s26+$0x0] =	vst v14;
	v14 =	vld [tilespmem:s31+$0x20]  }
0x2ce: {  	v22 =	vld [tilespmem:s8+$0xFFFFFFC0];
	v15 =	vmul.f32 v15, v8;
	[tilespmem:s9+$0x0] =	vst v21  }
0x2cf: {  	v23 =	vld [tilespmem:s30+$0x10];
	v16 =	vmul.f32 v16, v10  }
0x2d0: {  	v17 =	vsub.f32 v18, v17;
	v25 =	vld [tilespmem:s8+$0xFFFFFFE0]  }
.Ltmp13:
0x2d1: {  	v26 =	vsub.f32 v20, v15;
	v18 =	vld [tilespmem:s31+$0x10];
	(pc) =	sbr.rel @p0 .LBB2_29-.Ltmp13, $4  }
0x2d2: {  	v21 =	vsub.f32 v14, v16;
	v20 =	vld [tilespmem:s8+$0x20]  }
0x2d3: {  	v16 =	vsub.f32 v17, v22;
	v17 =	vld [tilespmem:s8+$0x10]  }
0x2d4: {  	v15 =	vld.idx.msk [tilespmem:v27+s28+$0x0], $0xffff;
	v22 =	vmul.f32 v23, v19  }
0x2d5: {  	[tilespmem:s26+$0xFFFFFFC0] =	vst v16;
	v14 =	vld.idx.msk [tilespmem:v24+s28+$0x0], $0xffff;
	v19 =	vsub.f32 v26, v25  }
0x2d6: {  	_ =	sdelay $0x3  }
0x2d7: {  	v11 =	vld.idx.msk [tilespmem:v11+s28+$0x0], $0xffff  }
0x2d8: {  	v23 =	vld [tilespmem:s23+$0xFFFFFFD0]  }
0x2d9: {  	v24 =	vld [tilespmem:s23+$0x30]  }
0x2da: {  	v25 =	vld [tilespmem:s24+$0xFFFFFFD0]  }
0x2db: {  	v26 =	vld [tilespmem:s24+$0xFFFFFFF0]  }
0x2dc: {  	v46 =	vld [tilespmem:s24+$0x30]  }
0x2dd: {  	v27 =	vld [tilespmem:s22+$0xFFFFFFD0];
	v16 =	vmul.f32 v16, v15  }
0x2de: {  	v28 =	vld [tilespmem:s22+$0xFFFFFFF0]  }
0x2df: {  	v48 =	vld [tilespmem:s22+$0x30];
	v20 =	vsub.f32 v21, v20;
	[tilespmem:s9+$0xFFFFFFC0] =	vst v16  }
0x2e0: {  	v18 =	vsub.f32 v18, v22;
	[tilespmem:s26+$0xFFFFFFE0] =	vst v19;
	v47 =	vmul.f32 v19, v14;
	v50 =	vld [tilespmem:s30+$0xFFFFFFD0]  }
0x2e1: {  	[tilespmem:s26+$0x20] =	vst v20;
	v52 =	vld [tilespmem:s31+$0xFFFFFFD0]  }
0x2e2: {  	v17 =	vsub.f32 v18, v17;
	v20 =	vmul.f32 v20, v11;
	v5 =	vmul.f32 v23, v5;
	[tilespmem:s9+$0xFFFFFFE0] =	vst v47;
	v56 =	vld [tilespmem:s8+$0xFFFFFFD0]  }
0x2e3: {  	v13 =	vsub.f32 v26, v13;
	v49 =	vld [tilespmem:s30+$0xFFFFFFF0]  }
0x2e4: {  	v12 =	vmul.f32 v17, v12;
	v4 =	vmul.f32 v24, v4;
	[tilespmem:s9+$0x20] =	vst v20;
	v5 =	vsub.f32 v25, v5;
	v53 =	vld [tilespmem:s31+$0xFFFFFFF0]  }
0x2e5: {  	[tilespmem:s26+$0x10] =	vst v17;
	v55 =	vsub.f32 v13, v28;
	v51 =	vld [tilespmem:s30+$0x30]  }
0x2e6: {  	[tilespmem:s9+$0x10] =	vst v12;
	v4 =	vsub.f32 v46, v4;
	v58 =	vld [tilespmem:s8+$0xFFFFFFF0];
	v5 =	vsub.f32 v5, v27  }
0x2e7: {  	v54 =	vld [tilespmem:s31+$0x30];
	[tilespmem:s0+$0xFFFFFFF0] =	vst v55;
	v3 =	vmul.f32 v55, v3;
	v57 =	vmul.f32 v50, v9  }
0x2e8: {  	v4 =	vsub.f32 v4, v48;
	[tilespmem:s0+$0xFFFFFFD0] =	vst v5;
	v8 =	vmul.f32 v49, v8  }
0x2e9: {  	v59 =	vld [tilespmem:s8+$0x30];
	v5 =	vmul.f32 v5, v7;
	[tilespmem:s17+$0xFFFFFFF0] =	vst v3;
	v7 =	vsub.f32 v52, v57  }
0x2ea: {  	v6 =	vmul.f32 v4, v6;
	[tilespmem:s0+$0x30] =	vst v4;
	v3 =	vmul.f32 v51, v10;
	v8 =	vsub.f32 v53, v8  }
0x2eb: {  	[tilespmem:s17+$0xFFFFFFD0] =	vst v5;
	v60 =	vsub.f32 v7, v56  }
0x2ec: {  	[tilespmem:s17+$0x30] =	vst v6;
	v3 =	vsub.f32 v54, v3;
	v61 =	vsub.f32 v8, v58  }
0x2ed: {  	[tilespmem:s26+$0xFFFFFFD0] =	vst v60;
	v4 =	vmul.f32 v60, v15  }
0x2ee: {  	v3 =	vsub.f32 v3, v59;
	[tilespmem:s26+$0xFFFFFFF0] =	vst v61  }
0x2ef: {  	v62 =	vmul.f32 v61, v14;
	[tilespmem:s9+$0xFFFFFFD0] =	vst v4  }
0x2f0: {  	v63 =	vmul.f32 v3, v11;
	[tilespmem:s26+$0x30] =	vst v3  }
0x2f1: {  	[tilespmem:s9+$0xFFFFFFF0] =	vst v62  }
0x2f2: {  	s24 =	simm.s32 $0x17500;
	[tilespmem:s9+$0x30] =	vst v63  }
0x2f3: {  	[hbm4b:s21+s5] =	stream.linear.scatter [tilespmem:s24], [sflag:$0x3], $0x1400, $0x38;
	[tilespmem:$0x1ED20] =	vst v63  }
0x2f4: {  	_ =	swait.ge [sflag:s25], $0x1400  }
0x2f5: {  	s26 =	rddreg [dreg:$0x5]  }
0x2f6: {  	s0 =	sadd.s32 s26, s20  }
0x2f7: {  	[sflag:s25] =	ssyncset.done $0x0;
	s0 =	sshll.u32 s0, $0x2  }
0x2f8: {  	s1 =	simm.s32 $0x18900;
	[sflag:s25] =	ssyncadd.s32 $0xFFFFEC00;
	s0 =	sadd.s32 s7, s0  }
0x2f9: {  	[hbm4b:s0+s5] =	stream.linear.scatter [tilespmem:s1], [sflag:$0x3], $0x1400, $0x38;
	[tilespmem:$0x1ED20] =	vst v63  }
0x2fa: {  	s18 =	sadd.s32 $0x1, s18;
	_ =	swait.ge [sflag:s25], $0x1400  }
0x2fb: {  	p0 =	sne.s32 s18, $0x4;
	[sflag:s25] =	ssyncset.done $0x0  }
.Ltmp14:
0x2fc: {  	s30 =	simm.s32 $0x12500;
	[sflag:s25] =	ssyncadd.s32 $0xFFFFEC00;
	(pc) =	sbr.rel @p0 .LBB2_28-.Ltmp14, $4  }
0x2fd: {  	[spmem:s19] =	stream.linear.scatter [tilespmem:s30], [sflag:$0x3], $0x1400, $0x38;
	[tilespmem:$0x1ED20] =	vst v63  }
0x2fe: {  	_ =	swait.ge [sflag:s25], $0x1400  }
0x2ff: {  	s11 =	sadd.s32 $0xA0, s11;
	[sflag:s25] =	ssyncset.done $0x0  }
0x300: {  	s23 =	simm.s32 $0x14D00;
	s31 =	simm.s32 $0x20;
	[sflag:s25] =	ssyncadd.s32 $0xFFFFEC00  }
0x301: {  	[bflag:$0x0] =	sbarrier.arrive $0xFFFF;
	s0 =	simm.s32 $0x0  }
0x302: {  	[tilespmem:s10], [sflag:$0x1] =	stream.indirect.gather [hbm4b:s7+s29], $0x20, s0, s29, $0xb8;
	[tilespmem:$0x1ED20] =	vst v63  }
0x303: {  	s22 =	simm.s32 $0x200  }
0x304: {  	[tilespmem:s12], [sflag:$0x2] =	stream.indirect.gather [hbm4b:s7+s29], $0x20, s22, s29, $0xb8;
	[tilespmem:$0x1ED20] =	vst v63  }
0x305: {  	_ =	swait.ge [sflag:s13], $0x4000  }
0x306: {  	[sflag:s13] =	ssyncset.done $0x0  }
0x307: {  	s24 =	simm.s32 $0x5000;
	[sflag:s13] =	ssyncadd.s32 $0xFFFFC000  }
0x308: {  	[spmem:s3] =	stream.indirect.scatter.add.f32 [tilespmem:s10], [sflag:$0x3], $0x20, s24, s29, $0xb8;
	[tilespmem:$0x1ED20] =	vst v63  }
0x309: {  	_ =	swait.ge [sflag:s25], $0x4000  }
0x30a: {  	[sflag:s25] =	ssyncset.done $0x0  }
0x30b: {  	s26 =	simm.s32 $0x400;
	[sflag:s25] =	ssyncadd.s32 $0xFFFFC000  }
0x30c: {  	[tilespmem:s10], [sflag:$0x1] =	stream.indirect.gather [hbm4b:s7+s29], $0x20, s26, s29, $0xb8;
	[tilespmem:$0x1ED20] =	vst v63  }
0x30d: {  	_ =	swait.ge [sflag:s14], $0x4000  }
0x30e: {  	[sflag:s14] =	ssyncset.done $0x0  }
0x30f: {  	s30 =	simm.s32 $0x5200;
	[sflag:s14] =	ssyncadd.s32 $0xFFFFC000  }
0x310: {  	[spmem:s3] =	stream.indirect.scatter.add.f32 [tilespmem:s12], [sflag:$0x3], $0x20, s30, s29, $0xb8;
	[tilespmem:$0x1ED20] =	vst v63  }
0x311: {  	_ =	swait.ge [sflag:s25], $0x4000  }
0x312: {  	s1 =	simm.s32 $0x2000;
	s0 =	simm.s32 $0x400;
	[sflag:s25] =	ssyncset.done $0x0  }
.LBB2_32:
0x313: {  	s2 =	sadd.s32 $0x200, s0  }
0x314: {  	[sflag:s25] =	ssyncadd.s32 $0xFFFFC000;
	s4 =	smov.u32 s1;
	s6 =	sadd.s32 $0x1000, s1  }
0x315: {  	[tilespmem:s12], [sflag:$0x2] =	stream.indirect.gather [hbm4b:s7+s29], $0x20, s2, s29, $0xb8;
	[tilespmem:$0x1ED20] =	vst v63  }
0x316: {  	p0 =	sne.s32 s1, $0x12000;
	_ =	swait.ge [sflag:s13], $0x4000  }
0x317: {  	[sflag:s13] =	ssyncset.done $0x0  }
0x318: {  	s1 =	sadd.s32 $0x5000, s0;
	[sflag:s13] =	ssyncadd.s32 $0xFFFFC000  }
0x319: {  	[spmem:s3] =	stream.indirect.scatter.add.f32 [tilespmem:s10], [sflag:$0x3], $0x20, s1, s29, $0xb8;
	[tilespmem:$0x1ED20] =	vst v63  }
0x31a: {  	_ =	swait.ge [sflag:s25], $0x4000  }
0x31b: {  	[sflag:s25] =	ssyncset.done $0x0  }
0x31c: {  	s1 =	sadd.s32 $0x400, s0;
	[sflag:s25] =	ssyncadd.s32 $0xFFFFC000  }
0x31d: {  	[tilespmem:s10], [sflag:$0x1] =	stream.indirect.gather [hbm4b:s7+s29], $0x20, s1, s29, $0xb8;
	[tilespmem:$0x1ED20] =	vst v63  }
0x31e: {  	_ =	swait.ge [sflag:s14], $0x4000  }
.Ltmp15:
0x31f: {  	[sflag:s14] =	ssyncset.done $0x0;
	(pc) =	sbr.rel @p0 .LBB2_32-.Ltmp15, $4  }
0x320: {  	s0 =	sadd.s32 $0x5200, s0;
	[sflag:s14] =	ssyncadd.s32 $0xFFFFC000  }
0x321: {  	[spmem:s3] =	stream.indirect.scatter.add.f32 [tilespmem:s12], [sflag:$0x3], $0x20, s0, s29, $0xb8;
	[tilespmem:$0x1ED20] =	vst v63  }
0x322: {  	_ =	swait.ge [sflag:s25], $0x4000  }
0x323: {  	s1 =	smov.u32 s6;
	s0 =	sshra.s32 s4, $0x2;
	[sflag:s25] =	ssyncset.done $0x0  }
0x324: {  	s1 =	sadd.s32 $0x200, s0;
	[sflag:s25] =	ssyncadd.s32 $0xFFFFC000  }
0x325: {  	[tilespmem:s12], [sflag:$0x2] =	stream.indirect.gather [hbm4b:s7+s29], $0x20, s1, s29, $0xb8;
	[tilespmem:$0x1ED20] =	vst v63  }
0x326: {  	_ =	swait.ge [sflag:s13], $0x4000  }
0x327: {  	[sflag:s13] =	ssyncset.done $0x0  }
0x328: {  	s20 =	sadd.s32 $0x5000, s0;
	[sflag:s13] =	ssyncadd.s32 $0xFFFFC000  }
0x329: {  	[spmem:s3] =	stream.indirect.scatter.add.f32 [tilespmem:s10], [sflag:$0x3], $0x20, s20, s29, $0xb8;
	[tilespmem:$0x1ED20] =	vst v63  }
0x32a: {  	_ =	swait.ge [sflag:s25], $0x4000  }
0x32b: {  	[sflag:s25] =	ssyncset.done $0x0  }
0x32c: {  	s21 =	sadd.s32 $0x400, s0;
	[sflag:s25] =	ssyncadd.s32 $0xFFFFC000  }
0x32d: {  	[tilespmem:s10], [sflag:$0x1] =	stream.indirect.gather [hbm4b:s7+s29], $0x20, s21, s29, $0xb8;
	[tilespmem:$0x1ED20] =	vst v63  }
0x32e: {  	_ =	swait.ge [sflag:s14], $0x4000  }
0x32f: {  	[sflag:s14] =	ssyncset.done $0x0  }
0x330: {  	s22 =	sadd.s32 $0x5200, s0;
	[sflag:s14] =	ssyncadd.s32 $0xFFFFC000  }
0x331: {  	[spmem:s3] =	stream.indirect.scatter.add.f32 [tilespmem:s12], [sflag:$0x3], $0x20, s22, s29, $0xb8;
	[tilespmem:$0x1ED20] =	vst v63  }
0x332: {  	_ =	swait.ge [sflag:s25], $0x4000  }
0x333: {  	[sflag:s25] =	ssyncset.done $0x0  }
0x334: {  	s24 =	simm.s32 $0x4E00;
	[sflag:s25] =	ssyncadd.s32 $0xFFFFC000  }
0x335: {  	[tilespmem:s12], [sflag:$0x2] =	stream.indirect.gather [hbm4b:s7+s29], $0x20, s24, s29, $0xb8;
	[tilespmem:$0x1ED20] =	vst v63  }
0x336: {  	_ =	swait.ge [sflag:s13], $0x4000  }
0x337: {  	[sflag:s13] =	ssyncset.done $0x0  }
0x338: {  	s26 =	simm.s32 $0x9C00;
	[sflag:s13] =	ssyncadd.s32 $0xFFFFC000  }
0x339: {  	[spmem:s3] =	stream.indirect.scatter.add.f32 [tilespmem:s10], [sflag:$0x3], $0x20, s26, s29, $0xb8;
	[tilespmem:$0x1ED20] =	vst v63  }
0x33a: {  	_ =	swait.ge [sflag:s25], $0x4000  }
0x33b: {  	[sflag:s25] =	ssyncset.done $0x0  }
0x33c: {  	[sflag:s25] =	ssyncadd.s32 $0xFFFFC000  }
0x33d: {  	_ =	swait.ge [sflag:s14], $0x4000  }
0x33e: {  	[sflag:s14] =	ssyncset.done $0x0  }
0x33f: {  	s30 =	simm.s32 $0x9E00;
	[sflag:s14] =	ssyncadd.s32 $0xFFFFC000  }
0x340: {  	[spmem:s3] =	stream.indirect.scatter.add.f32 [tilespmem:s12], [sflag:$0x3], $0x20, s30, s29, $0xb8;
	[tilespmem:$0x1ED20] =	vst v63  }
0x341: {  	_ =	swait.ge [sflag:s25], $0x4000  }
0x342: {  	[sflag:s25] =	ssyncset.done $0x0  }
0x343: {  	[sflag:s25] =	ssyncadd.s32 $0xFFFFC000  }
0x344: {  	s11 =	simm.s32 $0x0;
	s18 =	simm.s32 $0x0;
	[bflag:$0x0] =	sbarrier.arrive $0xFFFF  }
.LBB2_34:
0x345: {  	s0 =	smul.u32 $0xA0, s18;
	_ =	sdelay $0x1  }
0x346: {  	s20 =	sadd.s32 s16, s0  }
0x347: {  	s0 =	sshll.u32 s20, $0x5  }
0x348: {  	s1 =	simm.s32 $0x13900;
	s19 =	sadd.s32 s0, s3  }
0x349: {  	[tilespmem:s1], [sflag:$0x3] =	stream.linear.gather [spmem:s19], $0x1400, $0x38;
	[tilespmem:$0x1ED20] =	vst v63  }
0x34a: {  	_ =	swait.ge [sflag:s25], $0x1400  }
0x34b: {  	s8 =	sshll.u32 s20, $0x7;
	s2 =	rddreg [dreg:$0x13]  }
0x34c: {  	s9 =	sadd.s32 $0xFFFFFFFC, s11;
	s1 =	sadd.s32 s8, s2  }
0x34d: {  	[sflag:s25] =	ssyncset.done $0x0;
	s4 =	rddreg [dreg:$0x6];
	s1 =	sshrl.u32 s1, $0x3  }
0x34e: {  	s6 =	simm.s32 $0x80;
	[sflag:s25] =	ssyncadd.s32 $0xFFFFEC00;
	s1 =	sadd.s32 s4, s1  }
0x34f: {  	[tilespmem:s23], [sflag:$0x3] =	stream.strided.gather [hbm4b:s1+s31], $0x1400, s6, s31, $0x38;
	[tilespmem:$0x1ED20] =	vst v63  }
0x350: {  	s17 =	sadd.s32 $0x6, s9;
	_ =	swait.ge [sflag:s25], $0x1400  }
0x351: {  	v3 =	vmov s17;
	s21 =	rddreg [dreg:$0xf]  }
0x352: {  	s26 =	simm.s32 $0x16100;
	s22 =	sadd.s32 $0x4, s9;
	v3 =	vand.u32 $0xFFFFFFFE, v3;
	s0 =	sadd.s32 s21, s0  }
0x353: {  	v4 =	vmov s22;
	v3 =	vbroadcast v3, $0x0;
	[sflag:s25] =	ssyncset.done $0x0;
	s23 =	rddreg [dreg:$0x7];
	s0 =	sshrl.u32 s0, $0x3  }
0x354: {  	s24 =	sadd.s32 $0x5, s9;
	v4 =	vand.u32 $0xFFFFFFFC, v4;
	[sflag:s25] =	ssyncadd.s32 $0xFFFFEC00;
	s21 =	sadd.s32 s23, s0  }
0x355: {  	v5 =	vmov s24;
	v6 =	vbroadcast v4, $0x0;
	[tilespmem:s26], [sflag:$0x3] =	stream.linear.gather [hbm4b:s21+s5], $0x1400, $0x38;
	[tilespmem:$0x1ED20] =	vst v63  }
0x356: {  	v4 =	vand.u32 $0xFFFFFFFD, v5;
	_ =	swait.ge [sflag:s25], $0x1400  }
0x357: {  	v7 =	vbroadcast v4, $0x0;
	[sflag:s25] =	ssyncset.done $0x0  }
0x358: {  	[sflag:s25] =	ssyncadd.s32 $0xFFFFEC00  }
0x359: {  	s23 =	simm.s32 $0x13940;
	v13 =	vld.idx.msk [tilespmem:v3+s15+$0x0], $0xffff  }
0x35a: {  	s4 =	sadd.s32 $0x7, s9;
	v8 =	vld [tilespmem:s23+$0x0]  }
0x35b: {  	s24 =	simm.s32 $0x14D40;
	v9 =	vmov s4;
	v5 =	vld.idx.msk [tilespmem:v6+s15+$0x0], $0xffff  }
0x35c: {  	v10 =	vld [tilespmem:s24+$0x0]  }
0x35d: {  	s22 =	simm.s32 $0x16140;
	v14 =	vld.idx.msk [tilespmem:v7+s15+$0x0], $0xffff  }
0x35e: {  	v11 =	vld [tilespmem:s22+$0x0]  }
0x35f: {  	v15 =	vld.idx.msk [tilespmem:v3+s28+$0x0], $0xffff  }
0x360: {  	v4 =	vld.idx.msk [tilespmem:v9+s15+$0x0], $0xffff  }
0x361: {  	v16 =	vld [tilespmem:s23+$0xFFFFFFC0]  }
0x362: {  	v17 =	vld [tilespmem:s23+$0x20]  }
0x363: {  	v3 =	vmul.f32 v8, v13;
	v8 =	vld [tilespmem:s23+$0xFFFFFFE0]  }
0x364: {  	v18 =	vld [tilespmem:s24+$0xFFFFFFC0]  }
0x365: {  	v3 =	vsub.f32 v10, v3;
	v10 =	vld [tilespmem:s24+$0xFFFFFFE0]  }
0x366: {  	v19 =	vld [tilespmem:s24+$0x20]  }
0x367: {  	v20 =	vld [tilespmem:s22+$0xFFFFFFC0]  }
0x368: {  	s6 =	sadd.s32 $0x0, s11;
	v23 =	vld [tilespmem:s22+$0x20];
	v3 =	vsub.f32 v3, v11;
	v8 =	vmul.f32 v8, v14  }
0x369: {  	s8 =	sadd.s32 $0x6, s6;
	s0 =	simm.s32 $0x17540;
	v11 =	vld [tilespmem:s22+$0xFFFFFFE0]  }
0x36a: {  	s31 =	simm.s32 $0x14DC0;
	v12 =	vmul.f32 v3, v15;
	[tilespmem:s0+$0x0] =	vst v3;
	v3 =	vld.idx.msk [tilespmem:v7+s28+$0x0], $0xffff;
	v7 =	vsub.f32 v10, v8;
	v8 =	vmov s8  }
0x36b: {  	s30 =	simm.s32 $0x139C0;
	s17 =	simm.s32 $0x18940;
	v29 =	vld [tilespmem:s31+$0x0];
	v8 =	vand.u32 $0xFFFFFFFE, v8  }
0x36c: {  	v32 =	vld [tilespmem:s30+$0xFFFFFFC0];
	[tilespmem:s17+$0x0] =	vst v12;
	v12 =	vbroadcast v8, $0x0  }
0x36d: {  	v60 =	vld [tilespmem:s30+$0xFFFFFFE0];
	v16 =	vmul.f32 v16, v5  }
0x36e: {  	v61 =	vld [tilespmem:s30+$0x20];
	v17 =	vmul.f32 v17, v4  }
0x36f: {  	v16 =	vsub.f32 v18, v16;
	v18 =	vld [tilespmem:s31+$0xFFFFFFC0];
	v10 =	vsub.f32 v7, v11  }
0x370: {  	v17 =	vsub.f32 v19, v17;
	v19 =	vld [tilespmem:s31+$0x20]  }
0x371: {  	v11 =	vmul.f32 v10, v3;
	[tilespmem:s0+$0xFFFFFFE0] =	vst v10;
	v10 =	vld [tilespmem:s30+$0x0]  }
0x372: {  	s9 =	sadd.s32 $0x4, s6;
	s8 =	simm.s32 $0x161C0;
	v28 =	vld.idx.msk [tilespmem:v12+s15+$0x0], $0xffff  }
0x373: {  	v30 =	vld [tilespmem:s8+$0x0];
	v7 =	vmov s9  }
0x374: {  	s26 =	sadd.s32 $0x5, s6;
	v21 =	vld [tilespmem:s23+$0x10];
	v7 =	vand.u32 $0xFFFFFFFC, v7  }
0x375: {  	v22 =	vld [tilespmem:s24+$0x10];
	v8 =	vmov s26;
	v25 =	vbroadcast v7, $0x0  }
0x376: {  	v24 =	vld [tilespmem:s22+$0x10];
	v8 =	vand.u32 $0xFFFFFFFD, v8  }
0x377: {  	v7 =	vld.idx.msk [tilespmem:v6+s28+$0x0], $0xffff;
	v26 =	vbroadcast v8, $0x0;
	v31 =	vmul.f32 v10, v28  }
0x378: {  	s1 =	sadd.s32 $0x7, s6;
	v12 =	vld.idx.msk [tilespmem:v12+s28+$0x0], $0xffff  }
0x379: {  	v6 =	vld.idx.msk [tilespmem:v9+s28+$0x0], $0xffff;
	[tilespmem:s17+$0xFFFFFFE0] =	vst v11;
	v11 =	vmov s1;
	v29 =	vsub.f32 v29, v31  }
0x37a: {  	v27 =	vld [tilespmem:s23+$0xFFFFFFF0];
	v13 =	vmul.f32 v21, v13  }
0x37b: {  	v9 =	vld.idx.msk [tilespmem:v25+s15+$0x0], $0xffff;
	v21 =	vsub.f32 v29, v30  }
0x37c: {  	v13 =	vsub.f32 v22, v13;
	v22 =	vld [tilespmem:s31+$0xFFFFFFE0]  }
0x37d: {  	s26 =	simm.s32 $0x175C0;
	v8 =	vld.idx.msk [tilespmem:v26+s15+$0x0], $0xffff;
	v30 =	vmul.f32 v21, v12  }
0x37e: {  	v16 =	vsub.f32 v16, v20;
	s9 =	simm.s32 $0x189C0;
	v10 =	vld.idx.msk [tilespmem:v11+s15+$0x0], $0xffff;
	[tilespmem:s26+$0x0] =	vst v21  }
0x37f: {  	v17 =	vsub.f32 v17, v23;
	v13 =	vsub.f32 v13, v24;
	v21 =	vld [tilespmem:s8+$0xFFFFFFC0];
	[tilespmem:s9+$0x0] =	vst v30  }
0x380: {  	[tilespmem:s0+$0xFFFFFFC0] =	vst v16;
	v20 =	vmul.f32 v32, v9;
	v23 =	vld [tilespmem:s30+$0x10]  }
0x381: {  	v62 =	vld [tilespmem:s8+$0xFFFFFFE0];
	[tilespmem:s0+$0x20] =	vst v17;
	v15 =	vmul.f32 v13, v15  }
0x382: {  	[tilespmem:s0+$0x10] =	vst v13;
	v13 =	vmul.f32 v16, v7;
	v16 =	vmul.f32 v60, v8;
	v63 =	vsub.f32 v18, v20;
	v18 =	vld [tilespmem:s31+$0x10]  }
0x383: {  	[tilespmem:s17+$0x10] =	vst v15;
	v15 =	vmul.f32 v17, v6;
	v20 =	vld [tilespmem:s8+$0x20]  }
0x384: {  	[tilespmem:s17+$0xFFFFFFC0] =	vst v13;
	v31 =	vsub.f32 v22, v16;
	v29 =	vmul.f32 v61, v10;
	v17 =	vld [tilespmem:s8+$0x10];
	v16 =	vsub.f32 v63, v21  }
0x385: {  	v13 =	vmul.f32 v27, v14;
	v14 =	vld.idx.msk [tilespmem:v26+s28+$0x0], $0xffff;
	[tilespmem:s17+$0x20] =	vst v15;
	v22 =	vmul.f32 v23, v28  }
0x386: {  	s1 =	simm.s32 $0x4;
	v15 =	vld.idx.msk [tilespmem:v25+s28+$0x0], $0xffff;
	v21 =	vsub.f32 v19, v29;
	v19 =	vsub.f32 v31, v62;
	[tilespmem:s26+$0xFFFFFFC0] =	vst v16  }
.LBB2_35:
0x387: {  	s2 =	sadd.s32 s1, s11;
	s1 =	sadd.s32 $0x4, s1;
	v18 =	vsub.f32 v18, v22;
	v22 =	vld.idx.msk [tilespmem:v11+s28+$0x0], $0xffff  }
0x388: {  	s4 =	sadd.s32 $0x4, s2;
	s6 =	sadd.s32 $0x6, s2;
	p0 =	slt.u32 s1, $0x9C;
	[tilespmem:s26+$0xFFFFFFE0] =	vst v19;
	v20 =	vsub.f32 v21, v20;
	v21 =	vld [tilespmem:s23+$0xFFFFFFD0]  }
0x389: {  	v11 =	vmov s4;
	s4 =	sadd.s32 $0x5, s2;
	v23 =	vmov s6;
	s2 =	sadd.s32 $0x7, s2;
	v17 =	vsub.f32 v18, v17;
	v18 =	vld [tilespmem:s23+$0x30];
	s23 =	smov.u32 s30  }
0x38a: {  	v11 =	vand.u32 $0xFFFFFFFC, v11;
	v24 =	vmov s4;
	v23 =	vand.u32 $0xFFFFFFFE, v23;
	[tilespmem:s26+$0x20] =	vst v20;
	v25 =	vld [tilespmem:s24+$0xFFFFFFD0]  }
0x38b: {  	v24 =	vand.u32 $0xFFFFFFFD, v24;
	v23 =	vbroadcast v23, $0x0;
	v12 =	vmul.f32 v17, v12;
	v26 =	vld [tilespmem:s24+$0xFFFFFFF0]  }
0x38c: {  	v27 =	vbroadcast v11, $0x0;
	v11 =	vmov s2;
	v24 =	vbroadcast v24, $0x0;
	[tilespmem:s26+$0x10] =	vst v17;
	v17 =	vld [tilespmem:s24+$0x30];
	s24 =	smov.u32 s31  }
0x38d: {  	v16 =	vmul.f32 v16, v15;
	v19 =	vmul.f32 v19, v14;
	[tilespmem:s9+$0x10] =	vst v12;
	v12 =	vld [tilespmem:s22+$0xFFFFFFD0]  }
0x38e: {  	v20 =	vmul.f32 v20, v22;
	v21 =	vmul.f32 v21, v5;
	v5 =	vmov v9;
	v28 =	vld [tilespmem:s22+$0xFFFFFFF0]  }
0x38f: {  	v9 =	vmul.f32 v18, v4;
	v4 =	vmov v10;
	[tilespmem:s9+$0xFFFFFFE0] =	vst v19;
	v18 =	vld [tilespmem:s22+$0x30];
	s22 =	smov.u32 s8  }
0x390: {  	[tilespmem:s9+$0xFFFFFFC0] =	vst v16;
	v10 =	vld [tilespmem:s30+$0xFFFFFFF0];
	v16 =	vsub.f32 v25, v21;
	v13 =	vsub.f32 v26, v13  }
0x391: {  	s30 =	sadd.s32 $0x80, s30;
	v19 =	vld.idx.msk [tilespmem:v23+s15+$0x0], $0xffff;
	[tilespmem:s9+$0x20] =	vst v20;
	v17 =	vsub.f32 v17, v9  }
0x392: {  	v20 =	vld [tilespmem:s30+$0x0];
	v12 =	vsub.f32 v16, v12  }
0x393: {  	s31 =	sadd.s32 $0x80, s31;
	v9 =	vld.idx.msk [tilespmem:v27+s15+$0x0], $0xffff;
	v16 =	vsub.f32 v13, v28  }
0x394: {  	v21 =	vld [tilespmem:s31+$0x0];
	[tilespmem:s0+$0xFFFFFFD0] =	vst v12;
	v12 =	vmul.f32 v12, v7;
	v17 =	vsub.f32 v17, v18;
	v7 =	vmov v15  }
0x395: {  	s8 =	sadd.s32 $0x80, s8;
	v13 =	vmul.f32 v10, v8;
	v8 =	vld.idx.msk [tilespmem:v24+s15+$0x0], $0xffff;
	[tilespmem:s0+$0xFFFFFFF0] =	vst v16;
	v10 =	vmul.f32 v16, v3;
	v3 =	vmov v14  }
0x396: {  	v14 =	vld [tilespmem:s8+$0x0];
	[tilespmem:s17+$0xFFFFFFD0] =	vst v12;
	v15 =	vmul.f32 v17, v6;
	v6 =	vmov v22  }
0x397: {  	v12 =	vld.idx.msk [tilespmem:v23+s28+$0x0], $0xffff;
	v16 =	vmul.f32 v20, v19;
	[tilespmem:s17+$0xFFFFFFF0] =	vst v10  }
0x398: {  	v10 =	vld.idx.msk [tilespmem:v11+s15+$0x0], $0xffff;
	[tilespmem:s0+$0x30] =	vst v17;
	s0 =	smov.u32 s26  }
0x399: {  	v17 =	vld [tilespmem:s30+$0xFFFFFFC0];
	v16 =	vsub.f32 v21, v16;
	[tilespmem:s17+$0x30] =	vst v15;
	s17 =	smov.u32 s9  }
0x39a: {  	v15 =	vld [tilespmem:s30+$0xFFFFFFE0]  }
0x39b: {  	v14 =	vsub.f32 v16, v14;
	v16 =	vld [tilespmem:s30+$0x20]  }
0x39c: {  	v18 =	vld [tilespmem:s31+$0xFFFFFFC0]  }
0x39d: {  	s26 =	sadd.s32 $0x80, s26;
	v20 =	vld [tilespmem:s31+$0xFFFFFFE0];
	v21 =	vmul.f32 v14, v12  }
0x39e: {  	s9 =	sadd.s32 $0x80, s9;
	v17 =	vmul.f32 v17, v9;
	[tilespmem:s26+$0x0] =	vst v14;
	v14 =	vld [tilespmem:s31+$0x20]  }
0x39f: {  	v22 =	vld [tilespmem:s8+$0xFFFFFFC0];
	v15 =	vmul.f32 v15, v8;
	[tilespmem:s9+$0x0] =	vst v21  }
0x3a0: {  	v23 =	vld [tilespmem:s30+$0x10];
	v16 =	vmul.f32 v16, v10  }
0x3a1: {  	v17 =	vsub.f32 v18, v17;
	v25 =	vld [tilespmem:s8+$0xFFFFFFE0]  }
.Ltmp16:
0x3a2: {  	v26 =	vsub.f32 v20, v15;
	v18 =	vld [tilespmem:s31+$0x10];
	(pc) =	sbr.rel @p0 .LBB2_35-.Ltmp16, $4  }
0x3a3: {  	v21 =	vsub.f32 v14, v16;
	v20 =	vld [tilespmem:s8+$0x20]  }
0x3a4: {  	v16 =	vsub.f32 v17, v22;
	v17 =	vld [tilespmem:s8+$0x10]  }
0x3a5: {  	v15 =	vld.idx.msk [tilespmem:v27+s28+$0x0], $0xffff;
	v22 =	vmul.f32 v23, v19  }
0x3a6: {  	[tilespmem:s26+$0xFFFFFFC0] =	vst v16;
	v14 =	vld.idx.msk [tilespmem:v24+s28+$0x0], $0xffff;
	v19 =	vsub.f32 v26, v25  }
0x3a7: {  	_ =	sdelay $0x3  }
0x3a8: {  	v11 =	vld.idx.msk [tilespmem:v11+s28+$0x0], $0xffff  }
0x3a9: {  	v23 =	vld [tilespmem:s23+$0xFFFFFFD0]  }
0x3aa: {  	v24 =	vld [tilespmem:s23+$0x30]  }
0x3ab: {  	v25 =	vld [tilespmem:s24+$0xFFFFFFD0]  }
0x3ac: {  	v26 =	vld [tilespmem:s24+$0xFFFFFFF0]  }
0x3ad: {  	v46 =	vld [tilespmem:s24+$0x30]  }
0x3ae: {  	v27 =	vld [tilespmem:s22+$0xFFFFFFD0];
	v16 =	vmul.f32 v16, v15  }
0x3af: {  	v28 =	vld [tilespmem:s22+$0xFFFFFFF0]  }
0x3b0: {  	v48 =	vld [tilespmem:s22+$0x30];
	v20 =	vsub.f32 v21, v20;
	[tilespmem:s9+$0xFFFFFFC0] =	vst v16  }
0x3b1: {  	v18 =	vsub.f32 v18, v22;
	[tilespmem:s26+$0xFFFFFFE0] =	vst v19;
	v47 =	vmul.f32 v19, v14;
	v50 =	vld [tilespmem:s30+$0xFFFFFFD0]  }
0x3b2: {  	[tilespmem:s26+$0x20] =	vst v20;
	v52 =	vld [tilespmem:s31+$0xFFFFFFD0]  }
0x3b3: {  	v17 =	vsub.f32 v18, v17;
	v20 =	vmul.f32 v20, v11;
	v5 =	vmul.f32 v23, v5;
	[tilespmem:s9+$0xFFFFFFE0] =	vst v47;
	v56 =	vld [tilespmem:s8+$0xFFFFFFD0]  }
0x3b4: {  	v13 =	vsub.f32 v26, v13;
	v49 =	vld [tilespmem:s30+$0xFFFFFFF0]  }
0x3b5: {  	v12 =	vmul.f32 v17, v12;
	v4 =	vmul.f32 v24, v4;
	[tilespmem:s9+$0x20] =	vst v20;
	v5 =	vsub.f32 v25, v5;
	v53 =	vld [tilespmem:s31+$0xFFFFFFF0]  }
0x3b6: {  	[tilespmem:s26+$0x10] =	vst v17;
	v55 =	vsub.f32 v13, v28;
	v51 =	vld [tilespmem:s30+$0x30]  }
0x3b7: {  	[tilespmem:s9+$0x10] =	vst v12;
	v4 =	vsub.f32 v46, v4;
	v58 =	vld [tilespmem:s8+$0xFFFFFFF0];
	v5 =	vsub.f32 v5, v27  }
0x3b8: {  	v54 =	vld [tilespmem:s31+$0x30];
	[tilespmem:s0+$0xFFFFFFF0] =	vst v55;
	v3 =	vmul.f32 v55, v3;
	v57 =	vmul.f32 v50, v9  }
0x3b9: {  	v4 =	vsub.f32 v4, v48;
	[tilespmem:s0+$0xFFFFFFD0] =	vst v5;
	v8 =	vmul.f32 v49, v8  }
0x3ba: {  	v59 =	vld [tilespmem:s8+$0x30];
	v5 =	vmul.f32 v5, v7;
	[tilespmem:s17+$0xFFFFFFF0] =	vst v3;
	v7 =	vsub.f32 v52, v57  }
0x3bb: {  	v6 =	vmul.f32 v4, v6;
	[tilespmem:s0+$0x30] =	vst v4;
	v3 =	vmul.f32 v51, v10;
	v8 =	vsub.f32 v53, v8  }
0x3bc: {  	[tilespmem:s17+$0xFFFFFFD0] =	vst v5;
	v60 =	vsub.f32 v7, v56  }
0x3bd: {  	[tilespmem:s17+$0x30] =	vst v6;
	v3 =	vsub.f32 v54, v3;
	v61 =	vsub.f32 v8, v58  }
0x3be: {  	[tilespmem:s26+$0xFFFFFFD0] =	vst v60;
	v4 =	vmul.f32 v60, v15  }
0x3bf: {  	v3 =	vsub.f32 v3, v59;
	[tilespmem:s26+$0xFFFFFFF0] =	vst v61  }
0x3c0: {  	v62 =	vmul.f32 v61, v14;
	[tilespmem:s9+$0xFFFFFFD0] =	vst v4  }
0x3c1: {  	v63 =	vmul.f32 v3, v11;
	[tilespmem:s26+$0x30] =	vst v3  }
0x3c2: {  	[tilespmem:s9+$0xFFFFFFF0] =	vst v62  }
0x3c3: {  	s24 =	simm.s32 $0x17500;
	[tilespmem:s9+$0x30] =	vst v63  }
0x3c4: {  	[hbm4b:s21+s5] =	stream.linear.scatter [tilespmem:s24], [sflag:$0x3], $0x1400, $0x38;
	[tilespmem:$0x1ED20] =	vst v63  }
0x3c5: {  	_ =	swait.ge [sflag:s25], $0x1400  }
0x3c6: {  	s26 =	rddreg [dreg:$0x5]  }
0x3c7: {  	s0 =	sadd.s32 s26, s20  }
0x3c8: {  	[sflag:s25] =	ssyncset.done $0x0;
	s0 =	sshll.u32 s0, $0x2  }
0x3c9: {  	s1 =	simm.s32 $0x18900;
	[sflag:s25] =	ssyncadd.s32 $0xFFFFEC00;
	s0 =	sadd.s32 s7, s0  }
0x3ca: {  	[hbm4b:s0+s5] =	stream.linear.scatter [tilespmem:s1], [sflag:$0x3], $0x1400, $0x38;
	[tilespmem:$0x1ED20] =	vst v63  }
0x3cb: {  	s18 =	sadd.s32 $0x1, s18;
	_ =	swait.ge [sflag:s25], $0x1400  }
0x3cc: {  	p0 =	sne.s32 s18, $0x4;
	[sflag:s25] =	ssyncset.done $0x0  }
.Ltmp17:
0x3cd: {  	s30 =	simm.s32 $0x12500;
	[sflag:s25] =	ssyncadd.s32 $0xFFFFEC00;
	(pc) =	sbr.rel @p0 .LBB2_34-.Ltmp17, $4  }
0x3ce: {  	[spmem:s19] =	stream.linear.scatter [tilespmem:s30], [sflag:$0x3], $0x1400, $0x38;
	[tilespmem:$0x1ED20] =	vst v63  }
0x3cf: {  	_ =	swait.ge [sflag:s25], $0x1400  }
0x3d0: {  	s11 =	sadd.s32 $0xA0, s11;
	[sflag:s25] =	ssyncset.done $0x0  }
0x3d1: {  	s23 =	simm.s32 $0x14D00;
	s31 =	simm.s32 $0x20;
	[sflag:s25] =	ssyncadd.s32 $0xFFFFEC00  }
0x3d2: {  	[bflag:$0x0] =	sbarrier.arrive $0xFFFF;
	s0 =	simm.s32 $0x0  }
0x3d3: {  	[tilespmem:s10], [sflag:$0x1] =	stream.indirect.gather [hbm4b:s7+s29], $0x20, s0, s29, $0xb8;
	[tilespmem:$0x1ED20] =	vst v63  }
0x3d4: {  	s22 =	simm.s32 $0x200  }
0x3d5: {  	[tilespmem:s12], [sflag:$0x2] =	stream.indirect.gather [hbm4b:s7+s29], $0x20, s22, s29, $0xb8;
	[tilespmem:$0x1ED20] =	vst v63  }
0x3d6: {  	_ =	swait.ge [sflag:s13], $0x4000  }
0x3d7: {  	[sflag:s13] =	ssyncset.done $0x0  }
0x3d8: {  	s24 =	simm.s32 $0x5000;
	[sflag:s13] =	ssyncadd.s32 $0xFFFFC000  }
0x3d9: {  	[spmem:s3] =	stream.indirect.scatter.add.f32 [tilespmem:s10], [sflag:$0x3], $0x20, s24, s29, $0xb8;
	[tilespmem:$0x1ED20] =	vst v63  }
0x3da: {  	_ =	swait.ge [sflag:s25], $0x4000  }
0x3db: {  	[sflag:s25] =	ssyncset.done $0x0  }
0x3dc: {  	s26 =	simm.s32 $0x400;
	[sflag:s25] =	ssyncadd.s32 $0xFFFFC000  }
0x3dd: {  	[tilespmem:s10], [sflag:$0x1] =	stream.indirect.gather [hbm4b:s7+s29], $0x20, s26, s29, $0xb8;
	[tilespmem:$0x1ED20] =	vst v63  }
0x3de: {  	_ =	swait.ge [sflag:s14], $0x4000  }
0x3df: {  	[sflag:s14] =	ssyncset.done $0x0  }
0x3e0: {  	s30 =	simm.s32 $0x5200;
	[sflag:s14] =	ssyncadd.s32 $0xFFFFC000  }
0x3e1: {  	[spmem:s3] =	stream.indirect.scatter.add.f32 [tilespmem:s12], [sflag:$0x3], $0x20, s30, s29, $0xb8;
	[tilespmem:$0x1ED20] =	vst v63  }
0x3e2: {  	_ =	swait.ge [sflag:s25], $0x4000  }
0x3e3: {  	s1 =	simm.s32 $0x2000;
	s0 =	simm.s32 $0x400;
	[sflag:s25] =	ssyncset.done $0x0  }
.LBB2_38:
0x3e4: {  	s2 =	sadd.s32 $0x200, s0  }
0x3e5: {  	[sflag:s25] =	ssyncadd.s32 $0xFFFFC000;
	s4 =	smov.u32 s1;
	s6 =	sadd.s32 $0x1000, s1  }
0x3e6: {  	[tilespmem:s12], [sflag:$0x2] =	stream.indirect.gather [hbm4b:s7+s29], $0x20, s2, s29, $0xb8;
	[tilespmem:$0x1ED20] =	vst v63  }
0x3e7: {  	p0 =	sne.s32 s1, $0x12000;
	_ =	swait.ge [sflag:s13], $0x4000  }
0x3e8: {  	[sflag:s13] =	ssyncset.done $0x0  }
0x3e9: {  	s1 =	sadd.s32 $0x5000, s0;
	[sflag:s13] =	ssyncadd.s32 $0xFFFFC000  }
0x3ea: {  	[spmem:s3] =	stream.indirect.scatter.add.f32 [tilespmem:s10], [sflag:$0x3], $0x20, s1, s29, $0xb8;
	[tilespmem:$0x1ED20] =	vst v63  }
0x3eb: {  	_ =	swait.ge [sflag:s25], $0x4000  }
0x3ec: {  	[sflag:s25] =	ssyncset.done $0x0  }
0x3ed: {  	s1 =	sadd.s32 $0x400, s0;
	[sflag:s25] =	ssyncadd.s32 $0xFFFFC000  }
0x3ee: {  	[tilespmem:s10], [sflag:$0x1] =	stream.indirect.gather [hbm4b:s7+s29], $0x20, s1, s29, $0xb8;
	[tilespmem:$0x1ED20] =	vst v63  }
0x3ef: {  	_ =	swait.ge [sflag:s14], $0x4000  }
.Ltmp18:
0x3f0: {  	[sflag:s14] =	ssyncset.done $0x0;
	(pc) =	sbr.rel @p0 .LBB2_38-.Ltmp18, $4  }
0x3f1: {  	s0 =	sadd.s32 $0x5200, s0;
	[sflag:s14] =	ssyncadd.s32 $0xFFFFC000  }
0x3f2: {  	[spmem:s3] =	stream.indirect.scatter.add.f32 [tilespmem:s12], [sflag:$0x3], $0x20, s0, s29, $0xb8;
	[tilespmem:$0x1ED20] =	vst v63  }
0x3f3: {  	_ =	swait.ge [sflag:s25], $0x4000  }
0x3f4: {  	s1 =	smov.u32 s6;
	s0 =	sshra.s32 s4, $0x2;
	[sflag:s25] =	ssyncset.done $0x0  }
0x3f5: {  	s1 =	sadd.s32 $0x200, s0;
	[sflag:s25] =	ssyncadd.s32 $0xFFFFC000  }
0x3f6: {  	[tilespmem:s12], [sflag:$0x2] =	stream.indirect.gather [hbm4b:s7+s29], $0x20, s1, s29, $0xb8;
	[tilespmem:$0x1ED20] =	vst v63  }
0x3f7: {  	_ =	swait.ge [sflag:s13], $0x4000  }
0x3f8: {  	[sflag:s13] =	ssyncset.done $0x0  }
0x3f9: {  	s20 =	sadd.s32 $0x5000, s0;
	[sflag:s13] =	ssyncadd.s32 $0xFFFFC000  }
0x3fa: {  	[spmem:s3] =	stream.indirect.scatter.add.f32 [tilespmem:s10], [sflag:$0x3], $0x20, s20, s29, $0xb8;
	[tilespmem:$0x1ED20] =	vst v63  }
0x3fb: {  	_ =	swait.ge [sflag:s25], $0x4000  }
0x3fc: {  	[sflag:s25] =	ssyncset.done $0x0  }
0x3fd: {  	s21 =	sadd.s32 $0x400, s0;
	[sflag:s25] =	ssyncadd.s32 $0xFFFFC000  }
0x3fe: {  	[tilespmem:s10], [sflag:$0x1] =	stream.indirect.gather [hbm4b:s7+s29], $0x20, s21, s29, $0xb8;
	[tilespmem:$0x1ED20] =	vst v63  }
0x3ff: {  	_ =	swait.ge [sflag:s14], $0x4000  }
0x400: {  	[sflag:s14] =	ssyncset.done $0x0  }
0x401: {  	s22 =	sadd.s32 $0x5200, s0;
	[sflag:s14] =	ssyncadd.s32 $0xFFFFC000  }
0x402: {  	[spmem:s3] =	stream.indirect.scatter.add.f32 [tilespmem:s12], [sflag:$0x3], $0x20, s22, s29, $0xb8;
	[tilespmem:$0x1ED20] =	vst v63  }
0x403: {  	_ =	swait.ge [sflag:s25], $0x4000  }
0x404: {  	[sflag:s25] =	ssyncset.done $0x0  }
0x405: {  	s24 =	simm.s32 $0x4E00;
	[sflag:s25] =	ssyncadd.s32 $0xFFFFC000  }
0x406: {  	[tilespmem:s12], [sflag:$0x2] =	stream.indirect.gather [hbm4b:s7+s29], $0x20, s24, s29, $0xb8;
	[tilespmem:$0x1ED20] =	vst v63  }
0x407: {  	_ =	swait.ge [sflag:s13], $0x4000  }
0x408: {  	[sflag:s13] =	ssyncset.done $0x0  }
0x409: {  	s26 =	simm.s32 $0x9C00;
	[sflag:s13] =	ssyncadd.s32 $0xFFFFC000  }
0x40a: {  	[spmem:s3] =	stream.indirect.scatter.add.f32 [tilespmem:s10], [sflag:$0x3], $0x20, s26, s29, $0xb8;
	[tilespmem:$0x1ED20] =	vst v63  }
0x40b: {  	_ =	swait.ge [sflag:s25], $0x4000  }
0x40c: {  	[sflag:s25] =	ssyncset.done $0x0  }
0x40d: {  	[sflag:s25] =	ssyncadd.s32 $0xFFFFC000  }
0x40e: {  	_ =	swait.ge [sflag:s14], $0x4000  }
0x40f: {  	[sflag:s14] =	ssyncset.done $0x0  }
0x410: {  	s30 =	simm.s32 $0x9E00;
	[sflag:s14] =	ssyncadd.s32 $0xFFFFC000  }
0x411: {  	[spmem:s3] =	stream.indirect.scatter.add.f32 [tilespmem:s12], [sflag:$0x3], $0x20, s30, s29, $0xb8;
	[tilespmem:$0x1ED20] =	vst v63  }
0x412: {  	_ =	swait.ge [sflag:s25], $0x4000  }
0x413: {  	[sflag:s25] =	ssyncset.done $0x0  }
0x414: {  	[sflag:s25] =	ssyncadd.s32 $0xFFFFC000  }
0x415: {  	s11 =	simm.s32 $0x0;
	s18 =	simm.s32 $0x0;
	[bflag:$0x0] =	sbarrier.arrive $0xFFFF  }
.LBB2_40:
0x416: {  	s0 =	smul.u32 $0xA0, s18;
	_ =	sdelay $0x1  }
0x417: {  	s20 =	sadd.s32 s16, s0  }
0x418: {  	s0 =	sshll.u32 s20, $0x5  }
0x419: {  	s1 =	simm.s32 $0x13900;
	s19 =	sadd.s32 s0, s3  }
0x41a: {  	[tilespmem:s1], [sflag:$0x3] =	stream.linear.gather [spmem:s19], $0x1400, $0x38;
	[tilespmem:$0x1ED20] =	vst v63  }
0x41b: {  	_ =	swait.ge [sflag:s25], $0x1400  }
0x41c: {  	s8 =	sshll.u32 s20, $0x7;
	s2 =	rddreg [dreg:$0x14]  }
0x41d: {  	s9 =	sadd.s32 $0xFFFFFFFC, s11;
	s1 =	sadd.s32 s8, s2  }
0x41e: {  	[sflag:s25] =	ssyncset.done $0x0;
	s4 =	rddreg [dreg:$0x6];
	s1 =	sshrl.u32 s1, $0x3  }
0x41f: {  	s6 =	simm.s32 $0x80;
	[sflag:s25] =	ssyncadd.s32 $0xFFFFEC00;
	s1 =	sadd.s32 s4, s1  }
0x420: {  	[tilespmem:s23], [sflag:$0x3] =	stream.strided.gather [hbm4b:s1+s31], $0x1400, s6, s31, $0x38;
	[tilespmem:$0x1ED20] =	vst v63  }
0x421: {  	s17 =	sadd.s32 $0x6, s9;
	_ =	swait.ge [sflag:s25], $0x1400  }
0x422: {  	v3 =	vmov s17;
	s21 =	rddreg [dreg:$0xf]  }
0x423: {  	s26 =	simm.s32 $0x16100;
	s22 =	sadd.s32 $0x4, s9;
	v3 =	vand.u32 $0xFFFFFFFE, v3;
	s0 =	sadd.s32 s21, s0  }
0x424: {  	v4 =	vmov s22;
	v3 =	vbroadcast v3, $0x0;
	[sflag:s25] =	ssyncset.done $0x0;
	s23 =	rddreg [dreg:$0x8];
	s0 =	sshrl.u32 s0, $0x3  }
0x425: {  	s24 =	sadd.s32 $0x5, s9;
	v4 =	vand.u32 $0xFFFFFFFC, v4;
	[sflag:s25] =	ssyncadd.s32 $0xFFFFEC00;
	s21 =	sadd.s32 s23, s0  }
0x426: {  	v5 =	vmov s24;
	v6 =	vbroadcast v4, $0x0;
	[tilespmem:s26], [sflag:$0x3] =	stream.linear.gather [hbm4b:s21+s5], $0x1400, $0x38;
	[tilespmem:$0x1ED20] =	vst v63  }
0x427: {  	v4 =	vand.u32 $0xFFFFFFFD, v5;
	_ =	swait.ge [sflag:s25], $0x1400  }
0x428: {  	v7 =	vbroadcast v4, $0x0;
	[sflag:s25] =	ssyncset.done $0x0  }
0x429: {  	[sflag:s25] =	ssyncadd.s32 $0xFFFFEC00  }
0x42a: {  	s23 =	simm.s32 $0x13940;
	v13 =	vld.idx.msk [tilespmem:v3+s15+$0x0], $0xffff  }
0x42b: {  	s4 =	sadd.s32 $0x7, s9;
	v8 =	vld [tilespmem:s23+$0x0]  }
0x42c: {  	s24 =	simm.s32 $0x14D40;
	v9 =	vmov s4;
	v5 =	vld.idx.msk [tilespmem:v6+s15+$0x0], $0xffff  }
0x42d: {  	v10 =	vld [tilespmem:s24+$0x0]  }
0x42e: {  	s22 =	simm.s32 $0x16140;
	v14 =	vld.idx.msk [tilespmem:v7+s15+$0x0], $0xffff  }
0x42f: {  	v11 =	vld [tilespmem:s22+$0x0]  }
0x430: {  	v15 =	vld.idx.msk [tilespmem:v3+s28+$0x0], $0xffff  }
0x431: {  	v4 =	vld.idx.msk [tilespmem:v9+s15+$0x0], $0xffff  }
0x432: {  	v16 =	vld [tilespmem:s23+$0xFFFFFFC0]  }
0x433: {  	v17 =	vld [tilespmem:s23+$0x20]  }
0x434: {  	v3 =	vmul.f32 v8, v13;
	v8 =	vld [tilespmem:s23+$0xFFFFFFE0]  }
0x435: {  	v18 =	vld [tilespmem:s24+$0xFFFFFFC0]  }
0x436: {  	v3 =	vsub.f32 v10, v3;
	v10 =	vld [tilespmem:s24+$0xFFFFFFE0]  }
0x437: {  	v19 =	vld [tilespmem:s24+$0x20]  }
0x438: {  	v20 =	vld [tilespmem:s22+$0xFFFFFFC0]  }
0x439: {  	s6 =	sadd.s32 $0x0, s11;
	v23 =	vld [tilespmem:s22+$0x20];
	v3 =	vsub.f32 v3, v11;
	v8 =	vmul.f32 v8, v14  }
0x43a: {  	s8 =	sadd.s32 $0x6, s6;
	s0 =	simm.s32 $0x17540;
	v11 =	vld [tilespmem:s22+$0xFFFFFFE0]  }
0x43b: {  	s31 =	simm.s32 $0x14DC0;
	v12 =	vmul.f32 v3, v15;
	[tilespmem:s0+$0x0] =	vst v3;
	v3 =	vld.idx.msk [tilespmem:v7+s28+$0x0], $0xffff;
	v7 =	vsub.f32 v10, v8;
	v8 =	vmov s8  }
0x43c: {  	s30 =	simm.s32 $0x139C0;
	s17 =	simm.s32 $0x18940;
	v29 =	vld [tilespmem:s31+$0x0];
	v8 =	vand.u32 $0xFFFFFFFE, v8  }
0x43d: {  	v32 =	vld [tilespmem:s30+$0xFFFFFFC0];
	[tilespmem:s17+$0x0] =	vst v12;
	v12 =	vbroadcast v8, $0x0  }
0x43e: {  	v60 =	vld [tilespmem:s30+$0xFFFFFFE0];
	v16 =	vmul.f32 v16, v5  }
0x43f: {  	v61 =	vld [tilespmem:s30+$0x20];
	v17 =	vmul.f32 v17, v4  }
0x440: {  	v16 =	vsub.f32 v18, v16;
	v18 =	vld [tilespmem:s31+$0xFFFFFFC0];
	v10 =	vsub.f32 v7, v11  }
0x441: {  	v17 =	vsub.f32 v19, v17;
	v19 =	vld [tilespmem:s31+$0x20]  }
0x442: {  	v11 =	vmul.f32 v10, v3;
	[tilespmem:s0+$0xFFFFFFE0] =	vst v10;
	v10 =	vld [tilespmem:s30+$0x0]  }
0x443: {  	s9 =	sadd.s32 $0x4, s6;
	s8 =	simm.s32 $0x161C0;
	v28 =	vld.idx.msk [tilespmem:v12+s15+$0x0], $0xffff  }
0x444: {  	v30 =	vld [tilespmem:s8+$0x0];
	v7 =	vmov s9  }
0x445: {  	s26 =	sadd.s32 $0x5, s6;
	v21 =	vld [tilespmem:s23+$0x10];
	v7 =	vand.u32 $0xFFFFFFFC, v7  }
0x446: {  	v22 =	vld [tilespmem:s24+$0x10];
	v8 =	vmov s26;
	v25 =	vbroadcast v7, $0x0  }
0x447: {  	v24 =	vld [tilespmem:s22+$0x10];
	v8 =	vand.u32 $0xFFFFFFFD, v8  }
0x448: {  	v7 =	vld.idx.msk [tilespmem:v6+s28+$0x0], $0xffff;
	v26 =	vbroadcast v8, $0x0;
	v31 =	vmul.f32 v10, v28  }
0x449: {  	s1 =	sadd.s32 $0x7, s6;
	v12 =	vld.idx.msk [tilespmem:v12+s28+$0x0], $0xffff  }
0x44a: {  	v6 =	vld.idx.msk [tilespmem:v9+s28+$0x0], $0xffff;
	[tilespmem:s17+$0xFFFFFFE0] =	vst v11;
	v11 =	vmov s1;
	v29 =	vsub.f32 v29, v31  }
0x44b: {  	v27 =	vld [tilespmem:s23+$0xFFFFFFF0];
	v13 =	vmul.f32 v21, v13  }
0x44c: {  	v9 =	vld.idx.msk [tilespmem:v25+s15+$0x0], $0xffff;
	v21 =	vsub.f32 v29, v30  }
0x44d: {  	v13 =	vsub.f32 v22, v13;
	v22 =	vld [tilespmem:s31+$0xFFFFFFE0]  }
0x44e: {  	s26 =	simm.s32 $0x175C0;
	v8 =	vld.idx.msk [tilespmem:v26+s15+$0x0], $0xffff;
	v30 =	vmul.f32 v21, v12  }
0x44f: {  	v16 =	vsub.f32 v16, v20;
	s9 =	simm.s32 $0x189C0;
	v10 =	vld.idx.msk [tilespmem:v11+s15+$0x0], $0xffff;
	[tilespmem:s26+$0x0] =	vst v21  }
0x450: {  	v17 =	vsub.f32 v17, v23;
	v13 =	vsub.f32 v13, v24;
	v21 =	vld [tilespmem:s8+$0xFFFFFFC0];
	[tilespmem:s9+$0x0] =	vst v30  }
0x451: {  	[tilespmem:s0+$0xFFFFFFC0] =	vst v16;
	v20 =	vmul.f32 v32, v9;
	v23 =	vld [tilespmem:s30+$0x10]  }
0x452: {  	v62 =	vld [tilespmem:s8+$0xFFFFFFE0];
	[tilespmem:s0+$0x20] =	vst v17;
	v15 =	vmul.f32 v13, v15  }
0x453: {  	[tilespmem:s0+$0x10] =	vst v13;
	v13 =	vmul.f32 v16, v7;
	v16 =	vmul.f32 v60, v8;
	v63 =	vsub.f32 v18, v20;
	v18 =	vld [tilespmem:s31+$0x10]  }
0x454: {  	[tilespmem:s17+$0x10] =	vst v15;
	v15 =	vmul.f32 v17, v6;
	v20 =	vld [tilespmem:s8+$0x20]  }
0x455: {  	[tilespmem:s17+$0xFFFFFFC0] =	vst v13;
	v31 =	vsub.f32 v22, v16;
	v29 =	vmul.f32 v61, v10;
	v17 =	vld [tilespmem:s8+$0x10];
	v16 =	vsub.f32 v63, v21  }
0x456: {  	v13 =	vmul.f32 v27, v14;
	v14 =	vld.idx.msk [tilespmem:v26+s28+$0x0], $0xffff;
	[tilespmem:s17+$0x20] =	vst v15;
	v22 =	vmul.f32 v23, v28  }
0x457: {  	s1 =	simm.s32 $0x4;
	v15 =	vld.idx.msk [tilespmem:v25+s28+$0x0], $0xffff;
	v21 =	vsub.f32 v19, v29;
	v19 =	vsub.f32 v31, v62;
	[tilespmem:s26+$0xFFFFFFC0] =	vst v16  }
.LBB2_41:
0x458: {  	s2 =	sadd.s32 s1, s11;
	s1 =	sadd.s32 $0x4, s1;
	v18 =	vsub.f32 v18, v22;
	v22 =	vld.idx.msk [tilespmem:v11+s28+$0x0], $0xffff  }
0x459: {  	s4 =	sadd.s32 $0x4, s2;
	s6 =	sadd.s32 $0x6, s2;
	p0 =	slt.u32 s1, $0x9C;
	[tilespmem:s26+$0xFFFFFFE0] =	vst v19;
	v20 =	vsub.f32 v21, v20;
	v21 =	vld [tilespmem:s23+$0xFFFFFFD0]  }
0x45a: {  	v11 =	vmov s4;
	s4 =	sadd.s32 $0x5, s2;
	v23 =	vmov s6;
	s2 =	sadd.s32 $0x7, s2;
	v17 =	vsub.f32 v18, v17;
	v18 =	vld [tilespmem:s23+$0x30];
	s23 =	smov.u32 s30  }
0x45b: {  	v11 =	vand.u32 $0xFFFFFFFC, v11;
	v24 =	vmov s4;
	v23 =	vand.u32 $0xFFFFFFFE, v23;
	[tilespmem:s26+$0x20] =	vst v20;
	v25 =	vld [tilespmem:s24+$0xFFFFFFD0]  }
0x45c: {  	v24 =	vand.u32 $0xFFFFFFFD, v24;
	v23 =	vbroadcast v23, $0x0;
	v12 =	vmul.f32 v17, v12;
	v26 =	vld [tilespmem:s24+$0xFFFFFFF0]  }
0x45d: {  	v27 =	vbroadcast v11, $0x0;
	v11 =	vmov s2;
	v24 =	vbroadcast v24, $0x0;
	[tilespmem:s26+$0x10] =	vst v17;
	v17 =	vld [tilespmem:s24+$0x30];
	s24 =	smov.u32 s31  }
0x45e: {  	v16 =	vmul.f32 v16, v15;
	v19 =	vmul.f32 v19, v14;
	[tilespmem:s9+$0x10] =	vst v12;
	v12 =	vld [tilespmem:s22+$0xFFFFFFD0]  }
0x45f: {  	v20 =	vmul.f32 v20, v22;
	v21 =	vmul.f32 v21, v5;
	v5 =	vmov v9;
	v28 =	vld [tilespmem:s22+$0xFFFFFFF0]  }
0x460: {  	v9 =	vmul.f32 v18, v4;
	v4 =	vmov v10;
	[tilespmem:s9+$0xFFFFFFE0] =	vst v19;
	v18 =	vld [tilespmem:s22+$0x30];
	s22 =	smov.u32 s8  }
0x461: {  	[tilespmem:s9+$0xFFFFFFC0] =	vst v16;
	v10 =	vld [tilespmem:s30+$0xFFFFFFF0];
	v16 =	vsub.f32 v25, v21;
	v13 =	vsub.f32 v26, v13  }
0x462: {  	s30 =	sadd.s32 $0x80, s30;
	v19 =	vld.idx.msk [tilespmem:v23+s15+$0x0], $0xffff;
	[tilespmem:s9+$0x20] =	vst v20;
	v17 =	vsub.f32 v17, v9  }
0x463: {  	v20 =	vld [tilespmem:s30+$0x0];
	v12 =	vsub.f32 v16, v12  }
0x464: {  	s31 =	sadd.s32 $0x80, s31;
	v9 =	vld.idx.msk [tilespmem:v27+s15+$0x0], $0xffff;
	v16 =	vsub.f32 v13, v28  }
0x465: {  	v21 =	vld [tilespmem:s31+$0x0];
	[tilespmem:s0+$0xFFFFFFD0] =	vst v12;
	v12 =	vmul.f32 v12, v7;
	v17 =	vsub.f32 v17, v18;
	v7 =	vmov v15  }
0x466: {  	s8 =	sadd.s32 $0x80, s8;
	v13 =	vmul.f32 v10, v8;
	v8 =	vld.idx.msk [tilespmem:v24+s15+$0x0], $0xffff;
	[tilespmem:s0+$0xFFFFFFF0] =	vst v16;
	v10 =	vmul.f32 v16, v3;
	v3 =	vmov v14  }
0x467: {  	v14 =	vld [tilespmem:s8+$0x0];
	[tilespmem:s17+$0xFFFFFFD0] =	vst v12;
	v15 =	vmul.f32 v17, v6;
	v6 =	vmov v22  }
0x468: {  	v12 =	vld.idx.msk [tilespmem:v23+s28+$0x0], $0xffff;
	v16 =	vmul.f32 v20, v19;
	[tilespmem:s17+$0xFFFFFFF0] =	vst v10  }
0x469: {  	v10 =	vld.idx.msk [tilespmem:v11+s15+$0x0], $0xffff;
	[tilespmem:s0+$0x30] =	vst v17;
	s0 =	smov.u32 s26  }
0x46a: {  	v17 =	vld [tilespmem:s30+$0xFFFFFFC0];
	v16 =	vsub.f32 v21, v16;
	[tilespmem:s17+$0x30] =	vst v15;
	s17 =	smov.u32 s9  }
0x46b: {  	v15 =	vld [tilespmem:s30+$0xFFFFFFE0]  }
0x46c: {  	v14 =	vsub.f32 v16, v14;
	v16 =	vld [tilespmem:s30+$0x20]  }
0x46d: {  	v18 =	vld [tilespmem:s31+$0xFFFFFFC0]  }
0x46e: {  	s26 =	sadd.s32 $0x80, s26;
	v20 =	vld [tilespmem:s31+$0xFFFFFFE0];
	v21 =	vmul.f32 v14, v12  }
0x46f: {  	s9 =	sadd.s32 $0x80, s9;
	v17 =	vmul.f32 v17, v9;
	[tilespmem:s26+$0x0] =	vst v14;
	v14 =	vld [tilespmem:s31+$0x20]  }
0x470: {  	v22 =	vld [tilespmem:s8+$0xFFFFFFC0];
	v15 =	vmul.f32 v15, v8;
	[tilespmem:s9+$0x0] =	vst v21  }
0x471: {  	v23 =	vld [tilespmem:s30+$0x10];
	v16 =	vmul.f32 v16, v10  }
0x472: {  	v17 =	vsub.f32 v18, v17;
	v25 =	vld [tilespmem:s8+$0xFFFFFFE0]  }
.Ltmp19:
0x473: {  	v26 =	vsub.f32 v20, v15;
	v18 =	vld [tilespmem:s31+$0x10];
	(pc) =	sbr.rel @p0 .LBB2_41-.Ltmp19, $4  }
0x474: {  	v21 =	vsub.f32 v14, v16;
	v20 =	vld [tilespmem:s8+$0x20]  }
0x475: {  	v16 =	vsub.f32 v17, v22;
	v17 =	vld [tilespmem:s8+$0x10]  }
0x476: {  	v15 =	vld.idx.msk [tilespmem:v27+s28+$0x0], $0xffff;
	v22 =	vmul.f32 v23, v19  }
0x477: {  	[tilespmem:s26+$0xFFFFFFC0] =	vst v16;
	v14 =	vld.idx.msk [tilespmem:v24+s28+$0x0], $0xffff;
	v19 =	vsub.f32 v26, v25  }
0x478: {  	_ =	sdelay $0x3  }
0x479: {  	v11 =	vld.idx.msk [tilespmem:v11+s28+$0x0], $0xffff  }
0x47a: {  	v23 =	vld [tilespmem:s23+$0xFFFFFFD0]  }
0x47b: {  	v24 =	vld [tilespmem:s23+$0x30]  }
0x47c: {  	v25 =	vld [tilespmem:s24+$0xFFFFFFD0]  }
0x47d: {  	v26 =	vld [tilespmem:s24+$0xFFFFFFF0]  }
0x47e: {  	v46 =	vld [tilespmem:s24+$0x30]  }
0x47f: {  	v27 =	vld [tilespmem:s22+$0xFFFFFFD0];
	v16 =	vmul.f32 v16, v15  }
0x480: {  	v28 =	vld [tilespmem:s22+$0xFFFFFFF0]  }
0x481: {  	v48 =	vld [tilespmem:s22+$0x30];
	v20 =	vsub.f32 v21, v20;
	[tilespmem:s9+$0xFFFFFFC0] =	vst v16  }
0x482: {  	v18 =	vsub.f32 v18, v22;
	[tilespmem:s26+$0xFFFFFFE0] =	vst v19;
	v47 =	vmul.f32 v19, v14;
	v50 =	vld [tilespmem:s30+$0xFFFFFFD0]  }
0x483: {  	[tilespmem:s26+$0x20] =	vst v20;
	v52 =	vld [tilespmem:s31+$0xFFFFFFD0]  }
0x484: {  	v17 =	vsub.f32 v18, v17;
	v20 =	vmul.f32 v20, v11;
	v5 =	vmul.f32 v23, v5;
	[tilespmem:s9+$0xFFFFFFE0] =	vst v47;
	v56 =	vld [tilespmem:s8+$0xFFFFFFD0]  }
0x485: {  	v13 =	vsub.f32 v26, v13;
	v49 =	vld [tilespmem:s30+$0xFFFFFFF0]  }
0x486: {  	v12 =	vmul.f32 v17, v12;
	v4 =	vmul.f32 v24, v4;
	[tilespmem:s9+$0x20] =	vst v20;
	v5 =	vsub.f32 v25, v5;
	v53 =	vld [tilespmem:s31+$0xFFFFFFF0]  }
0x487: {  	[tilespmem:s26+$0x10] =	vst v17;
	v55 =	vsub.f32 v13, v28;
	v51 =	vld [tilespmem:s30+$0x30]  }
0x488: {  	[tilespmem:s9+$0x10] =	vst v12;
	v4 =	vsub.f32 v46, v4;
	v58 =	vld [tilespmem:s8+$0xFFFFFFF0];
	v5 =	vsub.f32 v5, v27  }
0x489: {  	v54 =	vld [tilespmem:s31+$0x30];
	[tilespmem:s0+$0xFFFFFFF0] =	vst v55;
	v3 =	vmul.f32 v55, v3;
	v57 =	vmul.f32 v50, v9  }
0x48a: {  	v4 =	vsub.f32 v4, v48;
	[tilespmem:s0+$0xFFFFFFD0] =	vst v5;
	v8 =	vmul.f32 v49, v8  }
0x48b: {  	v59 =	vld [tilespmem:s8+$0x30];
	v5 =	vmul.f32 v5, v7;
	[tilespmem:s17+$0xFFFFFFF0] =	vst v3;
	v7 =	vsub.f32 v52, v57  }
0x48c: {  	v6 =	vmul.f32 v4, v6;
	[tilespmem:s0+$0x30] =	vst v4;
	v3 =	vmul.f32 v51, v10;
	v8 =	vsub.f32 v53, v8  }
0x48d: {  	[tilespmem:s17+$0xFFFFFFD0] =	vst v5;
	v60 =	vsub.f32 v7, v56  }
0x48e: {  	[tilespmem:s17+$0x30] =	vst v6;
	v3 =	vsub.f32 v54, v3;
	v61 =	vsub.f32 v8, v58  }
0x48f: {  	[tilespmem:s26+$0xFFFFFFD0] =	vst v60;
	v4 =	vmul.f32 v60, v15  }
0x490: {  	v3 =	vsub.f32 v3, v59;
	[tilespmem:s26+$0xFFFFFFF0] =	vst v61  }
0x491: {  	v62 =	vmul.f32 v61, v14;
	[tilespmem:s9+$0xFFFFFFD0] =	vst v4  }
0x492: {  	v63 =	vmul.f32 v3, v11;
	[tilespmem:s26+$0x30] =	vst v3  }
0x493: {  	[tilespmem:s9+$0xFFFFFFF0] =	vst v62  }
0x494: {  	s24 =	simm.s32 $0x17500;
	[tilespmem:s9+$0x30] =	vst v63  }
0x495: {  	[hbm4b:s21+s5] =	stream.linear.scatter [tilespmem:s24], [sflag:$0x3], $0x1400, $0x38;
	[tilespmem:$0x1ED20] =	vst v63  }
0x496: {  	_ =	swait.ge [sflag:s25], $0x1400  }
0x497: {  	s26 =	rddreg [dreg:$0x5]  }
0x498: {  	s0 =	sadd.s32 s26, s20  }
0x499: {  	[sflag:s25] =	ssyncset.done $0x0;
	s0 =	sshll.u32 s0, $0x2  }
0x49a: {  	s1 =	simm.s32 $0x18900;
	[sflag:s25] =	ssyncadd.s32 $0xFFFFEC00;
	s0 =	sadd.s32 s7, s0  }
0x49b: {  	[hbm4b:s0+s5] =	stream.linear.scatter [tilespmem:s1], [sflag:$0x3], $0x1400, $0x38;
	[tilespmem:$0x1ED20] =	vst v63  }
0x49c: {  	s18 =	sadd.s32 $0x1, s18;
	_ =	swait.ge [sflag:s25], $0x1400  }
0x49d: {  	p0 =	sne.s32 s18, $0x4;
	[sflag:s25] =	ssyncset.done $0x0  }
.Ltmp20:
0x49e: {  	s30 =	simm.s32 $0x12500;
	[sflag:s25] =	ssyncadd.s32 $0xFFFFEC00;
	(pc) =	sbr.rel @p0 .LBB2_40-.Ltmp20, $4  }
0x49f: {  	[spmem:s19] =	stream.linear.scatter [tilespmem:s30], [sflag:$0x3], $0x1400, $0x38;
	[tilespmem:$0x1ED20] =	vst v63  }
0x4a0: {  	_ =	swait.ge [sflag:s25], $0x1400  }
0x4a1: {  	s11 =	sadd.s32 $0xA0, s11;
	[sflag:s25] =	ssyncset.done $0x0  }
0x4a2: {  	s23 =	simm.s32 $0x14D00;
	s31 =	simm.s32 $0x20;
	[sflag:s25] =	ssyncadd.s32 $0xFFFFEC00  }
0x4a3: {  	[bflag:$0x0] =	sbarrier.arrive $0xFFFF;
	s0 =	simm.s32 $0x0  }
0x4a4: {  	[tilespmem:s10], [sflag:$0x1] =	stream.indirect.gather [hbm4b:s7+s29], $0x20, s0, s29, $0xb8;
	[tilespmem:$0x1ED20] =	vst v63  }
0x4a5: {  	s22 =	simm.s32 $0x200  }
0x4a6: {  	[tilespmem:s12], [sflag:$0x2] =	stream.indirect.gather [hbm4b:s7+s29], $0x20, s22, s29, $0xb8;
	[tilespmem:$0x1ED20] =	vst v63  }
0x4a7: {  	_ =	swait.ge [sflag:s13], $0x4000  }
0x4a8: {  	[sflag:s13] =	ssyncset.done $0x0  }
0x4a9: {  	s24 =	simm.s32 $0x5000;
	[sflag:s13] =	ssyncadd.s32 $0xFFFFC000  }
0x4aa: {  	[spmem:s3] =	stream.indirect.scatter.add.f32 [tilespmem:s10], [sflag:$0x3], $0x20, s24, s29, $0xb8;
	[tilespmem:$0x1ED20] =	vst v63  }
0x4ab: {  	_ =	swait.ge [sflag:s25], $0x4000  }
0x4ac: {  	[sflag:s25] =	ssyncset.done $0x0  }
0x4ad: {  	s26 =	simm.s32 $0x400;
	[sflag:s25] =	ssyncadd.s32 $0xFFFFC000  }
0x4ae: {  	[tilespmem:s10], [sflag:$0x1] =	stream.indirect.gather [hbm4b:s7+s29], $0x20, s26, s29, $0xb8;
	[tilespmem:$0x1ED20] =	vst v63  }
0x4af: {  	_ =	swait.ge [sflag:s14], $0x4000  }
0x4b0: {  	[sflag:s14] =	ssyncset.done $0x0  }
0x4b1: {  	s30 =	simm.s32 $0x5200;
	[sflag:s14] =	ssyncadd.s32 $0xFFFFC000  }
0x4b2: {  	[spmem:s3] =	stream.indirect.scatter.add.f32 [tilespmem:s12], [sflag:$0x3], $0x20, s30, s29, $0xb8;
	[tilespmem:$0x1ED20] =	vst v63  }
0x4b3: {  	_ =	swait.ge [sflag:s25], $0x4000  }
0x4b4: {  	s1 =	simm.s32 $0x2000;
	s0 =	simm.s32 $0x400;
	[sflag:s25] =	ssyncset.done $0x0  }
.LBB2_44:
0x4b5: {  	s2 =	sadd.s32 $0x200, s0  }
0x4b6: {  	[sflag:s25] =	ssyncadd.s32 $0xFFFFC000;
	s4 =	smov.u32 s1;
	s6 =	sadd.s32 $0x1000, s1  }
0x4b7: {  	[tilespmem:s12], [sflag:$0x2] =	stream.indirect.gather [hbm4b:s7+s29], $0x20, s2, s29, $0xb8;
	[tilespmem:$0x1ED20] =	vst v63  }
0x4b8: {  	p0 =	sne.s32 s1, $0x12000;
	_ =	swait.ge [sflag:s13], $0x4000  }
0x4b9: {  	[sflag:s13] =	ssyncset.done $0x0  }
0x4ba: {  	s1 =	sadd.s32 $0x5000, s0;
	[sflag:s13] =	ssyncadd.s32 $0xFFFFC000  }
0x4bb: {  	[spmem:s3] =	stream.indirect.scatter.add.f32 [tilespmem:s10], [sflag:$0x3], $0x20, s1, s29, $0xb8;
	[tilespmem:$0x1ED20] =	vst v63  }
0x4bc: {  	_ =	swait.ge [sflag:s25], $0x4000  }
0x4bd: {  	[sflag:s25] =	ssyncset.done $0x0  }
0x4be: {  	s1 =	sadd.s32 $0x400, s0;
	[sflag:s25] =	ssyncadd.s32 $0xFFFFC000  }
0x4bf: {  	[tilespmem:s10], [sflag:$0x1] =	stream.indirect.gather [hbm4b:s7+s29], $0x20, s1, s29, $0xb8;
	[tilespmem:$0x1ED20] =	vst v63  }
0x4c0: {  	_ =	swait.ge [sflag:s14], $0x4000  }
.Ltmp21:
0x4c1: {  	[sflag:s14] =	ssyncset.done $0x0;
	(pc) =	sbr.rel @p0 .LBB2_44-.Ltmp21, $4  }
0x4c2: {  	s0 =	sadd.s32 $0x5200, s0;
	[sflag:s14] =	ssyncadd.s32 $0xFFFFC000  }
0x4c3: {  	[spmem:s3] =	stream.indirect.scatter.add.f32 [tilespmem:s12], [sflag:$0x3], $0x20, s0, s29, $0xb8;
	[tilespmem:$0x1ED20] =	vst v63  }
0x4c4: {  	_ =	swait.ge [sflag:s25], $0x4000  }
0x4c5: {  	s1 =	smov.u32 s6;
	s0 =	sshra.s32 s4, $0x2;
	[sflag:s25] =	ssyncset.done $0x0  }
0x4c6: {  	s1 =	sadd.s32 $0x200, s0;
	[sflag:s25] =	ssyncadd.s32 $0xFFFFC000  }
0x4c7: {  	[tilespmem:s12], [sflag:$0x2] =	stream.indirect.gather [hbm4b:s7+s29], $0x20, s1, s29, $0xb8;
	[tilespmem:$0x1ED20] =	vst v63  }
0x4c8: {  	_ =	swait.ge [sflag:s13], $0x4000  }
0x4c9: {  	[sflag:s13] =	ssyncset.done $0x0  }
0x4ca: {  	s20 =	sadd.s32 $0x5000, s0;
	[sflag:s13] =	ssyncadd.s32 $0xFFFFC000  }
0x4cb: {  	[spmem:s3] =	stream.indirect.scatter.add.f32 [tilespmem:s10], [sflag:$0x3], $0x20, s20, s29, $0xb8;
	[tilespmem:$0x1ED20] =	vst v63  }
0x4cc: {  	_ =	swait.ge [sflag:s25], $0x4000  }
0x4cd: {  	[sflag:s25] =	ssyncset.done $0x0  }
0x4ce: {  	s21 =	sadd.s32 $0x400, s0;
	[sflag:s25] =	ssyncadd.s32 $0xFFFFC000  }
0x4cf: {  	[tilespmem:s10], [sflag:$0x1] =	stream.indirect.gather [hbm4b:s7+s29], $0x20, s21, s29, $0xb8;
	[tilespmem:$0x1ED20] =	vst v63  }
0x4d0: {  	_ =	swait.ge [sflag:s14], $0x4000  }
0x4d1: {  	[sflag:s14] =	ssyncset.done $0x0  }
0x4d2: {  	s22 =	sadd.s32 $0x5200, s0;
	[sflag:s14] =	ssyncadd.s32 $0xFFFFC000  }
0x4d3: {  	[spmem:s3] =	stream.indirect.scatter.add.f32 [tilespmem:s12], [sflag:$0x3], $0x20, s22, s29, $0xb8;
	[tilespmem:$0x1ED20] =	vst v63  }
0x4d4: {  	_ =	swait.ge [sflag:s25], $0x4000  }
0x4d5: {  	[sflag:s25] =	ssyncset.done $0x0  }
0x4d6: {  	s24 =	simm.s32 $0x4E00;
	[sflag:s25] =	ssyncadd.s32 $0xFFFFC000  }
0x4d7: {  	[tilespmem:s12], [sflag:$0x2] =	stream.indirect.gather [hbm4b:s7+s29], $0x20, s24, s29, $0xb8;
	[tilespmem:$0x1ED20] =	vst v63  }
0x4d8: {  	_ =	swait.ge [sflag:s13], $0x4000  }
0x4d9: {  	[sflag:s13] =	ssyncset.done $0x0  }
0x4da: {  	s26 =	simm.s32 $0x9C00;
	[sflag:s13] =	ssyncadd.s32 $0xFFFFC000  }
0x4db: {  	[spmem:s3] =	stream.indirect.scatter.add.f32 [tilespmem:s10], [sflag:$0x3], $0x20, s26, s29, $0xb8;
	[tilespmem:$0x1ED20] =	vst v63  }
0x4dc: {  	_ =	swait.ge [sflag:s25], $0x4000  }
0x4dd: {  	[sflag:s25] =	ssyncset.done $0x0  }
0x4de: {  	[sflag:s25] =	ssyncadd.s32 $0xFFFFC000  }
0x4df: {  	_ =	swait.ge [sflag:s14], $0x4000  }
0x4e0: {  	[sflag:s14] =	ssyncset.done $0x0  }
0x4e1: {  	s30 =	simm.s32 $0x9E00;
	[sflag:s14] =	ssyncadd.s32 $0xFFFFC000  }
0x4e2: {  	[spmem:s3] =	stream.indirect.scatter.add.f32 [tilespmem:s12], [sflag:$0x3], $0x20, s30, s29, $0xb8;
	[tilespmem:$0x1ED20] =	vst v63  }
0x4e3: {  	_ =	swait.ge [sflag:s25], $0x4000  }
0x4e4: {  	[sflag:s25] =	ssyncset.done $0x0  }
0x4e5: {  	[sflag:s25] =	ssyncadd.s32 $0xFFFFC000  }
0x4e6: {  	s11 =	simm.s32 $0x0;
	s18 =	simm.s32 $0x0;
	[bflag:$0x0] =	sbarrier.arrive $0xFFFF  }
.LBB2_46:
0x4e7: {  	s0 =	smul.u32 $0xA0, s18;
	_ =	sdelay $0x1  }
0x4e8: {  	s20 =	sadd.s32 s16, s0  }
0x4e9: {  	s0 =	sshll.u32 s20, $0x5  }
0x4ea: {  	s1 =	simm.s32 $0x13900;
	s19 =	sadd.s32 s0, s3  }
0x4eb: {  	[tilespmem:s1], [sflag:$0x3] =	stream.linear.gather [spmem:s19], $0x1400, $0x38;
	[tilespmem:$0x1ED20] =	vst v63  }
0x4ec: {  	_ =	swait.ge [sflag:s25], $0x1400  }
0x4ed: {  	s8 =	sshll.u32 s20, $0x7;
	s2 =	rddreg [dreg:$0x15]  }
0x4ee: {  	s9 =	sadd.s32 $0xFFFFFFFC, s11;
	s1 =	sadd.s32 s8, s2  }
0x4ef: {  	[sflag:s25] =	ssyncset.done $0x0;
	s4 =	rddreg [dreg:$0x6];
	s1 =	sshrl.u32 s1, $0x3  }
0x4f0: {  	s6 =	simm.s32 $0x80;
	[sflag:s25] =	ssyncadd.s32 $0xFFFFEC00;
	s1 =	sadd.s32 s4, s1  }
0x4f1: {  	[tilespmem:s23], [sflag:$0x3] =	stream.strided.gather [hbm4b:s1+s31], $0x1400, s6, s31, $0x38;
	[tilespmem:$0x1ED20] =	vst v63  }
0x4f2: {  	s17 =	sadd.s32 $0x6, s9;
	_ =	swait.ge [sflag:s25], $0x1400  }
0x4f3: {  	v3 =	vmov s17;
	s21 =	rddreg [dreg:$0xf]  }
0x4f4: {  	s26 =	simm.s32 $0x16100;
	s22 =	sadd.s32 $0x4, s9;
	v3 =	vand.u32 $0xFFFFFFFE, v3;
	s0 =	sadd.s32 s21, s0  }
0x4f5: {  	v4 =	vmov s22;
	v3 =	vbroadcast v3, $0x0;
	[sflag:s25] =	ssyncset.done $0x0;
	s23 =	rddreg [dreg:$0x7];
	s0 =	sshrl.u32 s0, $0x3  }
0x4f6: {  	s24 =	sadd.s32 $0x5, s9;
	v4 =	vand.u32 $0xFFFFFFFC, v4;
	[sflag:s25] =	ssyncadd.s32 $0xFFFFEC00;
	s21 =	sadd.s32 s23, s0  }
0x4f7: {  	v5 =	vmov s24;
	v6 =	vbroadcast v4, $0x0;
	[tilespmem:s26], [sflag:$0x3] =	stream.linear.gather [hbm4b:s21+s5], $0x1400, $0x38;
	[tilespmem:$0x1ED20] =	vst v63  }
0x4f8: {  	v4 =	vand.u32 $0xFFFFFFFD, v5;
	_ =	swait.ge [sflag:s25], $0x1400  }
0x4f9: {  	v7 =	vbroadcast v4, $0x0;
	[sflag:s25] =	ssyncset.done $0x0  }
0x4fa: {  	[sflag:s25] =	ssyncadd.s32 $0xFFFFEC00  }
0x4fb: {  	s23 =	simm.s32 $0x13940;
	v13 =	vld.idx.msk [tilespmem:v3+s15+$0x0], $0xffff  }
0x4fc: {  	s4 =	sadd.s32 $0x7, s9;
	v8 =	vld [tilespmem:s23+$0x0]  }
0x4fd: {  	s24 =	simm.s32 $0x14D40;
	v9 =	vmov s4;
	v5 =	vld.idx.msk [tilespmem:v6+s15+$0x0], $0xffff  }
0x4fe: {  	v10 =	vld [tilespmem:s24+$0x0]  }
0x4ff: {  	s22 =	simm.s32 $0x16140;
	v14 =	vld.idx.msk [tilespmem:v7+s15+$0x0], $0xffff  }
0x500: {  	v11 =	vld [tilespmem:s22+$0x0]  }
0x501: {  	v15 =	vld.idx.msk [tilespmem:v3+s28+$0x0], $0xffff  }
0x502: {  	v4 =	vld.idx.msk [tilespmem:v9+s15+$0x0], $0xffff  }
0x503: {  	v16 =	vld [tilespmem:s23+$0xFFFFFFC0]  }
0x504: {  	v17 =	vld [tilespmem:s23+$0x20]  }
0x505: {  	v3 =	vmul.f32 v8, v13;
	v8 =	vld [tilespmem:s23+$0xFFFFFFE0]  }
0x506: {  	v18 =	vld [tilespmem:s24+$0xFFFFFFC0]  }
0x507: {  	v3 =	vsub.f32 v10, v3;
	v10 =	vld [tilespmem:s24+$0xFFFFFFE0]  }
0x508: {  	v19 =	vld [tilespmem:s24+$0x20]  }
0x509: {  	v20 =	vld [tilespmem:s22+$0xFFFFFFC0]  }
0x50a: {  	s6 =	sadd.s32 $0x0, s11;
	v23 =	vld [tilespmem:s22+$0x20];
	v3 =	vsub.f32 v3, v11;
	v8 =	vmul.f32 v8, v14  }
0x50b: {  	s8 =	sadd.s32 $0x6, s6;
	s0 =	simm.s32 $0x17540;
	v11 =	vld [tilespmem:s22+$0xFFFFFFE0]  }
0x50c: {  	s31 =	simm.s32 $0x14DC0;
	v12 =	vmul.f32 v3, v15;
	[tilespmem:s0+$0x0] =	vst v3;
	v3 =	vld.idx.msk [tilespmem:v7+s28+$0x0], $0xffff;
	v7 =	vsub.f32 v10, v8;
	v8 =	vmov s8  }
0x50d: {  	s30 =	simm.s32 $0x139C0;
	s17 =	simm.s32 $0x18940;
	v29 =	vld [tilespmem:s31+$0x0];
	v8 =	vand.u32 $0xFFFFFFFE, v8  }
0x50e: {  	v32 =	vld [tilespmem:s30+$0xFFFFFFC0];
	[tilespmem:s17+$0x0] =	vst v12;
	v12 =	vbroadcast v8, $0x0  }
0x50f: {  	v60 =	vld [tilespmem:s30+$0xFFFFFFE0];
	v16 =	vmul.f32 v16, v5  }
0x510: {  	v61 =	vld [tilespmem:s30+$0x20];
	v17 =	vmul.f32 v17, v4  }
0x511: {  	v16 =	vsub.f32 v18, v16;
	v18 =	vld [tilespmem:s31+$0xFFFFFFC0];
	v10 =	vsub.f32 v7, v11  }
0x512: {  	v17 =	vsub.f32 v19, v17;
	v19 =	vld [tilespmem:s31+$0x20]  }
0x513: {  	v11 =	vmul.f32 v10, v3;
	[tilespmem:s0+$0xFFFFFFE0] =	vst v10;
	v10 =	vld [tilespmem:s30+$0x0]  }
0x514: {  	s9 =	sadd.s32 $0x4, s6;
	s8 =	simm.s32 $0x161C0;
	v28 =	vld.idx.msk [tilespmem:v12+s15+$0x0], $0xffff  }
0x515: {  	v30 =	vld [tilespmem:s8+$0x0];
	v7 =	vmov s9  }
0x516: {  	s26 =	sadd.s32 $0x5, s6;
	v21 =	vld [tilespmem:s23+$0x10];
	v7 =	vand.u32 $0xFFFFFFFC, v7  }
0x517: {  	v22 =	vld [tilespmem:s24+$0x10];
	v8 =	vmov s26;
	v25 =	vbroadcast v7, $0x0  }
0x518: {  	v24 =	vld [tilespmem:s22+$0x10];
	v8 =	vand.u32 $0xFFFFFFFD, v8  }
0x519: {  	v7 =	vld.idx.msk [tilespmem:v6+s28+$0x0], $0xffff;
	v26 =	vbroadcast v8, $0x0;
	v31 =	vmul.f32 v10, v28  }
0x51a: {  	s1 =	sadd.s32 $0x7, s6;
	v12 =	vld.idx.msk [tilespmem:v12+s28+$0x0], $0xffff  }
0x51b: {  	v6 =	vld.idx.msk [tilespmem:v9+s28+$0x0], $0xffff;
	[tilespmem:s17+$0xFFFFFFE0] =	vst v11;
	v11 =	vmov s1;
	v29 =	vsub.f32 v29, v31  }
0x51c: {  	v27 =	vld [tilespmem:s23+$0xFFFFFFF0];
	v13 =	vmul.f32 v21, v13  }
0x51d: {  	v9 =	vld.idx.msk [tilespmem:v25+s15+$0x0], $0xffff;
	v21 =	vsub.f32 v29, v30  }
0x51e: {  	v13 =	vsub.f32 v22, v13;
	v22 =	vld [tilespmem:s31+$0xFFFFFFE0]  }
0x51f: {  	s26 =	simm.s32 $0x175C0;
	v8 =	vld.idx.msk [tilespmem:v26+s15+$0x0], $0xffff;
	v30 =	vmul.f32 v21, v12  }
0x520: {  	v16 =	vsub.f32 v16, v20;
	s9 =	simm.s32 $0x189C0;
	v10 =	vld.idx.msk [tilespmem:v11+s15+$0x0], $0xffff;
	[tilespmem:s26+$0x0] =	vst v21  }
0x521: {  	v17 =	vsub.f32 v17, v23;
	v13 =	vsub.f32 v13, v24;
	v21 =	vld [tilespmem:s8+$0xFFFFFFC0];
	[tilespmem:s9+$0x0] =	vst v30  }
0x522: {  	[tilespmem:s0+$0xFFFFFFC0] =	vst v16;
	v20 =	vmul.f32 v32, v9;
	v23 =	vld [tilespmem:s30+$0x10]  }
0x523: {  	v62 =	vld [tilespmem:s8+$0xFFFFFFE0];
	[tilespmem:s0+$0x20] =	vst v17;
	v15 =	vmul.f32 v13, v15  }
0x524: {  	[tilespmem:s0+$0x10] =	vst v13;
	v13 =	vmul.f32 v16, v7;
	v16 =	vmul.f32 v60, v8;
	v63 =	vsub.f32 v18, v20;
	v18 =	vld [tilespmem:s31+$0x10]  }
0x525: {  	[tilespmem:s17+$0x10] =	vst v15;
	v15 =	vmul.f32 v17, v6;
	v20 =	vld [tilespmem:s8+$0x20]  }
0x526: {  	[tilespmem:s17+$0xFFFFFFC0] =	vst v13;
	v31 =	vsub.f32 v22, v16;
	v29 =	vmul.f32 v61, v10;
	v17 =	vld [tilespmem:s8+$0x10];
	v16 =	vsub.f32 v63, v21  }
0x527: {  	v13 =	vmul.f32 v27, v14;
	v14 =	vld.idx.msk [tilespmem:v26+s28+$0x0], $0xffff;
	[tilespmem:s17+$0x20] =	vst v15;
	v22 =	vmul.f32 v23, v28  }
0x528: {  	s1 =	simm.s32 $0x4;
	v15 =	vld.idx.msk [tilespmem:v25+s28+$0x0], $0xffff;
	v21 =	vsub.f32 v19, v29;
	v19 =	vsub.f32 v31, v62;
	[tilespmem:s26+$0xFFFFFFC0] =	vst v16  }
.LBB2_47:
0x529: {  	s2 =	sadd.s32 s1, s11;
	s1 =	sadd.s32 $0x4, s1;
	v18 =	vsub.f32 v18, v22;
	v22 =	vld.idx.msk [tilespmem:v11+s28+$0x0], $0xffff  }
0x52a: {  	s4 =	sadd.s32 $0x4, s2;
	s6 =	sadd.s32 $0x6, s2;
	p0 =	slt.u32 s1, $0x9C;
	[tilespmem:s26+$0xFFFFFFE0] =	vst v19;
	v20 =	vsub.f32 v21, v20;
	v21 =	vld [tilespmem:s23+$0xFFFFFFD0]  }
0x52b: {  	v11 =	vmov s4;
	s4 =	sadd.s32 $0x5, s2;
	v23 =	vmov s6;
	s2 =	sadd.s32 $0x7, s2;
	v17 =	vsub.f32 v18, v17;
	v18 =	vld [tilespmem:s23+$0x30];
	s23 =	smov.u32 s30  }
0x52c: {  	v11 =	vand.u32 $0xFFFFFFFC, v11;
	v24 =	vmov s4;
	v23 =	vand.u32 $0xFFFFFFFE, v23;
	[tilespmem:s26+$0x20] =	vst v20;
	v25 =	vld [tilespmem:s24+$0xFFFFFFD0]  }
0x52d: {  	v24 =	vand.u32 $0xFFFFFFFD, v24;
	v23 =	vbroadcast v23, $0x0;
	v12 =	vmul.f32 v17, v12;
	v26 =	vld [tilespmem:s24+$0xFFFFFFF0]  }
0x52e: {  	v27 =	vbroadcast v11, $0x0;
	v11 =	vmov s2;
	v24 =	vbroadcast v24, $0x0;
	[tilespmem:s26+$0x10] =	vst v17;
	v17 =	vld [tilespmem:s24+$0x30];
	s24 =	smov.u32 s31  }
0x52f: {  	v16 =	vmul.f32 v16, v15;
	v19 =	vmul.f32 v19, v14;
	[tilespmem:s9+$0x10] =	vst v12;
	v12 =	vld [tilespmem:s22+$0xFFFFFFD0]  }
0x530: {  	v20 =	vmul.f32 v20, v22;
	v21 =	vmul.f32 v21, v5;
	v5 =	vmov v9;
	v28 =	vld [tilespmem:s22+$0xFFFFFFF0]  }
0x531: {  	v9 =	vmul.f32 v18, v4;
	v4 =	vmov v10;
	[tilespmem:s9+$0xFFFFFFE0] =	vst v19;
	v18 =	vld [tilespmem:s22+$0x30];
	s22 =	smov.u32 s8  }
0x532: {  	[tilespmem:s9+$0xFFFFFFC0] =	vst v16;
	v10 =	vld [tilespmem:s30+$0xFFFFFFF0];
	v16 =	vsub.f32 v25, v21;
	v13 =	vsub.f32 v26, v13  }
0x533: {  	s30 =	sadd.s32 $0x80, s30;
	v19 =	vld.idx.msk [tilespmem:v23+s15+$0x0], $0xffff;
	[tilespmem:s9+$0x20] =	vst v20;
	v17 =	vsub.f32 v17, v9  }
0x534: {  	v20 =	vld [tilespmem:s30+$0x0];
	v12 =	vsub.f32 v16, v12  }
0x535: {  	s31 =	sadd.s32 $0x80, s31;
	v9 =	vld.idx.msk [tilespmem:v27+s15+$0x0], $0xffff;
	v16 =	vsub.f32 v13, v28  }
0x536: {  	v21 =	vld [tilespmem:s31+$0x0];
	[tilespmem:s0+$0xFFFFFFD0] =	vst v12;
	v12 =	vmul.f32 v12, v7;
	v17 =	vsub.f32 v17, v18;
	v7 =	vmov v15  }
0x537: {  	s8 =	sadd.s32 $0x80, s8;
	v13 =	vmul.f32 v10, v8;
	v8 =	vld.idx.msk [tilespmem:v24+s15+$0x0], $0xffff;
	[tilespmem:s0+$0xFFFFFFF0] =	vst v16;
	v10 =	vmul.f32 v16, v3;
	v3 =	vmov v14  }
0x538: {  	v14 =	vld [tilespmem:s8+$0x0];
	[tilespmem:s17+$0xFFFFFFD0] =	vst v12;
	v15 =	vmul.f32 v17, v6;
	v6 =	vmov v22  }
0x539: {  	v12 =	vld.idx.msk [tilespmem:v23+s28+$0x0], $0xffff;
	v16 =	vmul.f32 v20, v19;
	[tilespmem:s17+$0xFFFFFFF0] =	vst v10  }
0x53a: {  	v10 =	vld.idx.msk [tilespmem:v11+s15+$0x0], $0xffff;
	[tilespmem:s0+$0x30] =	vst v17;
	s0 =	smov.u32 s26  }
0x53b: {  	v17 =	vld [tilespmem:s30+$0xFFFFFFC0];
	v16 =	vsub.f32 v21, v16;
	[tilespmem:s17+$0x30] =	vst v15;
	s17 =	smov.u32 s9  }
0x53c: {  	v15 =	vld [tilespmem:s30+$0xFFFFFFE0]  }
0x53d: {  	v14 =	vsub.f32 v16, v14;
	v16 =	vld [tilespmem:s30+$0x20]  }
0x53e: {  	v18 =	vld [tilespmem:s31+$0xFFFFFFC0]  }
0x53f: {  	s26 =	sadd.s32 $0x80, s26;
	v20 =	vld [tilespmem:s31+$0xFFFFFFE0];
	v21 =	vmul.f32 v14, v12  }
0x540: {  	s9 =	sadd.s32 $0x80, s9;
	v17 =	vmul.f32 v17, v9;
	[tilespmem:s26+$0x0] =	vst v14;
	v14 =	vld [tilespmem:s31+$0x20]  }
0x541: {  	v22 =	vld [tilespmem:s8+$0xFFFFFFC0];
	v15 =	vmul.f32 v15, v8;
	[tilespmem:s9+$0x0] =	vst v21  }
0x542: {  	v23 =	vld [tilespmem:s30+$0x10];
	v16 =	vmul.f32 v16, v10  }
0x543: {  	v17 =	vsub.f32 v18, v17;
	v25 =	vld [tilespmem:s8+$0xFFFFFFE0]  }
.Ltmp22:
0x544: {  	v26 =	vsub.f32 v20, v15;
	v18 =	vld [tilespmem:s31+$0x10];
	(pc) =	sbr.rel @p0 .LBB2_47-.Ltmp22, $4  }
0x545: {  	v21 =	vsub.f32 v14, v16;
	v20 =	vld [tilespmem:s8+$0x20]  }
0x546: {  	v16 =	vsub.f32 v17, v22;
	v17 =	vld [tilespmem:s8+$0x10]  }
0x547: {  	v15 =	vld.idx.msk [tilespmem:v27+s28+$0x0], $0xffff;
	v22 =	vmul.f32 v23, v19  }
0x548: {  	[tilespmem:s26+$0xFFFFFFC0] =	vst v16;
	v14 =	vld.idx.msk [tilespmem:v24+s28+$0x0], $0xffff;
	v19 =	vsub.f32 v26, v25  }
0x549: {  	_ =	sdelay $0x3  }
0x54a: {  	v11 =	vld.idx.msk [tilespmem:v11+s28+$0x0], $0xffff  }
0x54b: {  	v23 =	vld [tilespmem:s23+$0xFFFFFFD0]  }
0x54c: {  	v24 =	vld [tilespmem:s23+$0x30]  }
0x54d: {  	v25 =	vld [tilespmem:s24+$0xFFFFFFD0]  }
0x54e: {  	v26 =	vld [tilespmem:s24+$0xFFFFFFF0]  }
0x54f: {  	v46 =	vld [tilespmem:s24+$0x30]  }
0x550: {  	v27 =	vld [tilespmem:s22+$0xFFFFFFD0];
	v16 =	vmul.f32 v16, v15  }
0x551: {  	v28 =	vld [tilespmem:s22+$0xFFFFFFF0]  }
0x552: {  	v48 =	vld [tilespmem:s22+$0x30];
	v20 =	vsub.f32 v21, v20;
	[tilespmem:s9+$0xFFFFFFC0] =	vst v16  }
0x553: {  	v18 =	vsub.f32 v18, v22;
	[tilespmem:s26+$0xFFFFFFE0] =	vst v19;
	v47 =	vmul.f32 v19, v14;
	v50 =	vld [tilespmem:s30+$0xFFFFFFD0]  }
0x554: {  	[tilespmem:s26+$0x20] =	vst v20;
	v52 =	vld [tilespmem:s31+$0xFFFFFFD0]  }
0x555: {  	v17 =	vsub.f32 v18, v17;
	v20 =	vmul.f32 v20, v11;
	v5 =	vmul.f32 v23, v5;
	[tilespmem:s9+$0xFFFFFFE0] =	vst v47;
	v56 =	vld [tilespmem:s8+$0xFFFFFFD0]  }
0x556: {  	v13 =	vsub.f32 v26, v13;
	v49 =	vld [tilespmem:s30+$0xFFFFFFF0]  }
0x557: {  	v12 =	vmul.f32 v17, v12;
	v4 =	vmul.f32 v24, v4;
	[tilespmem:s9+$0x20] =	vst v20;
	v5 =	vsub.f32 v25, v5;
	v53 =	vld [tilespmem:s31+$0xFFFFFFF0]  }
0x558: {  	[tilespmem:s26+$0x10] =	vst v17;
	v55 =	vsub.f32 v13, v28;
	v51 =	vld [tilespmem:s30+$0x30]  }
0x559: {  	[tilespmem:s9+$0x10] =	vst v12;
	v4 =	vsub.f32 v46, v4;
	v58 =	vld [tilespmem:s8+$0xFFFFFFF0];
	v5 =	vsub.f32 v5, v27  }
0x55a: {  	v54 =	vld [tilespmem:s31+$0x30];
	[tilespmem:s0+$0xFFFFFFF0] =	vst v55;
	v3 =	vmul.f32 v55, v3;
	v57 =	vmul.f32 v50, v9  }
0x55b: {  	v4 =	vsub.f32 v4, v48;
	[tilespmem:s0+$0xFFFFFFD0] =	vst v5;
	v8 =	vmul.f32 v49, v8  }
0x55c: {  	v59 =	vld [tilespmem:s8+$0x30];
	v5 =	vmul.f32 v5, v7;
	[tilespmem:s17+$0xFFFFFFF0] =	vst v3;
	v7 =	vsub.f32 v52, v57  }
0x55d: {  	v6 =	vmul.f32 v4, v6;
	[tilespmem:s0+$0x30] =	vst v4;
	v3 =	vmul.f32 v51, v10;
	v8 =	vsub.f32 v53, v8  }
0x55e: {  	[tilespmem:s17+$0xFFFFFFD0] =	vst v5;
	v60 =	vsub.f32 v7, v56  }
0x55f: {  	[tilespmem:s17+$0x30] =	vst v6;
	v3 =	vsub.f32 v54, v3;
	v61 =	vsub.f32 v8, v58  }
0x560: {  	[tilespmem:s26+$0xFFFFFFD0] =	vst v60;
	v4 =	vmul.f32 v60, v15  }
0x561: {  	v3 =	vsub.f32 v3, v59;
	[tilespmem:s26+$0xFFFFFFF0] =	vst v61  }
0x562: {  	v62 =	vmul.f32 v61, v14;
	[tilespmem:s9+$0xFFFFFFD0] =	vst v4  }
0x563: {  	v63 =	vmul.f32 v3, v11;
	[tilespmem:s26+$0x30] =	vst v3  }
0x564: {  	[tilespmem:s9+$0xFFFFFFF0] =	vst v62  }
0x565: {  	s24 =	simm.s32 $0x17500;
	[tilespmem:s9+$0x30] =	vst v63  }
0x566: {  	[hbm4b:s21+s5] =	stream.linear.scatter [tilespmem:s24], [sflag:$0x3], $0x1400, $0x38;
	[tilespmem:$0x1ED20] =	vst v63  }
0x567: {  	_ =	swait.ge [sflag:s25], $0x1400  }
0x568: {  	s26 =	rddreg [dreg:$0x5]  }
0x569: {  	s0 =	sadd.s32 s26, s20  }
0x56a: {  	[sflag:s25] =	ssyncset.done $0x0;
	s0 =	sshll.u32 s0, $0x2  }
0x56b: {  	s1 =	simm.s32 $0x18900;
	[sflag:s25] =	ssyncadd.s32 $0xFFFFEC00;
	s0 =	sadd.s32 s7, s0  }
0x56c: {  	[hbm4b:s0+s5] =	stream.linear.scatter [tilespmem:s1], [sflag:$0x3], $0x1400, $0x38;
	[tilespmem:$0x1ED20] =	vst v63  }
0x56d: {  	s18 =	sadd.s32 $0x1, s18;
	_ =	swait.ge [sflag:s25], $0x1400  }
0x56e: {  	p0 =	sne.s32 s18, $0x4;
	[sflag:s25] =	ssyncset.done $0x0  }
.Ltmp23:
0x56f: {  	s30 =	simm.s32 $0x12500;
	[sflag:s25] =	ssyncadd.s32 $0xFFFFEC00;
	(pc) =	sbr.rel @p0 .LBB2_46-.Ltmp23, $4  }
0x570: {  	[spmem:s19] =	stream.linear.scatter [tilespmem:s30], [sflag:$0x3], $0x1400, $0x38;
	[tilespmem:$0x1ED20] =	vst v63  }
0x571: {  	_ =	swait.ge [sflag:s25], $0x1400  }
0x572: {  	s11 =	sadd.s32 $0xA0, s11;
	[sflag:s25] =	ssyncset.done $0x0  }
0x573: {  	s23 =	simm.s32 $0x14D00;
	s31 =	simm.s32 $0x20;
	[sflag:s25] =	ssyncadd.s32 $0xFFFFEC00  }
0x574: {  	[bflag:$0x0] =	sbarrier.arrive $0xFFFF;
	s0 =	simm.s32 $0x0  }
0x575: {  	[tilespmem:s10], [sflag:$0x1] =	stream.indirect.gather [hbm4b:s7+s29], $0x20, s0, s29, $0xb8;
	[tilespmem:$0x1ED20] =	vst v63  }
0x576: {  	s22 =	simm.s32 $0x200  }
0x577: {  	[tilespmem:s12], [sflag:$0x2] =	stream.indirect.gather [hbm4b:s7+s29], $0x20, s22, s29, $0xb8;
	[tilespmem:$0x1ED20] =	vst v63  }
0x578: {  	_ =	swait.ge [sflag:s13], $0x4000  }
0x579: {  	[sflag:s13] =	ssyncset.done $0x0  }
0x57a: {  	s24 =	simm.s32 $0x5000;
	[sflag:s13] =	ssyncadd.s32 $0xFFFFC000  }
0x57b: {  	[spmem:s3] =	stream.indirect.scatter.add.f32 [tilespmem:s10], [sflag:$0x3], $0x20, s24, s29, $0xb8;
	[tilespmem:$0x1ED20] =	vst v63  }
0x57c: {  	_ =	swait.ge [sflag:s25], $0x4000  }
0x57d: {  	[sflag:s25] =	ssyncset.done $0x0  }
0x57e: {  	s26 =	simm.s32 $0x400;
	[sflag:s25] =	ssyncadd.s32 $0xFFFFC000  }
0x57f: {  	[tilespmem:s10], [sflag:$0x1] =	stream.indirect.gather [hbm4b:s7+s29], $0x20, s26, s29, $0xb8;
	[tilespmem:$0x1ED20] =	vst v63  }
0x580: {  	_ =	swait.ge [sflag:s14], $0x4000  }
0x581: {  	[sflag:s14] =	ssyncset.done $0x0  }
0x582: {  	s30 =	simm.s32 $0x5200;
	[sflag:s14] =	ssyncadd.s32 $0xFFFFC000  }
0x583: {  	[spmem:s3] =	stream.indirect.scatter.add.f32 [tilespmem:s12], [sflag:$0x3], $0x20, s30, s29, $0xb8;
	[tilespmem:$0x1ED20] =	vst v63  }
0x584: {  	_ =	swait.ge [sflag:s25], $0x4000  }
0x585: {  	s1 =	simm.s32 $0x2000;
	s0 =	simm.s32 $0x400;
	[sflag:s25] =	ssyncset.done $0x0  }
.LBB2_50:
0x586: {  	s2 =	sadd.s32 $0x200, s0  }
0x587: {  	[sflag:s25] =	ssyncadd.s32 $0xFFFFC000;
	s4 =	smov.u32 s1;
	s6 =	sadd.s32 $0x1000, s1  }
0x588: {  	[tilespmem:s12], [sflag:$0x2] =	stream.indirect.gather [hbm4b:s7+s29], $0x20, s2, s29, $0xb8;
	[tilespmem:$0x1ED20] =	vst v63  }
0x589: {  	p0 =	sne.s32 s1, $0x12000;
	_ =	swait.ge [sflag:s13], $0x4000  }
0x58a: {  	[sflag:s13] =	ssyncset.done $0x0  }
0x58b: {  	s1 =	sadd.s32 $0x5000, s0;
	[sflag:s13] =	ssyncadd.s32 $0xFFFFC000  }
0x58c: {  	[spmem:s3] =	stream.indirect.scatter.add.f32 [tilespmem:s10], [sflag:$0x3], $0x20, s1, s29, $0xb8;
	[tilespmem:$0x1ED20] =	vst v63  }
0x58d: {  	_ =	swait.ge [sflag:s25], $0x4000  }
0x58e: {  	[sflag:s25] =	ssyncset.done $0x0  }
0x58f: {  	s1 =	sadd.s32 $0x400, s0;
	[sflag:s25] =	ssyncadd.s32 $0xFFFFC000  }
0x590: {  	[tilespmem:s10], [sflag:$0x1] =	stream.indirect.gather [hbm4b:s7+s29], $0x20, s1, s29, $0xb8;
	[tilespmem:$0x1ED20] =	vst v63  }
0x591: {  	_ =	swait.ge [sflag:s14], $0x4000  }
.Ltmp24:
0x592: {  	[sflag:s14] =	ssyncset.done $0x0;
	(pc) =	sbr.rel @p0 .LBB2_50-.Ltmp24, $4  }
0x593: {  	s0 =	sadd.s32 $0x5200, s0;
	[sflag:s14] =	ssyncadd.s32 $0xFFFFC000  }
0x594: {  	[spmem:s3] =	stream.indirect.scatter.add.f32 [tilespmem:s12], [sflag:$0x3], $0x20, s0, s29, $0xb8;
	[tilespmem:$0x1ED20] =	vst v63  }
0x595: {  	_ =	swait.ge [sflag:s25], $0x4000  }
0x596: {  	s1 =	smov.u32 s6;
	s0 =	sshra.s32 s4, $0x2;
	[sflag:s25] =	ssyncset.done $0x0  }
0x597: {  	s1 =	sadd.s32 $0x200, s0;
	[sflag:s25] =	ssyncadd.s32 $0xFFFFC000  }
0x598: {  	[tilespmem:s12], [sflag:$0x2] =	stream.indirect.gather [hbm4b:s7+s29], $0x20, s1, s29, $0xb8;
	[tilespmem:$0x1ED20] =	vst v63  }
0x599: {  	_ =	swait.ge [sflag:s13], $0x4000  }
0x59a: {  	[sflag:s13] =	ssyncset.done $0x0  }
0x59b: {  	s19 =	sadd.s32 $0x5000, s0;
	[sflag:s13] =	ssyncadd.s32 $0xFFFFC000  }
0x59c: {  	[spmem:s3] =	stream.indirect.scatter.add.f32 [tilespmem:s10], [sflag:$0x3], $0x20, s19, s29, $0xb8;
	[tilespmem:$0x1ED20] =	vst v63  }
0x59d: {  	_ =	swait.ge [sflag:s25], $0x4000  }
0x59e: {  	[sflag:s25] =	ssyncset.done $0x0  }
0x59f: {  	s20 =	sadd.s32 $0x400, s0;
	[sflag:s25] =	ssyncadd.s32 $0xFFFFC000  }
0x5a0: {  	[tilespmem:s10], [sflag:$0x1] =	stream.indirect.gather [hbm4b:s7+s29], $0x20, s20, s29, $0xb8;
	[tilespmem:$0x1ED20] =	vst v63  }
0x5a1: {  	_ =	swait.ge [sflag:s14], $0x4000  }
0x5a2: {  	[sflag:s14] =	ssyncset.done $0x0  }
0x5a3: {  	s21 =	sadd.s32 $0x5200, s0;
	[sflag:s14] =	ssyncadd.s32 $0xFFFFC000  }
0x5a4: {  	[spmem:s3] =	stream.indirect.scatter.add.f32 [tilespmem:s12], [sflag:$0x3], $0x20, s21, s29, $0xb8;
	[tilespmem:$0x1ED20] =	vst v63  }
0x5a5: {  	_ =	swait.ge [sflag:s25], $0x4000  }
0x5a6: {  	[sflag:s25] =	ssyncset.done $0x0  }
0x5a7: {  	s22 =	simm.s32 $0x4E00;
	[sflag:s25] =	ssyncadd.s32 $0xFFFFC000  }
0x5a8: {  	[tilespmem:s12], [sflag:$0x2] =	stream.indirect.gather [hbm4b:s7+s29], $0x20, s22, s29, $0xb8;
	[tilespmem:$0x1ED20] =	vst v63  }
0x5a9: {  	_ =	swait.ge [sflag:s13], $0x4000  }
0x5aa: {  	[sflag:s13] =	ssyncset.done $0x0  }
0x5ab: {  	s24 =	simm.s32 $0x9C00;
	[sflag:s13] =	ssyncadd.s32 $0xFFFFC000  }
0x5ac: {  	[spmem:s3] =	stream.indirect.scatter.add.f32 [tilespmem:s10], [sflag:$0x3], $0x20, s24, s29, $0xb8;
	[tilespmem:$0x1ED20] =	vst v63  }
0x5ad: {  	_ =	swait.ge [sflag:s25], $0x4000  }
0x5ae: {  	[sflag:s25] =	ssyncset.done $0x0  }
0x5af: {  	[sflag:s25] =	ssyncadd.s32 $0xFFFFC000  }
0x5b0: {  	_ =	swait.ge [sflag:s14], $0x4000  }
0x5b1: {  	[sflag:s14] =	ssyncset.done $0x0  }
0x5b2: {  	s26 =	simm.s32 $0x9E00;
	[sflag:s14] =	ssyncadd.s32 $0xFFFFC000  }
0x5b3: {  	[spmem:s3] =	stream.indirect.scatter.add.f32 [tilespmem:s12], [sflag:$0x3], $0x20, s26, s29, $0xb8;
	[tilespmem:$0x1ED20] =	vst v63  }
0x5b4: {  	_ =	swait.ge [sflag:s25], $0x4000  }
0x5b5: {  	[sflag:s25] =	ssyncset.done $0x0  }
0x5b6: {  	[sflag:s25] =	ssyncadd.s32 $0xFFFFC000  }
0x5b7: {  	[bflag:$0x0] =	sbarrier.arrive $0xFFFF  }
0x5b8: {  	s6 =	rddreg [dreg:$0xa]  }
0x5b9: {  	s19 =	simm.s32 $0x0;
	s20 =	simm.s32 $0x0;
	s30 =	rddreg [dreg:$0x16]  }
.LBB2_52:
0x5ba: {  	s0 =	smul.u32 $0xA0, s20;
	_ =	sdelay $0x1  }
0x5bb: {  	s21 =	sadd.s32 s16, s0  }
0x5bc: {  	s0 =	sshll.u32 s21, $0x5  }
0x5bd: {  	s2 =	simm.s32 $0x13900;
	s17 =	sshll.u32 s21, $0x7;
	s1 =	sadd.s32 s0, s3  }
0x5be: {  	[tilespmem:s2], [sflag:$0x3] =	stream.linear.gather [spmem:s1], $0x1400, $0x38;
	[tilespmem:$0x1ED20] =	vst v63  }
0x5bf: {  	s1 =	sadd.s32 s6, s17;
	_ =	swait.ge [sflag:s25], $0x1400  }
0x5c0: {  	s1 =	sshrl.u32 s1, $0x3;
	[sflag:s25] =	ssyncset.done $0x0;
	s18 =	rddreg [dreg:$0x6]  }
0x5c1: {  	s22 =	simm.s32 $0x80;
	[sflag:s25] =	ssyncadd.s32 $0xFFFFEC00;
	s1 =	sadd.s32 s18, s1  }
0x5c2: {  	[tilespmem:s23], [sflag:$0x3] =	stream.strided.gather [hbm4b:s1+s31], $0x1400, s22, s31, $0x38;
	[tilespmem:$0x1ED20] =	vst v63  }
0x5c3: {  	s24 =	sadd.s32 $0xFFFFFFFC, s19;
	_ =	swait.ge [sflag:s25], $0x1400  }
0x5c4: {  	s26 =	sadd.s32 $0x6, s24;
	s4 =	rddreg [dreg:$0xf]  }
0x5c5: {  	v3 =	vmov s26;
	s0 =	sadd.s32 s4, s0  }
0x5c6: {  	v3 =	vand.u32 $0xFFFFFFFE, v3;
	[sflag:s25] =	ssyncset.done $0x0;
	s8 =	rddreg [dreg:$0x8];
	s0 =	sshrl.u32 s0, $0x3  }
0x5c7: {  	s9 =	simm.s32 $0x16100;
	v3 =	vbroadcast v3, $0x0;
	[sflag:s25] =	ssyncadd.s32 $0xFFFFEC00;
	s0 =	sadd.s32 s8, s0  }
0x5c8: {  	[tilespmem:s9], [sflag:$0x3] =	stream.linear.gather [hbm4b:s0+s5], $0x1400, $0x38;
	[tilespmem:$0x1ED20] =	vst v63  }
0x5c9: {  	_ =	swait.ge [sflag:s25], $0x1400  }
0x5ca: {  	[sflag:s25] =	ssyncset.done $0x0  }
0x5cb: {  	s9 =	simm.s32 $0x13940;
	[sflag:s25] =	ssyncadd.s32 $0xFFFFEC00  }
0x5cc: {  	v4 =	vld [tilespmem:s9+$0x0]  }
0x5cd: {  	v3 =	vld.idx.msk [tilespmem:v3+s28+$0x0], $0xffff  }
0x5ce: {  	s1 =	simm.s32 $0x14D40  }
0x5cf: {  	v5 =	vld [tilespmem:s1+$0x0]  }
0x5d0: {  	s0 =	simm.s32 $0x16140  }
0x5d1: {  	v6 =	vld [tilespmem:s0+$0x0]  }
0x5d2: {  	v4 =	vmul.f32 v4, v3  }
0x5d3: {  	v9 =	vld [tilespmem:$0x19D00]  }
0x5d4: {  	v4 =	vsub.f32 v5, v4  }
0x5d5: {  	s11 =	sadd.s32 $0x4, s24  }
0x5d6: {  	v5 =	vmov s11;
	v4 =	vsub.f32 v4, v6  }
0x5d7: {  	s17 =	sadd.s32 $0x5, s24;
	v5 =	vand.u32 $0xFFFFFFFC, v5  }
0x5d8: {  	v7 =	vmov s17;
	v5 =	vbroadcast v5, $0x0;
	v4 =	vadd.f32 v4, v9  }
0x5d9: {  	v6 =	vand.u32 $0xFFFFFFFD, v7  }
0x5da: {  	v6 =	vbroadcast v6, $0x0;
	v7 =	vmul.f32 $1.442695020e+00, v4  }
0x5db: {  	s2 =	sadd.s32 $0x7, s24  }
0x5dc: {  	v10 =	vmov s2;
	v11 =	vld [tilespmem:s9+$0x20];
	(erf) = vpow2.f32 v7  }
0x5dd: {  	v12 =	vld [tilespmem:s1+$0xFFFFFFC0]  }
0x5de: {  	v8 =	vld.idx.msk [tilespmem:v5+s28+$0x0], $0xffff  }
0x5df: {  	v5 =	vld [tilespmem:s9+$0xFFFFFFC0]  }
0x5e0: {  	v7 =	vld.idx.msk [tilespmem:v6+s28+$0x0], $0xffff  }
0x5e1: {  	v6 =	vld.idx.msk [tilespmem:v10+s28+$0x0], $0xffff  }
0x5e2: {  	s18 =	sadd.s32 $0x0, s19;
	v10 =	vld [tilespmem:s9+$0xFFFFFFE0]  }
0x5e3: {  	s23 =	sadd.s32 $0x6, s18;
	v13 =	vld [tilespmem:s1+$0xFFFFFFE0]  }
0x5e4: {  	v15 =	vmov s23;
	v14 =	vld [tilespmem:s1+$0x20]  }
0x5e5: {  	v15 =	vand.u32 $0xFFFFFFFE, v15;
	v17 =	vld [tilespmem:s0+$0xFFFFFFC0];
	v16 =	vpop (erf)  }
0x5e6: {  	v15 =	vbroadcast v15, $0x0;
	v18 =	vld [tilespmem:s0+$0xFFFFFFE0];
	v5 =	vmul.f32 v5, v8;
	v16 =	vadd.f32 $-1.000000000e+00, v16  }
0x5e7: {  	s24 =	sadd.s32 $0x4, s18;
	v19 =	vld [tilespmem:s0+$0x20];
	vm0 =	vgt.f32 v4, $0.0e+00;
	v10 =	vmul.f32 v10, v7;
	v11 =	vmul.f32 v11, v6  }
0x5e8: {  	s22 =	simm.s32 $0x17540;
	s8 =	simm.s32 $0x139C0;
	v5 =	vsub.f32 v12, v5;
	v12 =	vmov s24;
	v4 =	vsel vm0, v4, v16  }
0x5e9: {  	s26 =	sadd.s32 $0x5, s18;
	[tilespmem:s22+$0x0] =	vst v4;
	v4 =	vsub.f32 v13, v10;
	v10 =	vsub.f32 v14, v11;
	v11 =	vand.u32 $0xFFFFFFFC, v12;
	v14 =	vld [tilespmem:s8+$0x0]  }
0x5ea: {  	v5 =	vsub.f32 v5, v17;
	v13 =	vmov s26;
	v12 =	vld [tilespmem:s9+$0x10];
	v11 =	vbroadcast v11, $0x0  }
0x5eb: {  	v13 =	vand.u32 $0xFFFFFFFD, v13;
	v16 =	vld [tilespmem:s1+$0x10];
	v4 =	vsub.f32 v4, v18  }
0x5ec: {  	v17 =	vadd.f32 v5, v9;
	v21 =	vld [tilespmem:$0x19D10];
	v10 =	vsub.f32 v10, v19;
	v5 =	vbroadcast v13, $0x0  }
0x5ed: {  	v13 =	vld.idx.msk [tilespmem:v15+s28+$0x0], $0xffff;
	v15 =	vadd.f32 v4, v9  }
0x5ee: {  	s11 =	simm.s32 $0x14DC0;
	v18 =	vld [tilespmem:s0+$0x10];
	v9 =	vadd.f32 v10, v9;
	v4 =	vmul.f32 $1.442695020e+00, v17  }
0x5ef: {  	v10 =	vld [tilespmem:s11+$0x0];
	v20 =	vmul.f32 $1.442695020e+00, v15  }
0x5f0: {  	s2 =	sadd.s32 $0x7, s18;
	s18 =	simm.s32 $0x161C0;
	v22 =	vmul.f32 $1.442695020e+00, v9;
	(erf) = vpow2.f32 v4;
	v4 =	vld.idx.msk [tilespmem:v11+s28+$0x0], $0xffff  }
0x5f1: {  	v11 =	vmul.f32 v12, v3;
	v12 =	vld [tilespmem:s18+$0x0];
	(erf) = vpow2.f32 v20  }
0x5f2: {  	v19 =	vmov s2;
	v3 =	vld.idx.msk [tilespmem:v5+s28+$0x0], $0xffff;
	v5 =	vmul.f32 v14, v13;
	(erf) = vpow2.f32 v22  }
0x5f3: {  	v14 =	vld [tilespmem:$0x19D00];
	v11 =	vsub.f32 v16, v11  }
0x5f4: {  	v25 =	vld [tilespmem:s11+$0x20];
	v10 =	vsub.f32 v10, v5  }
0x5f5: {  	v16 =	vld [tilespmem:s8+$0xFFFFFFC0];
	v11 =	vsub.f32 v11, v18  }
0x5f6: {  	v22 =	vld [tilespmem:s11+$0xFFFFFFE0];
	v10 =	vsub.f32 v10, v12  }
0x5f7: {  	v5 =	vld.idx.msk [tilespmem:v19+s28+$0x0], $0xffff;
	v12 =	vadd.f32 v11, v21  }
0x5f8: {  	v19 =	vld [tilespmem:s11+$0xFFFFFFC0];
	v10 =	vadd.f32 v10, v14  }
0x5f9: {  	v18 =	vld [tilespmem:s8+$0xFFFFFFE0];
	v20 =	vpop (erf);
	v21 =	vmul.f32 $1.442695020e+00, v12  }
0x5fa: {  	v11 =	vld [tilespmem:s8+$0x20];
	v20 =	vadd.f32 $-1.000000000e+00, v20;
	v24 =	vmul.f32 $1.442695020e+00, v10;
	v23 =	vpop (erf)  }
0x5fb: {  	vm0 =	vgt.f32 v17, $0.0e+00;
	(erf) = vpow2.f32 v21;
	v21 =	vld [tilespmem:s18+$0xFFFFFFC0];
	v26 =	vpop (erf);
	v23 =	vadd.f32 $-1.000000000e+00, v23  }
0x5fc: {  	v17 =	vsel vm0, v17, v20;
	(erf) = vpow2.f32 v24;
	v20 =	vadd.f32 $-1.000000000e+00, v26;
	v26 =	vld [tilespmem:s18+$0xFFFFFFE0]  }
0x5fd: {  	vm1 =	vgt.f32 v15, $0.0e+00;
	[tilespmem:s22+$0xFFFFFFC0] =	vst v17;
	v17 =	vld [tilespmem:s18+$0x20]  }
0x5fe: {  	v15 =	vsel vm1, v15, v23;
	v23 =	vld [tilespmem:s1+$0xFFFFFFD0]  }
0x5ff: {  	vm0 =	vgt.f32 v9, $0.0e+00;
	v28 =	vld [tilespmem:s0+$0xFFFFFFD0]  }
0x600: {  	v16 =	vmul.f32 v16, v4;
	v9 =	vsel vm0, v9, v20;
	[tilespmem:s22+$0xFFFFFFE0] =	vst v15;
	v15 =	vld [tilespmem:s9+$0xFFFFFFD0]  }
0x601: {  	v18 =	vmul.f32 v18, v3;
	[tilespmem:s22+$0x20] =	vst v9;
	v9 =	vld [tilespmem:s9+$0xFFFFFFF0]  }
0x602: {  	s4 =	sadd.s32 $0x4, s19;
	v16 =	vsub.f32 v19, v16;
	v11 =	vmul.f32 v11, v5;
	v24 =	vld [tilespmem:s1+$0xFFFFFFF0]  }
0x603: {  	s26 =	sadd.s32 $0x7, s4;
	v18 =	vsub.f32 v22, v18;
	v29 =	vld [tilespmem:s0+$0xFFFFFFF0]  }
0x604: {  	v60 =	vmov s26;
	v11 =	vsub.f32 v25, v11;
	v16 =	vsub.f32 v16, v21;
	v20 =	vld [tilespmem:s9+$0x30];
	s9 =	sadd.s32 $0x6, s4;
	v19 =	vpop (erf)  }
0x605: {  	vm0 =	vgt.f32 v10, $0.0e+00;
	v27 =	vld [tilespmem:s1+$0x30];
	v22 =	vmov s9;
	v18 =	vsub.f32 v18, v26;
	v25 =	vpop (erf)  }
0x606: {  	v30 =	vld [tilespmem:$0x19D10];
	v16 =	vadd.f32 v16, v14;
	v21 =	vand.u32 $0xFFFFFFFE, v22;
	v22 =	vadd.f32 $-1.000000000e+00, v25  }
0x607: {  	v26 =	vld [tilespmem:$0x19D10];
	v11 =	vsub.f32 v11, v17;
	v21 =	vbroadcast v21, $0x0;
	v18 =	vadd.f32 v18, v14  }
0x608: {  	s23 =	simm.s32 $0x175C0;
	s17 =	sadd.s32 $0x4, s4;
	v17 =	vld [tilespmem:$0x19D10];
	v8 =	vmul.f32 v15, v8;
	v31 =	vmul.f32 $1.442695020e+00, v16;
	v10 =	vsel vm0, v10, v22  }
0x609: {  	v14 =	vadd.f32 v11, v14;
	v9 =	vmul.f32 v9, v7;
	v25 =	vld [tilespmem:s0+$0x30];
	v22 =	vmov s17;
	[tilespmem:s23+$0x0] =	vst v10  }
0x60a: {  	s24 =	sadd.s32 $0x5, s4;
	s0 =	simm.s32 $0x13A40;
	v8 =	vsub.f32 v23, v8;
	(erf) = vpow2.f32 v31;
	v15 =	vand.u32 $0xFFFFFFFC, v22;
	v22 =	vld [tilespmem:s8+$0x10]  }
0x60b: {  	v6 =	vmul.f32 v20, v6;
	v32 =	vld [tilespmem:s0+$0x0];
	v10 =	vmov s24;
	v15 =	vbroadcast v15, $0x0  }
0x60c: {  	v9 =	vsub.f32 v24, v9;
	v8 =	vsub.f32 v8, v28;
	v10 =	vand.u32 $0xFFFFFFFD, v10;
	v23 =	vld [tilespmem:s11+$0x10]  }
0x60d: {  	v6 =	vsub.f32 v27, v6;
	v7 =	vld.idx.msk [tilespmem:v21+s28+$0x0], $0xffff;
	v11 =	vbroadcast v10, $0x0;
	v10 =	vmul.f32 $1.442695020e+00, v18  }
0x60e: {  	s26 =	simm.s32 $0x14E40;
	v20 =	vld [tilespmem:s18+$0x10];
	v21 =	vmul.f32 $1.442695020e+00, v14;
	v26 =	vadd.f32 v8, v26;
	v8 =	vsub.f32 v9, v29  }
0x60f: {  	v24 =	vld [tilespmem:s26+$0x0];
	(erf) = vpow2.f32 v10;
	v13 =	vmul.f32 v22, v13  }
0x610: {  	v6 =	vsub.f32 v6, v25;
	v25 =	vadd.f32 v8, v17;
	v22 =	vld [tilespmem:$0x19D10]  }
0x611: {  	s24 =	simm.s32 $0x16240;
	(erf) = vpow2.f32 v21;
	v21 =	vmul.f32 $1.442695020e+00, v26;
	v10 =	vld.idx.msk [tilespmem:v15+s28+$0x0], $0xffff;
	v9 =	vsub.f32 v23, v13  }
0x612: {  	v6 =	vadd.f32 v6, v30;
	v15 =	vld [tilespmem:s24+$0x0]  }
0x613: {  	v17 =	vmul.f32 $1.442695020e+00, v25;
	(erf) = vpow2.f32 v21;
	v8 =	vld.idx.msk [tilespmem:v11+s28+$0x0], $0xffff;
	v11 =	vsub.f32 v9, v20  }
0x614: {  	v21 =	vmul.f32 $1.442695020e+00, v6;
	v20 =	vmul.f32 v32, v7  }
0x615: {  	v19 =	vadd.f32 $-1.000000000e+00, v19;
	v13 =	vld [tilespmem:$0x19D00];
	v11 =	vadd.f32 v11, v22  }
0x616: {  	v61 =	vld [tilespmem:s26+$0xFFFFFFE0];
	vm0 =	vgt.f32 v12, $0.0e+00;
	v20 =	vsub.f32 v24, v20  }
0x617: {  	v12 =	vsel vm0, v12, v19;
	v19 =	vld [tilespmem:s0+$0x20];
	(erf) = vpow2.f32 v17;
	v17 =	vpop (erf);
	v27 =	vmul.f32 $1.442695020e+00, v11  }
0x618: {  	v23 =	vld [tilespmem:s0+$0xFFFFFFE0];
	(erf) = vpow2.f32 v21;
	v17 =	vadd.f32 $-1.000000000e+00, v17;
	v21 =	vpop (erf);
	v15 =	vsub.f32 v20, v15  }
0x619: {  	vm1 =	vgt.f32 v18, $0.0e+00;
	vm0 =	vgt.f32 v16, $0.0e+00;
	v22 =	vld [tilespmem:s0+$0xFFFFFFC0];
	v21 =	vadd.f32 $-1.000000000e+00, v21  }
0x61a: {  	v9 =	vld.idx.msk [tilespmem:v60+s28+$0x0], $0xffff;
	v17 =	vsel vm0, v16, v17;
	(erf) = vpow2.f32 v27;
	v16 =	vadd.f32 v15, v13  }
0x61b: {  	v24 =	vld [tilespmem:s26+$0xFFFFFFC0];
	v18 =	vsel vm1, v18, v21;
	v27 =	vpop (erf)  }
0x61c: {  	v20 =	vld [tilespmem:s26+$0x20];
	[tilespmem:s23+$0xFFFFFFE0] =	vst v18;
	v18 =	vmul.f32 $1.442695020e+00, v16;
	v27 =	vadd.f32 $-1.000000000e+00, v27  }
0x61d: {  	vm2 =	vgt.f32 v14, $0.0e+00;
	v62 =	vld [tilespmem:s24+$0xFFFFFFC0]  }
0x61e: {  	v15 =	vmul.f32 v22, v10;
	(erf) = vpow2.f32 v18;
	v14 =	vsel vm2, v14, v27;
	v27 =	vld [tilespmem:s24+$0xFFFFFFE0]  }
0x61f: {  	v63 =	vld [tilespmem:s24+$0x20];
	[tilespmem:s23+$0xFFFFFFC0] =	vst v17;
	v17 =	vmul.f32 v23, v8;
	v19 =	vmul.f32 v19, v9;
	v21 =	vpop (erf)  }
0x620: {  	vm3 =	vgt.f32 v26, $0.0e+00;
	v15 =	vsub.f32 v24, v15;
	v23 =	vadd.f32 $-1.000000000e+00, v21;
	v21 =	vld [tilespmem:s8+$0xFFFFFFD0]  }
0x621: {  	vm0 =	vgt.f32 v6, $0.0e+00;
	v17 =	vsub.f32 v61, v17;
	v19 =	vsub.f32 v20, v19;
	v20 =	vpop (erf);
	v18 =	vld [tilespmem:s11+$0xFFFFFFD0]  }
0x622: {  	vm1 =	vgt.f32 v25, $0.0e+00;
	v22 =	vsub.f32 v15, v62;
	v20 =	vadd.f32 $-1.000000000e+00, v20;
	v24 =	vpop (erf);
	[tilespmem:s23+$0x20] =	vst v14;
	v14 =	vld [tilespmem:s8+$0xFFFFFFF0]  }
0x623: {  	[tilespmem:s22+$0x10] =	vst v12;
	v26 =	vsel vm3, v26, v23;
	v12 =	vadd.f32 $-1.000000000e+00, v24;
	v15 =	vld [tilespmem:s8+$0x30];
	v23 =	vsub.f32 v17, v27;
	v27 =	vpop (erf)  }
0x624: {  	s9 =	simm.s32 $0x13A40;
	s17 =	simm.s32 $0x175C0;
	v24 =	vsub.f32 v19, v63;
	s8 =	simm.s32 $0x8;
	[tilespmem:s22+$0xFFFFFFD0] =	vst v26;
	v20 =	vsel vm1, v25, v20;
	v17 =	vld [tilespmem:s11+$0xFFFFFFF0];
	v19 =	vadd.f32 $-1.000000000e+00, v27  }
.LBB2_53:
0x625: {  	s1 =	sadd.s32 s8, s19;
	s8 =	sadd.s32 $0x4, s8;
	v22 =	vadd.f32 v22, v13;
	v23 =	vadd.f32 v23, v13;
	vm1 =	vgt.f32 v11, $0.0e+00;
	v25 =	vld [tilespmem:s11+$0x30];
	[tilespmem:s22+$0xFFFFFFF0] =	vst v20;
	s11 =	smov.u32 s26  }
0x626: {  	s2 =	sadd.s32 $0x4, s1;
	s4 =	sadd.s32 $0x6, s1;
	p0 =	slt.u32 s8, $0x9C;
	v20 =	vadd.f32 v24, v13;
	v13 =	vmul.f32 v21, v4;
	v21 =	vld [tilespmem:s18+$0xFFFFFFD0];
	v11 =	vsel vm1, v11, v19;
	v4 =	vmovc v10  }
0x627: {  	v10 =	vmov s2;
	s2 =	sadd.s32 $0x5, s1;
	v19 =	vmov s4;
	s1 =	sadd.s32 $0x7, s1;
	v24 =	vmul.f32 $1.442695020e+00, v22;
	v26 =	vpop (erf);
	v27 =	vld [tilespmem:s18+$0xFFFFFFF0];
	[tilespmem:s23+$0x10] =	vst v11  }
0x628: {  	v11 =	vmov s2;
	v19 =	vand.u32 $0xFFFFFFFE, v19;
	v26 =	vadd.f32 $-1.000000000e+00, v26;
	v28 =	vld [tilespmem:s18+$0x30];
	s18 =	smov.u32 s24  }
0x629: {  	vm1 =	vgt.f32 v16, $0.0e+00;
	v10 =	vand.u32 $0xFFFFFFFC, v10;
	v19 =	vbroadcast v19, $0x0;
	v29 =	vld [tilespmem:$0x19D10]  }
0x62a: {  	s23 =	sadd.s32 $0x80, s23;
	v10 =	vbroadcast v10, $0x0;
	v11 =	vand.u32 $0xFFFFFFFD, v11;
	v16 =	vsel vm1, v16, v26;
	v26 =	vld [tilespmem:$0x19D10]  }
0x62b: {  	v31 =	vmul.f32 $1.442695020e+00, v23;
	v30 =	vmov s1;
	v11 =	vbroadcast v11, $0x0;
	[tilespmem:s23+$0x0] =	vst v16;
	v16 =	vld [tilespmem:$0x19D10]  }
0x62c: {  	s9 =	sadd.s32 $0x80, s9;
	vm4 =	vgt.f32 v22, $0.0e+00;
	v33 =	vmul.f32 $1.442695020e+00, v20;
	v32 =	vld [tilespmem:s0+$0x10];
	(erf) = vpow2.f32 v24  }
0x62d: {  	vm2 =	vgt.f32 v20, $0.0e+00;
	vm1 =	vgt.f32 v23, $0.0e+00;
	v24 =	vld [tilespmem:s9+$0x0];
	(erf) = vpow2.f32 v31  }
0x62e: {  	v14 =	vmul.f32 v14, v3;
	v3 =	vmovc v8;
	v13 =	vsub.f32 v18, v13;
	v31 =	vld [tilespmem:s26+$0x10];
	(erf) = vpow2.f32 v33  }
0x62f: {  	v6 =	vsel vm0, v6, v12;
	v8 =	vmul.f32 v15, v5;
	v5 =	vmov v9;
	v18 =	vld.idx.msk [tilespmem:v19+s28+$0x0], $0xffff  }
0x630: {  	v12 =	vsub.f32 v13, v21;
	v13 =	vsub.f32 v17, v14;
	s26 =	sadd.s32 $0x80, s26;
	v9 =	vld [tilespmem:s24+$0x10];
	[tilespmem:s22+$0x30] =	vst v6;
	s22 =	smov.u32 s17;
	s17 =	smov.u32 s23  }
0x631: {  	v14 =	vld [tilespmem:s26+$0x0];
	v6 =	vmul.f32 v32, v7;
	v7 =	vsub.f32 v25, v8  }
0x632: {  	v12 =	vadd.f32 v12, v29;
	v8 =	vsub.f32 v13, v27;
	v15 =	vld [tilespmem:$0x19D10]  }
0x633: {  	s24 =	sadd.s32 $0x80, s24;
	v10 =	vld.idx.msk [tilespmem:v10+s28+$0x0], $0xffff;
	v6 =	vsub.f32 v31, v6;
	v7 =	vsub.f32 v7, v28  }
0x634: {  	vm3 =	vgt.f32 v12, $0.0e+00;
	v19 =	vmul.f32 $1.442695020e+00, v12;
	v25 =	vadd.f32 v8, v26;
	v17 =	vld [tilespmem:s24+$0x0]  }
0x635: {  	v8 =	vld.idx.msk [tilespmem:v11+s28+$0x0], $0xffff;
	v11 =	vmul.f32 v24, v18;
	v21 =	vsub.f32 v6, v9;
	v9 =	vpop (erf);
	v6 =	vadd.f32 v7, v16  }
0x636: {  	v24 =	vmul.f32 $1.442695020e+00, v25;
	v13 =	vld [tilespmem:$0x19D00];
	v26 =	vadd.f32 $-1.000000000e+00, v9;
	v16 =	vpop (erf);
	(erf) = vpow2.f32 v19  }
0x637: {  	v14 =	vsub.f32 v14, v11;
	v9 =	vld.idx.msk [tilespmem:v30+s28+$0x0], $0xffff;
	v11 =	vadd.f32 v21, v15;
	v15 =	vpop (erf);
	v19 =	vmul.f32 $1.442695020e+00, v6  }
0x638: {  	v16 =	vadd.f32 $-1.000000000e+00, v16;
	v7 =	vmovc v18;
	v21 =	vld [tilespmem:s9+$0xFFFFFFC0];
	v22 =	vsel vm4, v22, v26;
	v15 =	vadd.f32 $-1.000000000e+00, v15  }
0x639: {  	v18 =	vld [tilespmem:s9+$0xFFFFFFE0];
	v14 =	vsub.f32 v14, v17;
	[tilespmem:s23+$0xFFFFFFC0] =	vst v22;
	v17 =	vmul.f32 $1.442695020e+00, v11;
	(erf) = vpow2.f32 v24  }
0x63a: {  	v23 =	vsel vm1, v23, v16;
	v22 =	vld [tilespmem:s9+$0x20];
	v15 =	vsel vm2, v20, v15;
	(erf) = vpow2.f32 v19  }
0x63b: {  	vm1 =	vgt.f32 v25, $0.0e+00;
	v19 =	vld [tilespmem:s26+$0xFFFFFFC0];
	v16 =	vadd.f32 v14, v13;
	[tilespmem:s23+$0xFFFFFFE0] =	vst v23;
	(erf) = vpow2.f32 v17  }
0x63c: {  	vm0 =	vgt.f32 v6, $0.0e+00;
	v14 =	vld [tilespmem:s26+$0xFFFFFFE0];
	[tilespmem:s23+$0x20] =	vst v15  }
0x63d: {  	v15 =	vmul.f32 v21, v10;
	v21 =	vmul.f32 $1.442695020e+00, v16;
	v20 =	vld [tilespmem:s26+$0x20]  }
0x63e: {  	v23 =	vld [tilespmem:s24+$0xFFFFFFC0];
	v18 =	vmul.f32 v18, v8  }
0x63f: {  	v24 =	vld [tilespmem:s24+$0xFFFFFFE0];
	v22 =	vmul.f32 v22, v9;
	(erf) = vpow2.f32 v21;
	v17 =	vpop (erf)  }
0x640: {  	v15 =	vsub.f32 v19, v15;
	v19 =	vld [tilespmem:s24+$0x20];
	v26 =	vadd.f32 $-1.000000000e+00, v17  }
.Ltmp25:
0x641: {  	v18 =	vsub.f32 v14, v18;
	v21 =	vld [tilespmem:s0+$0xFFFFFFD0];
	(pc) =	sbr.rel @p0 .LBB2_53-.Ltmp25, $4  }
0x642: {  	v20 =	vsub.f32 v20, v22;
	v14 =	vld [tilespmem:s0+$0xFFFFFFF0];
	v28 =	vsel vm3, v12, v26;
	v17 =	vpop (erf)  }
0x643: {  	v22 =	vsub.f32 v15, v23;
	v15 =	vld [tilespmem:s0+$0x30];
	[tilespmem:s22+$0xFFFFFFD0] =	vst v28;
	v26 =	vadd.f32 $-1.000000000e+00, v17;
	v12 =	vpop (erf);
	s0 =	smov.u32 s9  }
0x644: {  	v23 =	vsub.f32 v18, v24;
	v18 =	vld [tilespmem:s11+$0xFFFFFFD0];
	v27 =	vpop (erf);
	v12 =	vadd.f32 $-1.000000000e+00, v12  }
0x645: {  	v24 =	vsub.f32 v20, v19;
	v17 =	vld [tilespmem:s11+$0xFFFFFFF0];
	v19 =	vadd.f32 $-1.000000000e+00, v27;
	v20 =	vsel vm1, v25, v26  }
0x646: {  	v22 =	vadd.f32 v22, v13  }
0x647: {  	v23 =	vadd.f32 v23, v13  }
0x648: {  	v56 =	vadd.f32 v24, v13;
	v57 =	vmul.f32 $1.442695020e+00, v22  }
0x649: {  	v25 =	vmul.f32 $1.442695020e+00, v23  }
0x64a: {  	v26 =	vmul.f32 $1.442695020e+00, v56;
	(erf) = vpow2.f32 v57  }
0x64b: {  	(erf) = vpow2.f32 v25  }
0x64c: {  	(erf) = vpow2.f32 v26  }
0x64d: {  	v58 =	vld [tilespmem:s11+$0x30]  }
0x64e: {  	v59 =	vld [tilespmem:s18+$0xFFFFFFD0]  }
0x64f: {  	v27 =	vld [tilespmem:s18+$0xFFFFFFF0];
	v60 =	vpop (erf)  }
0x650: {  	v28 =	vld [tilespmem:s18+$0x30];
	v26 =	vadd.f32 $-1.000000000e+00, v60  }
0x651: {  	vm1 =	vgt.f32 v16, $0.0e+00;
	v29 =	vld [tilespmem:$0x19D10]  }
0x652: {  	v61 =	vld [tilespmem:$0x19D10];
	s1 =	sadd.s32 $0x80, s23;
	v16 =	vsel vm1, v16, v26  }
0x653: {  	v62 =	vld [tilespmem:$0x19D10];
	[tilespmem:s1+$0x0] =	vst v16;
	v30 =	vpop (erf)  }
0x654: {  	v31 =	vld [tilespmem:s0+$0x10];
	v30 =	vadd.f32 $-1.000000000e+00, v30;
	v32 =	vpop (erf)  }
0x655: {  	vm5 =	vgt.f32 v22, $0.0e+00;
	v33 =	vld [tilespmem:s26+$0x10];
	v34 =	vpop (erf);
	v32 =	vadd.f32 $-1.000000000e+00, v32  }
0x656: {  	vm6 =	vgt.f32 v23, $0.0e+00;
	v63 =	vld [tilespmem:s24+$0x10];
	v22 =	vsel vm5, v22, v30;
	v34 =	vadd.f32 $-1.000000000e+00, v34  }
0x657: {  	vm7 =	vgt.f32 v56, $0.0e+00;
	v23 =	vsel vm6, v23, v32;
	[tilespmem:s1+$0xFFFFFFC0] =	vst v22;
	v32 =	vld [tilespmem:$0x19D10]  }
0x658: {  	v13 =	vsel vm7, v56, v34;
	v34 =	vld [tilespmem:s0+$0xFFFFFFD0]  }
0x659: {  	v4 =	vmul.f32 v21, v4;
	v37 =	vld [tilespmem:s26+$0xFFFFFFD0]  }
0x65a: {  	v3 =	vmul.f32 v14, v3;
	v40 =	vld [tilespmem:s24+$0xFFFFFFD0]  }
0x65b: {  	v4 =	vsub.f32 v18, v4;
	[tilespmem:s1+$0xFFFFFFE0] =	vst v23;
	v44 =	vld [tilespmem:$0x19D10]  }
0x65c: {  	v5 =	vmul.f32 v15, v5;
	v3 =	vsub.f32 v17, v3;
	[tilespmem:s1+$0x20] =	vst v13;
	v35 =	vld [tilespmem:s0+$0xFFFFFFF0]  }
0x65d: {  	v4 =	vsub.f32 v4, v59;
	v7 =	vmul.f32 v31, v7;
	v36 =	vld [tilespmem:s0+$0x30]  }
0x65e: {  	v5 =	vsub.f32 v58, v5;
	v3 =	vsub.f32 v3, v27;
	v38 =	vld [tilespmem:s26+$0xFFFFFFF0]  }
0x65f: {  	v4 =	vadd.f32 v4, v29;
	v7 =	vsub.f32 v33, v7;
	v39 =	vld [tilespmem:s26+$0x30]  }
0x660: {  	v5 =	vsub.f32 v5, v28;
	v3 =	vadd.f32 v3, v61;
	v41 =	vld [tilespmem:s24+$0xFFFFFFF0];
	v10 =	vmul.f32 v34, v10  }
0x661: {  	v42 =	vmul.f32 $1.442695020e+00, v4;
	v7 =	vsub.f32 v7, v63;
	v43 =	vld [tilespmem:s24+$0x30];
	v8 =	vmul.f32 v35, v8  }
0x662: {  	v5 =	vadd.f32 v5, v62;
	v45 =	vld [tilespmem:$0x19D10];
	v10 =	vsub.f32 v37, v10;
	v9 =	vmul.f32 v36, v9  }
0x663: {  	v46 =	vmul.f32 $1.442695020e+00, v3;
	v47 =	vld [tilespmem:$0x19D10];
	v7 =	vadd.f32 v7, v32;
	v8 =	vsub.f32 v38, v8  }
0x664: {  	(erf) = vpow2.f32 v42;
	v10 =	vsub.f32 v10, v40;
	v9 =	vsub.f32 v39, v9  }
0x665: {  	v48 =	vmul.f32 $1.442695020e+00, v5;
	(erf) = vpow2.f32 v46;
	v8 =	vsub.f32 v8, v41  }
0x666: {  	v49 =	vmul.f32 $1.442695020e+00, v7;
	v10 =	vadd.f32 v10, v44;
	v9 =	vsub.f32 v9, v43  }
0x667: {  	(erf) = vpow2.f32 v48;
	v8 =	vadd.f32 v8, v45  }
0x668: {  	(erf) = vpow2.f32 v49;
	v50 =	vmul.f32 $1.442695020e+00, v10;
	v9 =	vadd.f32 v9, v47  }
0x669: {  	v51 =	vmul.f32 $1.442695020e+00, v8  }
0x66a: {  	(erf) = vpow2.f32 v50;
	v52 =	vmul.f32 $1.442695020e+00, v9  }
0x66b: {  	(erf) = vpow2.f32 v51  }
0x66c: {  	(erf) = vpow2.f32 v52;
	_ =	sdelay $0x1  }
0x66d: {  	v53 =	vpop (erf)  }
0x66e: {  	v54 =	vpop (erf)  }
0x66f: {  	vm8 =	vgt.f32 v11, $0.0e+00;
	[tilespmem:s22+$0xFFFFFFF0] =	vst v20;
	v6 =	vsel vm0, v6, v12;
	v13 =	vadd.f32 $-1.000000000e+00, v53;
	v15 =	vpop (erf)  }
0x670: {  	v11 =	vsel vm8, v11, v19;
	[tilespmem:s22+$0x30] =	vst v6;
	vm9 =	vgt.f32 v4, $0.0e+00;
	v55 =	vadd.f32 $-1.000000000e+00, v54;
	v56 =	vpop (erf)  }
0x671: {  	[tilespmem:s23+$0x10] =	vst v11;
	vm10 =	vgt.f32 v3, $0.0e+00;
	v4 =	vsel vm9, v4, v13;
	v57 =	vadd.f32 $-1.000000000e+00, v56  }
0x672: {  	[tilespmem:s17+$0xFFFFFFD0] =	vst v4;
	v58 =	vadd.f32 $-1.000000000e+00, v15;
	vm11 =	vgt.f32 v7, $0.0e+00;
	v3 =	vsel vm10, v3, v55;
	v59 =	vpop (erf)  }
0x673: {  	vm12 =	vgt.f32 v5, $0.0e+00;
	[tilespmem:s17+$0xFFFFFFF0] =	vst v3;
	v3 =	vsel vm11, v7, v57;
	v60 =	vadd.f32 $-1.000000000e+00, v59;
	v61 =	vpop (erf)  }
0x674: {  	vm13 =	vgt.f32 v10, $0.0e+00;
	[tilespmem:s1+$0x10] =	vst v3;
	v3 =	vsel vm12, v5, v58;
	v62 =	vadd.f32 $-1.000000000e+00, v61;
	v63 =	vpop (erf)  }
0x675: {  	vm14 =	vgt.f32 v8, $0.0e+00;
	[tilespmem:s17+$0x30] =	vst v3;
	v3 =	vsel vm13, v10, v60;
	v5 =	vadd.f32 $-1.000000000e+00, v63  }
0x676: {  	s20 =	sadd.s32 $0x1, s20;
	vm15 =	vgt.f32 v9, $0.0e+00;
	[tilespmem:s1+$0xFFFFFFD0] =	vst v3;
	v3 =	vsel vm14, v8, v62  }
0x677: {  	s2 =	simm.s32 $0x40;
	p0 =	sne.s32 s20, $0x4;
	s24 =	sshll.u32 s21, $0x3;
	[tilespmem:s1+$0xFFFFFFF0] =	vst v3;
	v3 =	vsel vm15, v9, v5  }
.Ltmp26:
0x678: {  	s26 =	simm.s32 $0x17500;
	s0 =	sadd.s32 s24, s30;
	[tilespmem:s1+$0x30] =	vst v3;
	(pc) =	sbr.rel @p0 .LBB2_52-.Ltmp26, $4  }
0x679: {  	[hbm4b:s0+s31] =	stream.strided.scatter [tilespmem:s26], [sflag:$0x3], $0x1400, s2, s31, $0x38;
	[tilespmem:$0x1ED20] =	vst v63  }
0x67a: {  	_ =	swait.ge [sflag:s25], $0x1400  }
0x67b: {  	[sflag:s25] =	ssyncset.done $0x0  }
0x67c: {  	s19 =	sadd.s32 $0xA0, s19;
	s23 =	simm.s32 $0x14D00;
	[sflag:s25] =	ssyncadd.s32 $0xFFFFEC00  }
0x67d: {  	s1 =	rddreg [dreg:$0x18]  }
0x67e: {  	s0 =	rddreg [dreg:$0x17];
	s1 =	sadd.s32 $0x1, s1  }
0x67f: {  	p0 =	sne.s32 s1, s0  }
.Ltmp27:
0x680: {  	_ = 	snop;
	(pc) =	sbr.rel @p0 .LBB2_1-.Ltmp27, $2  }
0x681: {  	_ =	sdelay $0x2  }
0x682: {  	s4 =	rddreg [dreg:$0xe]  }
0x683: {  	_ =	sfence.sel $0x180000  }
0x684: {  	[bflag:$0x0] =	sbarrier.arrive $0xFFFF  }
0x685: {  	_ =	strace $0x9000004A  }
0x686: {  	s0 =	stileid.u32;
	[bflag:$0x2] =	sbarrier.arrive $0xFFFF  }
0x687: {  	p0 =	sne.s32 s0, $0x0;
	s0 =	rddreg [dreg:$0x4]  }
0x688: {  	s0 =	sadd.s32 @!p0 $0x100000, s0  }
0x689: {  	[sflag:s0] =	ssyncadd.tile.s32 @!p0 $0x1;
	_ =	shalt  }
.Lfunc_end2:
_tile_overlayer_lowered:
.L_overlay_start_2:
0x68a: {  	(tag) =	ssettag $0x2  }
0x68b: {  	s0 =	rddreg [dreg:$0x0];
	s2 =	stileid.u32  }
0x68c: {  	s1 =	rddreg [dreg:$0x1];
	p0 =	sne.s32 s2, $0x0  }
0x68d: {  	s3 =	rddreg [dreg:$0x2];
	[bflag:$0x3] =	sbarrier.arrive $0xFFFF;
	s2 =	simm.s32 @!p0 $0x1C03  }
0x68e: {  	[timem:s3], [sflag:s2] =	dma.local @!p0 [hbm:s0], s1  }
0x68f: {  	s0 =	simm.s32 @!p0 $0x3  }
0x690: {  	_ =	swait.ge @!p0 [sflag:s0], s1  }
0x691: {  	s1 =	ssub.s32 @!p0 $0x0, s1;
	[sflag:s0] =	ssyncset.done @!p0 $0x0  }
0x692: {  	[sflag:s0] =	ssyncadd.s32 @!p0 s1  }
0x693: {  	[bflag:$0x3] =	sbarrier.arrive $0xFFFF  }
0x694: {  	_ =	shalt  }

</sc_bundles>
